<compile_context>
chip_gen: v7x
topology: tpu7x:2x2x1
jax: 0.10.2.dev20260603
libtpu: 0.0.44.dev20260713+nightly
codegen_flags: <defaults>
</compile_context>

<pallas_src>
import functools
import jax
import jax.numpy as jnp
from jax import lax
from jax.experimental import pallas as pl
from jax.experimental.pallas import tpu as pltpu, tpu_sc as plsc

BATCH = 16384
HIST = 50
HP = 64
EMBED = 32
DICT = 1000000
LPAD = 1000064
SLAB = 512
NFULL = DICT // SLAB
TAIL = DICT - NFULL * SLAB

NC = 2
NS = 16
NW = NC * NS
LANES = 16

TPW = -(-NFULL // NW)

B_PER_W = BATCH // NW
CB = 32
NCH = B_PER_W // CB

_mesh = plsc.VectorSubcoreMesh(core_axis_name="c", subcore_axis_name="s")


@functools.partial(
    pl.kernel,
    out_type=jax.ShapeDtypeStruct((LPAD * EMBED,), jnp.float32),
    mesh=_mesh,
    compiler_params=pltpu.CompilerParams(use_tc_tiling_on_sc=True,
                                         needs_layout_passes=False,
                                         disable_bounds_checks=True),
    scratch_types=[
        pltpu.VMEM((EMBED, SLAB), jnp.float32),
        pltpu.VMEM((EMBED, SLAB), jnp.float32),
        pltpu.VMEM((SLAB * EMBED,), jnp.float32),
        pltpu.VMEM((SLAB * EMBED,), jnp.float32),
        pltpu.VMEM((TAIL * EMBED,), jnp.float32),
        pltpu.SemaphoreType.DMA,
        pltpu.SemaphoreType.DMA,
        pltpu.SemaphoreType.DMA,
    ],
)
def _relayout(tt_hbm, tail_hbm, flat_hbm, slab0, slab1, rows0, rows1, tail_v,
              sem_in, sem_out, sem_tail):
  wid = lax.axis_index("s") * NC + lax.axis_index("c")
  base = wid * TPW
  count = jnp.minimum(TPW, NFULL - base)
  lane = lax.iota(jnp.int32, LANES)

  def fetch(t, slab):
    pltpu.async_copy(tt_hbm.at[:, pl.ds((base + t) * SLAB, SLAB)], slab,
                     sem_in)

  def wait_fetch(t, slab):
    pltpu.make_async_copy(tt_hbm.at[:, pl.ds(base * SLAB, SLAB)], slab,
                          sem_in).wait()

  def transpose(slab, rows):
    def body(i, _):
      r_vec = i * LANES + lane
      base_store = r_vec * EMBED
      for d in range(EMBED):
        ddv = (lane + d) & (EMBED - 1)
        v = plsc.load_gather(slab, [ddv, r_vec])
        plsc.store_scatter(rows, [base_store + ddv], v)
      return 0
    lax.fori_loop(0, SLAB // LANES, body, 0, unroll=2)

  def write(t, rows):
    pltpu.async_copy(
        rows, flat_hbm.at[pl.ds((base + t) * SLAB * EMBED, SLAB * EMBED)],
        sem_out)

  def wait_write(rows):
    pltpu.make_async_copy(
        rows, flat_hbm.at[pl.ds(0, SLAB * EMBED)], sem_out).wait()

  @pl.when(count > 0)
  def _():
    fetch(0, slab0)

  def step(t, _):
    @pl.when(t + 1 < count)
    def _():
      @pl.when((t & 1) == 0)
      def _():
        fetch(t + 1, slab1)

      @pl.when((t & 1) == 1)
      def _():
        fetch(t + 1, slab0)

    @pl.when((t & 1) == 0)
    def _():
      wait_fetch(t, slab0)
      transpose(slab0, rows0)

      @pl.when(t >= 2)
      def _():
        wait_write(rows0)
      write(t, rows0)

    @pl.when((t & 1) == 1)
    def _():
      wait_fetch(t, slab1)
      transpose(slab1, rows1)

      @pl.when(t >= 2)
      def _():
        wait_write(rows1)
      write(t, rows1)
    return 0

  lax.fori_loop(0, count, step, 0)

  @pl.when(count >= 2)
  def _():
    wait_write(rows0)
    wait_write(rows1)

  @pl.when(count == 1)
  def _():
    wait_write(rows0)

  @pl.when(wid == 0)
  def _():
    pltpu.async_copy(tail_hbm, tail_v, sem_tail)
    pltpu.make_async_copy(tail_hbm, tail_v, sem_tail).wait()
    pltpu.sync_copy(tail_v,
                    flat_hbm.at[pl.ds(NFULL * SLAB * EMBED, TAIL * EMBED)])


@functools.partial(
    pl.kernel,
    out_type=jax.ShapeDtypeStruct((BATCH, EMBED), jnp.float32),
    mesh=_mesh,
    compiler_params=pltpu.CompilerParams(use_tc_tiling_on_sc=False,
                                         needs_layout_passes=False),
    scratch_types=[
        pltpu.VMEM((2, CB, 32), jnp.int32),
        pltpu.VMEM((2, CB, 32), jnp.int32),
        pltpu.VMEM((2, HP * CB), jnp.int32),
        pltpu.VMEM((2, HIST, CB, EMBED), jnp.float32),
        pltpu.VMEM((2, CB, EMBED), jnp.float32),
        pltpu.SemaphoreType.DMA,
        pltpu.SemaphoreType.DMA,
        pltpu.SemaphoreType.DMA,
        pltpu.SemaphoreType.DMA,
    ],
)
def _user_encoder(xa_hbm, xb_hbm, table_hbm, out_hbm, idx_a, idx_b, idx_t,
                  rows_v, out_v, sem_i, sem_g0, sem_g1, sem_o):
  wid = lax.axis_index("s") * NC + lax.axis_index("c")
  lane = lax.iota(jnp.int32, LANES)

  def stage(c):
    p = c & 1
    b0 = wid * B_PER_W + c * CB
    pltpu.async_copy(xa_hbm.at[pl.ds(b0, CB)], idx_a.at[p], sem_i)
    pltpu.async_copy(xb_hbm.at[pl.ds(b0, CB)], idx_b.at[p], sem_i)

  def transpose(c):
    p = c & 1
    b0 = wid * B_PER_W + c * CB
    pltpu.make_async_copy(xa_hbm.at[pl.ds(b0, CB)], idx_a.at[p],
                          sem_i).wait()
    pltpu.make_async_copy(xb_hbm.at[pl.ds(b0, CB)], idx_b.at[p],
                          sem_i).wait()
    dst = idx_t.at[p]

    def body(r, _):
      for o in (0, 16):
        va = idx_a[p, r, pl.ds(o, LANES)]
        plsc.store_scatter(dst, [(o + lane) * CB + r], va)
        vb = idx_b[p, r, pl.ds(o, LANES)]
        plsc.store_scatter(dst, [(32 + o + lane) * CB + r], vb)
      return 0
    lax.fori_loop(0, CB, body, 0)

  def fire(c, sem):
    p = c & 1

    def body(l, _):
      pltpu.async_copy(table_hbm.at[idx_t.at[p, pl.ds(l * CB, CB)]],
                       rows_v.at[p, l], sem)
      return 0
    lax.fori_loop(0, HIST, body, 0)

  def drain(c, sem):
    p = c & 1

    def body(l, _):
      pltpu.make_async_copy(table_hbm.at[idx_t.at[p, pl.ds(l * CB, CB)]],
                            rows_v.at[p, l], sem).wait()
      return 0
    lax.fori_loop(0, HIST, body, 0)

  def pool_and_write(c):
    p = c & 1

    def body(i, _):
      acc0 = rows_v[p, 0, i, 0:16]
      acc1 = rows_v[p, 0, i, 16:32]
      for l in range(1, HIST):
        acc0 = acc0 + rows_v[p, l, i, 0:16]
        acc1 = acc1 + rows_v[p, l, i, 16:32]
      scale = jnp.float32(1.0 / HIST)
      out_v[p, i, 0:16] = acc0 * scale
      out_v[p, i, 16:32] = acc1 * scale
      return 0
    lax.fori_loop(0, CB, body, 0)
    pltpu.async_copy(out_v.at[p],
                     out_hbm.at[pl.ds(wid * B_PER_W + c * CB, CB)], sem_o)

  def wait_out(c):
    pltpu.make_async_copy(out_v.at[c & 1],
                          out_hbm.at[pl.ds(wid * B_PER_W, CB)], sem_o).wait()

  stage(0)
  transpose(0)

  @pl.when(NCH > 1)
  def _():
    stage(1)

  def chunk_body(c, _):
    @pl.when(c == 0)
    def _():
      fire(0, sem_g0)

    @pl.when(c + 1 < NCH)
    def _():
      transpose(c + 1)

      @pl.when((c & 1) == 0)
      def _():
        fire(c + 1, sem_g1)

      @pl.when((c & 1) == 1)
      def _():
        fire(c + 1, sem_g0)

    @pl.when(c + 2 < NCH)
    def _():
      stage(c + 2)

    @pl.when((c & 1) == 0)
    def _():
      drain(c, sem_g0)

    @pl.when((c & 1) == 1)
    def _():
      drain(c, sem_g1)

    @pl.when(c >= 2)
    def _():
      wait_out(c)

    pool_and_write(c)
    return 0

  lax.fori_loop(0, NCH, chunk_body, 0)
  wait_out(0)
  wait_out(1)


def kernel(x, table):
  tail = table[DICT - TAIL:, :].reshape(TAIL * EMBED)
  flat = _relayout(table.T, tail)
  t2 = flat.reshape(LPAD, EMBED)
  xp = jnp.pad(x.astype(jnp.int32), ((0, 0), (0, HP - HIST)))
  return _user_encoder(xp[:, 0:32], xp[:, 32:64], t2)

# --- scband reference (transcript-rebuilt; emitter-appended) ---
"""Pipeline reference for scband-user-encoder-53635551592987 (READ-ONLY COPY).

The authoritative reference and input builder live on the scoring server;
editing this copy changes nothing except your own understanding.
"""

import jax, jax.numpy as jnp
import numpy as np

DICT_SIZE = 1000000
EMBED_SIZE = 32
BATCH = 16384
HIST = 50

def setup_inputs(seed: int = 0) -> dict:
    key = jax.random.key(seed)
    k1, k2 = jax.random.split(key)
    x = jax.random.randint(k1, (BATCH, HIST), 0, DICT_SIZE, dtype=jnp.int64 if jax.config.jax_enable_x64 else jnp.int32)
    table = jax.random.normal(k2, (DICT_SIZE, EMBED_SIZE), dtype=jnp.float32)
    return {"x": x, "table": table}

def reference(x, table):
    # nn.Embedding lookup followed by mean over the sequence (dim=1)
    user_embed = jnp.take(table, x, axis=0)  # [B, L, D]
    user_embed = user_embed.mean(axis=1)      # [B, D]
    return user_embed

if __name__ == "__main__":
    import jax
    _d = setup_inputs()
    print(jax.jit(kernel)(*tuple(_d.values())))

</pallas_src>

<mosaic_0001>
#map = affine_map<(d0, d1) -> (0, 0)>
#map1 = affine_map<(d0, d1) -> (0)>
module attributes {stable_mosaic.version = 14 : i64} {
  func.func @_relayout(%arg0: i32, %arg1: i32, %arg2: memref<32x1000000xf32, #tpu.memory_space<hbm>>, %arg3: memref<2048xf32, #tpu.memory_space<hbm>>, %arg4: memref<32002048xf32, #tpu.memory_space<hbm>>, %arg5: memref<32x512xf32, #tpu.memory_space<vmem>>, %arg6: memref<32x512xf32, #tpu.memory_space<vmem>>, %arg7: memref<16384xf32, #tpu.memory_space<vmem>>, %arg8: memref<16384xf32, #tpu.memory_space<vmem>>, %arg9: memref<2048xf32, #tpu.memory_space<vmem>>, %arg10: memref<!tpu.dma_semaphore, #tpu.memory_space<semaphore_mem>>, %arg11: memref<!tpu.dma_semaphore, #tpu.memory_space<semaphore_mem>>, %arg12: memref<!tpu.dma_semaphore, #tpu.memory_space<semaphore_mem>>) attributes {dimension_semantics = [#tpu.dimension_semantics<core_parallel>, #tpu.dimension_semantics<subcore_parallel>], iteration_bounds = array<i64: 2, 16>, scalar_prefetch = 0 : i64, scratch_operands = 8 : i64, tpu.core_type = #tpu.core_type<sc_vector_subcore>, window_params = [{transform_indices = #map}, {transform_indices = #map1}, {transform_indices = #map1}]} {
    %mul3A = arith.constant 2 : i32
    %mul3A_0 = arith.muli %arg1, %mul3A : i32
    %add3A = arith.addi %mul3A_0, %arg0 : i32
    %mul3A_1 = arith.constant 62 : i32
    %mul3A_2 = arith.muli %add3A, %mul3A_1 : i32
    %sub3A = arith.constant 1953 : i32
    %sub3A_3 = arith.subi %sub3A, %mul3A_2 : i32
    %min3A = arith.constant 62 : i32
    %min3A_4 = arith.minsi %min3A, %sub3A_3 : i32
    %iota3A = tpu.iota {dimensions = array<i32: 0>} : vector<16xi32>
    %gt3A = arith.constant 0 : i32
    %gt3A_5 = arith.cmpi sgt, %min3A_4, %gt3A : i32
    %convert_element_type3A = arith.extui %gt3A_5 : i1 to i32
    %cond3A = arith.constant 0 : i32
    %cond3A_6 = arith.cmpi ne, %convert_element_type3A, %cond3A : i32
    scf.if %cond3A_6 {
      %add3A_31 = arith.constant 0 : i32
      %add3A_32 = arith.addi %mul3A_2, %add3A_31 : i32
      %mul3A_33 = arith.constant 512 : i32
      %mul3A_34 = arith.muli %add3A_32, %mul3A_33 : i32
      %dma_start3A = arith.constant 0 : i32
      %dma_start3A_35 = tpu.memref_slice %arg2[%dma_start3A, %mul3A_34] : memref<32x1000000xf32, #tpu.memory_space<hbm>> -> memref<32x512xf32, #tpu.memory_space<hbm>>
      %dma_start3A_36 = arith.constant 0 : i32
      %dma_start3A_37 = tpu.memref_slice %arg2[%dma_start3A_36, %mul3A_34] : memref<32x1000000xf32, #tpu.memory_space<hbm>> -> memref<32x512xf32, #tpu.memory_space<hbm>>
      tpu.enqueue_dma source(%dma_start3A_37 : memref<32x512xf32, #tpu.memory_space<hbm>>) target(%arg5 : memref<32x512xf32, #tpu.memory_space<vmem>>) target_semaphore(%arg10 : memref<!tpu.dma_semaphore, #tpu.memory_space<semaphore_mem>>)
    } else {
    }
    %while3A = arith.constant 0 : i32
    %while3A_7 = arith.constant 0 : i32
    %while3A_8 = arith.subi %min3A_4, %while3A : i32
    %while3A_9 = arith.addi %while3A, %while3A_8 : i32
    %while3A_10 = arith.constant 1 : i32
    %while3A_11 = arith.divsi %while3A_8, %while3A_10 : i32
    %while3A_12 = arith.muli %while3A_11, %while3A_10 : i32
    %while3A_13 = arith.addi %while3A, %while3A_12 : i32
    %while3A_14 = arith.constant 1 : i32
    %while3A_15 = scf.for %while3A_31 = %while3A to %while3A_13 step %while3A_14 iter_args(%while3A_32 = %while3A_7) -> (i32)  : i32 {
      %add3A_33 = arith.constant 1 : i32
      %add3A_34 = arith.addi %while3A_31, %add3A_33 : i32
      %lt3A = arith.cmpi slt, %add3A_34, %min3A_4 : i32
      %convert_element_type3A_35 = arith.extui %lt3A : i1 to i32
      %cond3A_36 = arith.constant 0 : i32
      %cond3A_37 = arith.cmpi ne, %convert_element_type3A_35, %cond3A_36 : i32
      scf.if %cond3A_37 {
        %and3A_52 = arith.constant 1 : i32
        %and3A_53 = arith.andi %while3A_31, %and3A_52 : i32
        %eq3A_54 = arith.constant 0 : i32
        %eq3A_55 = arith.cmpi eq, %and3A_53, %eq3A_54 : i32
        %convert_element_type3A_56 = arith.extui %eq3A_55 : i1 to i32
        %cond3A_57 = arith.constant 0 : i32
        %cond3A_58 = arith.cmpi ne, %convert_element_type3A_56, %cond3A_57 : i32
        scf.if %cond3A_58 {
          %add3A_66 = arith.constant 1 : i32
          %add3A_67 = arith.addi %while3A_31, %add3A_66 : i32
          %add3A_68 = arith.addi %mul3A_2, %add3A_67 : i32
          %mul3A_69 = arith.constant 512 : i32
          %mul3A_70 = arith.muli %add3A_68, %mul3A_69 : i32
          %dma_start3A = arith.constant 0 : i32
          %dma_start3A_71 = tpu.memref_slice %arg2[%dma_start3A, %mul3A_70] : memref<32x1000000xf32, #tpu.memory_space<hbm>> -> memref<32x512xf32, #tpu.memory_space<hbm>>
          %dma_start3A_72 = arith.constant 0 : i32
          %dma_start3A_73 = tpu.memref_slice %arg2[%dma_start3A_72, %mul3A_70] : memref<32x1000000xf32, #tpu.memory_space<hbm>> -> memref<32x512xf32, #tpu.memory_space<hbm>>
          tpu.enqueue_dma source(%dma_start3A_73 : memref<32x512xf32, #tpu.memory_space<hbm>>) target(%arg6 : memref<32x512xf32, #tpu.memory_space<vmem>>) target_semaphore(%arg10 : memref<!tpu.dma_semaphore, #tpu.memory_space<semaphore_mem>>)
        } else {
        }
        %and3A_59 = arith.constant 1 : i32
        %and3A_60 = arith.andi %while3A_31, %and3A_59 : i32
        %eq3A_61 = arith.constant 1 : i32
        %eq3A_62 = arith.cmpi eq, %and3A_60, %eq3A_61 : i32
        %convert_element_type3A_63 = arith.extui %eq3A_62 : i1 to i32
        %cond3A_64 = arith.constant 0 : i32
        %cond3A_65 = arith.cmpi ne, %convert_element_type3A_63, %cond3A_64 : i32
        scf.if %cond3A_65 {
          %add3A_66 = arith.constant 1 : i32
          %add3A_67 = arith.addi %while3A_31, %add3A_66 : i32
          %add3A_68 = arith.addi %mul3A_2, %add3A_67 : i32
          %mul3A_69 = arith.constant 512 : i32
          %mul3A_70 = arith.muli %add3A_68, %mul3A_69 : i32
          %dma_start3A = arith.constant 0 : i32
          %dma_start3A_71 = tpu.memref_slice %arg2[%dma_start3A, %mul3A_70] : memref<32x1000000xf32, #tpu.memory_space<hbm>> -> memref<32x512xf32, #tpu.memory_space<hbm>>
          %dma_start3A_72 = arith.constant 0 : i32
          %dma_start3A_73 = tpu.memref_slice %arg2[%dma_start3A_72, %mul3A_70] : memref<32x1000000xf32, #tpu.memory_space<hbm>> -> memref<32x512xf32, #tpu.memory_space<hbm>>
          tpu.enqueue_dma source(%dma_start3A_73 : memref<32x512xf32, #tpu.memory_space<hbm>>) target(%arg5 : memref<32x512xf32, #tpu.memory_space<vmem>>) target_semaphore(%arg10 : memref<!tpu.dma_semaphore, #tpu.memory_space<semaphore_mem>>)
        } else {
        }
      } else {
      }
      %and3A = arith.constant 1 : i32
      %and3A_38 = arith.andi %while3A_31, %and3A : i32
      %eq3A_39 = arith.constant 0 : i32
      %eq3A_40 = arith.cmpi eq, %and3A_38, %eq3A_39 : i32
      %convert_element_type3A_41 = arith.extui %eq3A_40 : i1 to i32
      %cond3A_42 = arith.constant 0 : i32
      %cond3A_43 = arith.cmpi ne, %convert_element_type3A_41, %cond3A_42 : i32
      scf.if %cond3A_43 {
        %mul3A_52 = arith.constant 512 : i32
        %mul3A_53 = arith.muli %mul3A_2, %mul3A_52 : i32
        %dma_wait3A = arith.constant 0 : i32
        %dma_wait3A_54 = tpu.memref_slice %arg2[%dma_wait3A, %mul3A_53] : memref<32x1000000xf32, #tpu.memory_space<hbm>> -> memref<32x512xf32, #tpu.memory_space<hbm>>
        %dma_wait3A_55 = arith.constant 0 : i32
        %dma_wait3A_56 = tpu.memref_slice %arg2[%dma_wait3A_55, %mul3A_53] : memref<32x1000000xf32, #tpu.memory_space<hbm>> -> memref<32x512xf32, #tpu.memory_space<hbm>>
        tpu.wait_dma2 semaphore(%arg10 : memref<!tpu.dma_semaphore, #tpu.memory_space<semaphore_mem>>) src(%dma_wait3A_56 : memref<32x512xf32, #tpu.memory_space<hbm>>) dst(%arg5 : memref<32x512xf32, #tpu.memory_space<vmem>>)
        %scan3A = arith.constant 0 : i32
        %scan3A_57 = arith.constant 0 : i32
        %scan3A_58 = arith.constant 32 : i32
        %scan3A_59 = arith.addi %scan3A_57, %scan3A_58 : i32
        %scan3A_60 = arith.constant 2 : i32
        %scan3A_61 = scf.for %scan3A_74 = %scan3A_57 to %scan3A_59 step %scan3A_60 iter_args(%scan3A_75 = %scan3A) -> (i32)  : i32 {
          %mul3A_76 = arith.constant 16 : i32
          %mul3A_77 = arith.muli %scan3A_74, %mul3A_76 : i32
          %add3A_78 = vector.broadcast %mul3A_77 : i32 to vector<16xi32>
          %add3A_79 = arith.addi %add3A_78, %iota3A : vector<16xi32>
          %mul3A_80 = arith.constant 32 : i32
          %mul3A_81 = vector.broadcast %mul3A_80 : i32 to vector<16xi32>
          %mul3A_82 = arith.muli %add3A_79, %mul3A_81 : vector<16xi32>
          %add3A_83 = arith.constant 0 : i32
          %add3A_84 = vector.broadcast %add3A_83 : i32 to vector<16xi32>
          %add3A_85 = arith.addi %iota3A, %add3A_84 : vector<16xi32>
          %and3A_86 = arith.constant 31 : i32
          %and3A_87 = vector.broadcast %and3A_86 : i32 to vector<16xi32>
          %and3A_88 = arith.andi %add3A_85, %and3A_87 : vector<16xi32>
          %gather3A = tpu.vector_load_idx %arg5[%and3A_88, %add3A_79] : memref<32x512xf32, #tpu.memory_space<vmem>>[vector<16xi32>, vector<16xi32>], vector<16xf32>,
          %add3A_89 = arith.addi %mul3A_82, %and3A_88 : vector<16xi32>
          tpu.vector_store_idx %arg7[%add3A_89], %gather3A : memref<16384xf32, #tpu.memory_space<vmem>>[vector<16xi32>], vector<16xf32>,
          %add3A_90 = arith.constant 1 : i32
          %add3A_91 = vector.broadcast %add3A_90 : i32 to vector<16xi32>
          %add3A_92 = arith.addi %iota3A, %add3A_91 : vector<16xi32>
          %and3A_93 = arith.constant 31 : i32
          %and3A_94 = vector.broadcast %and3A_93 : i32 to vector<16xi32>
          %and3A_95 = arith.andi %add3A_92, %and3A_94 : vector<16xi32>
          %gather3A_96 = tpu.vector_load_idx %arg5[%and3A_95, %add3A_79] : memref<32x512xf32, #tpu.memory_space<vmem>>[vector<16xi32>, vector<16xi32>], vector<16xf32>,
          %add3A_97 = arith.addi %mul3A_82, %and3A_95 : vector<16xi32>
          tpu.vector_store_idx %arg7[%add3A_97], %gather3A_96 : memref<16384xf32, #tpu.memory_space<vmem>>[vector<16xi32>], vector<16xf32>,
          %add3A_98 = arith.constant 2 : i32
          %add3A_99 = vector.broadcast %add3A_98 : i32 to vector<16xi32>
          %add3A_100 = arith.addi %iota3A, %add3A_99 : vector<16xi32>
          %and3A_101 = arith.constant 31 : i32
          %and3A_102 = vector.broadcast %and3A_101 : i32 to vector<16xi32>
          %and3A_103 = arith.andi %add3A_100, %and3A_102 : vector<16xi32>
          %gather3A_104 = tpu.vector_load_idx %arg5[%and3A_103, %add3A_79] : memref<32x512xf32, #tpu.memory_space<vmem>>[vector<16xi32>, vector<16xi32>], vector<16xf32>,
          %add3A_105 = arith.addi %mul3A_82, %and3A_103 : vector<16xi32>
          tpu.vector_store_idx %arg7[%add3A_105], %gather3A_104 : memref<16384xf32, #tpu.memory_space<vmem>>[vector<16xi32>], vector<16xf32>,
          %add3A_106 = arith.constant 3 : i32
          %add3A_107 = vector.broadcast %add3A_106 : i32 to vector<16xi32>
          %add3A_108 = arith.addi %iota3A, %add3A_107 : vector<16xi32>
          %and3A_109 = arith.constant 31 : i32
          %and3A_110 = vector.broadcast %and3A_109 : i32 to vector<16xi32>
          %and3A_111 = arith.andi %add3A_108, %and3A_110 : vector<16xi32>
          %gather3A_112 = tpu.vector_load_idx %arg5[%and3A_111, %add3A_79] : memref<32x512xf32, #tpu.memory_space<vmem>>[vector<16xi32>, vector<16xi32>], vector<16xf32>,
          %add3A_113 = arith.addi %mul3A_82, %and3A_111 : vector<16xi32>
          tpu.vector_store_idx %arg7[%add3A_113], %gather3A_112 : memref<16384xf32, #tpu.memory_space<vmem>>[vector<16xi32>], vector<16xf32>,
          %add3A_114 = arith.constant 4 : i32
          %add3A_115 = vector.broadcast %add3A_114 : i32 to vector<16xi32>
          %add3A_116 = arith.addi %iota3A, %add3A_115 : vector<16xi32>
          %and3A_117 = arith.constant 31 : i32
          %and3A_118 = vector.broadcast %and3A_117 : i32 to vector<16xi32>
          %and3A_119 = arith.andi %add3A_116, %and3A_118 : vector<16xi32>
          %gather3A_120 = tpu.vector_load_idx %arg5[%and3A_119, %add3A_79] : memref<32x512xf32, #tpu.memory_space<vmem>>[vector<16xi32>, vector<16xi32>], vector<16xf32>,
          %add3A_121 = arith.addi %mul3A_82, %and3A_119 : vector<16xi32>
          tpu.vector_store_idx %arg7[%add3A_121], %gather3A_120 : memref<16384xf32, #tpu.memory_space<vmem>>[vector<16xi32>], vector<16xf32>,
          %add3A_122 = arith.constant 5 : i32
          %add3A_123 = vector.broadcast %add3A_122 : i32 to vector<16xi32>
          %add3A_124 = arith.addi %iota3A, %add3A_123 : vector<16xi32>
          %and3A_125 = arith.constant 31 : i32
          %and3A_126 = vector.broadcast %and3A_125 : i32 to vector<16xi32>
          %and3A_127 = arith.andi %add3A_124, %and3A_126 : vector<16xi32>
          %gather3A_128 = tpu.vector_load_idx %arg5[%and3A_127, %add3A_79] : memref<32x512xf32, #tpu.memory_space<vmem>>[vector<16xi32>, vector<16xi32>], vector<16xf32>,
          %add3A_129 = arith.addi %mul3A_82, %and3A_127 : vector<16xi32>
          tpu.vector_store_idx %arg7[%add3A_129], %gather3A_128 : memref<16384xf32, #tpu.memory_space<vmem>>[vector<16xi32>], vector<16xf32>,
          %add3A_130 = arith.constant 6 : i32
          %add3A_131 = vector.broadcast %add3A_130 : i32 to vector<16xi32>
          %add3A_132 = arith.addi %iota3A, %add3A_131 : vector<16xi32>
          %and3A_133 = arith.constant 31 : i32
          %and3A_134 = vector.broadcast %and3A_133 : i32 to vector<16xi32>
          %and3A_135 = arith.andi %add3A_132, %and3A_134 : vector<16xi32>
          %gather3A_136 = tpu.vector_load_idx %arg5[%and3A_135, %add3A_79] : memref<32x512xf32, #tpu.memory_space<vmem>>[vector<16xi32>, vector<16xi32>], vector<16xf32>,
          %add3A_137 = arith.addi %mul3A_82, %and3A_135 : vector<16xi32>
          tpu.vector_store_idx %arg7[%add3A_137], %gather3A_136 : memref<16384xf32, #tpu.memory_space<vmem>>[vector<16xi32>], vector<16xf32>,
          %add3A_138 = arith.constant 7 : i32
          %add3A_139 = vector.broadcast %add3A_138 : i32 to vector<16xi32>
          %add3A_140 = arith.addi %iota3A, %add3A_139 : vector<16xi32>
          %and3A_141 = arith.constant 31 : i32
          %and3A_142 = vector.broadcast %and3A_141 : i32 to vector<16xi32>
          %and3A_143 = arith.andi %add3A_140, %and3A_142 : vector<16xi32>
          %gather3A_144 = tpu.vector_load_idx %arg5[%and3A_143, %add3A_79] : memref<32x512xf32, #tpu.memory_space<vmem>>[vector<16xi32>, vector<16xi32>], vector<16xf32>,
          %add3A_145 = arith.addi %mul3A_82, %and3A_143 : vector<16xi32>
          tpu.vector_store_idx %arg7[%add3A_145], %gather3A_144 : memref<16384xf32, #tpu.memory_space<vmem>>[vector<16xi32>], vector<16xf32>,
          %add3A_146 = arith.constant 8 : i32
          %add3A_147 = vector.broadcast %add3A_146 : i32 to vector<16xi32>
          %add3A_148 = arith.addi %iota3A, %add3A_147 : vector<16xi32>
          %and3A_149 = arith.constant 31 : i32
          %and3A_150 = vector.broadcast %and3A_149 : i32 to vector<16xi32>
          %and3A_151 = arith.andi %add3A_148, %and3A_150 : vector<16xi32>
          %gather3A_152 = tpu.vector_load_idx %arg5[%and3A_151, %add3A_79] : memref<32x512xf32, #tpu.memory_space<vmem>>[vector<16xi32>, vector<16xi32>], vector<16xf32>,
          %add3A_153 = arith.addi %mul3A_82, %and3A_151 : vector<16xi32>
          tpu.vector_store_idx %arg7[%add3A_153], %gather3A_152 : memref<16384xf32, #tpu.memory_space<vmem>>[vector<16xi32>], vector<16xf32>,
          %add3A_154 = arith.constant 9 : i32
          %add3A_155 = vector.broadcast %add3A_154 : i32 to vector<16xi32>
          %add3A_156 = arith.addi %iota3A, %add3A_155 : vector<16xi32>
          %and3A_157 = arith.constant 31 : i32
          %and3A_158 = vector.broadcast %and3A_157 : i32 to vector<16xi32>
          %and3A_159 = arith.andi %add3A_156, %and3A_158 : vector<16xi32>
          %gather3A_160 = tpu.vector_load_idx %arg5[%and3A_159, %add3A_79] : memref<32x512xf32, #tpu.memory_space<vmem>>[vector<16xi32>, vector<16xi32>], vector<16xf32>,
          %add3A_161 = arith.addi %mul3A_82, %and3A_159 : vector<16xi32>
          tpu.vector_store_idx %arg7[%add3A_161], %gather3A_160 : memref<16384xf32, #tpu.memory_space<vmem>>[vector<16xi32>], vector<16xf32>,
          %add3A_162 = arith.constant 10 : i32
          %add3A_163 = vector.broadcast %add3A_162 : i32 to vector<16xi32>
          %add3A_164 = arith.addi %iota3A, %add3A_163 : vector<16xi32>
          %and3A_165 = arith.constant 31 : i32
          %and3A_166 = vector.broadcast %and3A_165 : i32 to vector<16xi32>
          %and3A_167 = arith.andi %add3A_164, %and3A_166 : vector<16xi32>
          %gather3A_168 = tpu.vector_load_idx %arg5[%and3A_167, %add3A_79] : memref<32x512xf32, #tpu.memory_space<vmem>>[vector<16xi32>, vector<16xi32>], vector<16xf32>,
          %add3A_169 = arith.addi %mul3A_82, %and3A_167 : vector<16xi32>
          tpu.vector_store_idx %arg7[%add3A_169], %gather3A_168 : memref<16384xf32, #tpu.memory_space<vmem>>[vector<16xi32>], vector<16xf32>,
          %add3A_170 = arith.constant 11 : i32
          %add3A_171 = vector.broadcast %add3A_170 : i32 to vector<16xi32>
          %add3A_172 = arith.addi %iota3A, %add3A_171 : vector<16xi32>
          %and3A_173 = arith.constant 31 : i32
          %and3A_174 = vector.broadcast %and3A_173 : i32 to vector<16xi32>
          %and3A_175 = arith.andi %add3A_172, %and3A_174 : vector<16xi32>
          %gather3A_176 = tpu.vector_load_idx %arg5[%and3A_175, %add3A_79] : memref<32x512xf32, #tpu.memory_space<vmem>>[vector<16xi32>, vector<16xi32>], vector<16xf32>,
          %add3A_177 = arith.addi %mul3A_82, %and3A_175 : vector<16xi32>
          tpu.vector_store_idx %arg7[%add3A_177], %gather3A_176 : memref<16384xf32, #tpu.memory_space<vmem>>[vector<16xi32>], vector<16xf32>,
          %add3A_178 = arith.constant 12 : i32
          %add3A_179 = vector.broadcast %add3A_178 : i32 to vector<16xi32>
          %add3A_180 = arith.addi %iota3A, %add3A_179 : vector<16xi32>
          %and3A_181 = arith.constant 31 : i32
          %and3A_182 = vector.broadcast %and3A_181 : i32 to vector<16xi32>
          %and3A_183 = arith.andi %add3A_180, %and3A_182 : vector<16xi32>
          %gather3A_184 = tpu.vector_load_idx %arg5[%and3A_183, %add3A_79] : memref<32x512xf32, #tpu.memory_space<vmem>>[vector<16xi32>, vector<16xi32>], vector<16xf32>,
          %add3A_185 = arith.addi %mul3A_82, %and3A_183 : vector<16xi32>
          tpu.vector_store_idx %arg7[%add3A_185], %gather3A_184 : memref<16384xf32, #tpu.memory_space<vmem>>[vector<16xi32>], vector<16xf32>,
          %add3A_186 = arith.constant 13 : i32
          %add3A_187 = vector.broadcast %add3A_186 : i32 to vector<16xi32>
          %add3A_188 = arith.addi %iota3A, %add3A_187 : vector<16xi32>
          %and3A_189 = arith.constant 31 : i32
          %and3A_190 = vector.broadcast %and3A_189 : i32 to vector<16xi32>
          %and3A_191 = arith.andi %add3A_188, %and3A_190 : vector<16xi32>
          %gather3A_192 = tpu.vector_load_idx %arg5[%and3A_191, %add3A_79] : memref<32x512xf32, #tpu.memory_space<vmem>>[vector<16xi32>, vector<16xi32>], vector<16xf32>,
          %add3A_193 = arith.addi %mul3A_82, %and3A_191 : vector<16xi32>
          tpu.vector_store_idx %arg7[%add3A_193], %gather3A_192 : memref<16384xf32, #tpu.memory_space<vmem>>[vector<16xi32>], vector<16xf32>,
          %add3A_194 = arith.constant 14 : i32
          %add3A_195 = vector.broadcast %add3A_194 : i32 to vector<16xi32>
          %add3A_196 = arith.addi %iota3A, %add3A_195 : vector<16xi32>
          %and3A_197 = arith.constant 31 : i32
          %and3A_198 = vector.broadcast %and3A_197 : i32 to vector<16xi32>
          %and3A_199 = arith.andi %add3A_196, %and3A_198 : vector<16xi32>
          %gather3A_200 = tpu.vector_load_idx %arg5[%and3A_199, %add3A_79] : memref<32x512xf32, #tpu.memory_space<vmem>>[vector<16xi32>, vector<16xi32>], vector<16xf32>,
          %add3A_201 = arith.addi %mul3A_82, %and3A_199 : vector<16xi32>
          tpu.vector_store_idx %arg7[%add3A_201], %gather3A_200 : memref<16384xf32, #tpu.memory_space<vmem>>[vector<16xi32>], vector<16xf32>,
          %add3A_202 = arith.constant 15 : i32
          %add3A_203 = vector.broadcast %add3A_202 : i32 to vector<16xi32>
          %add3A_204 = arith.addi %iota3A, %add3A_203 : vector<16xi32>
          %and3A_205 = arith.constant 31 : i32
          %and3A_206 = vector.broadcast %and3A_205 : i32 to vector<16xi32>
          %and3A_207 = arith.andi %add3A_204, %and3A_206 : vector<16xi32>
          %gather3A_208 = tpu.vector_load_idx %arg5[%and3A_207, %add3A_79] : memref<32x512xf32, #tpu.memory_space<vmem>>[vector<16xi32>, vector<16xi32>], vector<16xf32>,
          %add3A_209 = arith.addi %mul3A_82, %and3A_207 : vector<16xi32>
          tpu.vector_store_idx %arg7[%add3A_209], %gather3A_208 : memref<16384xf32, #tpu.memory_space<vmem>>[vector<16xi32>], vector<16xf32>,
          %add3A_210 = arith.constant 16 : i32
          %add3A_211 = vector.broadcast %add3A_210 : i32 to vector<16xi32>
          %add3A_212 = arith.addi %iota3A, %add3A_211 : vector<16xi32>
          %and3A_213 = arith.constant 31 : i32
          %and3A_214 = vector.broadcast %and3A_213 : i32 to vector<16xi32>
          %and3A_215 = arith.andi %add3A_212, %and3A_214 : vector<16xi32>
          %gather3A_216 = tpu.vector_load_idx %arg5[%and3A_215, %add3A_79] : memref<32x512xf32, #tpu.memory_space<vmem>>[vector<16xi32>, vector<16xi32>], vector<16xf32>,
          %add3A_217 = arith.addi %mul3A_82, %and3A_215 : vector<16xi32>
          tpu.vector_store_idx %arg7[%add3A_217], %gather3A_216 : memref<16384xf32, #tpu.memory_space<vmem>>[vector<16xi32>], vector<16xf32>,
          %add3A_218 = arith.constant 17 : i32
          %add3A_219 = vector.broadcast %add3A_218 : i32 to vector<16xi32>
          %add3A_220 = arith.addi %iota3A, %add3A_219 : vector<16xi32>
          %and3A_221 = arith.constant 31 : i32
          %and3A_222 = vector.broadcast %and3A_221 : i32 to vector<16xi32>
          %and3A_223 = arith.andi %add3A_220, %and3A_222 : vector<16xi32>
          %gather3A_224 = tpu.vector_load_idx %arg5[%and3A_223, %add3A_79] : memref<32x512xf32, #tpu.memory_space<vmem>>[vector<16xi32>, vector<16xi32>], vector<16xf32>,
          %add3A_225 = arith.addi %mul3A_82, %and3A_223 : vector<16xi32>
          tpu.vector_store_idx %arg7[%add3A_225], %gather3A_224 : memref<16384xf32, #tpu.memory_space<vmem>>[vector<16xi32>], vector<16xf32>,
          %add3A_226 = arith.constant 18 : i32
          %add3A_227 = vector.broadcast %add3A_226 : i32 to vector<16xi32>
          %add3A_228 = arith.addi %iota3A, %add3A_227 : vector<16xi32>
          %and3A_229 = arith.constant 31 : i32
          %and3A_230 = vector.broadcast %and3A_229 : i32 to vector<16xi32>
          %and3A_231 = arith.andi %add3A_228, %and3A_230 : vector<16xi32>
          %gather3A_232 = tpu.vector_load_idx %arg5[%and3A_231, %add3A_79] : memref<32x512xf32, #tpu.memory_space<vmem>>[vector<16xi32>, vector<16xi32>], vector<16xf32>,
          %add3A_233 = arith.addi %mul3A_82, %and3A_231 : vector<16xi32>
          tpu.vector_store_idx %arg7[%add3A_233], %gather3A_232 : memref<16384xf32, #tpu.memory_space<vmem>>[vector<16xi32>], vector<16xf32>,
          %add3A_234 = arith.constant 19 : i32
          %add3A_235 = vector.broadcast %add3A_234 : i32 to vector<16xi32>
          %add3A_236 = arith.addi %iota3A, %add3A_235 : vector<16xi32>
          %and3A_237 = arith.constant 31 : i32
          %and3A_238 = vector.broadcast %and3A_237 : i32 to vector<16xi32>
          %and3A_239 = arith.andi %add3A_236, %and3A_238 : vector<16xi32>
          %gather3A_240 = tpu.vector_load_idx %arg5[%and3A_239, %add3A_79] : memref<32x512xf32, #tpu.memory_space<vmem>>[vector<16xi32>, vector<16xi32>], vector<16xf32>,
          %add3A_241 = arith.addi %mul3A_82, %and3A_239 : vector<16xi32>
          tpu.vector_store_idx %arg7[%add3A_241], %gather3A_240 : memref<16384xf32, #tpu.memory_space<vmem>>[vector<16xi32>], vector<16xf32>,
          %add3A_242 = arith.constant 20 : i32
          %add3A_243 = vector.broadcast %add3A_242 : i32 to vector<16xi32>
          %add3A_244 = arith.addi %iota3A, %add3A_243 : vector<16xi32>
          %and3A_245 = arith.constant 31 : i32
          %and3A_246 = vector.broadcast %and3A_245 : i32 to vector<16xi32>
          %and3A_247 = arith.andi %add3A_244, %and3A_246 : vector<16xi32>
          %gather3A_248 = tpu.vector_load_idx %arg5[%and3A_247, %add3A_79] : memref<32x512xf32, #tpu.memory_space<vmem>>[vector<16xi32>, vector<16xi32>], vector<16xf32>,
          %add3A_249 = arith.addi %mul3A_82, %and3A_247 : vector<16xi32>
          tpu.vector_store_idx %arg7[%add3A_249], %gather3A_248 : memref<16384xf32, #tpu.memory_space<vmem>>[vector<16xi32>], vector<16xf32>,
          %add3A_250 = arith.constant 21 : i32
          %add3A_251 = vector.broadcast %add3A_250 : i32 to vector<16xi32>
          %add3A_252 = arith.addi %iota3A, %add3A_251 : vector<16xi32>
          %and3A_253 = arith.constant 31 : i32
          %and3A_254 = vector.broadcast %and3A_253 : i32 to vector<16xi32>
          %and3A_255 = arith.andi %add3A_252, %and3A_254 : vector<16xi32>
          %gather3A_256 = tpu.vector_load_idx %arg5[%and3A_255, %add3A_79] : memref<32x512xf32, #tpu.memory_space<vmem>>[vector<16xi32>, vector<16xi32>], vector<16xf32>,
          %add3A_257 = arith.addi %mul3A_82, %and3A_255 : vector<16xi32>
          tpu.vector_store_idx %arg7[%add3A_257], %gather3A_256 : memref<16384xf32, #tpu.memory_space<vmem>>[vector<16xi32>], vector<16xf32>,
          %add3A_258 = arith.constant 22 : i32
          %add3A_259 = vector.broadcast %add3A_258 : i32 to vector<16xi32>
          %add3A_260 = arith.addi %iota3A, %add3A_259 : vector<16xi32>
          %and3A_261 = arith.constant 31 : i32
          %and3A_262 = vector.broadcast %and3A_261 : i32 to vector<16xi32>
          %and3A_263 = arith.andi %add3A_260, %and3A_262 : vector<16xi32>
          %gather3A_264 = tpu.vector_load_idx %arg5[%and3A_263, %add3A_79] : memref<32x512xf32, #tpu.memory_space<vmem>>[vector<16xi32>, vector<16xi32>], vector<16xf32>,
          %add3A_265 = arith.addi %mul3A_82, %and3A_263 : vector<16xi32>
          tpu.vector_store_idx %arg7[%add3A_265], %gather3A_264 : memref<16384xf32, #tpu.memory_space<vmem>>[vector<16xi32>], vector<16xf32>,
          %add3A_266 = arith.constant 23 : i32
          %add3A_267 = vector.broadcast %add3A_266 : i32 to vector<16xi32>
          %add3A_268 = arith.addi %iota3A, %add3A_267 : vector<16xi32>
          %and3A_269 = arith.constant 31 : i32
          %and3A_270 = vector.broadcast %and3A_269 : i32 to vector<16xi32>
          %and3A_271 = arith.andi %add3A_268, %and3A_270 : vector<16xi32>
          %gather3A_272 = tpu.vector_load_idx %arg5[%and3A_271, %add3A_79] : memref<32x512xf32, #tpu.memory_space<vmem>>[vector<16xi32>, vector<16xi32>], vector<16xf32>,
          %add3A_273 = arith.addi %mul3A_82, %and3A_271 : vector<16xi32>
          tpu.vector_store_idx %arg7[%add3A_273], %gather3A_272 : memref<16384xf32, #tpu.memory_space<vmem>>[vector<16xi32>], vector<16xf32>,
          %add3A_274 = arith.constant 24 : i32
          %add3A_275 = vector.broadcast %add3A_274 : i32 to vector<16xi32>
          %add3A_276 = arith.addi %iota3A, %add3A_275 : vector<16xi32>
          %and3A_277 = arith.constant 31 : i32
          %and3A_278 = vector.broadcast %and3A_277 : i32 to vector<16xi32>
          %and3A_279 = arith.andi %add3A_276, %and3A_278 : vector<16xi32>
          %gather3A_280 = tpu.vector_load_idx %arg5[%and3A_279, %add3A_79] : memref<32x512xf32, #tpu.memory_space<vmem>>[vector<16xi32>, vector<16xi32>], vector<16xf32>,
          %add3A_281 = arith.addi %mul3A_82, %and3A_279 : vector<16xi32>
          tpu.vector_store_idx %arg7[%add3A_281], %gather3A_280 : memref<16384xf32, #tpu.memory_space<vmem>>[vector<16xi32>], vector<16xf32>,
          %add3A_282 = arith.constant 25 : i32
          %add3A_283 = vector.broadcast %add3A_282 : i32 to vector<16xi32>
          %add3A_284 = arith.addi %iota3A, %add3A_283 : vector<16xi32>
          %and3A_285 = arith.constant 31 : i32
          %and3A_286 = vector.broadcast %and3A_285 : i32 to vector<16xi32>
          %and3A_287 = arith.andi %add3A_284, %and3A_286 : vector<16xi32>
          %gather3A_288 = tpu.vector_load_idx %arg5[%and3A_287, %add3A_79] : memref<32x512xf32, #tpu.memory_space<vmem>>[vector<16xi32>, vector<16xi32>], vector<16xf32>,
          %add3A_289 = arith.addi %mul3A_82, %and3A_287 : vector<16xi32>
          tpu.vector_store_idx %arg7[%add3A_289], %gather3A_288 : memref<16384xf32, #tpu.memory_space<vmem>>[vector<16xi32>], vector<16xf32>,
          %add3A_290 = arith.constant 26 : i32
          %add3A_291 = vector.broadcast %add3A_290 : i32 to vector<16xi32>
          %add3A_292 = arith.addi %iota3A, %add3A_291 : vector<16xi32>
          %and3A_293 = arith.constant 31 : i32
          %and3A_294 = vector.broadcast %and3A_293 : i32 to vector<16xi32>
          %and3A_295 = arith.andi %add3A_292, %and3A_294 : vector<16xi32>
          %gather3A_296 = tpu.vector_load_idx %arg5[%and3A_295, %add3A_79] : memref<32x512xf32, #tpu.memory_space<vmem>>[vector<16xi32>, vector<16xi32>], vector<16xf32>,
          %add3A_297 = arith.addi %mul3A_82, %and3A_295 : vector<16xi32>
          tpu.vector_store_idx %arg7[%add3A_297], %gather3A_296 : memref<16384xf32, #tpu.memory_space<vmem>>[vector<16xi32>], vector<16xf32>,
          %add3A_298 = arith.constant 27 : i32
          %add3A_299 = vector.broadcast %add3A_298 : i32 to vector<16xi32>
          %add3A_300 = arith.addi %iota3A, %add3A_299 : vector<16xi32>
          %and3A_301 = arith.constant 31 : i32
          %and3A_302 = vector.broadcast %and3A_301 : i32 to vector<16xi32>
          %and3A_303 = arith.andi %add3A_300, %and3A_302 : vector<16xi32>
          %gather3A_304 = tpu.vector_load_idx %arg5[%and3A_303, %add3A_79] : memref<32x512xf32, #tpu.memory_space<vmem>>[vector<16xi32>, vector<16xi32>], vector<16xf32>,
          %add3A_305 = arith.addi %mul3A_82, %and3A_303 : vector<16xi32>
          tpu.vector_store_idx %arg7[%add3A_305], %gather3A_304 : memref<16384xf32, #tpu.memory_space<vmem>>[vector<16xi32>], vector<16xf32>,
          %add3A_306 = arith.constant 28 : i32
          %add3A_307 = vector.broadcast %add3A_306 : i32 to vector<16xi32>
          %add3A_308 = arith.addi %iota3A, %add3A_307 : vector<16xi32>
          %and3A_309 = arith.constant 31 : i32
          %and3A_310 = vector.broadcast %and3A_309 : i32 to vector<16xi32>
          %and3A_311 = arith.andi %add3A_308, %and3A_310 : vector<16xi32>
          %gather3A_312 = tpu.vector_load_idx %arg5[%and3A_311, %add3A_79] : memref<32x512xf32, #tpu.memory_space<vmem>>[vector<16xi32>, vector<16xi32>], vector<16xf32>,
          %add3A_313 = arith.addi %mul3A_82, %and3A_311 : vector<16xi32>
          tpu.vector_store_idx %arg7[%add3A_313], %gather3A_312 : memref<16384xf32, #tpu.memory_space<vmem>>[vector<16xi32>], vector<16xf32>,
          %add3A_314 = arith.constant 29 : i32
          %add3A_315 = vector.broadcast %add3A_314 : i32 to vector<16xi32>
          %add3A_316 = arith.addi %iota3A, %add3A_315 : vector<16xi32>
          %and3A_317 = arith.constant 31 : i32
          %and3A_318 = vector.broadcast %and3A_317 : i32 to vector<16xi32>
          %and3A_319 = arith.andi %add3A_316, %and3A_318 : vector<16xi32>
          %gather3A_320 = tpu.vector_load_idx %arg5[%and3A_319, %add3A_79] : memref<32x512xf32, #tpu.memory_space<vmem>>[vector<16xi32>, vector<16xi32>], vector<16xf32>,
          %add3A_321 = arith.addi %mul3A_82, %and3A_319 : vector<16xi32>
          tpu.vector_store_idx %arg7[%add3A_321], %gather3A_320 : memref<16384xf32, #tpu.memory_space<vmem>>[vector<16xi32>], vector<16xf32>,
          %add3A_322 = arith.constant 30 : i32
          %add3A_323 = vector.broadcast %add3A_322 : i32 to vector<16xi32>
          %add3A_324 = arith.addi %iota3A, %add3A_323 : vector<16xi32>
          %and3A_325 = arith.constant 31 : i32
          %and3A_326 = vector.broadcast %and3A_325 : i32 to vector<16xi32>
          %and3A_327 = arith.andi %add3A_324, %and3A_326 : vector<16xi32>
          %gather3A_328 = tpu.vector_load_idx %arg5[%and3A_327, %add3A_79] : memref<32x512xf32, #tpu.memory_space<vmem>>[vector<16xi32>, vector<16xi32>], vector<16xf32>,
          %add3A_329 = arith.addi %mul3A_82, %and3A_327 : vector<16xi32>
          tpu.vector_store_idx %arg7[%add3A_329], %gather3A_328 : memref<16384xf32, #tpu.memory_space<vmem>>[vector<16xi32>], vector<16xf32>,
          %add3A_330 = arith.constant 31 : i32
          %add3A_331 = vector.broadcast %add3A_330 : i32 to vector<16xi32>
          %add3A_332 = arith.addi %iota3A, %add3A_331 : vector<16xi32>
          %and3A_333 = arith.constant 31 : i32
          %and3A_334 = vector.broadcast %and3A_333 : i32 to vector<16xi32>
          %and3A_335 = arith.andi %add3A_332, %and3A_334 : vector<16xi32>
          %gather3A_336 = tpu.vector_load_idx %arg5[%and3A_335, %add3A_79] : memref<32x512xf32, #tpu.memory_space<vmem>>[vector<16xi32>, vector<16xi32>], vector<16xf32>,
          %add3A_337 = arith.addi %mul3A_82, %and3A_335 : vector<16xi32>
          tpu.vector_store_idx %arg7[%add3A_337], %gather3A_336 : memref<16384xf32, #tpu.memory_space<vmem>>[vector<16xi32>], vector<16xf32>,
          %scan3A_338 = arith.constant 0 : i32
          %scan3A_339 = arith.constant 1 : i32
          %scan3A_340 = arith.addi %scan3A_74, %scan3A_339 : i32
          %mul3A_341 = arith.constant 16 : i32
          %mul3A_342 = arith.muli %scan3A_340, %mul3A_341 : i32
          %add3A_343 = vector.broadcast %mul3A_342 : i32 to vector<16xi32>
          %add3A_344 = arith.addi %add3A_343, %iota3A : vector<16xi32>
          %mul3A_345 = arith.constant 32 : i32
          %mul3A_346 = vector.broadcast %mul3A_345 : i32 to vector<16xi32>
          %mul3A_347 = arith.muli %add3A_344, %mul3A_346 : vector<16xi32>
          %add3A_348 = arith.constant 0 : i32
          %add3A_349 = vector.broadcast %add3A_348 : i32 to vector<16xi32>
          %add3A_350 = arith.addi %iota3A, %add3A_349 : vector<16xi32>
          %and3A_351 = arith.constant 31 : i32
          %and3A_352 = vector.broadcast %and3A_351 : i32 to vector<16xi32>
          %and3A_353 = arith.andi %add3A_350, %and3A_352 : vector<16xi32>
          %gather3A_354 = tpu.vector_load_idx %arg5[%and3A_353, %add3A_344] : memref<32x512xf32, #tpu.memory_space<vmem>>[vector<16xi32>, vector<16xi32>], vector<16xf32>,
          %add3A_355 = arith.addi %mul3A_347, %and3A_353 : vector<16xi32>
          tpu.vector_store_idx %arg7[%add3A_355], %gather3A_354 : memref<16384xf32, #tpu.memory_space<vmem>>[vector<16xi32>], vector<16xf32>,
          %add3A_356 = arith.constant 1 : i32
          %add3A_357 = vector.broadcast %add3A_356 : i32 to vector<16xi32>
          %add3A_358 = arith.addi %iota3A, %add3A_357 : vector<16xi32>
          %and3A_359 = arith.constant 31 : i32
          %and3A_360 = vector.broadcast %and3A_359 : i32 to vector<16xi32>
          %and3A_361 = arith.andi %add3A_358, %and3A_360 : vector<16xi32>
          %gather3A_362 = tpu.vector_load_idx %arg5[%and3A_361, %add3A_344] : memref<32x512xf32, #tpu.memory_space<vmem>>[vector<16xi32>, vector<16xi32>], vector<16xf32>,
          %add3A_363 = arith.addi %mul3A_347, %and3A_361 : vector<16xi32>
          tpu.vector_store_idx %arg7[%add3A_363], %gather3A_362 : memref<16384xf32, #tpu.memory_space<vmem>>[vector<16xi32>], vector<16xf32>,
          %add3A_364 = arith.constant 2 : i32
          %add3A_365 = vector.broadcast %add3A_364 : i32 to vector<16xi32>
          %add3A_366 = arith.addi %iota3A, %add3A_365 : vector<16xi32>
          %and3A_367 = arith.constant 31 : i32
          %and3A_368 = vector.broadcast %and3A_367 : i32 to vector<16xi32>
          %and3A_369 = arith.andi %add3A_366, %and3A_368 : vector<16xi32>
          %gather3A_370 = tpu.vector_load_idx %arg5[%and3A_369, %add3A_344] : memref<32x512xf32, #tpu.memory_space<vmem>>[vector<16xi32>, vector<16xi32>], vector<16xf32>,
          %add3A_371 = arith.addi %mul3A_347, %and3A_369 : vector<16xi32>
          tpu.vector_store_idx %arg7[%add3A_371], %gather3A_370 : memref<16384xf32, #tpu.memory_space<vmem>>[vector<16xi32>], vector<16xf32>,
          %add3A_372 = arith.constant 3 : i32
          %add3A_373 = vector.broadcast %add3A_372 : i32 to vector<16xi32>
          %add3A_374 = arith.addi %iota3A, %add3A_373 : vector<16xi32>
          %and3A_375 = arith.constant 31 : i32
          %and3A_376 = vector.broadcast %and3A_375 : i32 to vector<16xi32>
          %and3A_377 = arith.andi %add3A_374, %and3A_376 : vector<16xi32>
          %gather3A_378 = tpu.vector_load_idx %arg5[%and3A_377, %add3A_344] : memref<32x512xf32, #tpu.memory_space<vmem>>[vector<16xi32>, vector<16xi32>], vector<16xf32>,
          %add3A_379 = arith.addi %mul3A_347, %and3A_377 : vector<16xi32>
          tpu.vector_store_idx %arg7[%add3A_379], %gather3A_378 : memref<16384xf32, #tpu.memory_space<vmem>>[vector<16xi32>], vector<16xf32>,
          %add3A_380 = arith.constant 4 : i32
          %add3A_381 = vector.broadcast %add3A_380 : i32 to vector<16xi32>
          %add3A_382 = arith.addi %iota3A, %add3A_381 : vector<16xi32>
          %and3A_383 = arith.constant 31 : i32
          %and3A_384 = vector.broadcast %and3A_383 : i32 to vector<16xi32>
          %and3A_385 = arith.andi %add3A_382, %and3A_384 : vector<16xi32>
          %gather3A_386 = tpu.vector_load_idx %arg5[%and3A_385, %add3A_344] : memref<32x512xf32, #tpu.memory_space<vmem>>[vector<16xi32>, vector<16xi32>], vector<16xf32>,
          %add3A_387 = arith.addi %mul3A_347, %and3A_385 : vector<16xi32>
          tpu.vector_store_idx %arg7[%add3A_387], %gather3A_386 : memref<16384xf32, #tpu.memory_space<vmem>>[vector<16xi32>], vector<16xf32>,
          %add3A_388 = arith.constant 5 : i32
          %add3A_389 = vector.broadcast %add3A_388 : i32 to vector<16xi32>
          %add3A_390 = arith.addi %iota3A, %add3A_389 : vector<16xi32>
          %and3A_391 = arith.constant 31 : i32
          %and3A_392 = vector.broadcast %and3A_391 : i32 to vector<16xi32>
          %and3A_393 = arith.andi %add3A_390, %and3A_392 : vector<16xi32>
          %gather3A_394 = tpu.vector_load_idx %arg5[%and3A_393, %add3A_344] : memref<32x512xf32, #tpu.memory_space<vmem>>[vector<16xi32>, vector<16xi32>], vector<16xf32>,
          %add3A_395 = arith.addi %mul3A_347, %and3A_393 : vector<16xi32>
          tpu.vector_store_idx %arg7[%add3A_395], %gather3A_394 : memref<16384xf32, #tpu.memory_space<vmem>>[vector<16xi32>], vector<16xf32>,
          %add3A_396 = arith.constant 6 : i32
          %add3A_397 = vector.broadcast %add3A_396 : i32 to vector<16xi32>
          %add3A_398 = arith.addi %iota3A, %add3A_397 : vector<16xi32>
          %and3A_399 = arith.constant 31 : i32
          %and3A_400 = vector.broadcast %and3A_399 : i32 to vector<16xi32>
          %and3A_401 = arith.andi %add3A_398, %and3A_400 : vector<16xi32>
          %gather3A_402 = tpu.vector_load_idx %arg5[%and3A_401, %add3A_344] : memref<32x512xf32, #tpu.memory_space<vmem>>[vector<16xi32>, vector<16xi32>], vector<16xf32>,
          %add3A_403 = arith.addi %mul3A_347, %and3A_401 : vector<16xi32>
          tpu.vector_store_idx %arg7[%add3A_403], %gather3A_402 : memref<16384xf32, #tpu.memory_space<vmem>>[vector<16xi32>], vector<16xf32>,
          %add3A_404 = arith.constant 7 : i32
          %add3A_405 = vector.broadcast %add3A_404 : i32 to vector<16xi32>
          %add3A_406 = arith.addi %iota3A, %add3A_405 : vector<16xi32>
          %and3A_407 = arith.constant 31 : i32
          %and3A_408 = vector.broadcast %and3A_407 : i32 to vector<16xi32>
          %and3A_409 = arith.andi %add3A_406, %and3A_408 : vector<16xi32>
          %gather3A_410 = tpu.vector_load_idx %arg5[%and3A_409, %add3A_344] : memref<32x512xf32, #tpu.memory_space<vmem>>[vector<16xi32>, vector<16xi32>], vector<16xf32>,
          %add3A_411 = arith.addi %mul3A_347, %and3A_409 : vector<16xi32>
          tpu.vector_store_idx %arg7[%add3A_411], %gather3A_410 : memref<16384xf32, #tpu.memory_space<vmem>>[vector<16xi32>], vector<16xf32>,
          %add3A_412 = arith.constant 8 : i32
          %add3A_413 = vector.broadcast %add3A_412 : i32 to vector<16xi32>
          %add3A_414 = arith.addi %iota3A, %add3A_413 : vector<16xi32>
          %and3A_415 = arith.constant 31 : i32
          %and3A_416 = vector.broadcast %and3A_415 : i32 to vector<16xi32>
          %and3A_417 = arith.andi %add3A_414, %and3A_416 : vector<16xi32>
          %gather3A_418 = tpu.vector_load_idx %arg5[%and3A_417, %add3A_344] : memref<32x512xf32, #tpu.memory_space<vmem>>[vector<16xi32>, vector<16xi32>], vector<16xf32>,
          %add3A_419 = arith.addi %mul3A_347, %and3A_417 : vector<16xi32>
          tpu.vector_store_idx %arg7[%add3A_419], %gather3A_418 : memref<16384xf32, #tpu.memory_space<vmem>>[vector<16xi32>], vector<16xf32>,
          %add3A_420 = arith.constant 9 : i32
          %add3A_421 = vector.broadcast %add3A_420 : i32 to vector<16xi32>
          %add3A_422 = arith.addi %iota3A, %add3A_421 : vector<16xi32>
          %and3A_423 = arith.constant 31 : i32
          %and3A_424 = vector.broadcast %and3A_423 : i32 to vector<16xi32>
          %and3A_425 = arith.andi %add3A_422, %and3A_424 : vector<16xi32>
          %gather3A_426 = tpu.vector_load_idx %arg5[%and3A_425, %add3A_344] : memref<32x512xf32, #tpu.memory_space<vmem>>[vector<16xi32>, vector<16xi32>], vector<16xf32>,
          %add3A_427 = arith.addi %mul3A_347, %and3A_425 : vector<16xi32>
          tpu.vector_store_idx %arg7[%add3A_427], %gather3A_426 : memref<16384xf32, #tpu.memory_space<vmem>>[vector<16xi32>], vector<16xf32>,
          %add3A_428 = arith.constant 10 : i32
          %add3A_429 = vector.broadcast %add3A_428 : i32 to vector<16xi32>
          %add3A_430 = arith.addi %iota3A, %add3A_429 : vector<16xi32>
          %and3A_431 = arith.constant 31 : i32
          %and3A_432 = vector.broadcast %and3A_431 : i32 to vector<16xi32>
          %and3A_433 = arith.andi %add3A_430, %and3A_432 : vector<16xi32>
          %gather3A_434 = tpu.vector_load_idx %arg5[%and3A_433, %add3A_344] : memref<32x512xf32, #tpu.memory_space<vmem>>[vector<16xi32>, vector<16xi32>], vector<16xf32>,
          %add3A_435 = arith.addi %mul3A_347, %and3A_433 : vector<16xi32>
          tpu.vector_store_idx %arg7[%add3A_435], %gather3A_434 : memref<16384xf32, #tpu.memory_space<vmem>>[vector<16xi32>], vector<16xf32>,
          %add3A_436 = arith.constant 11 : i32
          %add3A_437 = vector.broadcast %add3A_436 : i32 to vector<16xi32>
          %add3A_438 = arith.addi %iota3A, %add3A_437 : vector<16xi32>
          %and3A_439 = arith.constant 31 : i32
          %and3A_440 = vector.broadcast %and3A_439 : i32 to vector<16xi32>
          %and3A_441 = arith.andi %add3A_438, %and3A_440 : vector<16xi32>
          %gather3A_442 = tpu.vector_load_idx %arg5[%and3A_441, %add3A_344] : memref<32x512xf32, #tpu.memory_space<vmem>>[vector<16xi32>, vector<16xi32>], vector<16xf32>,
          %add3A_443 = arith.addi %mul3A_347, %and3A_441 : vector<16xi32>
          tpu.vector_store_idx %arg7[%add3A_443], %gather3A_442 : memref<16384xf32, #tpu.memory_space<vmem>>[vector<16xi32>], vector<16xf32>,
          %add3A_444 = arith.constant 12 : i32
          %add3A_445 = vector.broadcast %add3A_444 : i32 to vector<16xi32>
          %add3A_446 = arith.addi %iota3A, %add3A_445 : vector<16xi32>
          %and3A_447 = arith.constant 31 : i32
          %and3A_448 = vector.broadcast %and3A_447 : i32 to vector<16xi32>
          %and3A_449 = arith.andi %add3A_446, %and3A_448 : vector<16xi32>
          %gather3A_450 = tpu.vector_load_idx %arg5[%and3A_449, %add3A_344] : memref<32x512xf32, #tpu.memory_space<vmem>>[vector<16xi32>, vector<16xi32>], vector<16xf32>,
          %add3A_451 = arith.addi %mul3A_347, %and3A_449 : vector<16xi32>
          tpu.vector_store_idx %arg7[%add3A_451], %gather3A_450 : memref<16384xf32, #tpu.memory_space<vmem>>[vector<16xi32>], vector<16xf32>,
          %add3A_452 = arith.constant 13 : i32
          %add3A_453 = vector.broadcast %add3A_452 : i32 to vector<16xi32>
          %add3A_454 = arith.addi %iota3A, %add3A_453 : vector<16xi32>
          %and3A_455 = arith.constant 31 : i32
          %and3A_456 = vector.broadcast %and3A_455 : i32 to vector<16xi32>
          %and3A_457 = arith.andi %add3A_454, %and3A_456 : vector<16xi32>
          %gather3A_458 = tpu.vector_load_idx %arg5[%and3A_457, %add3A_344] : memref<32x512xf32, #tpu.memory_space<vmem>>[vector<16xi32>, vector<16xi32>], vector<16xf32>,
          %add3A_459 = arith.addi %mul3A_347, %and3A_457 : vector<16xi32>
          tpu.vector_store_idx %arg7[%add3A_459], %gather3A_458 : memref<16384xf32, #tpu.memory_space<vmem>>[vector<16xi32>], vector<16xf32>,
          %add3A_460 = arith.constant 14 : i32
          %add3A_461 = vector.broadcast %add3A_460 : i32 to vector<16xi32>
          %add3A_462 = arith.addi %iota3A, %add3A_461 : vector<16xi32>
          %and3A_463 = arith.constant 31 : i32
          %and3A_464 = vector.broadcast %and3A_463 : i32 to vector<16xi32>
          %and3A_465 = arith.andi %add3A_462, %and3A_464 : vector<16xi32>
          %gather3A_466 = tpu.vector_load_idx %arg5[%and3A_465, %add3A_344] : memref<32x512xf32, #tpu.memory_space<vmem>>[vector<16xi32>, vector<16xi32>], vector<16xf32>,
          %add3A_467 = arith.addi %mul3A_347, %and3A_465 : vector<16xi32>
          tpu.vector_store_idx %arg7[%add3A_467], %gather3A_466 : memref<16384xf32, #tpu.memory_space<vmem>>[vector<16xi32>], vector<16xf32>,
          %add3A_468 = arith.constant 15 : i32
          %add3A_469 = vector.broadcast %add3A_468 : i32 to vector<16xi32>
          %add3A_470 = arith.addi %iota3A, %add3A_469 : vector<16xi32>
          %and3A_471 = arith.constant 31 : i32
          %and3A_472 = vector.broadcast %and3A_471 : i32 to vector<16xi32>
          %and3A_473 = arith.andi %add3A_470, %and3A_472 : vector<16xi32>
          %gather3A_474 = tpu.vector_load_idx %arg5[%and3A_473, %add3A_344] : memref<32x512xf32, #tpu.memory_space<vmem>>[vector<16xi32>, vector<16xi32>], vector<16xf32>,
          %add3A_475 = arith.addi %mul3A_347, %and3A_473 : vector<16xi32>
          tpu.vector_store_idx %arg7[%add3A_475], %gather3A_474 : memref<16384xf32, #tpu.memory_space<vmem>>[vector<16xi32>], vector<16xf32>,
          %add3A_476 = arith.constant 16 : i32
          %add3A_477 = vector.broadcast %add3A_476 : i32 to vector<16xi32>
          %add3A_478 = arith.addi %iota3A, %add3A_477 : vector<16xi32>
          %and3A_479 = arith.constant 31 : i32
          %and3A_480 = vector.broadcast %and3A_479 : i32 to vector<16xi32>
          %and3A_481 = arith.andi %add3A_478, %and3A_480 : vector<16xi32>
          %gather3A_482 = tpu.vector_load_idx %arg5[%and3A_481, %add3A_344] : memref<32x512xf32, #tpu.memory_space<vmem>>[vector<16xi32>, vector<16xi32>], vector<16xf32>,
          %add3A_483 = arith.addi %mul3A_347, %and3A_481 : vector<16xi32>
          tpu.vector_store_idx %arg7[%add3A_483], %gather3A_482 : memref<16384xf32, #tpu.memory_space<vmem>>[vector<16xi32>], vector<16xf32>,
          %add3A_484 = arith.constant 17 : i32
          %add3A_485 = vector.broadcast %add3A_484 : i32 to vector<16xi32>
          %add3A_486 = arith.addi %iota3A, %add3A_485 : vector<16xi32>
          %and3A_487 = arith.constant 31 : i32
          %and3A_488 = vector.broadcast %and3A_487 : i32 to vector<16xi32>
          %and3A_489 = arith.andi %add3A_486, %and3A_488 : vector<16xi32>
          %gather3A_490 = tpu.vector_load_idx %arg5[%and3A_489, %add3A_344] : memref<32x512xf32, #tpu.memory_space<vmem>>[vector<16xi32>, vector<16xi32>], vector<16xf32>,
          %add3A_491 = arith.addi %mul3A_347, %and3A_489 : vector<16xi32>
          tpu.vector_store_idx %arg7[%add3A_491], %gather3A_490 : memref<16384xf32, #tpu.memory_space<vmem>>[vector<16xi32>], vector<16xf32>,
          %add3A_492 = arith.constant 18 : i32
          %add3A_493 = vector.broadcast %add3A_492 : i32 to vector<16xi32>
          %add3A_494 = arith.addi %iota3A, %add3A_493 : vector<16xi32>
          %and3A_495 = arith.constant 31 : i32
          %and3A_496 = vector.broadcast %and3A_495 : i32 to vector<16xi32>
          %and3A_497 = arith.andi %add3A_494, %and3A_496 : vector<16xi32>
          %gather3A_498 = tpu.vector_load_idx %arg5[%and3A_497, %add3A_344] : memref<32x512xf32, #tpu.memory_space<vmem>>[vector<16xi32>, vector<16xi32>], vector<16xf32>,
          %add3A_499 = arith.addi %mul3A_347, %and3A_497 : vector<16xi32>
          tpu.vector_store_idx %arg7[%add3A_499], %gather3A_498 : memref<16384xf32, #tpu.memory_space<vmem>>[vector<16xi32>], vector<16xf32>,
          %add3A_500 = arith.constant 19 : i32
          %add3A_501 = vector.broadcast %add3A_500 : i32 to vector<16xi32>
          %add3A_502 = arith.addi %iota3A, %add3A_501 : vector<16xi32>
          %and3A_503 = arith.constant 31 : i32
          %and3A_504 = vector.broadcast %and3A_503 : i32 to vector<16xi32>
          %and3A_505 = arith.andi %add3A_502, %and3A_504 : vector<16xi32>
          %gather3A_506 = tpu.vector_load_idx %arg5[%and3A_505, %add3A_344] : memref<32x512xf32, #tpu.memory_space<vmem>>[vector<16xi32>, vector<16xi32>], vector<16xf32>,
          %add3A_507 = arith.addi %mul3A_347, %and3A_505 : vector<16xi32>
          tpu.vector_store_idx %arg7[%add3A_507], %gather3A_506 : memref<16384xf32, #tpu.memory_space<vmem>>[vector<16xi32>], vector<16xf32>,
          %add3A_508 = arith.constant 20 : i32
          %add3A_509 = vector.broadcast %add3A_508 : i32 to vector<16xi32>
          %add3A_510 = arith.addi %iota3A, %add3A_509 : vector<16xi32>
          %and3A_511 = arith.constant 31 : i32
          %and3A_512 = vector.broadcast %and3A_511 : i32 to vector<16xi32>
          %and3A_513 = arith.andi %add3A_510, %and3A_512 : vector<16xi32>
          %gather3A_514 = tpu.vector_load_idx %arg5[%and3A_513, %add3A_344] : memref<32x512xf32, #tpu.memory_space<vmem>>[vector<16xi32>, vector<16xi32>], vector<16xf32>,
          %add3A_515 = arith.addi %mul3A_347, %and3A_513 : vector<16xi32>
          tpu.vector_store_idx %arg7[%add3A_515], %gather3A_514 : memref<16384xf32, #tpu.memory_space<vmem>>[vector<16xi32>], vector<16xf32>,
          %add3A_516 = arith.constant 21 : i32
          %add3A_517 = vector.broadcast %add3A_516 : i32 to vector<16xi32>
          %add3A_518 = arith.addi %iota3A, %add3A_517 : vector<16xi32>
          %and3A_519 = arith.constant 31 : i32
          %and3A_520 = vector.broadcast %and3A_519 : i32 to vector<16xi32>
          %and3A_521 = arith.andi %add3A_518, %and3A_520 : vector<16xi32>
          %gather3A_522 = tpu.vector_load_idx %arg5[%and3A_521, %add3A_344] : memref<32x512xf32, #tpu.memory_space<vmem>>[vector<16xi32>, vector<16xi32>], vector<16xf32>,
          %add3A_523 = arith.addi %mul3A_347, %and3A_521 : vector<16xi32>
          tpu.vector_store_idx %arg7[%add3A_523], %gather3A_522 : memref<16384xf32, #tpu.memory_space<vmem>>[vector<16xi32>], vector<16xf32>,
          %add3A_524 = arith.constant 22 : i32
          %add3A_525 = vector.broadcast %add3A_524 : i32 to vector<16xi32>
          %add3A_526 = arith.addi %iota3A, %add3A_525 : vector<16xi32>
          %and3A_527 = arith.constant 31 : i32
          %and3A_528 = vector.broadcast %and3A_527 : i32 to vector<16xi32>
          %and3A_529 = arith.andi %add3A_526, %and3A_528 : vector<16xi32>
          %gather3A_530 = tpu.vector_load_idx %arg5[%and3A_529, %add3A_344] : memref<32x512xf32, #tpu.memory_space<vmem>>[vector<16xi32>, vector<16xi32>], vector<16xf32>,
          %add3A_531 = arith.addi %mul3A_347, %and3A_529 : vector<16xi32>
          tpu.vector_store_idx %arg7[%add3A_531], %gather3A_530 : memref<16384xf32, #tpu.memory_space<vmem>>[vector<16xi32>], vector<16xf32>,
          %add3A_532 = arith.constant 23 : i32
          %add3A_533 = vector.broadcast %add3A_532 : i32 to vector<16xi32>
          %add3A_534 = arith.addi %iota3A, %add3A_533 : vector<16xi32>
          %and3A_535 = arith.constant 31 : i32
          %and3A_536 = vector.broadcast %and3A_535 : i32 to vector<16xi32>
          %and3A_537 = arith.andi %add3A_534, %and3A_536 : vector<16xi32>
          %gather3A_538 = tpu.vector_load_idx %arg5[%and3A_537, %add3A_344] : memref<32x512xf32, #tpu.memory_space<vmem>>[vector<16xi32>, vector<16xi32>], vector<16xf32>,
          %add3A_539 = arith.addi %mul3A_347, %and3A_537 : vector<16xi32>
          tpu.vector_store_idx %arg7[%add3A_539], %gather3A_538 : memref<16384xf32, #tpu.memory_space<vmem>>[vector<16xi32>], vector<16xf32>,
          %add3A_540 = arith.constant 24 : i32
          %add3A_541 = vector.broadcast %add3A_540 : i32 to vector<16xi32>
          %add3A_542 = arith.addi %iota3A, %add3A_541 : vector<16xi32>
          %and3A_543 = arith.constant 31 : i32
          %and3A_544 = vector.broadcast %and3A_543 : i32 to vector<16xi32>
          %and3A_545 = arith.andi %add3A_542, %and3A_544 : vector<16xi32>
          %gather3A_546 = tpu.vector_load_idx %arg5[%and3A_545, %add3A_344] : memref<32x512xf32, #tpu.memory_space<vmem>>[vector<16xi32>, vector<16xi32>], vector<16xf32>,
          %add3A_547 = arith.addi %mul3A_347, %and3A_545 : vector<16xi32>
          tpu.vector_store_idx %arg7[%add3A_547], %gather3A_546 : memref<16384xf32, #tpu.memory_space<vmem>>[vector<16xi32>], vector<16xf32>,
          %add3A_548 = arith.constant 25 : i32
          %add3A_549 = vector.broadcast %add3A_548 : i32 to vector<16xi32>
          %add3A_550 = arith.addi %iota3A, %add3A_549 : vector<16xi32>
          %and3A_551 = arith.constant 31 : i32
          %and3A_552 = vector.broadcast %and3A_551 : i32 to vector<16xi32>
          %and3A_553 = arith.andi %add3A_550, %and3A_552 : vector<16xi32>
          %gather3A_554 = tpu.vector_load_idx %arg5[%and3A_553, %add3A_344] : memref<32x512xf32, #tpu.memory_space<vmem>>[vector<16xi32>, vector<16xi32>], vector<16xf32>,
          %add3A_555 = arith.addi %mul3A_347, %and3A_553 : vector<16xi32>
          tpu.vector_store_idx %arg7[%add3A_555], %gather3A_554 : memref<16384xf32, #tpu.memory_space<vmem>>[vector<16xi32>], vector<16xf32>,
          %add3A_556 = arith.constant 26 : i32
          %add3A_557 = vector.broadcast %add3A_556 : i32 to vector<16xi32>
          %add3A_558 = arith.addi %iota3A, %add3A_557 : vector<16xi32>
          %and3A_559 = arith.constant 31 : i32
          %and3A_560 = vector.broadcast %and3A_559 : i32 to vector<16xi32>
          %and3A_561 = arith.andi %add3A_558, %and3A_560 : vector<16xi32>
          %gather3A_562 = tpu.vector_load_idx %arg5[%and3A_561, %add3A_344] : memref<32x512xf32, #tpu.memory_space<vmem>>[vector<16xi32>, vector<16xi32>], vector<16xf32>,
          %add3A_563 = arith.addi %mul3A_347, %and3A_561 : vector<16xi32>
          tpu.vector_store_idx %arg7[%add3A_563], %gather3A_562 : memref<16384xf32, #tpu.memory_space<vmem>>[vector<16xi32>], vector<16xf32>,
          %add3A_564 = arith.constant 27 : i32
          %add3A_565 = vector.broadcast %add3A_564 : i32 to vector<16xi32>
          %add3A_566 = arith.addi %iota3A, %add3A_565 : vector<16xi32>
          %and3A_567 = arith.constant 31 : i32
          %and3A_568 = vector.broadcast %and3A_567 : i32 to vector<16xi32>
          %and3A_569 = arith.andi %add3A_566, %and3A_568 : vector<16xi32>
          %gather3A_570 = tpu.vector_load_idx %arg5[%and3A_569, %add3A_344] : memref<32x512xf32, #tpu.memory_space<vmem>>[vector<16xi32>, vector<16xi32>], vector<16xf32>,
          %add3A_571 = arith.addi %mul3A_347, %and3A_569 : vector<16xi32>
          tpu.vector_store_idx %arg7[%add3A_571], %gather3A_570 : memref<16384xf32, #tpu.memory_space<vmem>>[vector<16xi32>], vector<16xf32>,
          %add3A_572 = arith.constant 28 : i32
          %add3A_573 = vector.broadcast %add3A_572 : i32 to vector<16xi32>
          %add3A_574 = arith.addi %iota3A, %add3A_573 : vector<16xi32>
          %and3A_575 = arith.constant 31 : i32
          %and3A_576 = vector.broadcast %and3A_575 : i32 to vector<16xi32>
          %and3A_577 = arith.andi %add3A_574, %and3A_576 : vector<16xi32>
          %gather3A_578 = tpu.vector_load_idx %arg5[%and3A_577, %add3A_344] : memref<32x512xf32, #tpu.memory_space<vmem>>[vector<16xi32>, vector<16xi32>], vector<16xf32>,
          %add3A_579 = arith.addi %mul3A_347, %and3A_577 : vector<16xi32>
          tpu.vector_store_idx %arg7[%add3A_579], %gather3A_578 : memref<16384xf32, #tpu.memory_space<vmem>>[vector<16xi32>], vector<16xf32>,
          %add3A_580 = arith.constant 29 : i32
          %add3A_581 = vector.broadcast %add3A_580 : i32 to vector<16xi32>
          %add3A_582 = arith.addi %iota3A, %add3A_581 : vector<16xi32>
          %and3A_583 = arith.constant 31 : i32
          %and3A_584 = vector.broadcast %and3A_583 : i32 to vector<16xi32>
          %and3A_585 = arith.andi %add3A_582, %and3A_584 : vector<16xi32>
          %gather3A_586 = tpu.vector_load_idx %arg5[%and3A_585, %add3A_344] : memref<32x512xf32, #tpu.memory_space<vmem>>[vector<16xi32>, vector<16xi32>], vector<16xf32>,
          %add3A_587 = arith.addi %mul3A_347, %and3A_585 : vector<16xi32>
          tpu.vector_store_idx %arg7[%add3A_587], %gather3A_586 : memref<16384xf32, #tpu.memory_space<vmem>>[vector<16xi32>], vector<16xf32>,
          %add3A_588 = arith.constant 30 : i32
          %add3A_589 = vector.broadcast %add3A_588 : i32 to vector<16xi32>
          %add3A_590 = arith.addi %iota3A, %add3A_589 : vector<16xi32>
          %and3A_591 = arith.constant 31 : i32
          %and3A_592 = vector.broadcast %and3A_591 : i32 to vector<16xi32>
          %and3A_593 = arith.andi %add3A_590, %and3A_592 : vector<16xi32>
          %gather3A_594 = tpu.vector_load_idx %arg5[%and3A_593, %add3A_344] : memref<32x512xf32, #tpu.memory_space<vmem>>[vector<16xi32>, vector<16xi32>], vector<16xf32>,
          %add3A_595 = arith.addi %mul3A_347, %and3A_593 : vector<16xi32>
          tpu.vector_store_idx %arg7[%add3A_595], %gather3A_594 : memref<16384xf32, #tpu.memory_space<vmem>>[vector<16xi32>], vector<16xf32>,
          %add3A_596 = arith.constant 31 : i32
          %add3A_597 = vector.broadcast %add3A_596 : i32 to vector<16xi32>
          %add3A_598 = arith.addi %iota3A, %add3A_597 : vector<16xi32>
          %and3A_599 = arith.constant 31 : i32
          %and3A_600 = vector.broadcast %and3A_599 : i32 to vector<16xi32>
          %and3A_601 = arith.andi %add3A_598, %and3A_600 : vector<16xi32>
          %gather3A_602 = tpu.vector_load_idx %arg5[%and3A_601, %add3A_344] : memref<32x512xf32, #tpu.memory_space<vmem>>[vector<16xi32>, vector<16xi32>], vector<16xf32>,
          %add3A_603 = arith.addi %mul3A_347, %and3A_601 : vector<16xi32>
          tpu.vector_store_idx %arg7[%add3A_603], %gather3A_602 : memref<16384xf32, #tpu.memory_space<vmem>>[vector<16xi32>], vector<16xf32>,
          %scan3A_604 = arith.constant 0 : i32
          scf.yield %scan3A_604 : i32
        }
        %scan3A_62 = arith.constant 32 : i32
        %ge3A_63 = arith.constant 2 : i32
        %ge3A_64 = arith.cmpi sge, %while3A_31, %ge3A_63 : i32
        %convert_element_type3A_65 = arith.extui %ge3A_64 : i1 to i32
        %cond3A_66 = arith.constant 0 : i32
        %cond3A_67 = arith.cmpi ne, %convert_element_type3A_65, %cond3A_66 : i32
        scf.if %cond3A_67 {
          %dma_wait3A_74 = arith.constant 0 : i32
          %dma_wait3A_75 = tpu.memref_slice %arg4[%dma_wait3A_74] : memref<32002048xf32, #tpu.memory_space<hbm>> -> memref<16384xf32, #tpu.memory_space<hbm>>
          %dma_wait3A_76 = arith.constant 0 : i32
          %dma_wait3A_77 = tpu.memref_slice %arg4[%dma_wait3A_76] : memref<32002048xf32, #tpu.memory_space<hbm>> -> memref<16384xf32, #tpu.memory_space<hbm>>
          tpu.wait_dma2 semaphore(%arg11 : memref<!tpu.dma_semaphore, #tpu.memory_space<semaphore_mem>>) src(%arg7 : memref<16384xf32, #tpu.memory_space<vmem>>) dst(%dma_wait3A_77 : memref<16384xf32, #tpu.memory_space<hbm>>)
        } else {
        }
        %add3A_68 = arith.addi %mul3A_2, %while3A_31 : i32
        %mul3A_69 = arith.constant 512 : i32
        %mul3A_70 = arith.muli %add3A_68, %mul3A_69 : i32
        %mul3A_71 = arith.constant 32 : i32
        %mul3A_72 = arith.muli %mul3A_70, %mul3A_71 : i32
        %dma_start3A = tpu.memref_slice %arg4[%mul3A_72] : memref<32002048xf32, #tpu.memory_space<hbm>> -> memref<16384xf32, #tpu.memory_space<hbm>>
        %dma_start3A_73 = tpu.memref_slice %arg4[%mul3A_72] : memref<32002048xf32, #tpu.memory_space<hbm>> -> memref<16384xf32, #tpu.memory_space<hbm>>
        tpu.enqueue_dma source(%arg7 : memref<16384xf32, #tpu.memory_space<vmem>>) target(%dma_start3A_73 : memref<16384xf32, #tpu.memory_space<hbm>>) target_semaphore(%arg11 : memref<!tpu.dma_semaphore, #tpu.memory_space<semaphore_mem>>)
      } else {
      }
      %and3A_44 = arith.constant 1 : i32
      %and3A_45 = arith.andi %while3A_31, %and3A_44 : i32
      %eq3A_46 = arith.constant 1 : i32
      %eq3A_47 = arith.cmpi eq, %and3A_45, %eq3A_46 : i32
      %convert_element_type3A_48 = arith.extui %eq3A_47 : i1 to i32
      %cond3A_49 = arith.constant 0 : i32
      %cond3A_50 = arith.cmpi ne, %convert_element_type3A_48, %cond3A_49 : i32
      scf.if %cond3A_50 {
        %mul3A_52 = arith.constant 512 : i32
        %mul3A_53 = arith.muli %mul3A_2, %mul3A_52 : i32
        %dma_wait3A = arith.constant 0 : i32
        %dma_wait3A_54 = tpu.memref_slice %arg2[%dma_wait3A, %mul3A_53] : memref<32x1000000xf32, #tpu.memory_space<hbm>> -> memref<32x512xf32, #tpu.memory_space<hbm>>
        %dma_wait3A_55 = arith.constant 0 : i32
        %dma_wait3A_56 = tpu.memref_slice %arg2[%dma_wait3A_55, %mul3A_53] : memref<32x1000000xf32, #tpu.memory_space<hbm>> -> memref<32x512xf32, #tpu.memory_space<hbm>>
        tpu.wait_dma2 semaphore(%arg10 : memref<!tpu.dma_semaphore, #tpu.memory_space<semaphore_mem>>) src(%dma_wait3A_56 : memref<32x512xf32, #tpu.memory_space<hbm>>) dst(%arg6 : memref<32x512xf32, #tpu.memory_space<vmem>>)
        %scan3A = arith.constant 0 : i32
        %scan3A_57 = arith.constant 0 : i32
        %scan3A_58 = arith.constant 32 : i32
        %scan3A_59 = arith.addi %scan3A_57, %scan3A_58 : i32
        %scan3A_60 = arith.constant 2 : i32
        %scan3A_61 = scf.for %scan3A_74 = %scan3A_57 to %scan3A_59 step %scan3A_60 iter_args(%scan3A_75 = %scan3A) -> (i32)  : i32 {
          %mul3A_76 = arith.constant 16 : i32
          %mul3A_77 = arith.muli %scan3A_74, %mul3A_76 : i32
          %add3A_78 = vector.broadcast %mul3A_77 : i32 to vector<16xi32>
          %add3A_79 = arith.addi %add3A_78, %iota3A : vector<16xi32>
          %mul3A_80 = arith.constant 32 : i32
          %mul3A_81 = vector.broadcast %mul3A_80 : i32 to vector<16xi32>
          %mul3A_82 = arith.muli %add3A_79, %mul3A_81 : vector<16xi32>
          %add3A_83 = arith.constant 0 : i32
          %add3A_84 = vector.broadcast %add3A_83 : i32 to vector<16xi32>
          %add3A_85 = arith.addi %iota3A, %add3A_84 : vector<16xi32>
          %and3A_86 = arith.constant 31 : i32
          %and3A_87 = vector.broadcast %and3A_86 : i32 to vector<16xi32>
          %and3A_88 = arith.andi %add3A_85, %and3A_87 : vector<16xi32>
          %gather3A = tpu.vector_load_idx %arg6[%and3A_88, %add3A_79] : memref<32x512xf32, #tpu.memory_space<vmem>>[vector<16xi32>, vector<16xi32>], vector<16xf32>,
          %add3A_89 = arith.addi %mul3A_82, %and3A_88 : vector<16xi32>
          tpu.vector_store_idx %arg8[%add3A_89], %gather3A : memref<16384xf32, #tpu.memory_space<vmem>>[vector<16xi32>], vector<16xf32>,
          %add3A_90 = arith.constant 1 : i32
          %add3A_91 = vector.broadcast %add3A_90 : i32 to vector<16xi32>
          %add3A_92 = arith.addi %iota3A, %add3A_91 : vector<16xi32>
          %and3A_93 = arith.constant 31 : i32
          %and3A_94 = vector.broadcast %and3A_93 : i32 to vector<16xi32>
          %and3A_95 = arith.andi %add3A_92, %and3A_94 : vector<16xi32>
          %gather3A_96 = tpu.vector_load_idx %arg6[%and3A_95, %add3A_79] : memref<32x512xf32, #tpu.memory_space<vmem>>[vector<16xi32>, vector<16xi32>], vector<16xf32>,
          %add3A_97 = arith.addi %mul3A_82, %and3A_95 : vector<16xi32>
          tpu.vector_store_idx %arg8[%add3A_97], %gather3A_96 : memref<16384xf32, #tpu.memory_space<vmem>>[vector<16xi32>], vector<16xf32>,
          %add3A_98 = arith.constant 2 : i32
          %add3A_99 = vector.broadcast %add3A_98 : i32 to vector<16xi32>
          %add3A_100 = arith.addi %iota3A, %add3A_99 : vector<16xi32>
          %and3A_101 = arith.constant 31 : i32
          %and3A_102 = vector.broadcast %and3A_101 : i32 to vector<16xi32>
          %and3A_103 = arith.andi %add3A_100, %and3A_102 : vector<16xi32>
          %gather3A_104 = tpu.vector_load_idx %arg6[%and3A_103, %add3A_79] : memref<32x512xf32, #tpu.memory_space<vmem>>[vector<16xi32>, vector<16xi32>], vector<16xf32>,
          %add3A_105 = arith.addi %mul3A_82, %and3A_103 : vector<16xi32>
          tpu.vector_store_idx %arg8[%add3A_105], %gather3A_104 : memref<16384xf32, #tpu.memory_space<vmem>>[vector<16xi32>], vector<16xf32>,
          %add3A_106 = arith.constant 3 : i32
          %add3A_107 = vector.broadcast %add3A_106 : i32 to vector<16xi32>
          %add3A_108 = arith.addi %iota3A, %add3A_107 : vector<16xi32>
          %and3A_109 = arith.constant 31 : i32
          %and3A_110 = vector.broadcast %and3A_109 : i32 to vector<16xi32>
          %and3A_111 = arith.andi %add3A_108, %and3A_110 : vector<16xi32>
          %gather3A_112 = tpu.vector_load_idx %arg6[%and3A_111, %add3A_79] : memref<32x512xf32, #tpu.memory_space<vmem>>[vector<16xi32>, vector<16xi32>], vector<16xf32>,
          %add3A_113 = arith.addi %mul3A_82, %and3A_111 : vector<16xi32>
          tpu.vector_store_idx %arg8[%add3A_113], %gather3A_112 : memref<16384xf32, #tpu.memory_space<vmem>>[vector<16xi32>], vector<16xf32>,
          %add3A_114 = arith.constant 4 : i32
          %add3A_115 = vector.broadcast %add3A_114 : i32 to vector<16xi32>
          %add3A_116 = arith.addi %iota3A, %add3A_115 : vector<16xi32>
          %and3A_117 = arith.constant 31 : i32
          %and3A_118 = vector.broadcast %and3A_117 : i32 to vector<16xi32>
          %and3A_119 = arith.andi %add3A_116, %and3A_118 : vector<16xi32>
          %gather3A_120 = tpu.vector_load_idx %arg6[%and3A_119, %add3A_79] : memref<32x512xf32, #tpu.memory_space<vmem>>[vector<16xi32>, vector<16xi32>], vector<16xf32>,
          %add3A_121 = arith.addi %mul3A_82, %and3A_119 : vector<16xi32>
          tpu.vector_store_idx %arg8[%add3A_121], %gather3A_120 : memref<16384xf32, #tpu.memory_space<vmem>>[vector<16xi32>], vector<16xf32>,
          %add3A_122 = arith.constant 5 : i32
          %add3A_123 = vector.broadcast %add3A_122 : i32 to vector<16xi32>
          %add3A_124 = arith.addi %iota3A, %add3A_123 : vector<16xi32>
          %and3A_125 = arith.constant 31 : i32
          %and3A_126 = vector.broadcast %and3A_125 : i32 to vector<16xi32>
          %and3A_127 = arith.andi %add3A_124, %and3A_126 : vector<16xi32>
          %gather3A_128 = tpu.vector_load_idx %arg6[%and3A_127, %add3A_79] : memref<32x512xf32, #tpu.memory_space<vmem>>[vector<16xi32>, vector<16xi32>], vector<16xf32>,
          %add3A_129 = arith.addi %mul3A_82, %and3A_127 : vector<16xi32>
          tpu.vector_store_idx %arg8[%add3A_129], %gather3A_128 : memref<16384xf32, #tpu.memory_space<vmem>>[vector<16xi32>], vector<16xf32>,
          %add3A_130 = arith.constant 6 : i32
          %add3A_131 = vector.broadcast %add3A_130 : i32 to vector<16xi32>
          %add3A_132 = arith.addi %iota3A, %add3A_131 : vector<16xi32>
          %and3A_133 = arith.constant 31 : i32
          %and3A_134 = vector.broadcast %and3A_133 : i32 to vector<16xi32>
          %and3A_135 = arith.andi %add3A_132, %and3A_134 : vector<16xi32>
          %gather3A_136 = tpu.vector_load_idx %arg6[%and3A_135, %add3A_79] : memref<32x512xf32, #tpu.memory_space<vmem>>[vector<16xi32>, vector<16xi32>], vector<16xf32>,
          %add3A_137 = arith.addi %mul3A_82, %and3A_135 : vector<16xi32>
          tpu.vector_store_idx %arg8[%add3A_137], %gather3A_136 : memref<16384xf32, #tpu.memory_space<vmem>>[vector<16xi32>], vector<16xf32>,
          %add3A_138 = arith.constant 7 : i32
          %add3A_139 = vector.broadcast %add3A_138 : i32 to vector<16xi32>
          %add3A_140 = arith.addi %iota3A, %add3A_139 : vector<16xi32>
          %and3A_141 = arith.constant 31 : i32
          %and3A_142 = vector.broadcast %and3A_141 : i32 to vector<16xi32>
          %and3A_143 = arith.andi %add3A_140, %and3A_142 : vector<16xi32>
          %gather3A_144 = tpu.vector_load_idx %arg6[%and3A_143, %add3A_79] : memref<32x512xf32, #tpu.memory_space<vmem>>[vector<16xi32>, vector<16xi32>], vector<16xf32>,
          %add3A_145 = arith.addi %mul3A_82, %and3A_143 : vector<16xi32>
          tpu.vector_store_idx %arg8[%add3A_145], %gather3A_144 : memref<16384xf32, #tpu.memory_space<vmem>>[vector<16xi32>], vector<16xf32>,
          %add3A_146 = arith.constant 8 : i32
          %add3A_147 = vector.broadcast %add3A_146 : i32 to vector<16xi32>
          %add3A_148 = arith.addi %iota3A, %add3A_147 : vector<16xi32>
          %and3A_149 = arith.constant 31 : i32
          %and3A_150 = vector.broadcast %and3A_149 : i32 to vector<16xi32>
          %and3A_151 = arith.andi %add3A_148, %and3A_150 : vector<16xi32>
          %gather3A_152 = tpu.vector_load_idx %arg6[%and3A_151, %add3A_79] : memref<32x512xf32, #tpu.memory_space<vmem>>[vector<16xi32>, vector<16xi32>], vector<16xf32>,
          %add3A_153 = arith.addi %mul3A_82, %and3A_151 : vector<16xi32>
          tpu.vector_store_idx %arg8[%add3A_153], %gather3A_152 : memref<16384xf32, #tpu.memory_space<vmem>>[vector<16xi32>], vector<16xf32>,
          %add3A_154 = arith.constant 9 : i32
          %add3A_155 = vector.broadcast %add3A_154 : i32 to vector<16xi32>
          %add3A_156 = arith.addi %iota3A, %add3A_155 : vector<16xi32>
          %and3A_157 = arith.constant 31 : i32
          %and3A_158 = vector.broadcast %and3A_157 : i32 to vector<16xi32>
          %and3A_159 = arith.andi %add3A_156, %and3A_158 : vector<16xi32>
          %gather3A_160 = tpu.vector_load_idx %arg6[%and3A_159, %add3A_79] : memref<32x512xf32, #tpu.memory_space<vmem>>[vector<16xi32>, vector<16xi32>], vector<16xf32>,
          %add3A_161 = arith.addi %mul3A_82, %and3A_159 : vector<16xi32>
          tpu.vector_store_idx %arg8[%add3A_161], %gather3A_160 : memref<16384xf32, #tpu.memory_space<vmem>>[vector<16xi32>], vector<16xf32>,
          %add3A_162 = arith.constant 10 : i32
          %add3A_163 = vector.broadcast %add3A_162 : i32 to vector<16xi32>
          %add3A_164 = arith.addi %iota3A, %add3A_163 : vector<16xi32>
          %and3A_165 = arith.constant 31 : i32
          %and3A_166 = vector.broadcast %and3A_165 : i32 to vector<16xi32>
          %and3A_167 = arith.andi %add3A_164, %and3A_166 : vector<16xi32>
          %gather3A_168 = tpu.vector_load_idx %arg6[%and3A_167, %add3A_79] : memref<32x512xf32, #tpu.memory_space<vmem>>[vector<16xi32>, vector<16xi32>], vector<16xf32>,
          %add3A_169 = arith.addi %mul3A_82, %and3A_167 : vector<16xi32>
          tpu.vector_store_idx %arg8[%add3A_169], %gather3A_168 : memref<16384xf32, #tpu.memory_space<vmem>>[vector<16xi32>], vector<16xf32>,
          %add3A_170 = arith.constant 11 : i32
          %add3A_171 = vector.broadcast %add3A_170 : i32 to vector<16xi32>
          %add3A_172 = arith.addi %iota3A, %add3A_171 : vector<16xi32>
          %and3A_173 = arith.constant 31 : i32
          %and3A_174 = vector.broadcast %and3A_173 : i32 to vector<16xi32>
          %and3A_175 = arith.andi %add3A_172, %and3A_174 : vector<16xi32>
          %gather3A_176 = tpu.vector_load_idx %arg6[%and3A_175, %add3A_79] : memref<32x512xf32, #tpu.memory_space<vmem>>[vector<16xi32>, vector<16xi32>], vector<16xf32>,
          %add3A_177 = arith.addi %mul3A_82, %and3A_175 : vector<16xi32>
          tpu.vector_store_idx %arg8[%add3A_177], %gather3A_176 : memref<16384xf32, #tpu.memory_space<vmem>>[vector<16xi32>], vector<16xf32>,
          %add3A_178 = arith.constant 12 : i32
          %add3A_179 = vector.broadcast %add3A_178 : i32 to vector<16xi32>
          %add3A_180 = arith.addi %iota3A, %add3A_179 : vector<16xi32>
          %and3A_181 = arith.constant 31 : i32
          %and3A_182 = vector.broadcast %and3A_181 : i32 to vector<16xi32>
          %and3A_183 = arith.andi %add3A_180, %and3A_182 : vector<16xi32>
          %gather3A_184 = tpu.vector_load_idx %arg6[%and3A_183, %add3A_79] : memref<32x512xf32, #tpu.memory_space<vmem>>[vector<16xi32>, vector<16xi32>], vector<16xf32>,
          %add3A_185 = arith.addi %mul3A_82, %and3A_183 : vector<16xi32>
          tpu.vector_store_idx %arg8[%add3A_185], %gather3A_184 : memref<16384xf32, #tpu.memory_space<vmem>>[vector<16xi32>], vector<16xf32>,
          %add3A_186 = arith.constant 13 : i32
          %add3A_187 = vector.broadcast %add3A_186 : i32 to vector<16xi32>
          %add3A_188 = arith.addi %iota3A, %add3A_187 : vector<16xi32>
          %and3A_189 = arith.constant 31 : i32
          %and3A_190 = vector.broadcast %and3A_189 : i32 to vector<16xi32>
          %and3A_191 = arith.andi %add3A_188, %and3A_190 : vector<16xi32>
          %gather3A_192 = tpu.vector_load_idx %arg6[%and3A_191, %add3A_79] : memref<32x512xf32, #tpu.memory_space<vmem>>[vector<16xi32>, vector<16xi32>], vector<16xf32>,
          %add3A_193 = arith.addi %mul3A_82, %and3A_191 : vector<16xi32>
          tpu.vector_store_idx %arg8[%add3A_193], %gather3A_192 : memref<16384xf32, #tpu.memory_space<vmem>>[vector<16xi32>], vector<16xf32>,
          %add3A_194 = arith.constant 14 : i32
          %add3A_195 = vector.broadcast %add3A_194 : i32 to vector<16xi32>
          %add3A_196 = arith.addi %iota3A, %add3A_195 : vector<16xi32>
          %and3A_197 = arith.constant 31 : i32
          %and3A_198 = vector.broadcast %and3A_197 : i32 to vector<16xi32>
          %and3A_199 = arith.andi %add3A_196, %and3A_198 : vector<16xi32>
          %gather3A_200 = tpu.vector_load_idx %arg6[%and3A_199, %add3A_79] : memref<32x512xf32, #tpu.memory_space<vmem>>[vector<16xi32>, vector<16xi32>], vector<16xf32>,
          %add3A_201 = arith.addi %mul3A_82, %and3A_199 : vector<16xi32>
          tpu.vector_store_idx %arg8[%add3A_201], %gather3A_200 : memref<16384xf32, #tpu.memory_space<vmem>>[vector<16xi32>], vector<16xf32>,
          %add3A_202 = arith.constant 15 : i32
          %add3A_203 = vector.broadcast %add3A_202 : i32 to vector<16xi32>
          %add3A_204 = arith.addi %iota3A, %add3A_203 : vector<16xi32>
          %and3A_205 = arith.constant 31 : i32
          %and3A_206 = vector.broadcast %and3A_205 : i32 to vector<16xi32>
          %and3A_207 = arith.andi %add3A_204, %and3A_206 : vector<16xi32>
          %gather3A_208 = tpu.vector_load_idx %arg6[%and3A_207, %add3A_79] : memref<32x512xf32, #tpu.memory_space<vmem>>[vector<16xi32>, vector<16xi32>], vector<16xf32>,
          %add3A_209 = arith.addi %mul3A_82, %and3A_207 : vector<16xi32>
          tpu.vector_store_idx %arg8[%add3A_209], %gather3A_208 : memref<16384xf32, #tpu.memory_space<vmem>>[vector<16xi32>], vector<16xf32>,
          %add3A_210 = arith.constant 16 : i32
          %add3A_211 = vector.broadcast %add3A_210 : i32 to vector<16xi32>
          %add3A_212 = arith.addi %iota3A, %add3A_211 : vector<16xi32>
          %and3A_213 = arith.constant 31 : i32
          %and3A_214 = vector.broadcast %and3A_213 : i32 to vector<16xi32>
          %and3A_215 = arith.andi %add3A_212, %and3A_214 : vector<16xi32>
          %gather3A_216 = tpu.vector_load_idx %arg6[%and3A_215, %add3A_79] : memref<32x512xf32, #tpu.memory_space<vmem>>[vector<16xi32>, vector<16xi32>], vector<16xf32>,
          %add3A_217 = arith.addi %mul3A_82, %and3A_215 : vector<16xi32>
          tpu.vector_store_idx %arg8[%add3A_217], %gather3A_216 : memref<16384xf32, #tpu.memory_space<vmem>>[vector<16xi32>], vector<16xf32>,
          %add3A_218 = arith.constant 17 : i32
          %add3A_219 = vector.broadcast %add3A_218 : i32 to vector<16xi32>
          %add3A_220 = arith.addi %iota3A, %add3A_219 : vector<16xi32>
          %and3A_221 = arith.constant 31 : i32
          %and3A_222 = vector.broadcast %and3A_221 : i32 to vector<16xi32>
          %and3A_223 = arith.andi %add3A_220, %and3A_222 : vector<16xi32>
          %gather3A_224 = tpu.vector_load_idx %arg6[%and3A_223, %add3A_79] : memref<32x512xf32, #tpu.memory_space<vmem>>[vector<16xi32>, vector<16xi32>], vector<16xf32>,
          %add3A_225 = arith.addi %mul3A_82, %and3A_223 : vector<16xi32>
          tpu.vector_store_idx %arg8[%add3A_225], %gather3A_224 : memref<16384xf32, #tpu.memory_space<vmem>>[vector<16xi32>], vector<16xf32>,
          %add3A_226 = arith.constant 18 : i32
          %add3A_227 = vector.broadcast %add3A_226 : i32 to vector<16xi32>
          %add3A_228 = arith.addi %iota3A, %add3A_227 : vector<16xi32>
          %and3A_229 = arith.constant 31 : i32
          %and3A_230 = vector.broadcast %and3A_229 : i32 to vector<16xi32>
          %and3A_231 = arith.andi %add3A_228, %and3A_230 : vector<16xi32>
          %gather3A_232 = tpu.vector_load_idx %arg6[%and3A_231, %add3A_79] : memref<32x512xf32, #tpu.memory_space<vmem>>[vector<16xi32>, vector<16xi32>], vector<16xf32>,
          %add3A_233 = arith.addi %mul3A_82, %and3A_231 : vector<16xi32>
          tpu.vector_store_idx %arg8[%add3A_233], %gather3A_232 : memref<16384xf32, #tpu.memory_space<vmem>>[vector<16xi32>], vector<16xf32>,
          %add3A_234 = arith.constant 19 : i32
          %add3A_235 = vector.broadcast %add3A_234 : i32 to vector<16xi32>
          %add3A_236 = arith.addi %iota3A, %add3A_235 : vector<16xi32>
          %and3A_237 = arith.constant 31 : i32
          %and3A_238 = vector.broadcast %and3A_237 : i32 to vector<16xi32>
          %and3A_239 = arith.andi %add3A_236, %and3A_238 : vector<16xi32>
          %gather3A_240 = tpu.vector_load_idx %arg6[%and3A_239, %add3A_79] : memref<32x512xf32, #tpu.memory_space<vmem>>[vector<16xi32>, vector<16xi32>], vector<16xf32>,
          %add3A_241 = arith.addi %mul3A_82, %and3A_239 : vector<16xi32>
          tpu.vector_store_idx %arg8[%add3A_241], %gather3A_240 : memref<16384xf32, #tpu.memory_space<vmem>>[vector<16xi32>], vector<16xf32>,
          %add3A_242 = arith.constant 20 : i32
          %add3A_243 = vector.broadcast %add3A_242 : i32 to vector<16xi32>
          %add3A_244 = arith.addi %iota3A, %add3A_243 : vector<16xi32>
          %and3A_245 = arith.constant 31 : i32
          %and3A_246 = vector.broadcast %and3A_245 : i32 to vector<16xi32>
          %and3A_247 = arith.andi %add3A_244, %and3A_246 : vector<16xi32>
          %gather3A_248 = tpu.vector_load_idx %arg6[%and3A_247, %add3A_79] : memref<32x512xf32, #tpu.memory_space<vmem>>[vector<16xi32>, vector<16xi32>], vector<16xf32>,
          %add3A_249 = arith.addi %mul3A_82, %and3A_247 : vector<16xi32>
          tpu.vector_store_idx %arg8[%add3A_249], %gather3A_248 : memref<16384xf32, #tpu.memory_space<vmem>>[vector<16xi32>], vector<16xf32>,
          %add3A_250 = arith.constant 21 : i32
          %add3A_251 = vector.broadcast %add3A_250 : i32 to vector<16xi32>
          %add3A_252 = arith.addi %iota3A, %add3A_251 : vector<16xi32>
          %and3A_253 = arith.constant 31 : i32
          %and3A_254 = vector.broadcast %and3A_253 : i32 to vector<16xi32>
          %and3A_255 = arith.andi %add3A_252, %and3A_254 : vector<16xi32>
          %gather3A_256 = tpu.vector_load_idx %arg6[%and3A_255, %add3A_79] : memref<32x512xf32, #tpu.memory_space<vmem>>[vector<16xi32>, vector<16xi32>], vector<16xf32>,
          %add3A_257 = arith.addi %mul3A_82, %and3A_255 : vector<16xi32>
          tpu.vector_store_idx %arg8[%add3A_257], %gather3A_256 : memref<16384xf32, #tpu.memory_space<vmem>>[vector<16xi32>], vector<16xf32>,
          %add3A_258 = arith.constant 22 : i32
          %add3A_259 = vector.broadcast %add3A_258 : i32 to vector<16xi32>
          %add3A_260 = arith.addi %iota3A, %add3A_259 : vector<16xi32>
          %and3A_261 = arith.constant 31 : i32
          %and3A_262 = vector.broadcast %and3A_261 : i32 to vector<16xi32>
          %and3A_263 = arith.andi %add3A_260, %and3A_262 : vector<16xi32>
          %gather3A_264 = tpu.vector_load_idx %arg6[%and3A_263, %add3A_79] : memref<32x512xf32, #tpu.memory_space<vmem>>[vector<16xi32>, vector<16xi32>], vector<16xf32>,
          %add3A_265 = arith.addi %mul3A_82, %and3A_263 : vector<16xi32>
          tpu.vector_store_idx %arg8[%add3A_265], %gather3A_264 : memref<16384xf32, #tpu.memory_space<vmem>>[vector<16xi32>], vector<16xf32>,
          %add3A_266 = arith.constant 23 : i32
          %add3A_267 = vector.broadcast %add3A_266 : i32 to vector<16xi32>
          %add3A_268 = arith.addi %iota3A, %add3A_267 : vector<16xi32>
          %and3A_269 = arith.constant 31 : i32
          %and3A_270 = vector.broadcast %and3A_269 : i32 to vector<16xi32>
          %and3A_271 = arith.andi %add3A_268, %and3A_270 : vector<16xi32>
          %gather3A_272 = tpu.vector_load_idx %arg6[%and3A_271, %add3A_79] : memref<32x512xf32, #tpu.memory_space<vmem>>[vector<16xi32>, vector<16xi32>], vector<16xf32>,
          %add3A_273 = arith.addi %mul3A_82, %and3A_271 : vector<16xi32>
          tpu.vector_store_idx %arg8[%add3A_273], %gather3A_272 : memref<16384xf32, #tpu.memory_space<vmem>>[vector<16xi32>], vector<16xf32>,
          %add3A_274 = arith.constant 24 : i32
          %add3A_275 = vector.broadcast %add3A_274 : i32 to vector<16xi32>
          %add3A_276 = arith.addi %iota3A, %add3A_275 : vector<16xi32>
          %and3A_277 = arith.constant 31 : i32
          %and3A_278 = vector.broadcast %and3A_277 : i32 to vector<16xi32>
          %and3A_279 = arith.andi %add3A_276, %and3A_278 : vector<16xi32>
          %gather3A_280 = tpu.vector_load_idx %arg6[%and3A_279, %add3A_79] : memref<32x512xf32, #tpu.memory_space<vmem>>[vector<16xi32>, vector<16xi32>], vector<16xf32>,
          %add3A_281 = arith.addi %mul3A_82, %and3A_279 : vector<16xi32>
          tpu.vector_store_idx %arg8[%add3A_281], %gather3A_280 : memref<16384xf32, #tpu.memory_space<vmem>>[vector<16xi32>], vector<16xf32>,
          %add3A_282 = arith.constant 25 : i32
          %add3A_283 = vector.broadcast %add3A_282 : i32 to vector<16xi32>
          %add3A_284 = arith.addi %iota3A, %add3A_283 : vector<16xi32>
          %and3A_285 = arith.constant 31 : i32
          %and3A_286 = vector.broadcast %and3A_285 : i32 to vector<16xi32>
          %and3A_287 = arith.andi %add3A_284, %and3A_286 : vector<16xi32>
          %gather3A_288 = tpu.vector_load_idx %arg6[%and3A_287, %add3A_79] : memref<32x512xf32, #tpu.memory_space<vmem>>[vector<16xi32>, vector<16xi32>], vector<16xf32>,
          %add3A_289 = arith.addi %mul3A_82, %and3A_287 : vector<16xi32>
          tpu.vector_store_idx %arg8[%add3A_289], %gather3A_288 : memref<16384xf32, #tpu.memory_space<vmem>>[vector<16xi32>], vector<16xf32>,
          %add3A_290 = arith.constant 26 : i32
          %add3A_291 = vector.broadcast %add3A_290 : i32 to vector<16xi32>
          %add3A_292 = arith.addi %iota3A, %add3A_291 : vector<16xi32>
          %and3A_293 = arith.constant 31 : i32
          %and3A_294 = vector.broadcast %and3A_293 : i32 to vector<16xi32>
          %and3A_295 = arith.andi %add3A_292, %and3A_294 : vector<16xi32>
          %gather3A_296 = tpu.vector_load_idx %arg6[%and3A_295, %add3A_79] : memref<32x512xf32, #tpu.memory_space<vmem>>[vector<16xi32>, vector<16xi32>], vector<16xf32>,
          %add3A_297 = arith.addi %mul3A_82, %and3A_295 : vector<16xi32>
          tpu.vector_store_idx %arg8[%add3A_297], %gather3A_296 : memref<16384xf32, #tpu.memory_space<vmem>>[vector<16xi32>], vector<16xf32>,
          %add3A_298 = arith.constant 27 : i32
          %add3A_299 = vector.broadcast %add3A_298 : i32 to vector<16xi32>
          %add3A_300 = arith.addi %iota3A, %add3A_299 : vector<16xi32>
          %and3A_301 = arith.constant 31 : i32
          %and3A_302 = vector.broadcast %and3A_301 : i32 to vector<16xi32>
          %and3A_303 = arith.andi %add3A_300, %and3A_302 : vector<16xi32>
          %gather3A_304 = tpu.vector_load_idx %arg6[%and3A_303, %add3A_79] : memref<32x512xf32, #tpu.memory_space<vmem>>[vector<16xi32>, vector<16xi32>], vector<16xf32>,
          %add3A_305 = arith.addi %mul3A_82, %and3A_303 : vector<16xi32>
          tpu.vector_store_idx %arg8[%add3A_305], %gather3A_304 : memref<16384xf32, #tpu.memory_space<vmem>>[vector<16xi32>], vector<16xf32>,
          %add3A_306 = arith.constant 28 : i32
          %add3A_307 = vector.broadcast %add3A_306 : i32 to vector<16xi32>
          %add3A_308 = arith.addi %iota3A, %add3A_307 : vector<16xi32>
          %and3A_309 = arith.constant 31 : i32
          %and3A_310 = vector.broadcast %and3A_309 : i32 to vector<16xi32>
          %and3A_311 = arith.andi %add3A_308, %and3A_310 : vector<16xi32>
          %gather3A_312 = tpu.vector_load_idx %arg6[%and3A_311, %add3A_79] : memref<32x512xf32, #tpu.memory_space<vmem>>[vector<16xi32>, vector<16xi32>], vector<16xf32>,
          %add3A_313 = arith.addi %mul3A_82, %and3A_311 : vector<16xi32>
          tpu.vector_store_idx %arg8[%add3A_313], %gather3A_312 : memref<16384xf32, #tpu.memory_space<vmem>>[vector<16xi32>], vector<16xf32>,
          %add3A_314 = arith.constant 29 : i32
          %add3A_315 = vector.broadcast %add3A_314 : i32 to vector<16xi32>
          %add3A_316 = arith.addi %iota3A, %add3A_315 : vector<16xi32>
          %and3A_317 = arith.constant 31 : i32
          %and3A_318 = vector.broadcast %and3A_317 : i32 to vector<16xi32>
          %and3A_319 = arith.andi %add3A_316, %and3A_318 : vector<16xi32>
          %gather3A_320 = tpu.vector_load_idx %arg6[%and3A_319, %add3A_79] : memref<32x512xf32, #tpu.memory_space<vmem>>[vector<16xi32>, vector<16xi32>], vector<16xf32>,
          %add3A_321 = arith.addi %mul3A_82, %and3A_319 : vector<16xi32>
          tpu.vector_store_idx %arg8[%add3A_321], %gather3A_320 : memref<16384xf32, #tpu.memory_space<vmem>>[vector<16xi32>], vector<16xf32>,
          %add3A_322 = arith.constant 30 : i32
          %add3A_323 = vector.broadcast %add3A_322 : i32 to vector<16xi32>
          %add3A_324 = arith.addi %iota3A, %add3A_323 : vector<16xi32>
          %and3A_325 = arith.constant 31 : i32
          %and3A_326 = vector.broadcast %and3A_325 : i32 to vector<16xi32>
          %and3A_327 = arith.andi %add3A_324, %and3A_326 : vector<16xi32>
          %gather3A_328 = tpu.vector_load_idx %arg6[%and3A_327, %add3A_79] : memref<32x512xf32, #tpu.memory_space<vmem>>[vector<16xi32>, vector<16xi32>], vector<16xf32>,
          %add3A_329 = arith.addi %mul3A_82, %and3A_327 : vector<16xi32>
          tpu.vector_store_idx %arg8[%add3A_329], %gather3A_328 : memref<16384xf32, #tpu.memory_space<vmem>>[vector<16xi32>], vector<16xf32>,
          %add3A_330 = arith.constant 31 : i32
          %add3A_331 = vector.broadcast %add3A_330 : i32 to vector<16xi32>
          %add3A_332 = arith.addi %iota3A, %add3A_331 : vector<16xi32>
          %and3A_333 = arith.constant 31 : i32
          %and3A_334 = vector.broadcast %and3A_333 : i32 to vector<16xi32>
          %and3A_335 = arith.andi %add3A_332, %and3A_334 : vector<16xi32>
          %gather3A_336 = tpu.vector_load_idx %arg6[%and3A_335, %add3A_79] : memref<32x512xf32, #tpu.memory_space<vmem>>[vector<16xi32>, vector<16xi32>], vector<16xf32>,
          %add3A_337 = arith.addi %mul3A_82, %and3A_335 : vector<16xi32>
          tpu.vector_store_idx %arg8[%add3A_337], %gather3A_336 : memref<16384xf32, #tpu.memory_space<vmem>>[vector<16xi32>], vector<16xf32>,
          %scan3A_338 = arith.constant 0 : i32
          %scan3A_339 = arith.constant 1 : i32
          %scan3A_340 = arith.addi %scan3A_74, %scan3A_339 : i32
          %mul3A_341 = arith.constant 16 : i32
          %mul3A_342 = arith.muli %scan3A_340, %mul3A_341 : i32
          %add3A_343 = vector.broadcast %mul3A_342 : i32 to vector<16xi32>
          %add3A_344 = arith.addi %add3A_343, %iota3A : vector<16xi32>
          %mul3A_345 = arith.constant 32 : i32
          %mul3A_346 = vector.broadcast %mul3A_345 : i32 to vector<16xi32>
          %mul3A_347 = arith.muli %add3A_344, %mul3A_346 : vector<16xi32>
          %add3A_348 = arith.constant 0 : i32
          %add3A_349 = vector.broadcast %add3A_348 : i32 to vector<16xi32>
          %add3A_350 = arith.addi %iota3A, %add3A_349 : vector<16xi32>
          %and3A_351 = arith.constant 31 : i32
          %and3A_352 = vector.broadcast %and3A_351 : i32 to vector<16xi32>
          %and3A_353 = arith.andi %add3A_350, %and3A_352 : vector<16xi32>
          %gather3A_354 = tpu.vector_load_idx %arg6[%and3A_353, %add3A_344] : memref<32x512xf32, #tpu.memory_space<vmem>>[vector<16xi32>, vector<16xi32>], vector<16xf32>,
          %add3A_355 = arith.addi %mul3A_347, %and3A_353 : vector<16xi32>
          tpu.vector_store_idx %arg8[%add3A_355], %gather3A_354 : memref<16384xf32, #tpu.memory_space<vmem>>[vector<16xi32>], vector<16xf32>,
          %add3A_356 = arith.constant 1 : i32
          %add3A_357 = vector.broadcast %add3A_356 : i32 to vector<16xi32>
          %add3A_358 = arith.addi %iota3A, %add3A_357 : vector<16xi32>
          %and3A_359 = arith.constant 31 : i32
          %and3A_360 = vector.broadcast %and3A_359 : i32 to vector<16xi32>
          %and3A_361 = arith.andi %add3A_358, %and3A_360 : vector<16xi32>
          %gather3A_362 = tpu.vector_load_idx %arg6[%and3A_361, %add3A_344] : memref<32x512xf32, #tpu.memory_space<vmem>>[vector<16xi32>, vector<16xi32>], vector<16xf32>,
          %add3A_363 = arith.addi %mul3A_347, %and3A_361 : vector<16xi32>
          tpu.vector_store_idx %arg8[%add3A_363], %gather3A_362 : memref<16384xf32, #tpu.memory_space<vmem>>[vector<16xi32>], vector<16xf32>,
          %add3A_364 = arith.constant 2 : i32
          %add3A_365 = vector.broadcast %add3A_364 : i32 to vector<16xi32>
          %add3A_366 = arith.addi %iota3A, %add3A_365 : vector<16xi32>
          %and3A_367 = arith.constant 31 : i32
          %and3A_368 = vector.broadcast %and3A_367 : i32 to vector<16xi32>
          %and3A_369 = arith.andi %add3A_366, %and3A_368 : vector<16xi32>
          %gather3A_370 = tpu.vector_load_idx %arg6[%and3A_369, %add3A_344] : memref<32x512xf32, #tpu.memory_space<vmem>>[vector<16xi32>, vector<16xi32>], vector<16xf32>,
          %add3A_371 = arith.addi %mul3A_347, %and3A_369 : vector<16xi32>
          tpu.vector_store_idx %arg8[%add3A_371], %gather3A_370 : memref<16384xf32, #tpu.memory_space<vmem>>[vector<16xi32>], vector<16xf32>,
          %add3A_372 = arith.constant 3 : i32
          %add3A_373 = vector.broadcast %add3A_372 : i32 to vector<16xi32>
          %add3A_374 = arith.addi %iota3A, %add3A_373 : vector<16xi32>
          %and3A_375 = arith.constant 31 : i32
          %and3A_376 = vector.broadcast %and3A_375 : i32 to vector<16xi32>
          %and3A_377 = arith.andi %add3A_374, %and3A_376 : vector<16xi32>
          %gather3A_378 = tpu.vector_load_idx %arg6[%and3A_377, %add3A_344] : memref<32x512xf32, #tpu.memory_space<vmem>>[vector<16xi32>, vector<16xi32>], vector<16xf32>,
          %add3A_379 = arith.addi %mul3A_347, %and3A_377 : vector<16xi32>
          tpu.vector_store_idx %arg8[%add3A_379], %gather3A_378 : memref<16384xf32, #tpu.memory_space<vmem>>[vector<16xi32>], vector<16xf32>,
          %add3A_380 = arith.constant 4 : i32
          %add3A_381 = vector.broadcast %add3A_380 : i32 to vector<16xi32>
          %add3A_382 = arith.addi %iota3A, %add3A_381 : vector<16xi32>
          %and3A_383 = arith.constant 31 : i32
          %and3A_384 = vector.broadcast %and3A_383 : i32 to vector<16xi32>
          %and3A_385 = arith.andi %add3A_382, %and3A_384 : vector<16xi32>
          %gather3A_386 = tpu.vector_load_idx %arg6[%and3A_385, %add3A_344] : memref<32x512xf32, #tpu.memory_space<vmem>>[vector<16xi32>, vector<16xi32>], vector<16xf32>,
          %add3A_387 = arith.addi %mul3A_347, %and3A_385 : vector<16xi32>
          tpu.vector_store_idx %arg8[%add3A_387], %gather3A_386 : memref<16384xf32, #tpu.memory_space<vmem>>[vector<16xi32>], vector<16xf32>,
          %add3A_388 = arith.constant 5 : i32
          %add3A_389 = vector.broadcast %add3A_388 : i32 to vector<16xi32>
          %add3A_390 = arith.addi %iota3A, %add3A_389 : vector<16xi32>
          %and3A_391 = arith.constant 31 : i32
          %and3A_392 = vector.broadcast %and3A_391 : i32 to vector<16xi32>
          %and3A_393 = arith.andi %add3A_390, %and3A_392 : vector<16xi32>
          %gather3A_394 = tpu.vector_load_idx %arg6[%and3A_393, %add3A_344] : memref<32x512xf32, #tpu.memory_space<vmem>>[vector<16xi32>, vector<16xi32>], vector<16xf32>,
          %add3A_395 = arith.addi %mul3A_347, %and3A_393 : vector<16xi32>
          tpu.vector_store_idx %arg8[%add3A_395], %gather3A_394 : memref<16384xf32, #tpu.memory_space<vmem>>[vector<16xi32>], vector<16xf32>,
          %add3A_396 = arith.constant 6 : i32
          %add3A_397 = vector.broadcast %add3A_396 : i32 to vector<16xi32>
          %add3A_398 = arith.addi %iota3A, %add3A_397 : vector<16xi32>
          %and3A_399 = arith.constant 31 : i32
          %and3A_400 = vector.broadcast %and3A_399 : i32 to vector<16xi32>
          %and3A_401 = arith.andi %add3A_398, %and3A_400 : vector<16xi32>
          %gather3A_402 = tpu.vector_load_idx %arg6[%and3A_401, %add3A_344] : memref<32x512xf32, #tpu.memory_space<vmem>>[vector<16xi32>, vector<16xi32>], vector<16xf32>,
          %add3A_403 = arith.addi %mul3A_347, %and3A_401 : vector<16xi32>
          tpu.vector_store_idx %arg8[%add3A_403], %gather3A_402 : memref<16384xf32, #tpu.memory_space<vmem>>[vector<16xi32>], vector<16xf32>,
          %add3A_404 = arith.constant 7 : i32
          %add3A_405 = vector.broadcast %add3A_404 : i32 to vector<16xi32>
          %add3A_406 = arith.addi %iota3A, %add3A_405 : vector<16xi32>
          %and3A_407 = arith.constant 31 : i32
          %and3A_408 = vector.broadcast %and3A_407 : i32 to vector<16xi32>
          %and3A_409 = arith.andi %add3A_406, %and3A_408 : vector<16xi32>
          %gather3A_410 = tpu.vector_load_idx %arg6[%and3A_409, %add3A_344] : memref<32x512xf32, #tpu.memory_space<vmem>>[vector<16xi32>, vector<16xi32>], vector<16xf32>,
          %add3A_411 = arith.addi %mul3A_347, %and3A_409 : vector<16xi32>
          tpu.vector_store_idx %arg8[%add3A_411], %gather3A_410 : memref<16384xf32, #tpu.memory_space<vmem>>[vector<16xi32>], vector<16xf32>,
          %add3A_412 = arith.constant 8 : i32
          %add3A_413 = vector.broadcast %add3A_412 : i32 to vector<16xi32>
          %add3A_414 = arith.addi %iota3A, %add3A_413 : vector<16xi32>
          %and3A_415 = arith.constant 31 : i32
          %and3A_416 = vector.broadcast %and3A_415 : i32 to vector<16xi32>
          %and3A_417 = arith.andi %add3A_414, %and3A_416 : vector<16xi32>
          %gather3A_418 = tpu.vector_load_idx %arg6[%and3A_417, %add3A_344] : memref<32x512xf32, #tpu.memory_space<vmem>>[vector<16xi32>, vector<16xi32>], vector<16xf32>,
          %add3A_419 = arith.addi %mul3A_347, %and3A_417 : vector<16xi32>
          tpu.vector_store_idx %arg8[%add3A_419], %gather3A_418 : memref<16384xf32, #tpu.memory_space<vmem>>[vector<16xi32>], vector<16xf32>,
          %add3A_420 = arith.constant 9 : i32
          %add3A_421 = vector.broadcast %add3A_420 : i32 to vector<16xi32>
          %add3A_422 = arith.addi %iota3A, %add3A_421 : vector<16xi32>
          %and3A_423 = arith.constant 31 : i32
          %and3A_424 = vector.broadcast %and3A_423 : i32 to vector<16xi32>
          %and3A_425 = arith.andi %add3A_422, %and3A_424 : vector<16xi32>
          %gather3A_426 = tpu.vector_load_idx %arg6[%and3A_425, %add3A_344] : memref<32x512xf32, #tpu.memory_space<vmem>>[vector<16xi32>, vector<16xi32>], vector<16xf32>,
          %add3A_427 = arith.addi %mul3A_347, %and3A_425 : vector<16xi32>
          tpu.vector_store_idx %arg8[%add3A_427], %gather3A_426 : memref<16384xf32, #tpu.memory_space<vmem>>[vector<16xi32>], vector<16xf32>,
          %add3A_428 = arith.constant 10 : i32
          %add3A_429 = vector.broadcast %add3A_428 : i32 to vector<16xi32>
          %add3A_430 = arith.addi %iota3A, %add3A_429 : vector<16xi32>
          %and3A_431 = arith.constant 31 : i32
          %and3A_432 = vector.broadcast %and3A_431 : i32 to vector<16xi32>
          %and3A_433 = arith.andi %add3A_430, %and3A_432 : vector<16xi32>
          %gather3A_434 = tpu.vector_load_idx %arg6[%and3A_433, %add3A_344] : memref<32x512xf32, #tpu.memory_space<vmem>>[vector<16xi32>, vector<16xi32>], vector<16xf32>,
          %add3A_435 = arith.addi %mul3A_347, %and3A_433 : vector<16xi32>
          tpu.vector_store_idx %arg8[%add3A_435], %gather3A_434 : memref<16384xf32, #tpu.memory_space<vmem>>[vector<16xi32>], vector<16xf32>,
          %add3A_436 = arith.constant 11 : i32
          %add3A_437 = vector.broadcast %add3A_436 : i32 to vector<16xi32>
          %add3A_438 = arith.addi %iota3A, %add3A_437 : vector<16xi32>
          %and3A_439 = arith.constant 31 : i32
          %and3A_440 = vector.broadcast %and3A_439 : i32 to vector<16xi32>
          %and3A_441 = arith.andi %add3A_438, %and3A_440 : vector<16xi32>
          %gather3A_442 = tpu.vector_load_idx %arg6[%and3A_441, %add3A_344] : memref<32x512xf32, #tpu.memory_space<vmem>>[vector<16xi32>, vector<16xi32>], vector<16xf32>,
          %add3A_443 = arith.addi %mul3A_347, %and3A_441 : vector<16xi32>
          tpu.vector_store_idx %arg8[%add3A_443], %gather3A_442 : memref<16384xf32, #tpu.memory_space<vmem>>[vector<16xi32>], vector<16xf32>,
          %add3A_444 = arith.constant 12 : i32
          %add3A_445 = vector.broadcast %add3A_444 : i32 to vector<16xi32>
          %add3A_446 = arith.addi %iota3A, %add3A_445 : vector<16xi32>
          %and3A_447 = arith.constant 31 : i32
          %and3A_448 = vector.broadcast %and3A_447 : i32 to vector<16xi32>
          %and3A_449 = arith.andi %add3A_446, %and3A_448 : vector<16xi32>
          %gather3A_450 = tpu.vector_load_idx %arg6[%and3A_449, %add3A_344] : memref<32x512xf32, #tpu.memory_space<vmem>>[vector<16xi32>, vector<16xi32>], vector<16xf32>,
          %add3A_451 = arith.addi %mul3A_347, %and3A_449 : vector<16xi32>
          tpu.vector_store_idx %arg8[%add3A_451], %gather3A_450 : memref<16384xf32, #tpu.memory_space<vmem>>[vector<16xi32>], vector<16xf32>,
          %add3A_452 = arith.constant 13 : i32
          %add3A_453 = vector.broadcast %add3A_452 : i32 to vector<16xi32>
          %add3A_454 = arith.addi %iota3A, %add3A_453 : vector<16xi32>
          %and3A_455 = arith.constant 31 : i32
          %and3A_456 = vector.broadcast %and3A_455 : i32 to vector<16xi32>
          %and3A_457 = arith.andi %add3A_454, %and3A_456 : vector<16xi32>
          %gather3A_458 = tpu.vector_load_idx %arg6[%and3A_457, %add3A_344] : memref<32x512xf32, #tpu.memory_space<vmem>>[vector<16xi32>, vector<16xi32>], vector<16xf32>,
          %add3A_459 = arith.addi %mul3A_347, %and3A_457 : vector<16xi32>
          tpu.vector_store_idx %arg8[%add3A_459], %gather3A_458 : memref<16384xf32, #tpu.memory_space<vmem>>[vector<16xi32>], vector<16xf32>,
          %add3A_460 = arith.constant 14 : i32
          %add3A_461 = vector.broadcast %add3A_460 : i32 to vector<16xi32>
          %add3A_462 = arith.addi %iota3A, %add3A_461 : vector<16xi32>
          %and3A_463 = arith.constant 31 : i32
          %and3A_464 = vector.broadcast %and3A_463 : i32 to vector<16xi32>
          %and3A_465 = arith.andi %add3A_462, %and3A_464 : vector<16xi32>
          %gather3A_466 = tpu.vector_load_idx %arg6[%and3A_465, %add3A_344] : memref<32x512xf32, #tpu.memory_space<vmem>>[vector<16xi32>, vector<16xi32>], vector<16xf32>,
          %add3A_467 = arith.addi %mul3A_347, %and3A_465 : vector<16xi32>
          tpu.vector_store_idx %arg8[%add3A_467], %gather3A_466 : memref<16384xf32, #tpu.memory_space<vmem>>[vector<16xi32>], vector<16xf32>,
          %add3A_468 = arith.constant 15 : i32
          %add3A_469 = vector.broadcast %add3A_468 : i32 to vector<16xi32>
          %add3A_470 = arith.addi %iota3A, %add3A_469 : vector<16xi32>
          %and3A_471 = arith.constant 31 : i32
          %and3A_472 = vector.broadcast %and3A_471 : i32 to vector<16xi32>
          %and3A_473 = arith.andi %add3A_470, %and3A_472 : vector<16xi32>
          %gather3A_474 = tpu.vector_load_idx %arg6[%and3A_473, %add3A_344] : memref<32x512xf32, #tpu.memory_space<vmem>>[vector<16xi32>, vector<16xi32>], vector<16xf32>,
          %add3A_475 = arith.addi %mul3A_347, %and3A_473 : vector<16xi32>
          tpu.vector_store_idx %arg8[%add3A_475], %gather3A_474 : memref<16384xf32, #tpu.memory_space<vmem>>[vector<16xi32>], vector<16xf32>,
          %add3A_476 = arith.constant 16 : i32
          %add3A_477 = vector.broadcast %add3A_476 : i32 to vector<16xi32>
          %add3A_478 = arith.addi %iota3A, %add3A_477 : vector<16xi32>
          %and3A_479 = arith.constant 31 : i32
          %and3A_480 = vector.broadcast %and3A_479 : i32 to vector<16xi32>
          %and3A_481 = arith.andi %add3A_478, %and3A_480 : vector<16xi32>
          %gather3A_482 = tpu.vector_load_idx %arg6[%and3A_481, %add3A_344] : memref<32x512xf32, #tpu.memory_space<vmem>>[vector<16xi32>, vector<16xi32>], vector<16xf32>,
          %add3A_483 = arith.addi %mul3A_347, %and3A_481 : vector<16xi32>
          tpu.vector_store_idx %arg8[%add3A_483], %gather3A_482 : memref<16384xf32, #tpu.memory_space<vmem>>[vector<16xi32>], vector<16xf32>,
          %add3A_484 = arith.constant 17 : i32
          %add3A_485 = vector.broadcast %add3A_484 : i32 to vector<16xi32>
          %add3A_486 = arith.addi %iota3A, %add3A_485 : vector<16xi32>
          %and3A_487 = arith.constant 31 : i32
          %and3A_488 = vector.broadcast %and3A_487 : i32 to vector<16xi32>
          %and3A_489 = arith.andi %add3A_486, %and3A_488 : vector<16xi32>
          %gather3A_490 = tpu.vector_load_idx %arg6[%and3A_489, %add3A_344] : memref<32x512xf32, #tpu.memory_space<vmem>>[vector<16xi32>, vector<16xi32>], vector<16xf32>,
          %add3A_491 = arith.addi %mul3A_347, %and3A_489 : vector<16xi32>
          tpu.vector_store_idx %arg8[%add3A_491], %gather3A_490 : memref<16384xf32, #tpu.memory_space<vmem>>[vector<16xi32>], vector<16xf32>,
          %add3A_492 = arith.constant 18 : i32
          %add3A_493 = vector.broadcast %add3A_492 : i32 to vector<16xi32>
          %add3A_494 = arith.addi %iota3A, %add3A_493 : vector<16xi32>
          %and3A_495 = arith.constant 31 : i32
          %and3A_496 = vector.broadcast %and3A_495 : i32 to vector<16xi32>
          %and3A_497 = arith.andi %add3A_494, %and3A_496 : vector<16xi32>
          %gather3A_498 = tpu.vector_load_idx %arg6[%and3A_497, %add3A_344] : memref<32x512xf32, #tpu.memory_space<vmem>>[vector<16xi32>, vector<16xi32>], vector<16xf32>,
          %add3A_499 = arith.addi %mul3A_347, %and3A_497 : vector<16xi32>
          tpu.vector_store_idx %arg8[%add3A_499], %gather3A_498 : memref<16384xf32, #tpu.memory_space<vmem>>[vector<16xi32>], vector<16xf32>,
          %add3A_500 = arith.constant 19 : i32
          %add3A_501 = vector.broadcast %add3A_500 : i32 to vector<16xi32>
          %add3A_502 = arith.addi %iota3A, %add3A_501 : vector<16xi32>
          %and3A_503 = arith.constant 31 : i32
          %and3A_504 = vector.broadcast %and3A_503 : i32 to vector<16xi32>
          %and3A_505 = arith.andi %add3A_502, %and3A_504 : vector<16xi32>
          %gather3A_506 = tpu.vector_load_idx %arg6[%and3A_505, %add3A_344] : memref<32x512xf32, #tpu.memory_space<vmem>>[vector<16xi32>, vector<16xi32>], vector<16xf32>,
          %add3A_507 = arith.addi %mul3A_347, %and3A_505 : vector<16xi32>
          tpu.vector_store_idx %arg8[%add3A_507], %gather3A_506 : memref<16384xf32, #tpu.memory_space<vmem>>[vector<16xi32>], vector<16xf32>,
          %add3A_508 = arith.constant 20 : i32
          %add3A_509 = vector.broadcast %add3A_508 : i32 to vector<16xi32>
          %add3A_510 = arith.addi %iota3A, %add3A_509 : vector<16xi32>
          %and3A_511 = arith.constant 31 : i32
          %and3A_512 = vector.broadcast %and3A_511 : i32 to vector<16xi32>
          %and3A_513 = arith.andi %add3A_510, %and3A_512 : vector<16xi32>
          %gather3A_514 = tpu.vector_load_idx %arg6[%and3A_513, %add3A_344] : memref<32x512xf32, #tpu.memory_space<vmem>>[vector<16xi32>, vector<16xi32>], vector<16xf32>,
          %add3A_515 = arith.addi %mul3A_347, %and3A_513 : vector<16xi32>
          tpu.vector_store_idx %arg8[%add3A_515], %gather3A_514 : memref<16384xf32, #tpu.memory_space<vmem>>[vector<16xi32>], vector<16xf32>,
          %add3A_516 = arith.constant 21 : i32
          %add3A_517 = vector.broadcast %add3A_516 : i32 to vector<16xi32>
          %add3A_518 = arith.addi %iota3A, %add3A_517 : vector<16xi32>
          %and3A_519 = arith.constant 31 : i32
          %and3A_520 = vector.broadcast %and3A_519 : i32 to vector<16xi32>
          %and3A_521 = arith.andi %add3A_518, %and3A_520 : vector<16xi32>
          %gather3A_522 = tpu.vector_load_idx %arg6[%and3A_521, %add3A_344] : memref<32x512xf32, #tpu.memory_space<vmem>>[vector<16xi32>, vector<16xi32>], vector<16xf32>,
          %add3A_523 = arith.addi %mul3A_347, %and3A_521 : vector<16xi32>
          tpu.vector_store_idx %arg8[%add3A_523], %gather3A_522 : memref<16384xf32, #tpu.memory_space<vmem>>[vector<16xi32>], vector<16xf32>,
          %add3A_524 = arith.constant 22 : i32
          %add3A_525 = vector.broadcast %add3A_524 : i32 to vector<16xi32>
          %add3A_526 = arith.addi %iota3A, %add3A_525 : vector<16xi32>
          %and3A_527 = arith.constant 31 : i32
          %and3A_528 = vector.broadcast %and3A_527 : i32 to vector<16xi32>
          %and3A_529 = arith.andi %add3A_526, %and3A_528 : vector<16xi32>
          %gather3A_530 = tpu.vector_load_idx %arg6[%and3A_529, %add3A_344] : memref<32x512xf32, #tpu.memory_space<vmem>>[vector<16xi32>, vector<16xi32>], vector<16xf32>,
          %add3A_531 = arith.addi %mul3A_347, %and3A_529 : vector<16xi32>
          tpu.vector_store_idx %arg8[%add3A_531], %gather3A_530 : memref<16384xf32, #tpu.memory_space<vmem>>[vector<16xi32>], vector<16xf32>,
          %add3A_532 = arith.constant 23 : i32
          %add3A_533 = vector.broadcast %add3A_532 : i32 to vector<16xi32>
          %add3A_534 = arith.addi %iota3A, %add3A_533 : vector<16xi32>
          %and3A_535 = arith.constant 31 : i32
          %and3A_536 = vector.broadcast %and3A_535 : i32 to vector<16xi32>
          %and3A_537 = arith.andi %add3A_534, %and3A_536 : vector<16xi32>
          %gather3A_538 = tpu.vector_load_idx %arg6[%and3A_537, %add3A_344] : memref<32x512xf32, #tpu.memory_space<vmem>>[vector<16xi32>, vector<16xi32>], vector<16xf32>,
          %add3A_539 = arith.addi %mul3A_347, %and3A_537 : vector<16xi32>
          tpu.vector_store_idx %arg8[%add3A_539], %gather3A_538 : memref<16384xf32, #tpu.memory_space<vmem>>[vector<16xi32>], vector<16xf32>,
          %add3A_540 = arith.constant 24 : i32
          %add3A_541 = vector.broadcast %add3A_540 : i32 to vector<16xi32>
          %add3A_542 = arith.addi %iota3A, %add3A_541 : vector<16xi32>
          %and3A_543 = arith.constant 31 : i32
          %and3A_544 = vector.broadcast %and3A_543 : i32 to vector<16xi32>
          %and3A_545 = arith.andi %add3A_542, %and3A_544 : vector<16xi32>
          %gather3A_546 = tpu.vector_load_idx %arg6[%and3A_545, %add3A_344] : memref<32x512xf32, #tpu.memory_space<vmem>>[vector<16xi32>, vector<16xi32>], vector<16xf32>,
          %add3A_547 = arith.addi %mul3A_347, %and3A_545 : vector<16xi32>
          tpu.vector_store_idx %arg8[%add3A_547], %gather3A_546 : memref<16384xf32, #tpu.memory_space<vmem>>[vector<16xi32>], vector<16xf32>,
          %add3A_548 = arith.constant 25 : i32
          %add3A_549 = vector.broadcast %add3A_548 : i32 to vector<16xi32>
          %add3A_550 = arith.addi %iota3A, %add3A_549 : vector<16xi32>
          %and3A_551 = arith.constant 31 : i32
          %and3A_552 = vector.broadcast %and3A_551 : i32 to vector<16xi32>
          %and3A_553 = arith.andi %add3A_550, %and3A_552 : vector<16xi32>
          %gather3A_554 = tpu.vector_load_idx %arg6[%and3A_553, %add3A_344] : memref<32x512xf32, #tpu.memory_space<vmem>>[vector<16xi32>, vector<16xi32>], vector<16xf32>,
          %add3A_555 = arith.addi %mul3A_347, %and3A_553 : vector<16xi32>
          tpu.vector_store_idx %arg8[%add3A_555], %gather3A_554 : memref<16384xf32, #tpu.memory_space<vmem>>[vector<16xi32>], vector<16xf32>,
          %add3A_556 = arith.constant 26 : i32
          %add3A_557 = vector.broadcast %add3A_556 : i32 to vector<16xi32>
          %add3A_558 = arith.addi %iota3A, %add3A_557 : vector<16xi32>
          %and3A_559 = arith.constant 31 : i32
          %and3A_560 = vector.broadcast %and3A_559 : i32 to vector<16xi32>
          %and3A_561 = arith.andi %add3A_558, %and3A_560 : vector<16xi32>
          %gather3A_562 = tpu.vector_load_idx %arg6[%and3A_561, %add3A_344] : memref<32x512xf32, #tpu.memory_space<vmem>>[vector<16xi32>, vector<16xi32>], vector<16xf32>,
          %add3A_563 = arith.addi %mul3A_347, %and3A_561 : vector<16xi32>
          tpu.vector_store_idx %arg8[%add3A_563], %gather3A_562 : memref<16384xf32, #tpu.memory_space<vmem>>[vector<16xi32>], vector<16xf32>,
          %add3A_564 = arith.constant 27 : i32
          %add3A_565 = vector.broadcast %add3A_564 : i32 to vector<16xi32>
          %add3A_566 = arith.addi %iota3A, %add3A_565 : vector<16xi32>
          %and3A_567 = arith.constant 31 : i32
          %and3A_568 = vector.broadcast %and3A_567 : i32 to vector<16xi32>
          %and3A_569 = arith.andi %add3A_566, %and3A_568 : vector<16xi32>
          %gather3A_570 = tpu.vector_load_idx %arg6[%and3A_569, %add3A_344] : memref<32x512xf32, #tpu.memory_space<vmem>>[vector<16xi32>, vector<16xi32>], vector<16xf32>,
          %add3A_571 = arith.addi %mul3A_347, %and3A_569 : vector<16xi32>
          tpu.vector_store_idx %arg8[%add3A_571], %gather3A_570 : memref<16384xf32, #tpu.memory_space<vmem>>[vector<16xi32>], vector<16xf32>,
          %add3A_572 = arith.constant 28 : i32
          %add3A_573 = vector.broadcast %add3A_572 : i32 to vector<16xi32>
          %add3A_574 = arith.addi %iota3A, %add3A_573 : vector<16xi32>
          %and3A_575 = arith.constant 31 : i32
          %and3A_576 = vector.broadcast %and3A_575 : i32 to vector<16xi32>
          %and3A_577 = arith.andi %add3A_574, %and3A_576 : vector<16xi32>
          %gather3A_578 = tpu.vector_load_idx %arg6[%and3A_577, %add3A_344] : memref<32x512xf32, #tpu.memory_space<vmem>>[vector<16xi32>, vector<16xi32>], vector<16xf32>,
          %add3A_579 = arith.addi %mul3A_347, %and3A_577 : vector<16xi32>
          tpu.vector_store_idx %arg8[%add3A_579], %gather3A_578 : memref<16384xf32, #tpu.memory_space<vmem>>[vector<16xi32>], vector<16xf32>,
          %add3A_580 = arith.constant 29 : i32
          %add3A_581 = vector.broadcast %add3A_580 : i32 to vector<16xi32>
          %add3A_582 = arith.addi %iota3A, %add3A_581 : vector<16xi32>
          %and3A_583 = arith.constant 31 : i32
          %and3A_584 = vector.broadcast %and3A_583 : i32 to vector<16xi32>
          %and3A_585 = arith.andi %add3A_582, %and3A_584 : vector<16xi32>
          %gather3A_586 = tpu.vector_load_idx %arg6[%and3A_585, %add3A_344] : memref<32x512xf32, #tpu.memory_space<vmem>>[vector<16xi32>, vector<16xi32>], vector<16xf32>,
          %add3A_587 = arith.addi %mul3A_347, %and3A_585 : vector<16xi32>
          tpu.vector_store_idx %arg8[%add3A_587], %gather3A_586 : memref<16384xf32, #tpu.memory_space<vmem>>[vector<16xi32>], vector<16xf32>,
          %add3A_588 = arith.constant 30 : i32
          %add3A_589 = vector.broadcast %add3A_588 : i32 to vector<16xi32>
          %add3A_590 = arith.addi %iota3A, %add3A_589 : vector<16xi32>
          %and3A_591 = arith.constant 31 : i32
          %and3A_592 = vector.broadcast %and3A_591 : i32 to vector<16xi32>
          %and3A_593 = arith.andi %add3A_590, %and3A_592 : vector<16xi32>
          %gather3A_594 = tpu.vector_load_idx %arg6[%and3A_593, %add3A_344] : memref<32x512xf32, #tpu.memory_space<vmem>>[vector<16xi32>, vector<16xi32>], vector<16xf32>,
          %add3A_595 = arith.addi %mul3A_347, %and3A_593 : vector<16xi32>
          tpu.vector_store_idx %arg8[%add3A_595], %gather3A_594 : memref<16384xf32, #tpu.memory_space<vmem>>[vector<16xi32>], vector<16xf32>,
          %add3A_596 = arith.constant 31 : i32
          %add3A_597 = vector.broadcast %add3A_596 : i32 to vector<16xi32>
          %add3A_598 = arith.addi %iota3A, %add3A_597 : vector<16xi32>
          %and3A_599 = arith.constant 31 : i32
          %and3A_600 = vector.broadcast %and3A_599 : i32 to vector<16xi32>
          %and3A_601 = arith.andi %add3A_598, %and3A_600 : vector<16xi32>
          %gather3A_602 = tpu.vector_load_idx %arg6[%and3A_601, %add3A_344] : memref<32x512xf32, #tpu.memory_space<vmem>>[vector<16xi32>, vector<16xi32>], vector<16xf32>,
          %add3A_603 = arith.addi %mul3A_347, %and3A_601 : vector<16xi32>
          tpu.vector_store_idx %arg8[%add3A_603], %gather3A_602 : memref<16384xf32, #tpu.memory_space<vmem>>[vector<16xi32>], vector<16xf32>,
          %scan3A_604 = arith.constant 0 : i32
          scf.yield %scan3A_604 : i32
        }
        %scan3A_62 = arith.constant 32 : i32
        %ge3A_63 = arith.constant 2 : i32
        %ge3A_64 = arith.cmpi sge, %while3A_31, %ge3A_63 : i32
        %convert_element_type3A_65 = arith.extui %ge3A_64 : i1 to i32
        %cond3A_66 = arith.constant 0 : i32
        %cond3A_67 = arith.cmpi ne, %convert_element_type3A_65, %cond3A_66 : i32
        scf.if %cond3A_67 {
          %dma_wait3A_74 = arith.constant 0 : i32
          %dma_wait3A_75 = tpu.memref_slice %arg4[%dma_wait3A_74] : memref<32002048xf32, #tpu.memory_space<hbm>> -> memref<16384xf32, #tpu.memory_space<hbm>>
          %dma_wait3A_76 = arith.constant 0 : i32
          %dma_wait3A_77 = tpu.memref_slice %arg4[%dma_wait3A_76] : memref<32002048xf32, #tpu.memory_space<hbm>> -> memref<16384xf32, #tpu.memory_space<hbm>>
          tpu.wait_dma2 semaphore(%arg11 : memref<!tpu.dma_semaphore, #tpu.memory_space<semaphore_mem>>) src(%arg8 : memref<16384xf32, #tpu.memory_space<vmem>>) dst(%dma_wait3A_77 : memref<16384xf32, #tpu.memory_space<hbm>>)
        } else {
        }
        %add3A_68 = arith.addi %mul3A_2, %while3A_31 : i32
        %mul3A_69 = arith.constant 512 : i32
        %mul3A_70 = arith.muli %add3A_68, %mul3A_69 : i32
        %mul3A_71 = arith.constant 32 : i32
        %mul3A_72 = arith.muli %mul3A_70, %mul3A_71 : i32
        %dma_start3A = tpu.memref_slice %arg4[%mul3A_72] : memref<32002048xf32, #tpu.memory_space<hbm>> -> memref<16384xf32, #tpu.memory_space<hbm>>
        %dma_start3A_73 = tpu.memref_slice %arg4[%mul3A_72] : memref<32002048xf32, #tpu.memory_space<hbm>> -> memref<16384xf32, #tpu.memory_space<hbm>>
        tpu.enqueue_dma source(%arg8 : memref<16384xf32, #tpu.memory_space<vmem>>) target(%dma_start3A_73 : memref<16384xf32, #tpu.memory_space<hbm>>) target_semaphore(%arg11 : memref<!tpu.dma_semaphore, #tpu.memory_space<semaphore_mem>>)
      } else {
      }
      %while3A_51 = arith.constant 0 : i32
      scf.yield %while3A_51 : i32
    }
    %while3A_16 = arith.constant 1 : i32
    %while3A_17 = scf.for %while3A_31 = %while3A_13 to %while3A_9 step %while3A_16 iter_args(%while3A_32 = %while3A_15) -> (i32)  : i32 {
      %add3A_33 = arith.constant 1 : i32
      %add3A_34 = arith.addi %while3A_31, %add3A_33 : i32
      %lt3A = arith.cmpi slt, %add3A_34, %min3A_4 : i32
      %convert_element_type3A_35 = arith.extui %lt3A : i1 to i32
      %cond3A_36 = arith.constant 0 : i32
      %cond3A_37 = arith.cmpi ne, %convert_element_type3A_35, %cond3A_36 : i32
      scf.if %cond3A_37 {
        %and3A_52 = arith.constant 1 : i32
        %and3A_53 = arith.andi %while3A_31, %and3A_52 : i32
        %eq3A_54 = arith.constant 0 : i32
        %eq3A_55 = arith.cmpi eq, %and3A_53, %eq3A_54 : i32
        %convert_element_type3A_56 = arith.extui %eq3A_55 : i1 to i32
        %cond3A_57 = arith.constant 0 : i32
        %cond3A_58 = arith.cmpi ne, %convert_element_type3A_56, %cond3A_57 : i32
        scf.if %cond3A_58 {
          %add3A_66 = arith.constant 1 : i32
          %add3A_67 = arith.addi %while3A_31, %add3A_66 : i32
          %add3A_68 = arith.addi %mul3A_2, %add3A_67 : i32
          %mul3A_69 = arith.constant 512 : i32
          %mul3A_70 = arith.muli %add3A_68, %mul3A_69 : i32
          %dma_start3A = arith.constant 0 : i32
          %dma_start3A_71 = tpu.memref_slice %arg2[%dma_start3A, %mul3A_70] : memref<32x1000000xf32, #tpu.memory_space<hbm>> -> memref<32x512xf32, #tpu.memory_space<hbm>>
          %dma_start3A_72 = arith.constant 0 : i32
          %dma_start3A_73 = tpu.memref_slice %arg2[%dma_start3A_72, %mul3A_70] : memref<32x1000000xf32, #tpu.memory_space<hbm>> -> memref<32x512xf32, #tpu.memory_space<hbm>>
          tpu.enqueue_dma source(%dma_start3A_73 : memref<32x512xf32, #tpu.memory_space<hbm>>) target(%arg6 : memref<32x512xf32, #tpu.memory_space<vmem>>) target_semaphore(%arg10 : memref<!tpu.dma_semaphore, #tpu.memory_space<semaphore_mem>>)
        } else {
        }
        %and3A_59 = arith.constant 1 : i32
        %and3A_60 = arith.andi %while3A_31, %and3A_59 : i32
        %eq3A_61 = arith.constant 1 : i32
        %eq3A_62 = arith.cmpi eq, %and3A_60, %eq3A_61 : i32
        %convert_element_type3A_63 = arith.extui %eq3A_62 : i1 to i32
        %cond3A_64 = arith.constant 0 : i32
        %cond3A_65 = arith.cmpi ne, %convert_element_type3A_63, %cond3A_64 : i32
        scf.if %cond3A_65 {
          %add3A_66 = arith.constant 1 : i32
          %add3A_67 = arith.addi %while3A_31, %add3A_66 : i32
          %add3A_68 = arith.addi %mul3A_2, %add3A_67 : i32
          %mul3A_69 = arith.constant 512 : i32
          %mul3A_70 = arith.muli %add3A_68, %mul3A_69 : i32
          %dma_start3A = arith.constant 0 : i32
          %dma_start3A_71 = tpu.memref_slice %arg2[%dma_start3A, %mul3A_70] : memref<32x1000000xf32, #tpu.memory_space<hbm>> -> memref<32x512xf32, #tpu.memory_space<hbm>>
          %dma_start3A_72 = arith.constant 0 : i32
          %dma_start3A_73 = tpu.memref_slice %arg2[%dma_start3A_72, %mul3A_70] : memref<32x1000000xf32, #tpu.memory_space<hbm>> -> memref<32x512xf32, #tpu.memory_space<hbm>>
          tpu.enqueue_dma source(%dma_start3A_73 : memref<32x512xf32, #tpu.memory_space<hbm>>) target(%arg5 : memref<32x512xf32, #tpu.memory_space<vmem>>) target_semaphore(%arg10 : memref<!tpu.dma_semaphore, #tpu.memory_space<semaphore_mem>>)
        } else {
        }
      } else {
      }
      %and3A = arith.constant 1 : i32
      %and3A_38 = arith.andi %while3A_31, %and3A : i32
      %eq3A_39 = arith.constant 0 : i32
      %eq3A_40 = arith.cmpi eq, %and3A_38, %eq3A_39 : i32
      %convert_element_type3A_41 = arith.extui %eq3A_40 : i1 to i32
      %cond3A_42 = arith.constant 0 : i32
      %cond3A_43 = arith.cmpi ne, %convert_element_type3A_41, %cond3A_42 : i32
      scf.if %cond3A_43 {
        %mul3A_52 = arith.constant 512 : i32
        %mul3A_53 = arith.muli %mul3A_2, %mul3A_52 : i32
        %dma_wait3A = arith.constant 0 : i32
        %dma_wait3A_54 = tpu.memref_slice %arg2[%dma_wait3A, %mul3A_53] : memref<32x1000000xf32, #tpu.memory_space<hbm>> -> memref<32x512xf32, #tpu.memory_space<hbm>>
        %dma_wait3A_55 = arith.constant 0 : i32
        %dma_wait3A_56 = tpu.memref_slice %arg2[%dma_wait3A_55, %mul3A_53] : memref<32x1000000xf32, #tpu.memory_space<hbm>> -> memref<32x512xf32, #tpu.memory_space<hbm>>
        tpu.wait_dma2 semaphore(%arg10 : memref<!tpu.dma_semaphore, #tpu.memory_space<semaphore_mem>>) src(%dma_wait3A_56 : memref<32x512xf32, #tpu.memory_space<hbm>>) dst(%arg5 : memref<32x512xf32, #tpu.memory_space<vmem>>)
        %scan3A = arith.constant 0 : i32
        %scan3A_57 = arith.constant 0 : i32
        %scan3A_58 = arith.constant 32 : i32
        %scan3A_59 = arith.addi %scan3A_57, %scan3A_58 : i32
        %scan3A_60 = arith.constant 2 : i32
        %scan3A_61 = scf.for %scan3A_74 = %scan3A_57 to %scan3A_59 step %scan3A_60 iter_args(%scan3A_75 = %scan3A) -> (i32)  : i32 {
          %mul3A_76 = arith.constant 16 : i32
          %mul3A_77 = arith.muli %scan3A_74, %mul3A_76 : i32
          %add3A_78 = vector.broadcast %mul3A_77 : i32 to vector<16xi32>
          %add3A_79 = arith.addi %add3A_78, %iota3A : vector<16xi32>
          %mul3A_80 = arith.constant 32 : i32
          %mul3A_81 = vector.broadcast %mul3A_80 : i32 to vector<16xi32>
          %mul3A_82 = arith.muli %add3A_79, %mul3A_81 : vector<16xi32>
          %add3A_83 = arith.constant 0 : i32
          %add3A_84 = vector.broadcast %add3A_83 : i32 to vector<16xi32>
          %add3A_85 = arith.addi %iota3A, %add3A_84 : vector<16xi32>
          %and3A_86 = arith.constant 31 : i32
          %and3A_87 = vector.broadcast %and3A_86 : i32 to vector<16xi32>
          %and3A_88 = arith.andi %add3A_85, %and3A_87 : vector<16xi32>
          %gather3A = tpu.vector_load_idx %arg5[%and3A_88, %add3A_79] : memref<32x512xf32, #tpu.memory_space<vmem>>[vector<16xi32>, vector<16xi32>], vector<16xf32>,
          %add3A_89 = arith.addi %mul3A_82, %and3A_88 : vector<16xi32>
          tpu.vector_store_idx %arg7[%add3A_89], %gather3A : memref<16384xf32, #tpu.memory_space<vmem>>[vector<16xi32>], vector<16xf32>,
          %add3A_90 = arith.constant 1 : i32
          %add3A_91 = vector.broadcast %add3A_90 : i32 to vector<16xi32>
          %add3A_92 = arith.addi %iota3A, %add3A_91 : vector<16xi32>
          %and3A_93 = arith.constant 31 : i32
          %and3A_94 = vector.broadcast %and3A_93 : i32 to vector<16xi32>
          %and3A_95 = arith.andi %add3A_92, %and3A_94 : vector<16xi32>
          %gather3A_96 = tpu.vector_load_idx %arg5[%and3A_95, %add3A_79] : memref<32x512xf32, #tpu.memory_space<vmem>>[vector<16xi32>, vector<16xi32>], vector<16xf32>,
          %add3A_97 = arith.addi %mul3A_82, %and3A_95 : vector<16xi32>
          tpu.vector_store_idx %arg7[%add3A_97], %gather3A_96 : memref<16384xf32, #tpu.memory_space<vmem>>[vector<16xi32>], vector<16xf32>,
          %add3A_98 = arith.constant 2 : i32
          %add3A_99 = vector.broadcast %add3A_98 : i32 to vector<16xi32>
          %add3A_100 = arith.addi %iota3A, %add3A_99 : vector<16xi32>
          %and3A_101 = arith.constant 31 : i32
          %and3A_102 = vector.broadcast %and3A_101 : i32 to vector<16xi32>
          %and3A_103 = arith.andi %add3A_100, %and3A_102 : vector<16xi32>
          %gather3A_104 = tpu.vector_load_idx %arg5[%and3A_103, %add3A_79] : memref<32x512xf32, #tpu.memory_space<vmem>>[vector<16xi32>, vector<16xi32>], vector<16xf32>,
          %add3A_105 = arith.addi %mul3A_82, %and3A_103 : vector<16xi32>
          tpu.vector_store_idx %arg7[%add3A_105], %gather3A_104 : memref<16384xf32, #tpu.memory_space<vmem>>[vector<16xi32>], vector<16xf32>,
          %add3A_106 = arith.constant 3 : i32
          %add3A_107 = vector.broadcast %add3A_106 : i32 to vector<16xi32>
          %add3A_108 = arith.addi %iota3A, %add3A_107 : vector<16xi32>
          %and3A_109 = arith.constant 31 : i32
          %and3A_110 = vector.broadcast %and3A_109 : i32 to vector<16xi32>
          %and3A_111 = arith.andi %add3A_108, %and3A_110 : vector<16xi32>
          %gather3A_112 = tpu.vector_load_idx %arg5[%and3A_111, %add3A_79] : memref<32x512xf32, #tpu.memory_space<vmem>>[vector<16xi32>, vector<16xi32>], vector<16xf32>,
          %add3A_113 = arith.addi %mul3A_82, %and3A_111 : vector<16xi32>
          tpu.vector_store_idx %arg7[%add3A_113], %gather3A_112 : memref<16384xf32, #tpu.memory_space<vmem>>[vector<16xi32>], vector<16xf32>,
          %add3A_114 = arith.constant 4 : i32
          %add3A_115 = vector.broadcast %add3A_114 : i32 to vector<16xi32>
          %add3A_116 = arith.addi %iota3A, %add3A_115 : vector<16xi32>
          %and3A_117 = arith.constant 31 : i32
          %and3A_118 = vector.broadcast %and3A_117 : i32 to vector<16xi32>
          %and3A_119 = arith.andi %add3A_116, %and3A_118 : vector<16xi32>
          %gather3A_120 = tpu.vector_load_idx %arg5[%and3A_119, %add3A_79] : memref<32x512xf32, #tpu.memory_space<vmem>>[vector<16xi32>, vector<16xi32>], vector<16xf32>,
          %add3A_121 = arith.addi %mul3A_82, %and3A_119 : vector<16xi32>
          tpu.vector_store_idx %arg7[%add3A_121], %gather3A_120 : memref<16384xf32, #tpu.memory_space<vmem>>[vector<16xi32>], vector<16xf32>,
          %add3A_122 = arith.constant 5 : i32
          %add3A_123 = vector.broadcast %add3A_122 : i32 to vector<16xi32>
          %add3A_124 = arith.addi %iota3A, %add3A_123 : vector<16xi32>
          %and3A_125 = arith.constant 31 : i32
          %and3A_126 = vector.broadcast %and3A_125 : i32 to vector<16xi32>
          %and3A_127 = arith.andi %add3A_124, %and3A_126 : vector<16xi32>
          %gather3A_128 = tpu.vector_load_idx %arg5[%and3A_127, %add3A_79] : memref<32x512xf32, #tpu.memory_space<vmem>>[vector<16xi32>, vector<16xi32>], vector<16xf32>,
          %add3A_129 = arith.addi %mul3A_82, %and3A_127 : vector<16xi32>
          tpu.vector_store_idx %arg7[%add3A_129], %gather3A_128 : memref<16384xf32, #tpu.memory_space<vmem>>[vector<16xi32>], vector<16xf32>,
          %add3A_130 = arith.constant 6 : i32
          %add3A_131 = vector.broadcast %add3A_130 : i32 to vector<16xi32>
          %add3A_132 = arith.addi %iota3A, %add3A_131 : vector<16xi32>
          %and3A_133 = arith.constant 31 : i32
          %and3A_134 = vector.broadcast %and3A_133 : i32 to vector<16xi32>
          %and3A_135 = arith.andi %add3A_132, %and3A_134 : vector<16xi32>
          %gather3A_136 = tpu.vector_load_idx %arg5[%and3A_135, %add3A_79] : memref<32x512xf32, #tpu.memory_space<vmem>>[vector<16xi32>, vector<16xi32>], vector<16xf32>,
          %add3A_137 = arith.addi %mul3A_82, %and3A_135 : vector<16xi32>
          tpu.vector_store_idx %arg7[%add3A_137], %gather3A_136 : memref<16384xf32, #tpu.memory_space<vmem>>[vector<16xi32>], vector<16xf32>,
          %add3A_138 = arith.constant 7 : i32
          %add3A_139 = vector.broadcast %add3A_138 : i32 to vector<16xi32>
          %add3A_140 = arith.addi %iota3A, %add3A_139 : vector<16xi32>
          %and3A_141 = arith.constant 31 : i32
          %and3A_142 = vector.broadcast %and3A_141 : i32 to vector<16xi32>
          %and3A_143 = arith.andi %add3A_140, %and3A_142 : vector<16xi32>
          %gather3A_144 = tpu.vector_load_idx %arg5[%and3A_143, %add3A_79] : memref<32x512xf32, #tpu.memory_space<vmem>>[vector<16xi32>, vector<16xi32>], vector<16xf32>,
          %add3A_145 = arith.addi %mul3A_82, %and3A_143 : vector<16xi32>
          tpu.vector_store_idx %arg7[%add3A_145], %gather3A_144 : memref<16384xf32, #tpu.memory_space<vmem>>[vector<16xi32>], vector<16xf32>,
          %add3A_146 = arith.constant 8 : i32
          %add3A_147 = vector.broadcast %add3A_146 : i32 to vector<16xi32>
          %add3A_148 = arith.addi %iota3A, %add3A_147 : vector<16xi32>
          %and3A_149 = arith.constant 31 : i32
          %and3A_150 = vector.broadcast %and3A_149 : i32 to vector<16xi32>
          %and3A_151 = arith.andi %add3A_148, %and3A_150 : vector<16xi32>
          %gather3A_152 = tpu.vector_load_idx %arg5[%and3A_151, %add3A_79] : memref<32x512xf32, #tpu.memory_space<vmem>>[vector<16xi32>, vector<16xi32>], vector<16xf32>,
          %add3A_153 = arith.addi %mul3A_82, %and3A_151 : vector<16xi32>
          tpu.vector_store_idx %arg7[%add3A_153], %gather3A_152 : memref<16384xf32, #tpu.memory_space<vmem>>[vector<16xi32>], vector<16xf32>,
          %add3A_154 = arith.constant 9 : i32
          %add3A_155 = vector.broadcast %add3A_154 : i32 to vector<16xi32>
          %add3A_156 = arith.addi %iota3A, %add3A_155 : vector<16xi32>
          %and3A_157 = arith.constant 31 : i32
          %and3A_158 = vector.broadcast %and3A_157 : i32 to vector<16xi32>
          %and3A_159 = arith.andi %add3A_156, %and3A_158 : vector<16xi32>
          %gather3A_160 = tpu.vector_load_idx %arg5[%and3A_159, %add3A_79] : memref<32x512xf32, #tpu.memory_space<vmem>>[vector<16xi32>, vector<16xi32>], vector<16xf32>,
          %add3A_161 = arith.addi %mul3A_82, %and3A_159 : vector<16xi32>
          tpu.vector_store_idx %arg7[%add3A_161], %gather3A_160 : memref<16384xf32, #tpu.memory_space<vmem>>[vector<16xi32>], vector<16xf32>,
          %add3A_162 = arith.constant 10 : i32
          %add3A_163 = vector.broadcast %add3A_162 : i32 to vector<16xi32>
          %add3A_164 = arith.addi %iota3A, %add3A_163 : vector<16xi32>
          %and3A_165 = arith.constant 31 : i32
          %and3A_166 = vector.broadcast %and3A_165 : i32 to vector<16xi32>
          %and3A_167 = arith.andi %add3A_164, %and3A_166 : vector<16xi32>
          %gather3A_168 = tpu.vector_load_idx %arg5[%and3A_167, %add3A_79] : memref<32x512xf32, #tpu.memory_space<vmem>>[vector<16xi32>, vector<16xi32>], vector<16xf32>,
          %add3A_169 = arith.addi %mul3A_82, %and3A_167 : vector<16xi32>
          tpu.vector_store_idx %arg7[%add3A_169], %gather3A_168 : memref<16384xf32, #tpu.memory_space<vmem>>[vector<16xi32>], vector<16xf32>,
          %add3A_170 = arith.constant 11 : i32
          %add3A_171 = vector.broadcast %add3A_170 : i32 to vector<16xi32>
          %add3A_172 = arith.addi %iota3A, %add3A_171 : vector<16xi32>
          %and3A_173 = arith.constant 31 : i32
          %and3A_174 = vector.broadcast %and3A_173 : i32 to vector<16xi32>
          %and3A_175 = arith.andi %add3A_172, %and3A_174 : vector<16xi32>
          %gather3A_176 = tpu.vector_load_idx %arg5[%and3A_175, %add3A_79] : memref<32x512xf32, #tpu.memory_space<vmem>>[vector<16xi32>, vector<16xi32>], vector<16xf32>,
          %add3A_177 = arith.addi %mul3A_82, %and3A_175 : vector<16xi32>
          tpu.vector_store_idx %arg7[%add3A_177], %gather3A_176 : memref<16384xf32, #tpu.memory_space<vmem>>[vector<16xi32>], vector<16xf32>,
          %add3A_178 = arith.constant 12 : i32
          %add3A_179 = vector.broadcast %add3A_178 : i32 to vector<16xi32>
          %add3A_180 = arith.addi %iota3A, %add3A_179 : vector<16xi32>
          %and3A_181 = arith.constant 31 : i32
          %and3A_182 = vector.broadcast %and3A_181 : i32 to vector<16xi32>
          %and3A_183 = arith.andi %add3A_180, %and3A_182 : vector<16xi32>
          %gather3A_184 = tpu.vector_load_idx %arg5[%and3A_183, %add3A_79] : memref<32x512xf32, #tpu.memory_space<vmem>>[vector<16xi32>, vector<16xi32>], vector<16xf32>,
          %add3A_185 = arith.addi %mul3A_82, %and3A_183 : vector<16xi32>
          tpu.vector_store_idx %arg7[%add3A_185], %gather3A_184 : memref<16384xf32, #tpu.memory_space<vmem>>[vector<16xi32>], vector<16xf32>,
          %add3A_186 = arith.constant 13 : i32
          %add3A_187 = vector.broadcast %add3A_186 : i32 to vector<16xi32>
          %add3A_188 = arith.addi %iota3A, %add3A_187 : vector<16xi32>
          %and3A_189 = arith.constant 31 : i32
          %and3A_190 = vector.broadcast %and3A_189 : i32 to vector<16xi32>
          %and3A_191 = arith.andi %add3A_188, %and3A_190 : vector<16xi32>
          %gather3A_192 = tpu.vector_load_idx %arg5[%and3A_191, %add3A_79] : memref<32x512xf32, #tpu.memory_space<vmem>>[vector<16xi32>, vector<16xi32>], vector<16xf32>,
          %add3A_193 = arith.addi %mul3A_82, %and3A_191 : vector<16xi32>
          tpu.vector_store_idx %arg7[%add3A_193], %gather3A_192 : memref<16384xf32, #tpu.memory_space<vmem>>[vector<16xi32>], vector<16xf32>,
          %add3A_194 = arith.constant 14 : i32
          %add3A_195 = vector.broadcast %add3A_194 : i32 to vector<16xi32>
          %add3A_196 = arith.addi %iota3A, %add3A_195 : vector<16xi32>
          %and3A_197 = arith.constant 31 : i32
          %and3A_198 = vector.broadcast %and3A_197 : i32 to vector<16xi32>
          %and3A_199 = arith.andi %add3A_196, %and3A_198 : vector<16xi32>
          %gather3A_200 = tpu.vector_load_idx %arg5[%and3A_199, %add3A_79] : memref<32x512xf32, #tpu.memory_space<vmem>>[vector<16xi32>, vector<16xi32>], vector<16xf32>,
          %add3A_201 = arith.addi %mul3A_82, %and3A_199 : vector<16xi32>
          tpu.vector_store_idx %arg7[%add3A_201], %gather3A_200 : memref<16384xf32, #tpu.memory_space<vmem>>[vector<16xi32>], vector<16xf32>,
          %add3A_202 = arith.constant 15 : i32
          %add3A_203 = vector.broadcast %add3A_202 : i32 to vector<16xi32>
          %add3A_204 = arith.addi %iota3A, %add3A_203 : vector<16xi32>
          %and3A_205 = arith.constant 31 : i32
          %and3A_206 = vector.broadcast %and3A_205 : i32 to vector<16xi32>
          %and3A_207 = arith.andi %add3A_204, %and3A_206 : vector<16xi32>
          %gather3A_208 = tpu.vector_load_idx %arg5[%and3A_207, %add3A_79] : memref<32x512xf32, #tpu.memory_space<vmem>>[vector<16xi32>, vector<16xi32>], vector<16xf32>,
          %add3A_209 = arith.addi %mul3A_82, %and3A_207 : vector<16xi32>
          tpu.vector_store_idx %arg7[%add3A_209], %gather3A_208 : memref<16384xf32, #tpu.memory_space<vmem>>[vector<16xi32>], vector<16xf32>,
          %add3A_210 = arith.constant 16 : i32
          %add3A_211 = vector.broadcast %add3A_210 : i32 to vector<16xi32>
          %add3A_212 = arith.addi %iota3A, %add3A_211 : vector<16xi32>
          %and3A_213 = arith.constant 31 : i32
          %and3A_214 = vector.broadcast %and3A_213 : i32 to vector<16xi32>
          %and3A_215 = arith.andi %add3A_212, %and3A_214 : vector<16xi32>
          %gather3A_216 = tpu.vector_load_idx %arg5[%and3A_215, %add3A_79] : memref<32x512xf32, #tpu.memory_space<vmem>>[vector<16xi32>, vector<16xi32>], vector<16xf32>,
          %add3A_217 = arith.addi %mul3A_82, %and3A_215 : vector<16xi32>
          tpu.vector_store_idx %arg7[%add3A_217], %gather3A_216 : memref<16384xf32, #tpu.memory_space<vmem>>[vector<16xi32>], vector<16xf32>,
          %add3A_218 = arith.constant 17 : i32
          %add3A_219 = vector.broadcast %add3A_218 : i32 to vector<16xi32>
          %add3A_220 = arith.addi %iota3A, %add3A_219 : vector<16xi32>
          %and3A_221 = arith.constant 31 : i32
          %and3A_222 = vector.broadcast %and3A_221 : i32 to vector<16xi32>
          %and3A_223 = arith.andi %add3A_220, %and3A_222 : vector<16xi32>
          %gather3A_224 = tpu.vector_load_idx %arg5[%and3A_223, %add3A_79] : memref<32x512xf32, #tpu.memory_space<vmem>>[vector<16xi32>, vector<16xi32>], vector<16xf32>,
          %add3A_225 = arith.addi %mul3A_82, %and3A_223 : vector<16xi32>
          tpu.vector_store_idx %arg7[%add3A_225], %gather3A_224 : memref<16384xf32, #tpu.memory_space<vmem>>[vector<16xi32>], vector<16xf32>,
          %add3A_226 = arith.constant 18 : i32
          %add3A_227 = vector.broadcast %add3A_226 : i32 to vector<16xi32>
          %add3A_228 = arith.addi %iota3A, %add3A_227 : vector<16xi32>
          %and3A_229 = arith.constant 31 : i32
          %and3A_230 = vector.broadcast %and3A_229 : i32 to vector<16xi32>
          %and3A_231 = arith.andi %add3A_228, %and3A_230 : vector<16xi32>
          %gather3A_232 = tpu.vector_load_idx %arg5[%and3A_231, %add3A_79] : memref<32x512xf32, #tpu.memory_space<vmem>>[vector<16xi32>, vector<16xi32>], vector<16xf32>,
          %add3A_233 = arith.addi %mul3A_82, %and3A_231 : vector<16xi32>
          tpu.vector_store_idx %arg7[%add3A_233], %gather3A_232 : memref<16384xf32, #tpu.memory_space<vmem>>[vector<16xi32>], vector<16xf32>,
          %add3A_234 = arith.constant 19 : i32
          %add3A_235 = vector.broadcast %add3A_234 : i32 to vector<16xi32>
          %add3A_236 = arith.addi %iota3A, %add3A_235 : vector<16xi32>
          %and3A_237 = arith.constant 31 : i32
          %and3A_238 = vector.broadcast %and3A_237 : i32 to vector<16xi32>
          %and3A_239 = arith.andi %add3A_236, %and3A_238 : vector<16xi32>
          %gather3A_240 = tpu.vector_load_idx %arg5[%and3A_239, %add3A_79] : memref<32x512xf32, #tpu.memory_space<vmem>>[vector<16xi32>, vector<16xi32>], vector<16xf32>,
          %add3A_241 = arith.addi %mul3A_82, %and3A_239 : vector<16xi32>
          tpu.vector_store_idx %arg7[%add3A_241], %gather3A_240 : memref<16384xf32, #tpu.memory_space<vmem>>[vector<16xi32>], vector<16xf32>,
          %add3A_242 = arith.constant 20 : i32
          %add3A_243 = vector.broadcast %add3A_242 : i32 to vector<16xi32>
          %add3A_244 = arith.addi %iota3A, %add3A_243 : vector<16xi32>
          %and3A_245 = arith.constant 31 : i32
          %and3A_246 = vector.broadcast %and3A_245 : i32 to vector<16xi32>
          %and3A_247 = arith.andi %add3A_244, %and3A_246 : vector<16xi32>
          %gather3A_248 = tpu.vector_load_idx %arg5[%and3A_247, %add3A_79] : memref<32x512xf32, #tpu.memory_space<vmem>>[vector<16xi32>, vector<16xi32>], vector<16xf32>,
          %add3A_249 = arith.addi %mul3A_82, %and3A_247 : vector<16xi32>
          tpu.vector_store_idx %arg7[%add3A_249], %gather3A_248 : memref<16384xf32, #tpu.memory_space<vmem>>[vector<16xi32>], vector<16xf32>,
          %add3A_250 = arith.constant 21 : i32
          %add3A_251 = vector.broadcast %add3A_250 : i32 to vector<16xi32>
          %add3A_252 = arith.addi %iota3A, %add3A_251 : vector<16xi32>
          %and3A_253 = arith.constant 31 : i32
          %and3A_254 = vector.broadcast %and3A_253 : i32 to vector<16xi32>
          %and3A_255 = arith.andi %add3A_252, %and3A_254 : vector<16xi32>
          %gather3A_256 = tpu.vector_load_idx %arg5[%and3A_255, %add3A_79] : memref<32x512xf32, #tpu.memory_space<vmem>>[vector<16xi32>, vector<16xi32>], vector<16xf32>,
          %add3A_257 = arith.addi %mul3A_82, %and3A_255 : vector<16xi32>
          tpu.vector_store_idx %arg7[%add3A_257], %gather3A_256 : memref<16384xf32, #tpu.memory_space<vmem>>[vector<16xi32>], vector<16xf32>,
          %add3A_258 = arith.constant 22 : i32
          %add3A_259 = vector.broadcast %add3A_258 : i32 to vector<16xi32>
          %add3A_260 = arith.addi %iota3A, %add3A_259 : vector<16xi32>
          %and3A_261 = arith.constant 31 : i32
          %and3A_262 = vector.broadcast %and3A_261 : i32 to vector<16xi32>
          %and3A_263 = arith.andi %add3A_260, %and3A_262 : vector<16xi32>
          %gather3A_264 = tpu.vector_load_idx %arg5[%and3A_263, %add3A_79] : memref<32x512xf32, #tpu.memory_space<vmem>>[vector<16xi32>, vector<16xi32>], vector<16xf32>,
          %add3A_265 = arith.addi %mul3A_82, %and3A_263 : vector<16xi32>
          tpu.vector_store_idx %arg7[%add3A_265], %gather3A_264 : memref<16384xf32, #tpu.memory_space<vmem>>[vector<16xi32>], vector<16xf32>,
          %add3A_266 = arith.constant 23 : i32
          %add3A_267 = vector.broadcast %add3A_266 : i32 to vector<16xi32>
          %add3A_268 = arith.addi %iota3A, %add3A_267 : vector<16xi32>
          %and3A_269 = arith.constant 31 : i32
          %and3A_270 = vector.broadcast %and3A_269 : i32 to vector<16xi32>
          %and3A_271 = arith.andi %add3A_268, %and3A_270 : vector<16xi32>
          %gather3A_272 = tpu.vector_load_idx %arg5[%and3A_271, %add3A_79] : memref<32x512xf32, #tpu.memory_space<vmem>>[vector<16xi32>, vector<16xi32>], vector<16xf32>,
          %add3A_273 = arith.addi %mul3A_82, %and3A_271 : vector<16xi32>
          tpu.vector_store_idx %arg7[%add3A_273], %gather3A_272 : memref<16384xf32, #tpu.memory_space<vmem>>[vector<16xi32>], vector<16xf32>,
          %add3A_274 = arith.constant 24 : i32
          %add3A_275 = vector.broadcast %add3A_274 : i32 to vector<16xi32>
          %add3A_276 = arith.addi %iota3A, %add3A_275 : vector<16xi32>
          %and3A_277 = arith.constant 31 : i32
          %and3A_278 = vector.broadcast %and3A_277 : i32 to vector<16xi32>
          %and3A_279 = arith.andi %add3A_276, %and3A_278 : vector<16xi32>
          %gather3A_280 = tpu.vector_load_idx %arg5[%and3A_279, %add3A_79] : memref<32x512xf32, #tpu.memory_space<vmem>>[vector<16xi32>, vector<16xi32>], vector<16xf32>,
          %add3A_281 = arith.addi %mul3A_82, %and3A_279 : vector<16xi32>
          tpu.vector_store_idx %arg7[%add3A_281], %gather3A_280 : memref<16384xf32, #tpu.memory_space<vmem>>[vector<16xi32>], vector<16xf32>,
          %add3A_282 = arith.constant 25 : i32
          %add3A_283 = vector.broadcast %add3A_282 : i32 to vector<16xi32>
          %add3A_284 = arith.addi %iota3A, %add3A_283 : vector<16xi32>
          %and3A_285 = arith.constant 31 : i32
          %and3A_286 = vector.broadcast %and3A_285 : i32 to vector<16xi32>
          %and3A_287 = arith.andi %add3A_284, %and3A_286 : vector<16xi32>
          %gather3A_288 = tpu.vector_load_idx %arg5[%and3A_287, %add3A_79] : memref<32x512xf32, #tpu.memory_space<vmem>>[vector<16xi32>, vector<16xi32>], vector<16xf32>,
          %add3A_289 = arith.addi %mul3A_82, %and3A_287 : vector<16xi32>
          tpu.vector_store_idx %arg7[%add3A_289], %gather3A_288 : memref<16384xf32, #tpu.memory_space<vmem>>[vector<16xi32>], vector<16xf32>,
          %add3A_290 = arith.constant 26 : i32
          %add3A_291 = vector.broadcast %add3A_290 : i32 to vector<16xi32>
          %add3A_292 = arith.addi %iota3A, %add3A_291 : vector<16xi32>
          %and3A_293 = arith.constant 31 : i32
          %and3A_294 = vector.broadcast %and3A_293 : i32 to vector<16xi32>
          %and3A_295 = arith.andi %add3A_292, %and3A_294 : vector<16xi32>
          %gather3A_296 = tpu.vector_load_idx %arg5[%and3A_295, %add3A_79] : memref<32x512xf32, #tpu.memory_space<vmem>>[vector<16xi32>, vector<16xi32>], vector<16xf32>,
          %add3A_297 = arith.addi %mul3A_82, %and3A_295 : vector<16xi32>
          tpu.vector_store_idx %arg7[%add3A_297], %gather3A_296 : memref<16384xf32, #tpu.memory_space<vmem>>[vector<16xi32>], vector<16xf32>,
          %add3A_298 = arith.constant 27 : i32
          %add3A_299 = vector.broadcast %add3A_298 : i32 to vector<16xi32>
          %add3A_300 = arith.addi %iota3A, %add3A_299 : vector<16xi32>
          %and3A_301 = arith.constant 31 : i32
          %and3A_302 = vector.broadcast %and3A_301 : i32 to vector<16xi32>
          %and3A_303 = arith.andi %add3A_300, %and3A_302 : vector<16xi32>
          %gather3A_304 = tpu.vector_load_idx %arg5[%and3A_303, %add3A_79] : memref<32x512xf32, #tpu.memory_space<vmem>>[vector<16xi32>, vector<16xi32>], vector<16xf32>,
          %add3A_305 = arith.addi %mul3A_82, %and3A_303 : vector<16xi32>
          tpu.vector_store_idx %arg7[%add3A_305], %gather3A_304 : memref<16384xf32, #tpu.memory_space<vmem>>[vector<16xi32>], vector<16xf32>,
          %add3A_306 = arith.constant 28 : i32
          %add3A_307 = vector.broadcast %add3A_306 : i32 to vector<16xi32>
          %add3A_308 = arith.addi %iota3A, %add3A_307 : vector<16xi32>
          %and3A_309 = arith.constant 31 : i32
          %and3A_310 = vector.broadcast %and3A_309 : i32 to vector<16xi32>
          %and3A_311 = arith.andi %add3A_308, %and3A_310 : vector<16xi32>
          %gather3A_312 = tpu.vector_load_idx %arg5[%and3A_311, %add3A_79] : memref<32x512xf32, #tpu.memory_space<vmem>>[vector<16xi32>, vector<16xi32>], vector<16xf32>,
          %add3A_313 = arith.addi %mul3A_82, %and3A_311 : vector<16xi32>
          tpu.vector_store_idx %arg7[%add3A_313], %gather3A_312 : memref<16384xf32, #tpu.memory_space<vmem>>[vector<16xi32>], vector<16xf32>,
          %add3A_314 = arith.constant 29 : i32
          %add3A_315 = vector.broadcast %add3A_314 : i32 to vector<16xi32>
          %add3A_316 = arith.addi %iota3A, %add3A_315 : vector<16xi32>
          %and3A_317 = arith.constant 31 : i32
          %and3A_318 = vector.broadcast %and3A_317 : i32 to vector<16xi32>
          %and3A_319 = arith.andi %add3A_316, %and3A_318 : vector<16xi32>
          %gather3A_320 = tpu.vector_load_idx %arg5[%and3A_319, %add3A_79] : memref<32x512xf32, #tpu.memory_space<vmem>>[vector<16xi32>, vector<16xi32>], vector<16xf32>,
          %add3A_321 = arith.addi %mul3A_82, %and3A_319 : vector<16xi32>
          tpu.vector_store_idx %arg7[%add3A_321], %gather3A_320 : memref<16384xf32, #tpu.memory_space<vmem>>[vector<16xi32>], vector<16xf32>,
          %add3A_322 = arith.constant 30 : i32
          %add3A_323 = vector.broadcast %add3A_322 : i32 to vector<16xi32>
          %add3A_324 = arith.addi %iota3A, %add3A_323 : vector<16xi32>
          %and3A_325 = arith.constant 31 : i32
          %and3A_326 = vector.broadcast %and3A_325 : i32 to vector<16xi32>
          %and3A_327 = arith.andi %add3A_324, %and3A_326 : vector<16xi32>
          %gather3A_328 = tpu.vector_load_idx %arg5[%and3A_327, %add3A_79] : memref<32x512xf32, #tpu.memory_space<vmem>>[vector<16xi32>, vector<16xi32>], vector<16xf32>,
          %add3A_329 = arith.addi %mul3A_82, %and3A_327 : vector<16xi32>
          tpu.vector_store_idx %arg7[%add3A_329], %gather3A_328 : memref<16384xf32, #tpu.memory_space<vmem>>[vector<16xi32>], vector<16xf32>,
          %add3A_330 = arith.constant 31 : i32
          %add3A_331 = vector.broadcast %add3A_330 : i32 to vector<16xi32>
          %add3A_332 = arith.addi %iota3A, %add3A_331 : vector<16xi32>
          %and3A_333 = arith.constant 31 : i32
          %and3A_334 = vector.broadcast %and3A_333 : i32 to vector<16xi32>
          %and3A_335 = arith.andi %add3A_332, %and3A_334 : vector<16xi32>
          %gather3A_336 = tpu.vector_load_idx %arg5[%and3A_335, %add3A_79] : memref<32x512xf32, #tpu.memory_space<vmem>>[vector<16xi32>, vector<16xi32>], vector<16xf32>,
          %add3A_337 = arith.addi %mul3A_82, %and3A_335 : vector<16xi32>
          tpu.vector_store_idx %arg7[%add3A_337], %gather3A_336 : memref<16384xf32, #tpu.memory_space<vmem>>[vector<16xi32>], vector<16xf32>,
          %scan3A_338 = arith.constant 0 : i32
          %scan3A_339 = arith.constant 1 : i32
          %scan3A_340 = arith.addi %scan3A_74, %scan3A_339 : i32
          %mul3A_341 = arith.constant 16 : i32
          %mul3A_342 = arith.muli %scan3A_340, %mul3A_341 : i32
          %add3A_343 = vector.broadcast %mul3A_342 : i32 to vector<16xi32>
          %add3A_344 = arith.addi %add3A_343, %iota3A : vector<16xi32>
          %mul3A_345 = arith.constant 32 : i32
          %mul3A_346 = vector.broadcast %mul3A_345 : i32 to vector<16xi32>
          %mul3A_347 = arith.muli %add3A_344, %mul3A_346 : vector<16xi32>
          %add3A_348 = arith.constant 0 : i32
          %add3A_349 = vector.broadcast %add3A_348 : i32 to vector<16xi32>
          %add3A_350 = arith.addi %iota3A, %add3A_349 : vector<16xi32>
          %and3A_351 = arith.constant 31 : i32
          %and3A_352 = vector.broadcast %and3A_351 : i32 to vector<16xi32>
          %and3A_353 = arith.andi %add3A_350, %and3A_352 : vector<16xi32>
          %gather3A_354 = tpu.vector_load_idx %arg5[%and3A_353, %add3A_344] : memref<32x512xf32, #tpu.memory_space<vmem>>[vector<16xi32>, vector<16xi32>], vector<16xf32>,
          %add3A_355 = arith.addi %mul3A_347, %and3A_353 : vector<16xi32>
          tpu.vector_store_idx %arg7[%add3A_355], %gather3A_354 : memref<16384xf32, #tpu.memory_space<vmem>>[vector<16xi32>], vector<16xf32>,
          %add3A_356 = arith.constant 1 : i32
          %add3A_357 = vector.broadcast %add3A_356 : i32 to vector<16xi32>
          %add3A_358 = arith.addi %iota3A, %add3A_357 : vector<16xi32>
          %and3A_359 = arith.constant 31 : i32
          %and3A_360 = vector.broadcast %and3A_359 : i32 to vector<16xi32>
          %and3A_361 = arith.andi %add3A_358, %and3A_360 : vector<16xi32>
          %gather3A_362 = tpu.vector_load_idx %arg5[%and3A_361, %add3A_344] : memref<32x512xf32, #tpu.memory_space<vmem>>[vector<16xi32>, vector<16xi32>], vector<16xf32>,
          %add3A_363 = arith.addi %mul3A_347, %and3A_361 : vector<16xi32>
          tpu.vector_store_idx %arg7[%add3A_363], %gather3A_362 : memref<16384xf32, #tpu.memory_space<vmem>>[vector<16xi32>], vector<16xf32>,
          %add3A_364 = arith.constant 2 : i32
          %add3A_365 = vector.broadcast %add3A_364 : i32 to vector<16xi32>
          %add3A_366 = arith.addi %iota3A, %add3A_365 : vector<16xi32>
          %and3A_367 = arith.constant 31 : i32
          %and3A_368 = vector.broadcast %and3A_367 : i32 to vector<16xi32>
          %and3A_369 = arith.andi %add3A_366, %and3A_368 : vector<16xi32>
          %gather3A_370 = tpu.vector_load_idx %arg5[%and3A_369, %add3A_344] : memref<32x512xf32, #tpu.memory_space<vmem>>[vector<16xi32>, vector<16xi32>], vector<16xf32>,
          %add3A_371 = arith.addi %mul3A_347, %and3A_369 : vector<16xi32>
          tpu.vector_store_idx %arg7[%add3A_371], %gather3A_370 : memref<16384xf32, #tpu.memory_space<vmem>>[vector<16xi32>], vector<16xf32>,
          %add3A_372 = arith.constant 3 : i32
          %add3A_373 = vector.broadcast %add3A_372 : i32 to vector<16xi32>
          %add3A_374 = arith.addi %iota3A, %add3A_373 : vector<16xi32>
          %and3A_375 = arith.constant 31 : i32
          %and3A_376 = vector.broadcast %and3A_375 : i32 to vector<16xi32>
          %and3A_377 = arith.andi %add3A_374, %and3A_376 : vector<16xi32>
          %gather3A_378 = tpu.vector_load_idx %arg5[%and3A_377, %add3A_344] : memref<32x512xf32, #tpu.memory_space<vmem>>[vector<16xi32>, vector<16xi32>], vector<16xf32>,
          %add3A_379 = arith.addi %mul3A_347, %and3A_377 : vector<16xi32>
          tpu.vector_store_idx %arg7[%add3A_379], %gather3A_378 : memref<16384xf32, #tpu.memory_space<vmem>>[vector<16xi32>], vector<16xf32>,
          %add3A_380 = arith.constant 4 : i32
          %add3A_381 = vector.broadcast %add3A_380 : i32 to vector<16xi32>
          %add3A_382 = arith.addi %iota3A, %add3A_381 : vector<16xi32>
          %and3A_383 = arith.constant 31 : i32
          %and3A_384 = vector.broadcast %and3A_383 : i32 to vector<16xi32>
          %and3A_385 = arith.andi %add3A_382, %and3A_384 : vector<16xi32>
          %gather3A_386 = tpu.vector_load_idx %arg5[%and3A_385, %add3A_344] : memref<32x512xf32, #tpu.memory_space<vmem>>[vector<16xi32>, vector<16xi32>], vector<16xf32>,
          %add3A_387 = arith.addi %mul3A_347, %and3A_385 : vector<16xi32>
          tpu.vector_store_idx %arg7[%add3A_387], %gather3A_386 : memref<16384xf32, #tpu.memory_space<vmem>>[vector<16xi32>], vector<16xf32>,
          %add3A_388 = arith.constant 5 : i32
          %add3A_389 = vector.broadcast %add3A_388 : i32 to vector<16xi32>
          %add3A_390 = arith.addi %iota3A, %add3A_389 : vector<16xi32>
          %and3A_391 = arith.constant 31 : i32
          %and3A_392 = vector.broadcast %and3A_391 : i32 to vector<16xi32>
          %and3A_393 = arith.andi %add3A_390, %and3A_392 : vector<16xi32>
          %gather3A_394 = tpu.vector_load_idx %arg5[%and3A_393, %add3A_344] : memref<32x512xf32, #tpu.memory_space<vmem>>[vector<16xi32>, vector<16xi32>], vector<16xf32>,
          %add3A_395 = arith.addi %mul3A_347, %and3A_393 : vector<16xi32>
          tpu.vector_store_idx %arg7[%add3A_395], %gather3A_394 : memref<16384xf32, #tpu.memory_space<vmem>>[vector<16xi32>], vector<16xf32>,
          %add3A_396 = arith.constant 6 : i32
          %add3A_397 = vector.broadcast %add3A_396 : i32 to vector<16xi32>
          %add3A_398 = arith.addi %iota3A, %add3A_397 : vector<16xi32>
          %and3A_399 = arith.constant 31 : i32
          %and3A_400 = vector.broadcast %and3A_399 : i32 to vector<16xi32>
          %and3A_401 = arith.andi %add3A_398, %and3A_400 : vector<16xi32>
          %gather3A_402 = tpu.vector_load_idx %arg5[%and3A_401, %add3A_344] : memref<32x512xf32, #tpu.memory_space<vmem>>[vector<16xi32>, vector<16xi32>], vector<16xf32>,
          %add3A_403 = arith.addi %mul3A_347, %and3A_401 : vector<16xi32>
          tpu.vector_store_idx %arg7[%add3A_403], %gather3A_402 : memref<16384xf32, #tpu.memory_space<vmem>>[vector<16xi32>], vector<16xf32>,
          %add3A_404 = arith.constant 7 : i32
          %add3A_405 = vector.broadcast %add3A_404 : i32 to vector<16xi32>
          %add3A_406 = arith.addi %iota3A, %add3A_405 : vector<16xi32>
          %and3A_407 = arith.constant 31 : i32
          %and3A_408 = vector.broadcast %and3A_407 : i32 to vector<16xi32>
          %and3A_409 = arith.andi %add3A_406, %and3A_408 : vector<16xi32>
          %gather3A_410 = tpu.vector_load_idx %arg5[%and3A_409, %add3A_344] : memref<32x512xf32, #tpu.memory_space<vmem>>[vector<16xi32>, vector<16xi32>], vector<16xf32>,
          %add3A_411 = arith.addi %mul3A_347, %and3A_409 : vector<16xi32>
          tpu.vector_store_idx %arg7[%add3A_411], %gather3A_410 : memref<16384xf32, #tpu.memory_space<vmem>>[vector<16xi32>], vector<16xf32>,
          %add3A_412 = arith.constant 8 : i32
          %add3A_413 = vector.broadcast %add3A_412 : i32 to vector<16xi32>
          %add3A_414 = arith.addi %iota3A, %add3A_413 : vector<16xi32>
          %and3A_415 = arith.constant 31 : i32
          %and3A_416 = vector.broadcast %and3A_415 : i32 to vector<16xi32>
          %and3A_417 = arith.andi %add3A_414, %and3A_416 : vector<16xi32>
          %gather3A_418 = tpu.vector_load_idx %arg5[%and3A_417, %add3A_344] : memref<32x512xf32, #tpu.memory_space<vmem>>[vector<16xi32>, vector<16xi32>], vector<16xf32>,
          %add3A_419 = arith.addi %mul3A_347, %and3A_417 : vector<16xi32>
          tpu.vector_store_idx %arg7[%add3A_419], %gather3A_418 : memref<16384xf32, #tpu.memory_space<vmem>>[vector<16xi32>], vector<16xf32>,
          %add3A_420 = arith.constant 9 : i32
          %add3A_421 = vector.broadcast %add3A_420 : i32 to vector<16xi32>
          %add3A_422 = arith.addi %iota3A, %add3A_421 : vector<16xi32>
          %and3A_423 = arith.constant 31 : i32
          %and3A_424 = vector.broadcast %and3A_423 : i32 to vector<16xi32>
          %and3A_425 = arith.andi %add3A_422, %and3A_424 : vector<16xi32>
          %gather3A_426 = tpu.vector_load_idx %arg5[%and3A_425, %add3A_344] : memref<32x512xf32, #tpu.memory_space<vmem>>[vector<16xi32>, vector<16xi32>], vector<16xf32>,
          %add3A_427 = arith.addi %mul3A_347, %and3A_425 : vector<16xi32>
          tpu.vector_store_idx %arg7[%add3A_427], %gather3A_426 : memref<16384xf32, #tpu.memory_space<vmem>>[vector<16xi32>], vector<16xf32>,
          %add3A_428 = arith.constant 10 : i32
          %add3A_429 = vector.broadcast %add3A_428 : i32 to vector<16xi32>
          %add3A_430 = arith.addi %iota3A, %add3A_429 : vector<16xi32>
          %and3A_431 = arith.constant 31 : i32
          %and3A_432 = vector.broadcast %and3A_431 : i32 to vector<16xi32>
          %and3A_433 = arith.andi %add3A_430, %and3A_432 : vector<16xi32>
          %gather3A_434 = tpu.vector_load_idx %arg5[%and3A_433, %add3A_344] : memref<32x512xf32, #tpu.memory_space<vmem>>[vector<16xi32>, vector<16xi32>], vector<16xf32>,
          %add3A_435 = arith.addi %mul3A_347, %and3A_433 : vector<16xi32>
          tpu.vector_store_idx %arg7[%add3A_435], %gather3A_434 : memref<16384xf32, #tpu.memory_space<vmem>>[vector<16xi32>], vector<16xf32>,
          %add3A_436 = arith.constant 11 : i32
          %add3A_437 = vector.broadcast %add3A_436 : i32 to vector<16xi32>
          %add3A_438 = arith.addi %iota3A, %add3A_437 : vector<16xi32>
          %and3A_439 = arith.constant 31 : i32
          %and3A_440 = vector.broadcast %and3A_439 : i32 to vector<16xi32>
          %and3A_441 = arith.andi %add3A_438, %and3A_440 : vector<16xi32>
          %gather3A_442 = tpu.vector_load_idx %arg5[%and3A_441, %add3A_344] : memref<32x512xf32, #tpu.memory_space<vmem>>[vector<16xi32>, vector<16xi32>], vector<16xf32>,
          %add3A_443 = arith.addi %mul3A_347, %and3A_441 : vector<16xi32>
          tpu.vector_store_idx %arg7[%add3A_443], %gather3A_442 : memref<16384xf32, #tpu.memory_space<vmem>>[vector<16xi32>], vector<16xf32>,
          %add3A_444 = arith.constant 12 : i32
          %add3A_445 = vector.broadcast %add3A_444 : i32 to vector<16xi32>
          %add3A_446 = arith.addi %iota3A, %add3A_445 : vector<16xi32>
          %and3A_447 = arith.constant 31 : i32
          %and3A_448 = vector.broadcast %and3A_447 : i32 to vector<16xi32>
          %and3A_449 = arith.andi %add3A_446, %and3A_448 : vector<16xi32>
          %gather3A_450 = tpu.vector_load_idx %arg5[%and3A_449, %add3A_344] : memref<32x512xf32, #tpu.memory_space<vmem>>[vector<16xi32>, vector<16xi32>], vector<16xf32>,
          %add3A_451 = arith.addi %mul3A_347, %and3A_449 : vector<16xi32>
          tpu.vector_store_idx %arg7[%add3A_451], %gather3A_450 : memref<16384xf32, #tpu.memory_space<vmem>>[vector<16xi32>], vector<16xf32>,
          %add3A_452 = arith.constant 13 : i32
          %add3A_453 = vector.broadcast %add3A_452 : i32 to vector<16xi32>
          %add3A_454 = arith.addi %iota3A, %add3A_453 : vector<16xi32>
          %and3A_455 = arith.constant 31 : i32
          %and3A_456 = vector.broadcast %and3A_455 : i32 to vector<16xi32>
          %and3A_457 = arith.andi %add3A_454, %and3A_456 : vector<16xi32>
          %gather3A_458 = tpu.vector_load_idx %arg5[%and3A_457, %add3A_344] : memref<32x512xf32, #tpu.memory_space<vmem>>[vector<16xi32>, vector<16xi32>], vector<16xf32>,
          %add3A_459 = arith.addi %mul3A_347, %and3A_457 : vector<16xi32>
          tpu.vector_store_idx %arg7[%add3A_459], %gather3A_458 : memref<16384xf32, #tpu.memory_space<vmem>>[vector<16xi32>], vector<16xf32>,
          %add3A_460 = arith.constant 14 : i32
          %add3A_461 = vector.broadcast %add3A_460 : i32 to vector<16xi32>
          %add3A_462 = arith.addi %iota3A, %add3A_461 : vector<16xi32>
          %and3A_463 = arith.constant 31 : i32
          %and3A_464 = vector.broadcast %and3A_463 : i32 to vector<16xi32>
          %and3A_465 = arith.andi %add3A_462, %and3A_464 : vector<16xi32>
          %gather3A_466 = tpu.vector_load_idx %arg5[%and3A_465, %add3A_344] : memref<32x512xf32, #tpu.memory_space<vmem>>[vector<16xi32>, vector<16xi32>], vector<16xf32>,
          %add3A_467 = arith.addi %mul3A_347, %and3A_465 : vector<16xi32>
          tpu.vector_store_idx %arg7[%add3A_467], %gather3A_466 : memref<16384xf32, #tpu.memory_space<vmem>>[vector<16xi32>], vector<16xf32>,
          %add3A_468 = arith.constant 15 : i32
          %add3A_469 = vector.broadcast %add3A_468 : i32 to vector<16xi32>
          %add3A_470 = arith.addi %iota3A, %add3A_469 : vector<16xi32>
          %and3A_471 = arith.constant 31 : i32
          %and3A_472 = vector.broadcast %and3A_471 : i32 to vector<16xi32>
          %and3A_473 = arith.andi %add3A_470, %and3A_472 : vector<16xi32>
          %gather3A_474 = tpu.vector_load_idx %arg5[%and3A_473, %add3A_344] : memref<32x512xf32, #tpu.memory_space<vmem>>[vector<16xi32>, vector<16xi32>], vector<16xf32>,
          %add3A_475 = arith.addi %mul3A_347, %and3A_473 : vector<16xi32>
          tpu.vector_store_idx %arg7[%add3A_475], %gather3A_474 : memref<16384xf32, #tpu.memory_space<vmem>>[vector<16xi32>], vector<16xf32>,
          %add3A_476 = arith.constant 16 : i32
          %add3A_477 = vector.broadcast %add3A_476 : i32 to vector<16xi32>
          %add3A_478 = arith.addi %iota3A, %add3A_477 : vector<16xi32>
          %and3A_479 = arith.constant 31 : i32
          %and3A_480 = vector.broadcast %and3A_479 : i32 to vector<16xi32>
          %and3A_481 = arith.andi %add3A_478, %and3A_480 : vector<16xi32>
          %gather3A_482 = tpu.vector_load_idx %arg5[%and3A_481, %add3A_344] : memref<32x512xf32, #tpu.memory_space<vmem>>[vector<16xi32>, vector<16xi32>], vector<16xf32>,
          %add3A_483 = arith.addi %mul3A_347, %and3A_481 : vector<16xi32>
          tpu.vector_store_idx %arg7[%add3A_483], %gather3A_482 : memref<16384xf32, #tpu.memory_space<vmem>>[vector<16xi32>], vector<16xf32>,
          %add3A_484 = arith.constant 17 : i32
          %add3A_485 = vector.broadcast %add3A_484 : i32 to vector<16xi32>
          %add3A_486 = arith.addi %iota3A, %add3A_485 : vector<16xi32>
          %and3A_487 = arith.constant 31 : i32
          %and3A_488 = vector.broadcast %and3A_487 : i32 to vector<16xi32>
          %and3A_489 = arith.andi %add3A_486, %and3A_488 : vector<16xi32>
          %gather3A_490 = tpu.vector_load_idx %arg5[%and3A_489, %add3A_344] : memref<32x512xf32, #tpu.memory_space<vmem>>[vector<16xi32>, vector<16xi32>], vector<16xf32>,
          %add3A_491 = arith.addi %mul3A_347, %and3A_489 : vector<16xi32>
          tpu.vector_store_idx %arg7[%add3A_491], %gather3A_490 : memref<16384xf32, #tpu.memory_space<vmem>>[vector<16xi32>], vector<16xf32>,
          %add3A_492 = arith.constant 18 : i32
          %add3A_493 = vector.broadcast %add3A_492 : i32 to vector<16xi32>
          %add3A_494 = arith.addi %iota3A, %add3A_493 : vector<16xi32>
          %and3A_495 = arith.constant 31 : i32
          %and3A_496 = vector.broadcast %and3A_495 : i32 to vector<16xi32>
          %and3A_497 = arith.andi %add3A_494, %and3A_496 : vector<16xi32>
          %gather3A_498 = tpu.vector_load_idx %arg5[%and3A_497, %add3A_344] : memref<32x512xf32, #tpu.memory_space<vmem>>[vector<16xi32>, vector<16xi32>], vector<16xf32>,
          %add3A_499 = arith.addi %mul3A_347, %and3A_497 : vector<16xi32>
          tpu.vector_store_idx %arg7[%add3A_499], %gather3A_498 : memref<16384xf32, #tpu.memory_space<vmem>>[vector<16xi32>], vector<16xf32>,
          %add3A_500 = arith.constant 19 : i32
          %add3A_501 = vector.broadcast %add3A_500 : i32 to vector<16xi32>
          %add3A_502 = arith.addi %iota3A, %add3A_501 : vector<16xi32>
          %and3A_503 = arith.constant 31 : i32
          %and3A_504 = vector.broadcast %and3A_503 : i32 to vector<16xi32>
          %and3A_505 = arith.andi %add3A_502, %and3A_504 : vector<16xi32>
          %gather3A_506 = tpu.vector_load_idx %arg5[%and3A_505, %add3A_344] : memref<32x512xf32, #tpu.memory_space<vmem>>[vector<16xi32>, vector<16xi32>], vector<16xf32>,
          %add3A_507 = arith.addi %mul3A_347, %and3A_505 : vector<16xi32>
          tpu.vector_store_idx %arg7[%add3A_507], %gather3A_506 : memref<16384xf32, #tpu.memory_space<vmem>>[vector<16xi32>], vector<16xf32>,
          %add3A_508 = arith.constant 20 : i32
          %add3A_509 = vector.broadcast %add3A_508 : i32 to vector<16xi32>
          %add3A_510 = arith.addi %iota3A, %add3A_509 : vector<16xi32>
          %and3A_511 = arith.constant 31 : i32
          %and3A_512 = vector.broadcast %and3A_511 : i32 to vector<16xi32>
          %and3A_513 = arith.andi %add3A_510, %and3A_512 : vector<16xi32>
          %gather3A_514 = tpu.vector_load_idx %arg5[%and3A_513, %add3A_344] : memref<32x512xf32, #tpu.memory_space<vmem>>[vector<16xi32>, vector<16xi32>], vector<16xf32>,
          %add3A_515 = arith.addi %mul3A_347, %and3A_513 : vector<16xi32>
          tpu.vector_store_idx %arg7[%add3A_515], %gather3A_514 : memref<16384xf32, #tpu.memory_space<vmem>>[vector<16xi32>], vector<16xf32>,
          %add3A_516 = arith.constant 21 : i32
          %add3A_517 = vector.broadcast %add3A_516 : i32 to vector<16xi32>
          %add3A_518 = arith.addi %iota3A, %add3A_517 : vector<16xi32>
          %and3A_519 = arith.constant 31 : i32
          %and3A_520 = vector.broadcast %and3A_519 : i32 to vector<16xi32>
          %and3A_521 = arith.andi %add3A_518, %and3A_520 : vector<16xi32>
          %gather3A_522 = tpu.vector_load_idx %arg5[%and3A_521, %add3A_344] : memref<32x512xf32, #tpu.memory_space<vmem>>[vector<16xi32>, vector<16xi32>], vector<16xf32>,
          %add3A_523 = arith.addi %mul3A_347, %and3A_521 : vector<16xi32>
          tpu.vector_store_idx %arg7[%add3A_523], %gather3A_522 : memref<16384xf32, #tpu.memory_space<vmem>>[vector<16xi32>], vector<16xf32>,
          %add3A_524 = arith.constant 22 : i32
          %add3A_525 = vector.broadcast %add3A_524 : i32 to vector<16xi32>
          %add3A_526 = arith.addi %iota3A, %add3A_525 : vector<16xi32>
          %and3A_527 = arith.constant 31 : i32
          %and3A_528 = vector.broadcast %and3A_527 : i32 to vector<16xi32>
          %and3A_529 = arith.andi %add3A_526, %and3A_528 : vector<16xi32>
          %gather3A_530 = tpu.vector_load_idx %arg5[%and3A_529, %add3A_344] : memref<32x512xf32, #tpu.memory_space<vmem>>[vector<16xi32>, vector<16xi32>], vector<16xf32>,
          %add3A_531 = arith.addi %mul3A_347, %and3A_529 : vector<16xi32>
          tpu.vector_store_idx %arg7[%add3A_531], %gather3A_530 : memref<16384xf32, #tpu.memory_space<vmem>>[vector<16xi32>], vector<16xf32>,
          %add3A_532 = arith.constant 23 : i32
          %add3A_533 = vector.broadcast %add3A_532 : i32 to vector<16xi32>
          %add3A_534 = arith.addi %iota3A, %add3A_533 : vector<16xi32>
          %and3A_535 = arith.constant 31 : i32
          %and3A_536 = vector.broadcast %and3A_535 : i32 to vector<16xi32>
          %and3A_537 = arith.andi %add3A_534, %and3A_536 : vector<16xi32>
          %gather3A_538 = tpu.vector_load_idx %arg5[%and3A_537, %add3A_344] : memref<32x512xf32, #tpu.memory_space<vmem>>[vector<16xi32>, vector<16xi32>], vector<16xf32>,
          %add3A_539 = arith.addi %mul3A_347, %and3A_537 : vector<16xi32>
          tpu.vector_store_idx %arg7[%add3A_539], %gather3A_538 : memref<16384xf32, #tpu.memory_space<vmem>>[vector<16xi32>], vector<16xf32>,
          %add3A_540 = arith.constant 24 : i32
          %add3A_541 = vector.broadcast %add3A_540 : i32 to vector<16xi32>
          %add3A_542 = arith.addi %iota3A, %add3A_541 : vector<16xi32>
          %and3A_543 = arith.constant 31 : i32
          %and3A_544 = vector.broadcast %and3A_543 : i32 to vector<16xi32>
          %and3A_545 = arith.andi %add3A_542, %and3A_544 : vector<16xi32>
          %gather3A_546 = tpu.vector_load_idx %arg5[%and3A_545, %add3A_344] : memref<32x512xf32, #tpu.memory_space<vmem>>[vector<16xi32>, vector<16xi32>], vector<16xf32>,
          %add3A_547 = arith.addi %mul3A_347, %and3A_545 : vector<16xi32>
          tpu.vector_store_idx %arg7[%add3A_547], %gather3A_546 : memref<16384xf32, #tpu.memory_space<vmem>>[vector<16xi32>], vector<16xf32>,
          %add3A_548 = arith.constant 25 : i32
          %add3A_549 = vector.broadcast %add3A_548 : i32 to vector<16xi32>
          %add3A_550 = arith.addi %iota3A, %add3A_549 : vector<16xi32>
          %and3A_551 = arith.constant 31 : i32
          %and3A_552 = vector.broadcast %and3A_551 : i32 to vector<16xi32>
          %and3A_553 = arith.andi %add3A_550, %and3A_552 : vector<16xi32>
          %gather3A_554 = tpu.vector_load_idx %arg5[%and3A_553, %add3A_344] : memref<32x512xf32, #tpu.memory_space<vmem>>[vector<16xi32>, vector<16xi32>], vector<16xf32>,
          %add3A_555 = arith.addi %mul3A_347, %and3A_553 : vector<16xi32>
          tpu.vector_store_idx %arg7[%add3A_555], %gather3A_554 : memref<16384xf32, #tpu.memory_space<vmem>>[vector<16xi32>], vector<16xf32>,
          %add3A_556 = arith.constant 26 : i32
          %add3A_557 = vector.broadcast %add3A_556 : i32 to vector<16xi32>
          %add3A_558 = arith.addi %iota3A, %add3A_557 : vector<16xi32>
          %and3A_559 = arith.constant 31 : i32
          %and3A_560 = vector.broadcast %and3A_559 : i32 to vector<16xi32>
          %and3A_561 = arith.andi %add3A_558, %and3A_560 : vector<16xi32>
          %gather3A_562 = tpu.vector_load_idx %arg5[%and3A_561, %add3A_344] : memref<32x512xf32, #tpu.memory_space<vmem>>[vector<16xi32>, vector<16xi32>], vector<16xf32>,
          %add3A_563 = arith.addi %mul3A_347, %and3A_561 : vector<16xi32>
          tpu.vector_store_idx %arg7[%add3A_563], %gather3A_562 : memref<16384xf32, #tpu.memory_space<vmem>>[vector<16xi32>], vector<16xf32>,
          %add3A_564 = arith.constant 27 : i32
          %add3A_565 = vector.broadcast %add3A_564 : i32 to vector<16xi32>
          %add3A_566 = arith.addi %iota3A, %add3A_565 : vector<16xi32>
          %and3A_567 = arith.constant 31 : i32
          %and3A_568 = vector.broadcast %and3A_567 : i32 to vector<16xi32>
          %and3A_569 = arith.andi %add3A_566, %and3A_568 : vector<16xi32>
          %gather3A_570 = tpu.vector_load_idx %arg5[%and3A_569, %add3A_344] : memref<32x512xf32, #tpu.memory_space<vmem>>[vector<16xi32>, vector<16xi32>], vector<16xf32>,
          %add3A_571 = arith.addi %mul3A_347, %and3A_569 : vector<16xi32>
          tpu.vector_store_idx %arg7[%add3A_571], %gather3A_570 : memref<16384xf32, #tpu.memory_space<vmem>>[vector<16xi32>], vector<16xf32>,
          %add3A_572 = arith.constant 28 : i32
          %add3A_573 = vector.broadcast %add3A_572 : i32 to vector<16xi32>
          %add3A_574 = arith.addi %iota3A, %add3A_573 : vector<16xi32>
          %and3A_575 = arith.constant 31 : i32
          %and3A_576 = vector.broadcast %and3A_575 : i32 to vector<16xi32>
          %and3A_577 = arith.andi %add3A_574, %and3A_576 : vector<16xi32>
          %gather3A_578 = tpu.vector_load_idx %arg5[%and3A_577, %add3A_344] : memref<32x512xf32, #tpu.memory_space<vmem>>[vector<16xi32>, vector<16xi32>], vector<16xf32>,
          %add3A_579 = arith.addi %mul3A_347, %and3A_577 : vector<16xi32>
          tpu.vector_store_idx %arg7[%add3A_579], %gather3A_578 : memref<16384xf32, #tpu.memory_space<vmem>>[vector<16xi32>], vector<16xf32>,
          %add3A_580 = arith.constant 29 : i32
          %add3A_581 = vector.broadcast %add3A_580 : i32 to vector<16xi32>
          %add3A_582 = arith.addi %iota3A, %add3A_581 : vector<16xi32>
          %and3A_583 = arith.constant 31 : i32
          %and3A_584 = vector.broadcast %and3A_583 : i32 to vector<16xi32>
          %and3A_585 = arith.andi %add3A_582, %and3A_584 : vector<16xi32>
          %gather3A_586 = tpu.vector_load_idx %arg5[%and3A_585, %add3A_344] : memref<32x512xf32, #tpu.memory_space<vmem>>[vector<16xi32>, vector<16xi32>], vector<16xf32>,
          %add3A_587 = arith.addi %mul3A_347, %and3A_585 : vector<16xi32>
          tpu.vector_store_idx %arg7[%add3A_587], %gather3A_586 : memref<16384xf32, #tpu.memory_space<vmem>>[vector<16xi32>], vector<16xf32>,
          %add3A_588 = arith.constant 30 : i32
          %add3A_589 = vector.broadcast %add3A_588 : i32 to vector<16xi32>
          %add3A_590 = arith.addi %iota3A, %add3A_589 : vector<16xi32>
          %and3A_591 = arith.constant 31 : i32
          %and3A_592 = vector.broadcast %and3A_591 : i32 to vector<16xi32>
          %and3A_593 = arith.andi %add3A_590, %and3A_592 : vector<16xi32>
          %gather3A_594 = tpu.vector_load_idx %arg5[%and3A_593, %add3A_344] : memref<32x512xf32, #tpu.memory_space<vmem>>[vector<16xi32>, vector<16xi32>], vector<16xf32>,
          %add3A_595 = arith.addi %mul3A_347, %and3A_593 : vector<16xi32>
          tpu.vector_store_idx %arg7[%add3A_595], %gather3A_594 : memref<16384xf32, #tpu.memory_space<vmem>>[vector<16xi32>], vector<16xf32>,
          %add3A_596 = arith.constant 31 : i32
          %add3A_597 = vector.broadcast %add3A_596 : i32 to vector<16xi32>
          %add3A_598 = arith.addi %iota3A, %add3A_597 : vector<16xi32>
          %and3A_599 = arith.constant 31 : i32
          %and3A_600 = vector.broadcast %and3A_599 : i32 to vector<16xi32>
          %and3A_601 = arith.andi %add3A_598, %and3A_600 : vector<16xi32>
          %gather3A_602 = tpu.vector_load_idx %arg5[%and3A_601, %add3A_344] : memref<32x512xf32, #tpu.memory_space<vmem>>[vector<16xi32>, vector<16xi32>], vector<16xf32>,
          %add3A_603 = arith.addi %mul3A_347, %and3A_601 : vector<16xi32>
          tpu.vector_store_idx %arg7[%add3A_603], %gather3A_602 : memref<16384xf32, #tpu.memory_space<vmem>>[vector<16xi32>], vector<16xf32>,
          %scan3A_604 = arith.constant 0 : i32
          scf.yield %scan3A_604 : i32
        }
        %scan3A_62 = arith.constant 32 : i32
        %ge3A_63 = arith.constant 2 : i32
        %ge3A_64 = arith.cmpi sge, %while3A_31, %ge3A_63 : i32
        %convert_element_type3A_65 = arith.extui %ge3A_64 : i1 to i32
        %cond3A_66 = arith.constant 0 : i32
        %cond3A_67 = arith.cmpi ne, %convert_element_type3A_65, %cond3A_66 : i32
        scf.if %cond3A_67 {
          %dma_wait3A_74 = arith.constant 0 : i32
          %dma_wait3A_75 = tpu.memref_slice %arg4[%dma_wait3A_74] : memref<32002048xf32, #tpu.memory_space<hbm>> -> memref<16384xf32, #tpu.memory_space<hbm>>
          %dma_wait3A_76 = arith.constant 0 : i32
          %dma_wait3A_77 = tpu.memref_slice %arg4[%dma_wait3A_76] : memref<32002048xf32, #tpu.memory_space<hbm>> -> memref<16384xf32, #tpu.memory_space<hbm>>
          tpu.wait_dma2 semaphore(%arg11 : memref<!tpu.dma_semaphore, #tpu.memory_space<semaphore_mem>>) src(%arg7 : memref<16384xf32, #tpu.memory_space<vmem>>) dst(%dma_wait3A_77 : memref<16384xf32, #tpu.memory_space<hbm>>)
        } else {
        }
        %add3A_68 = arith.addi %mul3A_2, %while3A_31 : i32
        %mul3A_69 = arith.constant 512 : i32
        %mul3A_70 = arith.muli %add3A_68, %mul3A_69 : i32
        %mul3A_71 = arith.constant 32 : i32
        %mul3A_72 = arith.muli %mul3A_70, %mul3A_71 : i32
        %dma_start3A = tpu.memref_slice %arg4[%mul3A_72] : memref<32002048xf32, #tpu.memory_space<hbm>> -> memref<16384xf32, #tpu.memory_space<hbm>>
        %dma_start3A_73 = tpu.memref_slice %arg4[%mul3A_72] : memref<32002048xf32, #tpu.memory_space<hbm>> -> memref<16384xf32, #tpu.memory_space<hbm>>
        tpu.enqueue_dma source(%arg7 : memref<16384xf32, #tpu.memory_space<vmem>>) target(%dma_start3A_73 : memref<16384xf32, #tpu.memory_space<hbm>>) target_semaphore(%arg11 : memref<!tpu.dma_semaphore, #tpu.memory_space<semaphore_mem>>)
      } else {
      }
      %and3A_44 = arith.constant 1 : i32
      %and3A_45 = arith.andi %while3A_31, %and3A_44 : i32
      %eq3A_46 = arith.constant 1 : i32
      %eq3A_47 = arith.cmpi eq, %and3A_45, %eq3A_46 : i32
      %convert_element_type3A_48 = arith.extui %eq3A_47 : i1 to i32
      %cond3A_49 = arith.constant 0 : i32
      %cond3A_50 = arith.cmpi ne, %convert_element_type3A_48, %cond3A_49 : i32
      scf.if %cond3A_50 {
        %mul3A_52 = arith.constant 512 : i32
        %mul3A_53 = arith.muli %mul3A_2, %mul3A_52 : i32
        %dma_wait3A = arith.constant 0 : i32
        %dma_wait3A_54 = tpu.memref_slice %arg2[%dma_wait3A, %mul3A_53] : memref<32x1000000xf32, #tpu.memory_space<hbm>> -> memref<32x512xf32, #tpu.memory_space<hbm>>
        %dma_wait3A_55 = arith.constant 0 : i32
        %dma_wait3A_56 = tpu.memref_slice %arg2[%dma_wait3A_55, %mul3A_53] : memref<32x1000000xf32, #tpu.memory_space<hbm>> -> memref<32x512xf32, #tpu.memory_space<hbm>>
        tpu.wait_dma2 semaphore(%arg10 : memref<!tpu.dma_semaphore, #tpu.memory_space<semaphore_mem>>) src(%dma_wait3A_56 : memref<32x512xf32, #tpu.memory_space<hbm>>) dst(%arg6 : memref<32x512xf32, #tpu.memory_space<vmem>>)
        %scan3A = arith.constant 0 : i32
        %scan3A_57 = arith.constant 0 : i32
        %scan3A_58 = arith.constant 32 : i32
        %scan3A_59 = arith.addi %scan3A_57, %scan3A_58 : i32
        %scan3A_60 = arith.constant 2 : i32
        %scan3A_61 = scf.for %scan3A_74 = %scan3A_57 to %scan3A_59 step %scan3A_60 iter_args(%scan3A_75 = %scan3A) -> (i32)  : i32 {
          %mul3A_76 = arith.constant 16 : i32
          %mul3A_77 = arith.muli %scan3A_74, %mul3A_76 : i32
          %add3A_78 = vector.broadcast %mul3A_77 : i32 to vector<16xi32>
          %add3A_79 = arith.addi %add3A_78, %iota3A : vector<16xi32>
          %mul3A_80 = arith.constant 32 : i32
          %mul3A_81 = vector.broadcast %mul3A_80 : i32 to vector<16xi32>
          %mul3A_82 = arith.muli %add3A_79, %mul3A_81 : vector<16xi32>
          %add3A_83 = arith.constant 0 : i32
          %add3A_84 = vector.broadcast %add3A_83 : i32 to vector<16xi32>
          %add3A_85 = arith.addi %iota3A, %add3A_84 : vector<16xi32>
          %and3A_86 = arith.constant 31 : i32
          %and3A_87 = vector.broadcast %and3A_86 : i32 to vector<16xi32>
          %and3A_88 = arith.andi %add3A_85, %and3A_87 : vector<16xi32>
          %gather3A = tpu.vector_load_idx %arg6[%and3A_88, %add3A_79] : memref<32x512xf32, #tpu.memory_space<vmem>>[vector<16xi32>, vector<16xi32>], vector<16xf32>,
          %add3A_89 = arith.addi %mul3A_82, %and3A_88 : vector<16xi32>
          tpu.vector_store_idx %arg8[%add3A_89], %gather3A : memref<16384xf32, #tpu.memory_space<vmem>>[vector<16xi32>], vector<16xf32>,
          %add3A_90 = arith.constant 1 : i32
          %add3A_91 = vector.broadcast %add3A_90 : i32 to vector<16xi32>
          %add3A_92 = arith.addi %iota3A, %add3A_91 : vector<16xi32>
          %and3A_93 = arith.constant 31 : i32
          %and3A_94 = vector.broadcast %and3A_93 : i32 to vector<16xi32>
          %and3A_95 = arith.andi %add3A_92, %and3A_94 : vector<16xi32>
          %gather3A_96 = tpu.vector_load_idx %arg6[%and3A_95, %add3A_79] : memref<32x512xf32, #tpu.memory_space<vmem>>[vector<16xi32>, vector<16xi32>], vector<16xf32>,
          %add3A_97 = arith.addi %mul3A_82, %and3A_95 : vector<16xi32>
          tpu.vector_store_idx %arg8[%add3A_97], %gather3A_96 : memref<16384xf32, #tpu.memory_space<vmem>>[vector<16xi32>], vector<16xf32>,
          %add3A_98 = arith.constant 2 : i32
          %add3A_99 = vector.broadcast %add3A_98 : i32 to vector<16xi32>
          %add3A_100 = arith.addi %iota3A, %add3A_99 : vector<16xi32>
          %and3A_101 = arith.constant 31 : i32
          %and3A_102 = vector.broadcast %and3A_101 : i32 to vector<16xi32>
          %and3A_103 = arith.andi %add3A_100, %and3A_102 : vector<16xi32>
          %gather3A_104 = tpu.vector_load_idx %arg6[%and3A_103, %add3A_79] : memref<32x512xf32, #tpu.memory_space<vmem>>[vector<16xi32>, vector<16xi32>], vector<16xf32>,
          %add3A_105 = arith.addi %mul3A_82, %and3A_103 : vector<16xi32>
          tpu.vector_store_idx %arg8[%add3A_105], %gather3A_104 : memref<16384xf32, #tpu.memory_space<vmem>>[vector<16xi32>], vector<16xf32>,
          %add3A_106 = arith.constant 3 : i32
          %add3A_107 = vector.broadcast %add3A_106 : i32 to vector<16xi32>
          %add3A_108 = arith.addi %iota3A, %add3A_107 : vector<16xi32>
          %and3A_109 = arith.constant 31 : i32
          %and3A_110 = vector.broadcast %and3A_109 : i32 to vector<16xi32>
          %and3A_111 = arith.andi %add3A_108, %and3A_110 : vector<16xi32>
          %gather3A_112 = tpu.vector_load_idx %arg6[%and3A_111, %add3A_79] : memref<32x512xf32, #tpu.memory_space<vmem>>[vector<16xi32>, vector<16xi32>], vector<16xf32>,
          %add3A_113 = arith.addi %mul3A_82, %and3A_111 : vector<16xi32>
          tpu.vector_store_idx %arg8[%add3A_113], %gather3A_112 : memref<16384xf32, #tpu.memory_space<vmem>>[vector<16xi32>], vector<16xf32>,
          %add3A_114 = arith.constant 4 : i32
          %add3A_115 = vector.broadcast %add3A_114 : i32 to vector<16xi32>
          %add3A_116 = arith.addi %iota3A, %add3A_115 : vector<16xi32>
          %and3A_117 = arith.constant 31 : i32
          %and3A_118 = vector.broadcast %and3A_117 : i32 to vector<16xi32>
          %and3A_119 = arith.andi %add3A_116, %and3A_118 : vector<16xi32>
          %gather3A_120 = tpu.vector_load_idx %arg6[%and3A_119, %add3A_79] : memref<32x512xf32, #tpu.memory_space<vmem>>[vector<16xi32>, vector<16xi32>], vector<16xf32>,
          %add3A_121 = arith.addi %mul3A_82, %and3A_119 : vector<16xi32>
          tpu.vector_store_idx %arg8[%add3A_121], %gather3A_120 : memref<16384xf32, #tpu.memory_space<vmem>>[vector<16xi32>], vector<16xf32>,
          %add3A_122 = arith.constant 5 : i32
          %add3A_123 = vector.broadcast %add3A_122 : i32 to vector<16xi32>
          %add3A_124 = arith.addi %iota3A, %add3A_123 : vector<16xi32>
          %and3A_125 = arith.constant 31 : i32
          %and3A_126 = vector.broadcast %and3A_125 : i32 to vector<16xi32>
          %and3A_127 = arith.andi %add3A_124, %and3A_126 : vector<16xi32>
          %gather3A_128 = tpu.vector_load_idx %arg6[%and3A_127, %add3A_79] : memref<32x512xf32, #tpu.memory_space<vmem>>[vector<16xi32>, vector<16xi32>], vector<16xf32>,
          %add3A_129 = arith.addi %mul3A_82, %and3A_127 : vector<16xi32>
          tpu.vector_store_idx %arg8[%add3A_129], %gather3A_128 : memref<16384xf32, #tpu.memory_space<vmem>>[vector<16xi32>], vector<16xf32>,
          %add3A_130 = arith.constant 6 : i32
          %add3A_131 = vector.broadcast %add3A_130 : i32 to vector<16xi32>
          %add3A_132 = arith.addi %iota3A, %add3A_131 : vector<16xi32>
          %and3A_133 = arith.constant 31 : i32
          %and3A_134 = vector.broadcast %and3A_133 : i32 to vector<16xi32>
          %and3A_135 = arith.andi %add3A_132, %and3A_134 : vector<16xi32>
          %gather3A_136 = tpu.vector_load_idx %arg6[%and3A_135, %add3A_79] : memref<32x512xf32, #tpu.memory_space<vmem>>[vector<16xi32>, vector<16xi32>], vector<16xf32>,
          %add3A_137 = arith.addi %mul3A_82, %and3A_135 : vector<16xi32>
          tpu.vector_store_idx %arg8[%add3A_137], %gather3A_136 : memref<16384xf32, #tpu.memory_space<vmem>>[vector<16xi32>], vector<16xf32>,
          %add3A_138 = arith.constant 7 : i32
          %add3A_139 = vector.broadcast %add3A_138 : i32 to vector<16xi32>
          %add3A_140 = arith.addi %iota3A, %add3A_139 : vector<16xi32>
          %and3A_141 = arith.constant 31 : i32
          %and3A_142 = vector.broadcast %and3A_141 : i32 to vector<16xi32>
          %and3A_143 = arith.andi %add3A_140, %and3A_142 : vector<16xi32>
          %gather3A_144 = tpu.vector_load_idx %arg6[%and3A_143, %add3A_79] : memref<32x512xf32, #tpu.memory_space<vmem>>[vector<16xi32>, vector<16xi32>], vector<16xf32>,
          %add3A_145 = arith.addi %mul3A_82, %and3A_143 : vector<16xi32>
          tpu.vector_store_idx %arg8[%add3A_145], %gather3A_144 : memref<16384xf32, #tpu.memory_space<vmem>>[vector<16xi32>], vector<16xf32>,
          %add3A_146 = arith.constant 8 : i32
          %add3A_147 = vector.broadcast %add3A_146 : i32 to vector<16xi32>
          %add3A_148 = arith.addi %iota3A, %add3A_147 : vector<16xi32>
          %and3A_149 = arith.constant 31 : i32
          %and3A_150 = vector.broadcast %and3A_149 : i32 to vector<16xi32>
          %and3A_151 = arith.andi %add3A_148, %and3A_150 : vector<16xi32>
          %gather3A_152 = tpu.vector_load_idx %arg6[%and3A_151, %add3A_79] : memref<32x512xf32, #tpu.memory_space<vmem>>[vector<16xi32>, vector<16xi32>], vector<16xf32>,
          %add3A_153 = arith.addi %mul3A_82, %and3A_151 : vector<16xi32>
          tpu.vector_store_idx %arg8[%add3A_153], %gather3A_152 : memref<16384xf32, #tpu.memory_space<vmem>>[vector<16xi32>], vector<16xf32>,
          %add3A_154 = arith.constant 9 : i32
          %add3A_155 = vector.broadcast %add3A_154 : i32 to vector<16xi32>
          %add3A_156 = arith.addi %iota3A, %add3A_155 : vector<16xi32>
          %and3A_157 = arith.constant 31 : i32
          %and3A_158 = vector.broadcast %and3A_157 : i32 to vector<16xi32>
          %and3A_159 = arith.andi %add3A_156, %and3A_158 : vector<16xi32>
          %gather3A_160 = tpu.vector_load_idx %arg6[%and3A_159, %add3A_79] : memref<32x512xf32, #tpu.memory_space<vmem>>[vector<16xi32>, vector<16xi32>], vector<16xf32>,
          %add3A_161 = arith.addi %mul3A_82, %and3A_159 : vector<16xi32>
          tpu.vector_store_idx %arg8[%add3A_161], %gather3A_160 : memref<16384xf32, #tpu.memory_space<vmem>>[vector<16xi32>], vector<16xf32>,
          %add3A_162 = arith.constant 10 : i32
          %add3A_163 = vector.broadcast %add3A_162 : i32 to vector<16xi32>
          %add3A_164 = arith.addi %iota3A, %add3A_163 : vector<16xi32>
          %and3A_165 = arith.constant 31 : i32
          %and3A_166 = vector.broadcast %and3A_165 : i32 to vector<16xi32>
          %and3A_167 = arith.andi %add3A_164, %and3A_166 : vector<16xi32>
          %gather3A_168 = tpu.vector_load_idx %arg6[%and3A_167, %add3A_79] : memref<32x512xf32, #tpu.memory_space<vmem>>[vector<16xi32>, vector<16xi32>], vector<16xf32>,
          %add3A_169 = arith.addi %mul3A_82, %and3A_167 : vector<16xi32>
          tpu.vector_store_idx %arg8[%add3A_169], %gather3A_168 : memref<16384xf32, #tpu.memory_space<vmem>>[vector<16xi32>], vector<16xf32>,
          %add3A_170 = arith.constant 11 : i32
          %add3A_171 = vector.broadcast %add3A_170 : i32 to vector<16xi32>
          %add3A_172 = arith.addi %iota3A, %add3A_171 : vector<16xi32>
          %and3A_173 = arith.constant 31 : i32
          %and3A_174 = vector.broadcast %and3A_173 : i32 to vector<16xi32>
          %and3A_175 = arith.andi %add3A_172, %and3A_174 : vector<16xi32>
          %gather3A_176 = tpu.vector_load_idx %arg6[%and3A_175, %add3A_79] : memref<32x512xf32, #tpu.memory_space<vmem>>[vector<16xi32>, vector<16xi32>], vector<16xf32>,
          %add3A_177 = arith.addi %mul3A_82, %and3A_175 : vector<16xi32>
          tpu.vector_store_idx %arg8[%add3A_177], %gather3A_176 : memref<16384xf32, #tpu.memory_space<vmem>>[vector<16xi32>], vector<16xf32>,
          %add3A_178 = arith.constant 12 : i32
          %add3A_179 = vector.broadcast %add3A_178 : i32 to vector<16xi32>
          %add3A_180 = arith.addi %iota3A, %add3A_179 : vector<16xi32>
          %and3A_181 = arith.constant 31 : i32
          %and3A_182 = vector.broadcast %and3A_181 : i32 to vector<16xi32>
          %and3A_183 = arith.andi %add3A_180, %and3A_182 : vector<16xi32>
          %gather3A_184 = tpu.vector_load_idx %arg6[%and3A_183, %add3A_79] : memref<32x512xf32, #tpu.memory_space<vmem>>[vector<16xi32>, vector<16xi32>], vector<16xf32>,
          %add3A_185 = arith.addi %mul3A_82, %and3A_183 : vector<16xi32>
          tpu.vector_store_idx %arg8[%add3A_185], %gather3A_184 : memref<16384xf32, #tpu.memory_space<vmem>>[vector<16xi32>], vector<16xf32>,
          %add3A_186 = arith.constant 13 : i32
          %add3A_187 = vector.broadcast %add3A_186 : i32 to vector<16xi32>
          %add3A_188 = arith.addi %iota3A, %add3A_187 : vector<16xi32>
          %and3A_189 = arith.constant 31 : i32
          %and3A_190 = vector.broadcast %and3A_189 : i32 to vector<16xi32>
          %and3A_191 = arith.andi %add3A_188, %and3A_190 : vector<16xi32>
          %gather3A_192 = tpu.vector_load_idx %arg6[%and3A_191, %add3A_79] : memref<32x512xf32, #tpu.memory_space<vmem>>[vector<16xi32>, vector<16xi32>], vector<16xf32>,
          %add3A_193 = arith.addi %mul3A_82, %and3A_191 : vector<16xi32>
          tpu.vector_store_idx %arg8[%add3A_193], %gather3A_192 : memref<16384xf32, #tpu.memory_space<vmem>>[vector<16xi32>], vector<16xf32>,
          %add3A_194 = arith.constant 14 : i32
          %add3A_195 = vector.broadcast %add3A_194 : i32 to vector<16xi32>
          %add3A_196 = arith.addi %iota3A, %add3A_195 : vector<16xi32>
          %and3A_197 = arith.constant 31 : i32
          %and3A_198 = vector.broadcast %and3A_197 : i32 to vector<16xi32>
          %and3A_199 = arith.andi %add3A_196, %and3A_198 : vector<16xi32>
          %gather3A_200 = tpu.vector_load_idx %arg6[%and3A_199, %add3A_79] : memref<32x512xf32, #tpu.memory_space<vmem>>[vector<16xi32>, vector<16xi32>], vector<16xf32>,
          %add3A_201 = arith.addi %mul3A_82, %and3A_199 : vector<16xi32>
          tpu.vector_store_idx %arg8[%add3A_201], %gather3A_200 : memref<16384xf32, #tpu.memory_space<vmem>>[vector<16xi32>], vector<16xf32>,
          %add3A_202 = arith.constant 15 : i32
          %add3A_203 = vector.broadcast %add3A_202 : i32 to vector<16xi32>
          %add3A_204 = arith.addi %iota3A, %add3A_203 : vector<16xi32>
          %and3A_205 = arith.constant 31 : i32
          %and3A_206 = vector.broadcast %and3A_205 : i32 to vector<16xi32>
          %and3A_207 = arith.andi %add3A_204, %and3A_206 : vector<16xi32>
          %gather3A_208 = tpu.vector_load_idx %arg6[%and3A_207, %add3A_79] : memref<32x512xf32, #tpu.memory_space<vmem>>[vector<16xi32>, vector<16xi32>], vector<16xf32>,
          %add3A_209 = arith.addi %mul3A_82, %and3A_207 : vector<16xi32>
          tpu.vector_store_idx %arg8[%add3A_209], %gather3A_208 : memref<16384xf32, #tpu.memory_space<vmem>>[vector<16xi32>], vector<16xf32>,
          %add3A_210 = arith.constant 16 : i32
          %add3A_211 = vector.broadcast %add3A_210 : i32 to vector<16xi32>
          %add3A_212 = arith.addi %iota3A, %add3A_211 : vector<16xi32>
          %and3A_213 = arith.constant 31 : i32
          %and3A_214 = vector.broadcast %and3A_213 : i32 to vector<16xi32>
          %and3A_215 = arith.andi %add3A_212, %and3A_214 : vector<16xi32>
          %gather3A_216 = tpu.vector_load_idx %arg6[%and3A_215, %add3A_79] : memref<32x512xf32, #tpu.memory_space<vmem>>[vector<16xi32>, vector<16xi32>], vector<16xf32>,
          %add3A_217 = arith.addi %mul3A_82, %and3A_215 : vector<16xi32>
          tpu.vector_store_idx %arg8[%add3A_217], %gather3A_216 : memref<16384xf32, #tpu.memory_space<vmem>>[vector<16xi32>], vector<16xf32>,
          %add3A_218 = arith.constant 17 : i32
          %add3A_219 = vector.broadcast %add3A_218 : i32 to vector<16xi32>
          %add3A_220 = arith.addi %iota3A, %add3A_219 : vector<16xi32>
          %and3A_221 = arith.constant 31 : i32
          %and3A_222 = vector.broadcast %and3A_221 : i32 to vector<16xi32>
          %and3A_223 = arith.andi %add3A_220, %and3A_222 : vector<16xi32>
          %gather3A_224 = tpu.vector_load_idx %arg6[%and3A_223, %add3A_79] : memref<32x512xf32, #tpu.memory_space<vmem>>[vector<16xi32>, vector<16xi32>], vector<16xf32>,
          %add3A_225 = arith.addi %mul3A_82, %and3A_223 : vector<16xi32>
          tpu.vector_store_idx %arg8[%add3A_225], %gather3A_224 : memref<16384xf32, #tpu.memory_space<vmem>>[vector<16xi32>], vector<16xf32>,
          %add3A_226 = arith.constant 18 : i32
          %add3A_227 = vector.broadcast %add3A_226 : i32 to vector<16xi32>
          %add3A_228 = arith.addi %iota3A, %add3A_227 : vector<16xi32>
          %and3A_229 = arith.constant 31 : i32
          %and3A_230 = vector.broadcast %and3A_229 : i32 to vector<16xi32>
          %and3A_231 = arith.andi %add3A_228, %and3A_230 : vector<16xi32>
          %gather3A_232 = tpu.vector_load_idx %arg6[%and3A_231, %add3A_79] : memref<32x512xf32, #tpu.memory_space<vmem>>[vector<16xi32>, vector<16xi32>], vector<16xf32>,
          %add3A_233 = arith.addi %mul3A_82, %and3A_231 : vector<16xi32>
          tpu.vector_store_idx %arg8[%add3A_233], %gather3A_232 : memref<16384xf32, #tpu.memory_space<vmem>>[vector<16xi32>], vector<16xf32>,
          %add3A_234 = arith.constant 19 : i32
          %add3A_235 = vector.broadcast %add3A_234 : i32 to vector<16xi32>
          %add3A_236 = arith.addi %iota3A, %add3A_235 : vector<16xi32>
          %and3A_237 = arith.constant 31 : i32
          %and3A_238 = vector.broadcast %and3A_237 : i32 to vector<16xi32>
          %and3A_239 = arith.andi %add3A_236, %and3A_238 : vector<16xi32>
          %gather3A_240 = tpu.vector_load_idx %arg6[%and3A_239, %add3A_79] : memref<32x512xf32, #tpu.memory_space<vmem>>[vector<16xi32>, vector<16xi32>], vector<16xf32>,
          %add3A_241 = arith.addi %mul3A_82, %and3A_239 : vector<16xi32>
          tpu.vector_store_idx %arg8[%add3A_241], %gather3A_240 : memref<16384xf32, #tpu.memory_space<vmem>>[vector<16xi32>], vector<16xf32>,
          %add3A_242 = arith.constant 20 : i32
          %add3A_243 = vector.broadcast %add3A_242 : i32 to vector<16xi32>
          %add3A_244 = arith.addi %iota3A, %add3A_243 : vector<16xi32>
          %and3A_245 = arith.constant 31 : i32
          %and3A_246 = vector.broadcast %and3A_245 : i32 to vector<16xi32>
          %and3A_247 = arith.andi %add3A_244, %and3A_246 : vector<16xi32>
          %gather3A_248 = tpu.vector_load_idx %arg6[%and3A_247, %add3A_79] : memref<32x512xf32, #tpu.memory_space<vmem>>[vector<16xi32>, vector<16xi32>], vector<16xf32>,
          %add3A_249 = arith.addi %mul3A_82, %and3A_247 : vector<16xi32>
          tpu.vector_store_idx %arg8[%add3A_249], %gather3A_248 : memref<16384xf32, #tpu.memory_space<vmem>>[vector<16xi32>], vector<16xf32>,
          %add3A_250 = arith.constant 21 : i32
          %add3A_251 = vector.broadcast %add3A_250 : i32 to vector<16xi32>
          %add3A_252 = arith.addi %iota3A, %add3A_251 : vector<16xi32>
          %and3A_253 = arith.constant 31 : i32
          %and3A_254 = vector.broadcast %and3A_253 : i32 to vector<16xi32>
          %and3A_255 = arith.andi %add3A_252, %and3A_254 : vector<16xi32>
          %gather3A_256 = tpu.vector_load_idx %arg6[%and3A_255, %add3A_79] : memref<32x512xf32, #tpu.memory_space<vmem>>[vector<16xi32>, vector<16xi32>], vector<16xf32>,
          %add3A_257 = arith.addi %mul3A_82, %and3A_255 : vector<16xi32>
          tpu.vector_store_idx %arg8[%add3A_257], %gather3A_256 : memref<16384xf32, #tpu.memory_space<vmem>>[vector<16xi32>], vector<16xf32>,
          %add3A_258 = arith.constant 22 : i32
          %add3A_259 = vector.broadcast %add3A_258 : i32 to vector<16xi32>
          %add3A_260 = arith.addi %iota3A, %add3A_259 : vector<16xi32>
          %and3A_261 = arith.constant 31 : i32
          %and3A_262 = vector.broadcast %and3A_261 : i32 to vector<16xi32>
          %and3A_263 = arith.andi %add3A_260, %and3A_262 : vector<16xi32>
          %gather3A_264 = tpu.vector_load_idx %arg6[%and3A_263, %add3A_79] : memref<32x512xf32, #tpu.memory_space<vmem>>[vector<16xi32>, vector<16xi32>], vector<16xf32>,
          %add3A_265 = arith.addi %mul3A_82, %and3A_263 : vector<16xi32>
          tpu.vector_store_idx %arg8[%add3A_265], %gather3A_264 : memref<16384xf32, #tpu.memory_space<vmem>>[vector<16xi32>], vector<16xf32>,
          %add3A_266 = arith.constant 23 : i32
          %add3A_267 = vector.broadcast %add3A_266 : i32 to vector<16xi32>
          %add3A_268 = arith.addi %iota3A, %add3A_267 : vector<16xi32>
          %and3A_269 = arith.constant 31 : i32
          %and3A_270 = vector.broadcast %and3A_269 : i32 to vector<16xi32>
          %and3A_271 = arith.andi %add3A_268, %and3A_270 : vector<16xi32>
          %gather3A_272 = tpu.vector_load_idx %arg6[%and3A_271, %add3A_79] : memref<32x512xf32, #tpu.memory_space<vmem>>[vector<16xi32>, vector<16xi32>], vector<16xf32>,
          %add3A_273 = arith.addi %mul3A_82, %and3A_271 : vector<16xi32>
          tpu.vector_store_idx %arg8[%add3A_273], %gather3A_272 : memref<16384xf32, #tpu.memory_space<vmem>>[vector<16xi32>], vector<16xf32>,
          %add3A_274 = arith.constant 24 : i32
          %add3A_275 = vector.broadcast %add3A_274 : i32 to vector<16xi32>
          %add3A_276 = arith.addi %iota3A, %add3A_275 : vector<16xi32>
          %and3A_277 = arith.constant 31 : i32
          %and3A_278 = vector.broadcast %and3A_277 : i32 to vector<16xi32>
          %and3A_279 = arith.andi %add3A_276, %and3A_278 : vector<16xi32>
          %gather3A_280 = tpu.vector_load_idx %arg6[%and3A_279, %add3A_79] : memref<32x512xf32, #tpu.memory_space<vmem>>[vector<16xi32>, vector<16xi32>], vector<16xf32>,
          %add3A_281 = arith.addi %mul3A_82, %and3A_279 : vector<16xi32>
          tpu.vector_store_idx %arg8[%add3A_281], %gather3A_280 : memref<16384xf32, #tpu.memory_space<vmem>>[vector<16xi32>], vector<16xf32>,
          %add3A_282 = arith.constant 25 : i32
          %add3A_283 = vector.broadcast %add3A_282 : i32 to vector<16xi32>
          %add3A_284 = arith.addi %iota3A, %add3A_283 : vector<16xi32>
          %and3A_285 = arith.constant 31 : i32
          %and3A_286 = vector.broadcast %and3A_285 : i32 to vector<16xi32>
          %and3A_287 = arith.andi %add3A_284, %and3A_286 : vector<16xi32>
          %gather3A_288 = tpu.vector_load_idx %arg6[%and3A_287, %add3A_79] : memref<32x512xf32, #tpu.memory_space<vmem>>[vector<16xi32>, vector<16xi32>], vector<16xf32>,
          %add3A_289 = arith.addi %mul3A_82, %and3A_287 : vector<16xi32>
          tpu.vector_store_idx %arg8[%add3A_289], %gather3A_288 : memref<16384xf32, #tpu.memory_space<vmem>>[vector<16xi32>], vector<16xf32>,
          %add3A_290 = arith.constant 26 : i32
          %add3A_291 = vector.broadcast %add3A_290 : i32 to vector<16xi32>
          %add3A_292 = arith.addi %iota3A, %add3A_291 : vector<16xi32>
          %and3A_293 = arith.constant 31 : i32
          %and3A_294 = vector.broadcast %and3A_293 : i32 to vector<16xi32>
          %and3A_295 = arith.andi %add3A_292, %and3A_294 : vector<16xi32>
          %gather3A_296 = tpu.vector_load_idx %arg6[%and3A_295, %add3A_79] : memref<32x512xf32, #tpu.memory_space<vmem>>[vector<16xi32>, vector<16xi32>], vector<16xf32>,
          %add3A_297 = arith.addi %mul3A_82, %and3A_295 : vector<16xi32>
          tpu.vector_store_idx %arg8[%add3A_297], %gather3A_296 : memref<16384xf32, #tpu.memory_space<vmem>>[vector<16xi32>], vector<16xf32>,
          %add3A_298 = arith.constant 27 : i32
          %add3A_299 = vector.broadcast %add3A_298 : i32 to vector<16xi32>
          %add3A_300 = arith.addi %iota3A, %add3A_299 : vector<16xi32>
          %and3A_301 = arith.constant 31 : i32
          %and3A_302 = vector.broadcast %and3A_301 : i32 to vector<16xi32>
          %and3A_303 = arith.andi %add3A_300, %and3A_302 : vector<16xi32>
          %gather3A_304 = tpu.vector_load_idx %arg6[%and3A_303, %add3A_79] : memref<32x512xf32, #tpu.memory_space<vmem>>[vector<16xi32>, vector<16xi32>], vector<16xf32>,
          %add3A_305 = arith.addi %mul3A_82, %and3A_303 : vector<16xi32>
          tpu.vector_store_idx %arg8[%add3A_305], %gather3A_304 : memref<16384xf32, #tpu.memory_space<vmem>>[vector<16xi32>], vector<16xf32>,
          %add3A_306 = arith.constant 28 : i32
          %add3A_307 = vector.broadcast %add3A_306 : i32 to vector<16xi32>
          %add3A_308 = arith.addi %iota3A, %add3A_307 : vector<16xi32>
          %and3A_309 = arith.constant 31 : i32
          %and3A_310 = vector.broadcast %and3A_309 : i32 to vector<16xi32>
          %and3A_311 = arith.andi %add3A_308, %and3A_310 : vector<16xi32>
          %gather3A_312 = tpu.vector_load_idx %arg6[%and3A_311, %add3A_79] : memref<32x512xf32, #tpu.memory_space<vmem>>[vector<16xi32>, vector<16xi32>], vector<16xf32>,
          %add3A_313 = arith.addi %mul3A_82, %and3A_311 : vector<16xi32>
          tpu.vector_store_idx %arg8[%add3A_313], %gather3A_312 : memref<16384xf32, #tpu.memory_space<vmem>>[vector<16xi32>], vector<16xf32>,
          %add3A_314 = arith.constant 29 : i32
          %add3A_315 = vector.broadcast %add3A_314 : i32 to vector<16xi32>
          %add3A_316 = arith.addi %iota3A, %add3A_315 : vector<16xi32>
          %and3A_317 = arith.constant 31 : i32
          %and3A_318 = vector.broadcast %and3A_317 : i32 to vector<16xi32>
          %and3A_319 = arith.andi %add3A_316, %and3A_318 : vector<16xi32>
          %gather3A_320 = tpu.vector_load_idx %arg6[%and3A_319, %add3A_79] : memref<32x512xf32, #tpu.memory_space<vmem>>[vector<16xi32>, vector<16xi32>], vector<16xf32>,
          %add3A_321 = arith.addi %mul3A_82, %and3A_319 : vector<16xi32>
          tpu.vector_store_idx %arg8[%add3A_321], %gather3A_320 : memref<16384xf32, #tpu.memory_space<vmem>>[vector<16xi32>], vector<16xf32>,
          %add3A_322 = arith.constant 30 : i32
          %add3A_323 = vector.broadcast %add3A_322 : i32 to vector<16xi32>
          %add3A_324 = arith.addi %iota3A, %add3A_323 : vector<16xi32>
          %and3A_325 = arith.constant 31 : i32
          %and3A_326 = vector.broadcast %and3A_325 : i32 to vector<16xi32>
          %and3A_327 = arith.andi %add3A_324, %and3A_326 : vector<16xi32>
          %gather3A_328 = tpu.vector_load_idx %arg6[%and3A_327, %add3A_79] : memref<32x512xf32, #tpu.memory_space<vmem>>[vector<16xi32>, vector<16xi32>], vector<16xf32>,
          %add3A_329 = arith.addi %mul3A_82, %and3A_327 : vector<16xi32>
          tpu.vector_store_idx %arg8[%add3A_329], %gather3A_328 : memref<16384xf32, #tpu.memory_space<vmem>>[vector<16xi32>], vector<16xf32>,
          %add3A_330 = arith.constant 31 : i32
          %add3A_331 = vector.broadcast %add3A_330 : i32 to vector<16xi32>
          %add3A_332 = arith.addi %iota3A, %add3A_331 : vector<16xi32>
          %and3A_333 = arith.constant 31 : i32
          %and3A_334 = vector.broadcast %and3A_333 : i32 to vector<16xi32>
          %and3A_335 = arith.andi %add3A_332, %and3A_334 : vector<16xi32>
          %gather3A_336 = tpu.vector_load_idx %arg6[%and3A_335, %add3A_79] : memref<32x512xf32, #tpu.memory_space<vmem>>[vector<16xi32>, vector<16xi32>], vector<16xf32>,
          %add3A_337 = arith.addi %mul3A_82, %and3A_335 : vector<16xi32>
          tpu.vector_store_idx %arg8[%add3A_337], %gather3A_336 : memref<16384xf32, #tpu.memory_space<vmem>>[vector<16xi32>], vector<16xf32>,
          %scan3A_338 = arith.constant 0 : i32
          %scan3A_339 = arith.constant 1 : i32
          %scan3A_340 = arith.addi %scan3A_74, %scan3A_339 : i32
          %mul3A_341 = arith.constant 16 : i32
          %mul3A_342 = arith.muli %scan3A_340, %mul3A_341 : i32
          %add3A_343 = vector.broadcast %mul3A_342 : i32 to vector<16xi32>
          %add3A_344 = arith.addi %add3A_343, %iota3A : vector<16xi32>
          %mul3A_345 = arith.constant 32 : i32
          %mul3A_346 = vector.broadcast %mul3A_345 : i32 to vector<16xi32>
          %mul3A_347 = arith.muli %add3A_344, %mul3A_346 : vector<16xi32>
          %add3A_348 = arith.constant 0 : i32
          %add3A_349 = vector.broadcast %add3A_348 : i32 to vector<16xi32>
          %add3A_350 = arith.addi %iota3A, %add3A_349 : vector<16xi32>
          %and3A_351 = arith.constant 31 : i32
          %and3A_352 = vector.broadcast %and3A_351 : i32 to vector<16xi32>
          %and3A_353 = arith.andi %add3A_350, %and3A_352 : vector<16xi32>
          %gather3A_354 = tpu.vector_load_idx %arg6[%and3A_353, %add3A_344] : memref<32x512xf32, #tpu.memory_space<vmem>>[vector<16xi32>, vector<16xi32>], vector<16xf32>,
          %add3A_355 = arith.addi %mul3A_347, %and3A_353 : vector<16xi32>
          tpu.vector_store_idx %arg8[%add3A_355], %gather3A_354 : memref<16384xf32, #tpu.memory_space<vmem>>[vector<16xi32>], vector<16xf32>,
          %add3A_356 = arith.constant 1 : i32
          %add3A_357 = vector.broadcast %add3A_356 : i32 to vector<16xi32>
          %add3A_358 = arith.addi %iota3A, %add3A_357 : vector<16xi32>
          %and3A_359 = arith.constant 31 : i32
          %and3A_360 = vector.broadcast %and3A_359 : i32 to vector<16xi32>
          %and3A_361 = arith.andi %add3A_358, %and3A_360 : vector<16xi32>
          %gather3A_362 = tpu.vector_load_idx %arg6[%and3A_361, %add3A_344] : memref<32x512xf32, #tpu.memory_space<vmem>>[vector<16xi32>, vector<16xi32>], vector<16xf32>,
          %add3A_363 = arith.addi %mul3A_347, %and3A_361 : vector<16xi32>
          tpu.vector_store_idx %arg8[%add3A_363], %gather3A_362 : memref<16384xf32, #tpu.memory_space<vmem>>[vector<16xi32>], vector<16xf32>,
          %add3A_364 = arith.constant 2 : i32
          %add3A_365 = vector.broadcast %add3A_364 : i32 to vector<16xi32>
          %add3A_366 = arith.addi %iota3A, %add3A_365 : vector<16xi32>
          %and3A_367 = arith.constant 31 : i32
          %and3A_368 = vector.broadcast %and3A_367 : i32 to vector<16xi32>
          %and3A_369 = arith.andi %add3A_366, %and3A_368 : vector<16xi32>
          %gather3A_370 = tpu.vector_load_idx %arg6[%and3A_369, %add3A_344] : memref<32x512xf32, #tpu.memory_space<vmem>>[vector<16xi32>, vector<16xi32>], vector<16xf32>,
          %add3A_371 = arith.addi %mul3A_347, %and3A_369 : vector<16xi32>
          tpu.vector_store_idx %arg8[%add3A_371], %gather3A_370 : memref<16384xf32, #tpu.memory_space<vmem>>[vector<16xi32>], vector<16xf32>,
          %add3A_372 = arith.constant 3 : i32
          %add3A_373 = vector.broadcast %add3A_372 : i32 to vector<16xi32>
          %add3A_374 = arith.addi %iota3A, %add3A_373 : vector<16xi32>
          %and3A_375 = arith.constant 31 : i32
          %and3A_376 = vector.broadcast %and3A_375 : i32 to vector<16xi32>
          %and3A_377 = arith.andi %add3A_374, %and3A_376 : vector<16xi32>
          %gather3A_378 = tpu.vector_load_idx %arg6[%and3A_377, %add3A_344] : memref<32x512xf32, #tpu.memory_space<vmem>>[vector<16xi32>, vector<16xi32>], vector<16xf32>,
          %add3A_379 = arith.addi %mul3A_347, %and3A_377 : vector<16xi32>
          tpu.vector_store_idx %arg8[%add3A_379], %gather3A_378 : memref<16384xf32, #tpu.memory_space<vmem>>[vector<16xi32>], vector<16xf32>,
          %add3A_380 = arith.constant 4 : i32
          %add3A_381 = vector.broadcast %add3A_380 : i32 to vector<16xi32>
          %add3A_382 = arith.addi %iota3A, %add3A_381 : vector<16xi32>
          %and3A_383 = arith.constant 31 : i32
          %and3A_384 = vector.broadcast %and3A_383 : i32 to vector<16xi32>
          %and3A_385 = arith.andi %add3A_382, %and3A_384 : vector<16xi32>
          %gather3A_386 = tpu.vector_load_idx %arg6[%and3A_385, %add3A_344] : memref<32x512xf32, #tpu.memory_space<vmem>>[vector<16xi32>, vector<16xi32>], vector<16xf32>,
          %add3A_387 = arith.addi %mul3A_347, %and3A_385 : vector<16xi32>
          tpu.vector_store_idx %arg8[%add3A_387], %gather3A_386 : memref<16384xf32, #tpu.memory_space<vmem>>[vector<16xi32>], vector<16xf32>,
          %add3A_388 = arith.constant 5 : i32
          %add3A_389 = vector.broadcast %add3A_388 : i32 to vector<16xi32>
          %add3A_390 = arith.addi %iota3A, %add3A_389 : vector<16xi32>
          %and3A_391 = arith.constant 31 : i32
          %and3A_392 = vector.broadcast %and3A_391 : i32 to vector<16xi32>
          %and3A_393 = arith.andi %add3A_390, %and3A_392 : vector<16xi32>
          %gather3A_394 = tpu.vector_load_idx %arg6[%and3A_393, %add3A_344] : memref<32x512xf32, #tpu.memory_space<vmem>>[vector<16xi32>, vector<16xi32>], vector<16xf32>,
          %add3A_395 = arith.addi %mul3A_347, %and3A_393 : vector<16xi32>
          tpu.vector_store_idx %arg8[%add3A_395], %gather3A_394 : memref<16384xf32, #tpu.memory_space<vmem>>[vector<16xi32>], vector<16xf32>,
          %add3A_396 = arith.constant 6 : i32
          %add3A_397 = vector.broadcast %add3A_396 : i32 to vector<16xi32>
          %add3A_398 = arith.addi %iota3A, %add3A_397 : vector<16xi32>
          %and3A_399 = arith.constant 31 : i32
          %and3A_400 = vector.broadcast %and3A_399 : i32 to vector<16xi32>
          %and3A_401 = arith.andi %add3A_398, %and3A_400 : vector<16xi32>
          %gather3A_402 = tpu.vector_load_idx %arg6[%and3A_401, %add3A_344] : memref<32x512xf32, #tpu.memory_space<vmem>>[vector<16xi32>, vector<16xi32>], vector<16xf32>,
          %add3A_403 = arith.addi %mul3A_347, %and3A_401 : vector<16xi32>
          tpu.vector_store_idx %arg8[%add3A_403], %gather3A_402 : memref<16384xf32, #tpu.memory_space<vmem>>[vector<16xi32>], vector<16xf32>,
          %add3A_404 = arith.constant 7 : i32
          %add3A_405 = vector.broadcast %add3A_404 : i32 to vector<16xi32>
          %add3A_406 = arith.addi %iota3A, %add3A_405 : vector<16xi32>
          %and3A_407 = arith.constant 31 : i32
          %and3A_408 = vector.broadcast %and3A_407 : i32 to vector<16xi32>
          %and3A_409 = arith.andi %add3A_406, %and3A_408 : vector<16xi32>
          %gather3A_410 = tpu.vector_load_idx %arg6[%and3A_409, %add3A_344] : memref<32x512xf32, #tpu.memory_space<vmem>>[vector<16xi32>, vector<16xi32>], vector<16xf32>,
          %add3A_411 = arith.addi %mul3A_347, %and3A_409 : vector<16xi32>
          tpu.vector_store_idx %arg8[%add3A_411], %gather3A_410 : memref<16384xf32, #tpu.memory_space<vmem>>[vector<16xi32>], vector<16xf32>,
          %add3A_412 = arith.constant 8 : i32
          %add3A_413 = vector.broadcast %add3A_412 : i32 to vector<16xi32>
          %add3A_414 = arith.addi %iota3A, %add3A_413 : vector<16xi32>
          %and3A_415 = arith.constant 31 : i32
          %and3A_416 = vector.broadcast %and3A_415 : i32 to vector<16xi32>
          %and3A_417 = arith.andi %add3A_414, %and3A_416 : vector<16xi32>
          %gather3A_418 = tpu.vector_load_idx %arg6[%and3A_417, %add3A_344] : memref<32x512xf32, #tpu.memory_space<vmem>>[vector<16xi32>, vector<16xi32>], vector<16xf32>,
          %add3A_419 = arith.addi %mul3A_347, %and3A_417 : vector<16xi32>
          tpu.vector_store_idx %arg8[%add3A_419], %gather3A_418 : memref<16384xf32, #tpu.memory_space<vmem>>[vector<16xi32>], vector<16xf32>,
          %add3A_420 = arith.constant 9 : i32
          %add3A_421 = vector.broadcast %add3A_420 : i32 to vector<16xi32>
          %add3A_422 = arith.addi %iota3A, %add3A_421 : vector<16xi32>
          %and3A_423 = arith.constant 31 : i32
          %and3A_424 = vector.broadcast %and3A_423 : i32 to vector<16xi32>
          %and3A_425 = arith.andi %add3A_422, %and3A_424 : vector<16xi32>
          %gather3A_426 = tpu.vector_load_idx %arg6[%and3A_425, %add3A_344] : memref<32x512xf32, #tpu.memory_space<vmem>>[vector<16xi32>, vector<16xi32>], vector<16xf32>,
          %add3A_427 = arith.addi %mul3A_347, %and3A_425 : vector<16xi32>
          tpu.vector_store_idx %arg8[%add3A_427], %gather3A_426 : memref<16384xf32, #tpu.memory_space<vmem>>[vector<16xi32>], vector<16xf32>,
          %add3A_428 = arith.constant 10 : i32
          %add3A_429 = vector.broadcast %add3A_428 : i32 to vector<16xi32>
          %add3A_430 = arith.addi %iota3A, %add3A_429 : vector<16xi32>
          %and3A_431 = arith.constant 31 : i32
          %and3A_432 = vector.broadcast %and3A_431 : i32 to vector<16xi32>
          %and3A_433 = arith.andi %add3A_430, %and3A_432 : vector<16xi32>
          %gather3A_434 = tpu.vector_load_idx %arg6[%and3A_433, %add3A_344] : memref<32x512xf32, #tpu.memory_space<vmem>>[vector<16xi32>, vector<16xi32>], vector<16xf32>,
          %add3A_435 = arith.addi %mul3A_347, %and3A_433 : vector<16xi32>
          tpu.vector_store_idx %arg8[%add3A_435], %gather3A_434 : memref<16384xf32, #tpu.memory_space<vmem>>[vector<16xi32>], vector<16xf32>,
          %add3A_436 = arith.constant 11 : i32
          %add3A_437 = vector.broadcast %add3A_436 : i32 to vector<16xi32>
          %add3A_438 = arith.addi %iota3A, %add3A_437 : vector<16xi32>
          %and3A_439 = arith.constant 31 : i32
          %and3A_440 = vector.broadcast %and3A_439 : i32 to vector<16xi32>
          %and3A_441 = arith.andi %add3A_438, %and3A_440 : vector<16xi32>
          %gather3A_442 = tpu.vector_load_idx %arg6[%and3A_441, %add3A_344] : memref<32x512xf32, #tpu.memory_space<vmem>>[vector<16xi32>, vector<16xi32>], vector<16xf32>,
          %add3A_443 = arith.addi %mul3A_347, %and3A_441 : vector<16xi32>
          tpu.vector_store_idx %arg8[%add3A_443], %gather3A_442 : memref<16384xf32, #tpu.memory_space<vmem>>[vector<16xi32>], vector<16xf32>,
          %add3A_444 = arith.constant 12 : i32
          %add3A_445 = vector.broadcast %add3A_444 : i32 to vector<16xi32>
          %add3A_446 = arith.addi %iota3A, %add3A_445 : vector<16xi32>
          %and3A_447 = arith.constant 31 : i32
          %and3A_448 = vector.broadcast %and3A_447 : i32 to vector<16xi32>
          %and3A_449 = arith.andi %add3A_446, %and3A_448 : vector<16xi32>
          %gather3A_450 = tpu.vector_load_idx %arg6[%and3A_449, %add3A_344] : memref<32x512xf32, #tpu.memory_space<vmem>>[vector<16xi32>, vector<16xi32>], vector<16xf32>,
          %add3A_451 = arith.addi %mul3A_347, %and3A_449 : vector<16xi32>
          tpu.vector_store_idx %arg8[%add3A_451], %gather3A_450 : memref<16384xf32, #tpu.memory_space<vmem>>[vector<16xi32>], vector<16xf32>,
          %add3A_452 = arith.constant 13 : i32
          %add3A_453 = vector.broadcast %add3A_452 : i32 to vector<16xi32>
          %add3A_454 = arith.addi %iota3A, %add3A_453 : vector<16xi32>
          %and3A_455 = arith.constant 31 : i32
          %and3A_456 = vector.broadcast %and3A_455 : i32 to vector<16xi32>
          %and3A_457 = arith.andi %add3A_454, %and3A_456 : vector<16xi32>
          %gather3A_458 = tpu.vector_load_idx %arg6[%and3A_457, %add3A_344] : memref<32x512xf32, #tpu.memory_space<vmem>>[vector<16xi32>, vector<16xi32>], vector<16xf32>,
          %add3A_459 = arith.addi %mul3A_347, %and3A_457 : vector<16xi32>
          tpu.vector_store_idx %arg8[%add3A_459], %gather3A_458 : memref<16384xf32, #tpu.memory_space<vmem>>[vector<16xi32>], vector<16xf32>,
          %add3A_460 = arith.constant 14 : i32
          %add3A_461 = vector.broadcast %add3A_460 : i32 to vector<16xi32>
          %add3A_462 = arith.addi %iota3A, %add3A_461 : vector<16xi32>
          %and3A_463 = arith.constant 31 : i32
          %and3A_464 = vector.broadcast %and3A_463 : i32 to vector<16xi32>
          %and3A_465 = arith.andi %add3A_462, %and3A_464 : vector<16xi32>
          %gather3A_466 = tpu.vector_load_idx %arg6[%and3A_465, %add3A_344] : memref<32x512xf32, #tpu.memory_space<vmem>>[vector<16xi32>, vector<16xi32>], vector<16xf32>,
          %add3A_467 = arith.addi %mul3A_347, %and3A_465 : vector<16xi32>
          tpu.vector_store_idx %arg8[%add3A_467], %gather3A_466 : memref<16384xf32, #tpu.memory_space<vmem>>[vector<16xi32>], vector<16xf32>,
          %add3A_468 = arith.constant 15 : i32
          %add3A_469 = vector.broadcast %add3A_468 : i32 to vector<16xi32>
          %add3A_470 = arith.addi %iota3A, %add3A_469 : vector<16xi32>
          %and3A_471 = arith.constant 31 : i32
          %and3A_472 = vector.broadcast %and3A_471 : i32 to vector<16xi32>
          %and3A_473 = arith.andi %add3A_470, %and3A_472 : vector<16xi32>
          %gather3A_474 = tpu.vector_load_idx %arg6[%and3A_473, %add3A_344] : memref<32x512xf32, #tpu.memory_space<vmem>>[vector<16xi32>, vector<16xi32>], vector<16xf32>,
          %add3A_475 = arith.addi %mul3A_347, %and3A_473 : vector<16xi32>
          tpu.vector_store_idx %arg8[%add3A_475], %gather3A_474 : memref<16384xf32, #tpu.memory_space<vmem>>[vector<16xi32>], vector<16xf32>,
          %add3A_476 = arith.constant 16 : i32
          %add3A_477 = vector.broadcast %add3A_476 : i32 to vector<16xi32>
          %add3A_478 = arith.addi %iota3A, %add3A_477 : vector<16xi32>
          %and3A_479 = arith.constant 31 : i32
          %and3A_480 = vector.broadcast %and3A_479 : i32 to vector<16xi32>
          %and3A_481 = arith.andi %add3A_478, %and3A_480 : vector<16xi32>
          %gather3A_482 = tpu.vector_load_idx %arg6[%and3A_481, %add3A_344] : memref<32x512xf32, #tpu.memory_space<vmem>>[vector<16xi32>, vector<16xi32>], vector<16xf32>,
          %add3A_483 = arith.addi %mul3A_347, %and3A_481 : vector<16xi32>
          tpu.vector_store_idx %arg8[%add3A_483], %gather3A_482 : memref<16384xf32, #tpu.memory_space<vmem>>[vector<16xi32>], vector<16xf32>,
          %add3A_484 = arith.constant 17 : i32
          %add3A_485 = vector.broadcast %add3A_484 : i32 to vector<16xi32>
          %add3A_486 = arith.addi %iota3A, %add3A_485 : vector<16xi32>
          %and3A_487 = arith.constant 31 : i32
          %and3A_488 = vector.broadcast %and3A_487 : i32 to vector<16xi32>
          %and3A_489 = arith.andi %add3A_486, %and3A_488 : vector<16xi32>
          %gather3A_490 = tpu.vector_load_idx %arg6[%and3A_489, %add3A_344] : memref<32x512xf32, #tpu.memory_space<vmem>>[vector<16xi32>, vector<16xi32>], vector<16xf32>,
          %add3A_491 = arith.addi %mul3A_347, %and3A_489 : vector<16xi32>
          tpu.vector_store_idx %arg8[%add3A_491], %gather3A_490 : memref<16384xf32, #tpu.memory_space<vmem>>[vector<16xi32>], vector<16xf32>,
          %add3A_492 = arith.constant 18 : i32
          %add3A_493 = vector.broadcast %add3A_492 : i32 to vector<16xi32>
          %add3A_494 = arith.addi %iota3A, %add3A_493 : vector<16xi32>
          %and3A_495 = arith.constant 31 : i32
          %and3A_496 = vector.broadcast %and3A_495 : i32 to vector<16xi32>
          %and3A_497 = arith.andi %add3A_494, %and3A_496 : vector<16xi32>
          %gather3A_498 = tpu.vector_load_idx %arg6[%and3A_497, %add3A_344] : memref<32x512xf32, #tpu.memory_space<vmem>>[vector<16xi32>, vector<16xi32>], vector<16xf32>,
          %add3A_499 = arith.addi %mul3A_347, %and3A_497 : vector<16xi32>
          tpu.vector_store_idx %arg8[%add3A_499], %gather3A_498 : memref<16384xf32, #tpu.memory_space<vmem>>[vector<16xi32>], vector<16xf32>,
          %add3A_500 = arith.constant 19 : i32
          %add3A_501 = vector.broadcast %add3A_500 : i32 to vector<16xi32>
          %add3A_502 = arith.addi %iota3A, %add3A_501 : vector<16xi32>
          %and3A_503 = arith.constant 31 : i32
          %and3A_504 = vector.broadcast %and3A_503 : i32 to vector<16xi32>
          %and3A_505 = arith.andi %add3A_502, %and3A_504 : vector<16xi32>
          %gather3A_506 = tpu.vector_load_idx %arg6[%and3A_505, %add3A_344] : memref<32x512xf32, #tpu.memory_space<vmem>>[vector<16xi32>, vector<16xi32>], vector<16xf32>,
          %add3A_507 = arith.addi %mul3A_347, %and3A_505 : vector<16xi32>
          tpu.vector_store_idx %arg8[%add3A_507], %gather3A_506 : memref<16384xf32, #tpu.memory_space<vmem>>[vector<16xi32>], vector<16xf32>,
          %add3A_508 = arith.constant 20 : i32
          %add3A_509 = vector.broadcast %add3A_508 : i32 to vector<16xi32>
          %add3A_510 = arith.addi %iota3A, %add3A_509 : vector<16xi32>
          %and3A_511 = arith.constant 31 : i32
          %and3A_512 = vector.broadcast %and3A_511 : i32 to vector<16xi32>
          %and3A_513 = arith.andi %add3A_510, %and3A_512 : vector<16xi32>
          %gather3A_514 = tpu.vector_load_idx %arg6[%and3A_513, %add3A_344] : memref<32x512xf32, #tpu.memory_space<vmem>>[vector<16xi32>, vector<16xi32>], vector<16xf32>,
          %add3A_515 = arith.addi %mul3A_347, %and3A_513 : vector<16xi32>
          tpu.vector_store_idx %arg8[%add3A_515], %gather3A_514 : memref<16384xf32, #tpu.memory_space<vmem>>[vector<16xi32>], vector<16xf32>,
          %add3A_516 = arith.constant 21 : i32
          %add3A_517 = vector.broadcast %add3A_516 : i32 to vector<16xi32>
          %add3A_518 = arith.addi %iota3A, %add3A_517 : vector<16xi32>
          %and3A_519 = arith.constant 31 : i32
          %and3A_520 = vector.broadcast %and3A_519 : i32 to vector<16xi32>
          %and3A_521 = arith.andi %add3A_518, %and3A_520 : vector<16xi32>
          %gather3A_522 = tpu.vector_load_idx %arg6[%and3A_521, %add3A_344] : memref<32x512xf32, #tpu.memory_space<vmem>>[vector<16xi32>, vector<16xi32>], vector<16xf32>,
          %add3A_523 = arith.addi %mul3A_347, %and3A_521 : vector<16xi32>
          tpu.vector_store_idx %arg8[%add3A_523], %gather3A_522 : memref<16384xf32, #tpu.memory_space<vmem>>[vector<16xi32>], vector<16xf32>,
          %add3A_524 = arith.constant 22 : i32
          %add3A_525 = vector.broadcast %add3A_524 : i32 to vector<16xi32>
          %add3A_526 = arith.addi %iota3A, %add3A_525 : vector<16xi32>
          %and3A_527 = arith.constant 31 : i32
          %and3A_528 = vector.broadcast %and3A_527 : i32 to vector<16xi32>
          %and3A_529 = arith.andi %add3A_526, %and3A_528 : vector<16xi32>
          %gather3A_530 = tpu.vector_load_idx %arg6[%and3A_529, %add3A_344] : memref<32x512xf32, #tpu.memory_space<vmem>>[vector<16xi32>, vector<16xi32>], vector<16xf32>,
          %add3A_531 = arith.addi %mul3A_347, %and3A_529 : vector<16xi32>
          tpu.vector_store_idx %arg8[%add3A_531], %gather3A_530 : memref<16384xf32, #tpu.memory_space<vmem>>[vector<16xi32>], vector<16xf32>,
          %add3A_532 = arith.constant 23 : i32
          %add3A_533 = vector.broadcast %add3A_532 : i32 to vector<16xi32>
          %add3A_534 = arith.addi %iota3A, %add3A_533 : vector<16xi32>
          %and3A_535 = arith.constant 31 : i32
          %and3A_536 = vector.broadcast %and3A_535 : i32 to vector<16xi32>
          %and3A_537 = arith.andi %add3A_534, %and3A_536 : vector<16xi32>
          %gather3A_538 = tpu.vector_load_idx %arg6[%and3A_537, %add3A_344] : memref<32x512xf32, #tpu.memory_space<vmem>>[vector<16xi32>, vector<16xi32>], vector<16xf32>,
          %add3A_539 = arith.addi %mul3A_347, %and3A_537 : vector<16xi32>
          tpu.vector_store_idx %arg8[%add3A_539], %gather3A_538 : memref<16384xf32, #tpu.memory_space<vmem>>[vector<16xi32>], vector<16xf32>,
          %add3A_540 = arith.constant 24 : i32
          %add3A_541 = vector.broadcast %add3A_540 : i32 to vector<16xi32>
          %add3A_542 = arith.addi %iota3A, %add3A_541 : vector<16xi32>
          %and3A_543 = arith.constant 31 : i32
          %and3A_544 = vector.broadcast %and3A_543 : i32 to vector<16xi32>
          %and3A_545 = arith.andi %add3A_542, %and3A_544 : vector<16xi32>
          %gather3A_546 = tpu.vector_load_idx %arg6[%and3A_545, %add3A_344] : memref<32x512xf32, #tpu.memory_space<vmem>>[vector<16xi32>, vector<16xi32>], vector<16xf32>,
          %add3A_547 = arith.addi %mul3A_347, %and3A_545 : vector<16xi32>
          tpu.vector_store_idx %arg8[%add3A_547], %gather3A_546 : memref<16384xf32, #tpu.memory_space<vmem>>[vector<16xi32>], vector<16xf32>,
          %add3A_548 = arith.constant 25 : i32
          %add3A_549 = vector.broadcast %add3A_548 : i32 to vector<16xi32>
          %add3A_550 = arith.addi %iota3A, %add3A_549 : vector<16xi32>
          %and3A_551 = arith.constant 31 : i32
          %and3A_552 = vector.broadcast %and3A_551 : i32 to vector<16xi32>
          %and3A_553 = arith.andi %add3A_550, %and3A_552 : vector<16xi32>
          %gather3A_554 = tpu.vector_load_idx %arg6[%and3A_553, %add3A_344] : memref<32x512xf32, #tpu.memory_space<vmem>>[vector<16xi32>, vector<16xi32>], vector<16xf32>,
          %add3A_555 = arith.addi %mul3A_347, %and3A_553 : vector<16xi32>
          tpu.vector_store_idx %arg8[%add3A_555], %gather3A_554 : memref<16384xf32, #tpu.memory_space<vmem>>[vector<16xi32>], vector<16xf32>,
          %add3A_556 = arith.constant 26 : i32
          %add3A_557 = vector.broadcast %add3A_556 : i32 to vector<16xi32>
          %add3A_558 = arith.addi %iota3A, %add3A_557 : vector<16xi32>
          %and3A_559 = arith.constant 31 : i32
          %and3A_560 = vector.broadcast %and3A_559 : i32 to vector<16xi32>
          %and3A_561 = arith.andi %add3A_558, %and3A_560 : vector<16xi32>
          %gather3A_562 = tpu.vector_load_idx %arg6[%and3A_561, %add3A_344] : memref<32x512xf32, #tpu.memory_space<vmem>>[vector<16xi32>, vector<16xi32>], vector<16xf32>,
          %add3A_563 = arith.addi %mul3A_347, %and3A_561 : vector<16xi32>
          tpu.vector_store_idx %arg8[%add3A_563], %gather3A_562 : memref<16384xf32, #tpu.memory_space<vmem>>[vector<16xi32>], vector<16xf32>,
          %add3A_564 = arith.constant 27 : i32
          %add3A_565 = vector.broadcast %add3A_564 : i32 to vector<16xi32>
          %add3A_566 = arith.addi %iota3A, %add3A_565 : vector<16xi32>
          %and3A_567 = arith.constant 31 : i32
          %and3A_568 = vector.broadcast %and3A_567 : i32 to vector<16xi32>
          %and3A_569 = arith.andi %add3A_566, %and3A_568 : vector<16xi32>
          %gather3A_570 = tpu.vector_load_idx %arg6[%and3A_569, %add3A_344] : memref<32x512xf32, #tpu.memory_space<vmem>>[vector<16xi32>, vector<16xi32>], vector<16xf32>,
          %add3A_571 = arith.addi %mul3A_347, %and3A_569 : vector<16xi32>
          tpu.vector_store_idx %arg8[%add3A_571], %gather3A_570 : memref<16384xf32, #tpu.memory_space<vmem>>[vector<16xi32>], vector<16xf32>,
          %add3A_572 = arith.constant 28 : i32
          %add3A_573 = vector.broadcast %add3A_572 : i32 to vector<16xi32>
          %add3A_574 = arith.addi %iota3A, %add3A_573 : vector<16xi32>
          %and3A_575 = arith.constant 31 : i32
          %and3A_576 = vector.broadcast %and3A_575 : i32 to vector<16xi32>
          %and3A_577 = arith.andi %add3A_574, %and3A_576 : vector<16xi32>
          %gather3A_578 = tpu.vector_load_idx %arg6[%and3A_577, %add3A_344] : memref<32x512xf32, #tpu.memory_space<vmem>>[vector<16xi32>, vector<16xi32>], vector<16xf32>,
          %add3A_579 = arith.addi %mul3A_347, %and3A_577 : vector<16xi32>
          tpu.vector_store_idx %arg8[%add3A_579], %gather3A_578 : memref<16384xf32, #tpu.memory_space<vmem>>[vector<16xi32>], vector<16xf32>,
          %add3A_580 = arith.constant 29 : i32
          %add3A_581 = vector.broadcast %add3A_580 : i32 to vector<16xi32>
          %add3A_582 = arith.addi %iota3A, %add3A_581 : vector<16xi32>
          %and3A_583 = arith.constant 31 : i32
          %and3A_584 = vector.broadcast %and3A_583 : i32 to vector<16xi32>
          %and3A_585 = arith.andi %add3A_582, %and3A_584 : vector<16xi32>
          %gather3A_586 = tpu.vector_load_idx %arg6[%and3A_585, %add3A_344] : memref<32x512xf32, #tpu.memory_space<vmem>>[vector<16xi32>, vector<16xi32>], vector<16xf32>,
          %add3A_587 = arith.addi %mul3A_347, %and3A_585 : vector<16xi32>
          tpu.vector_store_idx %arg8[%add3A_587], %gather3A_586 : memref<16384xf32, #tpu.memory_space<vmem>>[vector<16xi32>], vector<16xf32>,
          %add3A_588 = arith.constant 30 : i32
          %add3A_589 = vector.broadcast %add3A_588 : i32 to vector<16xi32>
          %add3A_590 = arith.addi %iota3A, %add3A_589 : vector<16xi32>
          %and3A_591 = arith.constant 31 : i32
          %and3A_592 = vector.broadcast %and3A_591 : i32 to vector<16xi32>
          %and3A_593 = arith.andi %add3A_590, %and3A_592 : vector<16xi32>
          %gather3A_594 = tpu.vector_load_idx %arg6[%and3A_593, %add3A_344] : memref<32x512xf32, #tpu.memory_space<vmem>>[vector<16xi32>, vector<16xi32>], vector<16xf32>,
          %add3A_595 = arith.addi %mul3A_347, %and3A_593 : vector<16xi32>
          tpu.vector_store_idx %arg8[%add3A_595], %gather3A_594 : memref<16384xf32, #tpu.memory_space<vmem>>[vector<16xi32>], vector<16xf32>,
          %add3A_596 = arith.constant 31 : i32
          %add3A_597 = vector.broadcast %add3A_596 : i32 to vector<16xi32>
          %add3A_598 = arith.addi %iota3A, %add3A_597 : vector<16xi32>
          %and3A_599 = arith.constant 31 : i32
          %and3A_600 = vector.broadcast %and3A_599 : i32 to vector<16xi32>
          %and3A_601 = arith.andi %add3A_598, %and3A_600 : vector<16xi32>
          %gather3A_602 = tpu.vector_load_idx %arg6[%and3A_601, %add3A_344] : memref<32x512xf32, #tpu.memory_space<vmem>>[vector<16xi32>, vector<16xi32>], vector<16xf32>,
          %add3A_603 = arith.addi %mul3A_347, %and3A_601 : vector<16xi32>
          tpu.vector_store_idx %arg8[%add3A_603], %gather3A_602 : memref<16384xf32, #tpu.memory_space<vmem>>[vector<16xi32>], vector<16xf32>,
          %scan3A_604 = arith.constant 0 : i32
          scf.yield %scan3A_604 : i32
        }
        %scan3A_62 = arith.constant 32 : i32
        %ge3A_63 = arith.constant 2 : i32
        %ge3A_64 = arith.cmpi sge, %while3A_31, %ge3A_63 : i32
        %convert_element_type3A_65 = arith.extui %ge3A_64 : i1 to i32
        %cond3A_66 = arith.constant 0 : i32
        %cond3A_67 = arith.cmpi ne, %convert_element_type3A_65, %cond3A_66 : i32
        scf.if %cond3A_67 {
          %dma_wait3A_74 = arith.constant 0 : i32
          %dma_wait3A_75 = tpu.memref_slice %arg4[%dma_wait3A_74] : memref<32002048xf32, #tpu.memory_space<hbm>> -> memref<16384xf32, #tpu.memory_space<hbm>>
          %dma_wait3A_76 = arith.constant 0 : i32
          %dma_wait3A_77 = tpu.memref_slice %arg4[%dma_wait3A_76] : memref<32002048xf32, #tpu.memory_space<hbm>> -> memref<16384xf32, #tpu.memory_space<hbm>>
          tpu.wait_dma2 semaphore(%arg11 : memref<!tpu.dma_semaphore, #tpu.memory_space<semaphore_mem>>) src(%arg8 : memref<16384xf32, #tpu.memory_space<vmem>>) dst(%dma_wait3A_77 : memref<16384xf32, #tpu.memory_space<hbm>>)
        } else {
        }
        %add3A_68 = arith.addi %mul3A_2, %while3A_31 : i32
        %mul3A_69 = arith.constant 512 : i32
        %mul3A_70 = arith.muli %add3A_68, %mul3A_69 : i32
        %mul3A_71 = arith.constant 32 : i32
        %mul3A_72 = arith.muli %mul3A_70, %mul3A_71 : i32
        %dma_start3A = tpu.memref_slice %arg4[%mul3A_72] : memref<32002048xf32, #tpu.memory_space<hbm>> -> memref<16384xf32, #tpu.memory_space<hbm>>
        %dma_start3A_73 = tpu.memref_slice %arg4[%mul3A_72] : memref<32002048xf32, #tpu.memory_space<hbm>> -> memref<16384xf32, #tpu.memory_space<hbm>>
        tpu.enqueue_dma source(%arg8 : memref<16384xf32, #tpu.memory_space<vmem>>) target(%dma_start3A_73 : memref<16384xf32, #tpu.memory_space<hbm>>) target_semaphore(%arg11 : memref<!tpu.dma_semaphore, #tpu.memory_space<semaphore_mem>>)
      } else {
      }
      %while3A_51 = arith.constant 0 : i32
      scf.yield %while3A_51 : i32
    }
    %ge3A = arith.constant 2 : i32
    %ge3A_18 = arith.cmpi sge, %min3A_4, %ge3A : i32
    %convert_element_type3A_19 = arith.extui %ge3A_18 : i1 to i32
    %cond3A_20 = arith.constant 0 : i32
    %cond3A_21 = arith.cmpi ne, %convert_element_type3A_19, %cond3A_20 : i32
    scf.if %cond3A_21 {
      %dma_wait3A = arith.constant 0 : i32
      %dma_wait3A_31 = tpu.memref_slice %arg4[%dma_wait3A] : memref<32002048xf32, #tpu.memory_space<hbm>> -> memref<16384xf32, #tpu.memory_space<hbm>>
      %dma_wait3A_32 = arith.constant 0 : i32
      %dma_wait3A_33 = tpu.memref_slice %arg4[%dma_wait3A_32] : memref<32002048xf32, #tpu.memory_space<hbm>> -> memref<16384xf32, #tpu.memory_space<hbm>>
      tpu.wait_dma2 semaphore(%arg11 : memref<!tpu.dma_semaphore, #tpu.memory_space<semaphore_mem>>) src(%arg7 : memref<16384xf32, #tpu.memory_space<vmem>>) dst(%dma_wait3A_33 : memref<16384xf32, #tpu.memory_space<hbm>>)
      %dma_wait3A_34 = arith.constant 0 : i32
      %dma_wait3A_35 = tpu.memref_slice %arg4[%dma_wait3A_34] : memref<32002048xf32, #tpu.memory_space<hbm>> -> memref<16384xf32, #tpu.memory_space<hbm>>
      %dma_wait3A_36 = arith.constant 0 : i32
      %dma_wait3A_37 = tpu.memref_slice %arg4[%dma_wait3A_36] : memref<32002048xf32, #tpu.memory_space<hbm>> -> memref<16384xf32, #tpu.memory_space<hbm>>
      tpu.wait_dma2 semaphore(%arg11 : memref<!tpu.dma_semaphore, #tpu.memory_space<semaphore_mem>>) src(%arg8 : memref<16384xf32, #tpu.memory_space<vmem>>) dst(%dma_wait3A_37 : memref<16384xf32, #tpu.memory_space<hbm>>)
    } else {
    }
    %eq3A = arith.constant 1 : i32
    %eq3A_22 = arith.cmpi eq, %min3A_4, %eq3A : i32
    %convert_element_type3A_23 = arith.extui %eq3A_22 : i1 to i32
    %cond3A_24 = arith.constant 0 : i32
    %cond3A_25 = arith.cmpi ne, %convert_element_type3A_23, %cond3A_24 : i32
    scf.if %cond3A_25 {
      %dma_wait3A = arith.constant 0 : i32
      %dma_wait3A_31 = tpu.memref_slice %arg4[%dma_wait3A] : memref<32002048xf32, #tpu.memory_space<hbm>> -> memref<16384xf32, #tpu.memory_space<hbm>>
      %dma_wait3A_32 = arith.constant 0 : i32
      %dma_wait3A_33 = tpu.memref_slice %arg4[%dma_wait3A_32] : memref<32002048xf32, #tpu.memory_space<hbm>> -> memref<16384xf32, #tpu.memory_space<hbm>>
      tpu.wait_dma2 semaphore(%arg11 : memref<!tpu.dma_semaphore, #tpu.memory_space<semaphore_mem>>) src(%arg7 : memref<16384xf32, #tpu.memory_space<vmem>>) dst(%dma_wait3A_33 : memref<16384xf32, #tpu.memory_space<hbm>>)
    } else {
    }
    %eq3A_26 = arith.constant 0 : i32
    %eq3A_27 = arith.cmpi eq, %add3A, %eq3A_26 : i32
    %convert_element_type3A_28 = arith.extui %eq3A_27 : i1 to i32
    %cond3A_29 = arith.constant 0 : i32
    %cond3A_30 = arith.cmpi ne, %convert_element_type3A_28, %cond3A_29 : i32
    scf.if %cond3A_30 {
      tpu.enqueue_dma source(%arg3 : memref<2048xf32, #tpu.memory_space<hbm>>) target(%arg9 : memref<2048xf32, #tpu.memory_space<vmem>>) target_semaphore(%arg12 : memref<!tpu.dma_semaphore, #tpu.memory_space<semaphore_mem>>)
      tpu.wait_dma2 semaphore(%arg12 : memref<!tpu.dma_semaphore, #tpu.memory_space<semaphore_mem>>) src(%arg3 : memref<2048xf32, #tpu.memory_space<hbm>>) dst(%arg9 : memref<2048xf32, #tpu.memory_space<vmem>>)
      "tpu.region"() ({
        %run_scoped3A = tpu.sem_alloc : memref<!tpu.dma_semaphore, #tpu.memory_space<semaphore_mem>>
        %dma_start3A = arith.constant 31997952 : i32
        %dma_start3A_31 = tpu.memref_slice %arg4[%dma_start3A] : memref<32002048xf32, #tpu.memory_space<hbm>> -> memref<2048xf32, #tpu.memory_space<hbm>>
        %dma_start3A_32 = arith.constant 31997952 : i32
        %dma_start3A_33 = tpu.memref_slice %arg4[%dma_start3A_32] : memref<32002048xf32, #tpu.memory_space<hbm>> -> memref<2048xf32, #tpu.memory_space<hbm>>
        tpu.enqueue_dma source(%arg9 : memref<2048xf32, #tpu.memory_space<vmem>>) target(%dma_start3A_33 : memref<2048xf32, #tpu.memory_space<hbm>>) target_semaphore(%run_scoped3A : memref<!tpu.dma_semaphore, #tpu.memory_space<semaphore_mem>>)
        %dma_wait3A = arith.constant 31997952 : i32
        %dma_wait3A_34 = tpu.memref_slice %arg4[%dma_wait3A] : memref<32002048xf32, #tpu.memory_space<hbm>> -> memref<2048xf32, #tpu.memory_space<hbm>>
        %dma_wait3A_35 = arith.constant 31997952 : i32
        %dma_wait3A_36 = tpu.memref_slice %arg4[%dma_wait3A_35] : memref<32002048xf32, #tpu.memory_space<hbm>> -> memref<2048xf32, #tpu.memory_space<hbm>>
        tpu.wait_dma2 semaphore(%run_scoped3A : memref<!tpu.dma_semaphore, #tpu.memory_space<semaphore_mem>>) src(%arg9 : memref<2048xf32, #tpu.memory_space<vmem>>) dst(%dma_wait3A_36 : memref<2048xf32, #tpu.memory_space<hbm>>)
        tpu.yield
      }) : () -> ()
    } else {
    }
    return
  }
}

#map = affine_map<(d0, d1) -> (0, 0)>
module attributes {stable_mosaic.version = 14 : i64} {
  func.func @_user_encoder(%arg0: i32, %arg1: i32, %arg2: memref<16384x32xi32, #tpu.memory_space<hbm>>, %arg3: memref<16384x32xi32, #tpu.memory_space<hbm>>, %arg4: memref<1000064x32xf32, #tpu.memory_space<hbm>>, %arg5: memref<16384x32xf32, #tpu.memory_space<hbm>>, %arg6: memref<2x32x32xi32, #tpu.memory_space<vmem>>, %arg7: memref<2x32x32xi32, #tpu.memory_space<vmem>>, %arg8: memref<2x2048xi32, #tpu.memory_space<vmem>>, %arg9: memref<2x50x32x32xf32, #tpu.memory_space<vmem>>, %arg10: memref<2x32x32xf32, #tpu.memory_space<vmem>>, %arg11: memref<!tpu.dma_semaphore, #tpu.memory_space<semaphore_mem>>, %arg12: memref<!tpu.dma_semaphore, #tpu.memory_space<semaphore_mem>>, %arg13: memref<!tpu.dma_semaphore, #tpu.memory_space<semaphore_mem>>, %arg14: memref<!tpu.dma_semaphore, #tpu.memory_space<semaphore_mem>>) attributes {dimension_semantics = [#tpu.dimension_semantics<core_parallel>, #tpu.dimension_semantics<subcore_parallel>], iteration_bounds = array<i64: 2, 16>, scalar_prefetch = 0 : i64, scratch_operands = 9 : i64, tpu.core_type = #tpu.core_type<sc_vector_subcore>, window_params = [{transform_indices = #map}, {transform_indices = #map}, {transform_indices = #map}, {transform_indices = #map}]} {
    %mul3A = arith.constant 2 : i32
    %mul3A_0 = arith.muli %arg1, %mul3A : i32
    %add3A = arith.addi %mul3A_0, %arg0 : i32
    %iota3A = tpu.iota {dimensions = array<i32: 0>} : vector<16xi32>
    %mul3A_1 = arith.constant 512 : i32
    %mul3A_2 = arith.muli %add3A, %mul3A_1 : i32
    %add3A_3 = arith.constant 0 : i32
    %add3A_4 = arith.addi %mul3A_2, %add3A_3 : i32
    %dma_start3A = arith.constant 0 : i32
    %dma_start3A_5 = arith.constant 0 : i32
    %dma_start3A_6 = arith.constant 0 : i32
    %dma_start3A_7 = tpu.memref_slice %arg6[%dma_start3A, %dma_start3A_5, %dma_start3A_6] : memref<2x32x32xi32, #tpu.memory_space<vmem>> -> memref<1x32x32xi32, #tpu.memory_space<vmem>>
    %dma_start3A_8 = tpu.memref_squeeze %dma_start3A_7 : memref<1x32x32xi32, #tpu.memory_space<vmem>> -> memref<32x32xi32, #tpu.memory_space<vmem>>
    %dma_start3A_9 = arith.constant 0 : i32
    %dma_start3A_10 = tpu.memref_slice %arg2[%add3A_4, %dma_start3A_9] : memref<16384x32xi32, #tpu.memory_space<hbm>> -> memref<32x32xi32, #tpu.memory_space<hbm>>
    %dma_start3A_11 = arith.constant 0 : i32
    %dma_start3A_12 = arith.constant 0 : i32
    %dma_start3A_13 = tpu.memref_slice %arg6[%dma_start3A, %dma_start3A_11, %dma_start3A_12] : memref<2x32x32xi32, #tpu.memory_space<vmem>> -> memref<1x32x32xi32, #tpu.memory_space<vmem>>
    %dma_start3A_14 = tpu.memref_squeeze %dma_start3A_13 : memref<1x32x32xi32, #tpu.memory_space<vmem>> -> memref<32x32xi32, #tpu.memory_space<vmem>>
    %dma_start3A_15 = arith.constant 0 : i32
    %dma_start3A_16 = tpu.memref_slice %arg2[%add3A_4, %dma_start3A_15] : memref<16384x32xi32, #tpu.memory_space<hbm>> -> memref<32x32xi32, #tpu.memory_space<hbm>>
    tpu.enqueue_dma source(%dma_start3A_16 : memref<32x32xi32, #tpu.memory_space<hbm>>) target(%dma_start3A_14 : memref<32x32xi32, #tpu.memory_space<vmem>>) target_semaphore(%arg11 : memref<!tpu.dma_semaphore, #tpu.memory_space<semaphore_mem>>)
    %dma_start3A_17 = arith.constant 0 : i32
    %dma_start3A_18 = arith.constant 0 : i32
    %dma_start3A_19 = arith.constant 0 : i32
    %dma_start3A_20 = tpu.memref_slice %arg7[%dma_start3A_17, %dma_start3A_18, %dma_start3A_19] : memref<2x32x32xi32, #tpu.memory_space<vmem>> -> memref<1x32x32xi32, #tpu.memory_space<vmem>>
    %dma_start3A_21 = tpu.memref_squeeze %dma_start3A_20 : memref<1x32x32xi32, #tpu.memory_space<vmem>> -> memref<32x32xi32, #tpu.memory_space<vmem>>
    %dma_start3A_22 = arith.constant 0 : i32
    %dma_start3A_23 = tpu.memref_slice %arg3[%add3A_4, %dma_start3A_22] : memref<16384x32xi32, #tpu.memory_space<hbm>> -> memref<32x32xi32, #tpu.memory_space<hbm>>
    %dma_start3A_24 = arith.constant 0 : i32
    %dma_start3A_25 = arith.constant 0 : i32
    %dma_start3A_26 = tpu.memref_slice %arg7[%dma_start3A_17, %dma_start3A_24, %dma_start3A_25] : memref<2x32x32xi32, #tpu.memory_space<vmem>> -> memref<1x32x32xi32, #tpu.memory_space<vmem>>
    %dma_start3A_27 = tpu.memref_squeeze %dma_start3A_26 : memref<1x32x32xi32, #tpu.memory_space<vmem>> -> memref<32x32xi32, #tpu.memory_space<vmem>>
    %dma_start3A_28 = arith.constant 0 : i32
    %dma_start3A_29 = tpu.memref_slice %arg3[%add3A_4, %dma_start3A_28] : memref<16384x32xi32, #tpu.memory_space<hbm>> -> memref<32x32xi32, #tpu.memory_space<hbm>>
    tpu.enqueue_dma source(%dma_start3A_29 : memref<32x32xi32, #tpu.memory_space<hbm>>) target(%dma_start3A_27 : memref<32x32xi32, #tpu.memory_space<vmem>>) target_semaphore(%arg11 : memref<!tpu.dma_semaphore, #tpu.memory_space<semaphore_mem>>)
    %mul3A_30 = arith.constant 512 : i32
    %mul3A_31 = arith.muli %add3A, %mul3A_30 : i32
    %add3A_32 = arith.constant 0 : i32
    %add3A_33 = arith.addi %mul3A_31, %add3A_32 : i32
    %dma_wait3A = arith.constant 0 : i32
    %dma_wait3A_34 = arith.constant 0 : i32
    %dma_wait3A_35 = arith.constant 0 : i32
    %dma_wait3A_36 = tpu.memref_slice %arg6[%dma_wait3A, %dma_wait3A_34, %dma_wait3A_35] : memref<2x32x32xi32, #tpu.memory_space<vmem>> -> memref<1x32x32xi32, #tpu.memory_space<vmem>>
    %dma_wait3A_37 = tpu.memref_squeeze %dma_wait3A_36 : memref<1x32x32xi32, #tpu.memory_space<vmem>> -> memref<32x32xi32, #tpu.memory_space<vmem>>
    %dma_wait3A_38 = arith.constant 0 : i32
    %dma_wait3A_39 = tpu.memref_slice %arg2[%add3A_33, %dma_wait3A_38] : memref<16384x32xi32, #tpu.memory_space<hbm>> -> memref<32x32xi32, #tpu.memory_space<hbm>>
    %dma_wait3A_40 = arith.constant 0 : i32
    %dma_wait3A_41 = arith.constant 0 : i32
    %dma_wait3A_42 = tpu.memref_slice %arg6[%dma_wait3A, %dma_wait3A_40, %dma_wait3A_41] : memref<2x32x32xi32, #tpu.memory_space<vmem>> -> memref<1x32x32xi32, #tpu.memory_space<vmem>>
    %dma_wait3A_43 = tpu.memref_squeeze %dma_wait3A_42 : memref<1x32x32xi32, #tpu.memory_space<vmem>> -> memref<32x32xi32, #tpu.memory_space<vmem>>
    %dma_wait3A_44 = arith.constant 0 : i32
    %dma_wait3A_45 = tpu.memref_slice %arg2[%add3A_33, %dma_wait3A_44] : memref<16384x32xi32, #tpu.memory_space<hbm>> -> memref<32x32xi32, #tpu.memory_space<hbm>>
    tpu.wait_dma2 semaphore(%arg11 : memref<!tpu.dma_semaphore, #tpu.memory_space<semaphore_mem>>) src(%dma_wait3A_45 : memref<32x32xi32, #tpu.memory_space<hbm>>) dst(%dma_wait3A_43 : memref<32x32xi32, #tpu.memory_space<vmem>>)
    %dma_wait3A_46 = arith.constant 0 : i32
    %dma_wait3A_47 = arith.constant 0 : i32
    %dma_wait3A_48 = arith.constant 0 : i32
    %dma_wait3A_49 = tpu.memref_slice %arg7[%dma_wait3A_46, %dma_wait3A_47, %dma_wait3A_48] : memref<2x32x32xi32, #tpu.memory_space<vmem>> -> memref<1x32x32xi32, #tpu.memory_space<vmem>>
    %dma_wait3A_50 = tpu.memref_squeeze %dma_wait3A_49 : memref<1x32x32xi32, #tpu.memory_space<vmem>> -> memref<32x32xi32, #tpu.memory_space<vmem>>
    %dma_wait3A_51 = arith.constant 0 : i32
    %dma_wait3A_52 = tpu.memref_slice %arg3[%add3A_33, %dma_wait3A_51] : memref<16384x32xi32, #tpu.memory_space<hbm>> -> memref<32x32xi32, #tpu.memory_space<hbm>>
    %dma_wait3A_53 = arith.constant 0 : i32
    %dma_wait3A_54 = arith.constant 0 : i32
    %dma_wait3A_55 = tpu.memref_slice %arg7[%dma_wait3A_46, %dma_wait3A_53, %dma_wait3A_54] : memref<2x32x32xi32, #tpu.memory_space<vmem>> -> memref<1x32x32xi32, #tpu.memory_space<vmem>>
    %dma_wait3A_56 = tpu.memref_squeeze %dma_wait3A_55 : memref<1x32x32xi32, #tpu.memory_space<vmem>> -> memref<32x32xi32, #tpu.memory_space<vmem>>
    %dma_wait3A_57 = arith.constant 0 : i32
    %dma_wait3A_58 = tpu.memref_slice %arg3[%add3A_33, %dma_wait3A_57] : memref<16384x32xi32, #tpu.memory_space<hbm>> -> memref<32x32xi32, #tpu.memory_space<hbm>>
    tpu.wait_dma2 semaphore(%arg11 : memref<!tpu.dma_semaphore, #tpu.memory_space<semaphore_mem>>) src(%dma_wait3A_58 : memref<32x32xi32, #tpu.memory_space<hbm>>) dst(%dma_wait3A_56 : memref<32x32xi32, #tpu.memory_space<vmem>>)
    %scan3A = arith.constant 0 : i32
    %scan3A_59 = arith.constant 0 : i32
    %scan3A_60 = arith.constant 0 : i32
    %scan3A_61 = arith.constant 32 : i32
    %scan3A_62 = arith.addi %scan3A_60, %scan3A_61 : i32
    %scan3A_63 = arith.constant 1 : i32
    %scan3A_64 = scf.for %scan3A_133 = %scan3A_60 to %scan3A_62 step %scan3A_63 iter_args(%scan3A_134 = %scan3A_59) -> (i32)  : i32 {
      %get3A = arith.constant 0 : i32
      %get3A_135 = arith.index_cast %get3A : i32 to index
      %get3A_136 = arith.index_cast %scan3A_133 : i32 to index
      %get3A_137 = arith.constant 0 : index
      %get3A_138 = tpu.vector_load %arg6[%get3A_135, %get3A_136, %get3A_137] {strides = array<i32>} : memref<2x32x32xi32, #tpu.memory_space<vmem>>, vector<16xi32>,
      %add3A_139 = arith.constant 0 : i32
      %add3A_140 = vector.broadcast %add3A_139 : i32 to vector<16xi32>
      %add3A_141 = arith.addi %add3A_140, %iota3A : vector<16xi32>
      %mul3A_142 = arith.constant 32 : i32
      %mul3A_143 = vector.broadcast %mul3A_142 : i32 to vector<16xi32>
      %mul3A_144 = arith.muli %add3A_141, %mul3A_143 : vector<16xi32>
      %add3A_145 = vector.broadcast %scan3A_133 : i32 to vector<16xi32>
      %add3A_146 = arith.addi %mul3A_144, %add3A_145 : vector<16xi32>
      %scatter3A = arith.constant 0 : i32
      %scatter3A_147 = tpu.memref_slice %arg8[%scan3A, %scatter3A] : memref<2x2048xi32, #tpu.memory_space<vmem>> -> memref<1x2048xi32, #tpu.memory_space<vmem>>
      %scatter3A_148 = tpu.memref_squeeze %scatter3A_147 : memref<1x2048xi32, #tpu.memory_space<vmem>> -> memref<2048xi32, #tpu.memory_space<vmem>>
      tpu.vector_store_idx %scatter3A_148[%add3A_146], %get3A_138 : memref<2048xi32, #tpu.memory_space<vmem>>[vector<16xi32>], vector<16xi32>,
      %get3A_149 = arith.constant 0 : i32
      %get3A_150 = arith.index_cast %get3A_149 : i32 to index
      %get3A_151 = arith.index_cast %scan3A_133 : i32 to index
      %get3A_152 = arith.constant 0 : index
      %get3A_153 = tpu.vector_load %arg7[%get3A_150, %get3A_151, %get3A_152] {strides = array<i32>} : memref<2x32x32xi32, #tpu.memory_space<vmem>>, vector<16xi32>,
      %add3A_154 = arith.constant 32 : i32
      %add3A_155 = vector.broadcast %add3A_154 : i32 to vector<16xi32>
      %add3A_156 = arith.addi %add3A_155, %iota3A : vector<16xi32>
      %mul3A_157 = arith.constant 32 : i32
      %mul3A_158 = vector.broadcast %mul3A_157 : i32 to vector<16xi32>
      %mul3A_159 = arith.muli %add3A_156, %mul3A_158 : vector<16xi32>
      %add3A_160 = vector.broadcast %scan3A_133 : i32 to vector<16xi32>
      %add3A_161 = arith.addi %mul3A_159, %add3A_160 : vector<16xi32>
      %scatter3A_162 = arith.constant 0 : i32
      %scatter3A_163 = tpu.memref_slice %arg8[%scan3A, %scatter3A_162] : memref<2x2048xi32, #tpu.memory_space<vmem>> -> memref<1x2048xi32, #tpu.memory_space<vmem>>
      %scatter3A_164 = tpu.memref_squeeze %scatter3A_163 : memref<1x2048xi32, #tpu.memory_space<vmem>> -> memref<2048xi32, #tpu.memory_space<vmem>>
      tpu.vector_store_idx %scatter3A_164[%add3A_161], %get3A_153 : memref<2048xi32, #tpu.memory_space<vmem>>[vector<16xi32>], vector<16xi32>,
      %get3A_165 = arith.constant 0 : i32
      %get3A_166 = arith.index_cast %get3A_165 : i32 to index
      %get3A_167 = arith.index_cast %scan3A_133 : i32 to index
      %get3A_168 = arith.constant 16 : index
      %get3A_169 = tpu.vector_load %arg6[%get3A_166, %get3A_167, %get3A_168] {strides = array<i32>} : memref<2x32x32xi32, #tpu.memory_space<vmem>>, vector<16xi32>,
      %add3A_170 = arith.constant 16 : i32
      %add3A_171 = vector.broadcast %add3A_170 : i32 to vector<16xi32>
      %add3A_172 = arith.addi %add3A_171, %iota3A : vector<16xi32>
      %mul3A_173 = arith.constant 32 : i32
      %mul3A_174 = vector.broadcast %mul3A_173 : i32 to vector<16xi32>
      %mul3A_175 = arith.muli %add3A_172, %mul3A_174 : vector<16xi32>
      %add3A_176 = vector.broadcast %scan3A_133 : i32 to vector<16xi32>
      %add3A_177 = arith.addi %mul3A_175, %add3A_176 : vector<16xi32>
      %scatter3A_178 = arith.constant 0 : i32
      %scatter3A_179 = tpu.memref_slice %arg8[%scan3A, %scatter3A_178] : memref<2x2048xi32, #tpu.memory_space<vmem>> -> memref<1x2048xi32, #tpu.memory_space<vmem>>
      %scatter3A_180 = tpu.memref_squeeze %scatter3A_179 : memref<1x2048xi32, #tpu.memory_space<vmem>> -> memref<2048xi32, #tpu.memory_space<vmem>>
      tpu.vector_store_idx %scatter3A_180[%add3A_177], %get3A_169 : memref<2048xi32, #tpu.memory_space<vmem>>[vector<16xi32>], vector<16xi32>,
      %get3A_181 = arith.constant 0 : i32
      %get3A_182 = arith.index_cast %get3A_181 : i32 to index
      %get3A_183 = arith.index_cast %scan3A_133 : i32 to index
      %get3A_184 = arith.constant 16 : index
      %get3A_185 = tpu.vector_load %arg7[%get3A_182, %get3A_183, %get3A_184] {strides = array<i32>} : memref<2x32x32xi32, #tpu.memory_space<vmem>>, vector<16xi32>,
      %add3A_186 = arith.constant 48 : i32
      %add3A_187 = vector.broadcast %add3A_186 : i32 to vector<16xi32>
      %add3A_188 = arith.addi %add3A_187, %iota3A : vector<16xi32>
      %mul3A_189 = arith.constant 32 : i32
      %mul3A_190 = vector.broadcast %mul3A_189 : i32 to vector<16xi32>
      %mul3A_191 = arith.muli %add3A_188, %mul3A_190 : vector<16xi32>
      %add3A_192 = vector.broadcast %scan3A_133 : i32 to vector<16xi32>
      %add3A_193 = arith.addi %mul3A_191, %add3A_192 : vector<16xi32>
      %scatter3A_194 = arith.constant 0 : i32
      %scatter3A_195 = tpu.memref_slice %arg8[%scan3A, %scatter3A_194] : memref<2x2048xi32, #tpu.memory_space<vmem>> -> memref<1x2048xi32, #tpu.memory_space<vmem>>
      %scatter3A_196 = tpu.memref_squeeze %scatter3A_195 : memref<1x2048xi32, #tpu.memory_space<vmem>> -> memref<2048xi32, #tpu.memory_space<vmem>>
      tpu.vector_store_idx %scatter3A_196[%add3A_193], %get3A_185 : memref<2048xi32, #tpu.memory_space<vmem>>[vector<16xi32>], vector<16xi32>,
      %scan3A_197 = arith.constant 0 : i32
      scf.yield %scan3A_197 : i32
    }
    %scan3A_65 = arith.constant 32 : i32
    %mul3A_66 = arith.constant 512 : i32
    %mul3A_67 = arith.muli %add3A, %mul3A_66 : i32
    %add3A_68 = arith.constant 32 : i32
    %add3A_69 = arith.addi %mul3A_67, %add3A_68 : i32
    %dma_start3A_70 = arith.constant 1 : i32
    %dma_start3A_71 = arith.constant 0 : i32
    %dma_start3A_72 = arith.constant 0 : i32
    %dma_start3A_73 = tpu.memref_slice %arg6[%dma_start3A_70, %dma_start3A_71, %dma_start3A_72] : memref<2x32x32xi32, #tpu.memory_space<vmem>> -> memref<1x32x32xi32, #tpu.memory_space<vmem>>
    %dma_start3A_74 = tpu.memref_squeeze %dma_start3A_73 : memref<1x32x32xi32, #tpu.memory_space<vmem>> -> memref<32x32xi32, #tpu.memory_space<vmem>>
    %dma_start3A_75 = arith.constant 0 : i32
    %dma_start3A_76 = tpu.memref_slice %arg2[%add3A_69, %dma_start3A_75] : memref<16384x32xi32, #tpu.memory_space<hbm>> -> memref<32x32xi32, #tpu.memory_space<hbm>>
    %dma_start3A_77 = arith.constant 0 : i32
    %dma_start3A_78 = arith.constant 0 : i32
    %dma_start3A_79 = tpu.memref_slice %arg6[%dma_start3A_70, %dma_start3A_77, %dma_start3A_78] : memref<2x32x32xi32, #tpu.memory_space<vmem>> -> memref<1x32x32xi32, #tpu.memory_space<vmem>>
    %dma_start3A_80 = tpu.memref_squeeze %dma_start3A_79 : memref<1x32x32xi32, #tpu.memory_space<vmem>> -> memref<32x32xi32, #tpu.memory_space<vmem>>
    %dma_start3A_81 = arith.constant 0 : i32
    %dma_start3A_82 = tpu.memref_slice %arg2[%add3A_69, %dma_start3A_81] : memref<16384x32xi32, #tpu.memory_space<hbm>> -> memref<32x32xi32, #tpu.memory_space<hbm>>
    tpu.enqueue_dma source(%dma_start3A_82 : memref<32x32xi32, #tpu.memory_space<hbm>>) target(%dma_start3A_80 : memref<32x32xi32, #tpu.memory_space<vmem>>) target_semaphore(%arg11 : memref<!tpu.dma_semaphore, #tpu.memory_space<semaphore_mem>>)
    %dma_start3A_83 = arith.constant 1 : i32
    %dma_start3A_84 = arith.constant 0 : i32
    %dma_start3A_85 = arith.constant 0 : i32
    %dma_start3A_86 = tpu.memref_slice %arg7[%dma_start3A_83, %dma_start3A_84, %dma_start3A_85] : memref<2x32x32xi32, #tpu.memory_space<vmem>> -> memref<1x32x32xi32, #tpu.memory_space<vmem>>
    %dma_start3A_87 = tpu.memref_squeeze %dma_start3A_86 : memref<1x32x32xi32, #tpu.memory_space<vmem>> -> memref<32x32xi32, #tpu.memory_space<vmem>>
    %dma_start3A_88 = arith.constant 0 : i32
    %dma_start3A_89 = tpu.memref_slice %arg3[%add3A_69, %dma_start3A_88] : memref<16384x32xi32, #tpu.memory_space<hbm>> -> memref<32x32xi32, #tpu.memory_space<hbm>>
    %dma_start3A_90 = arith.constant 0 : i32
    %dma_start3A_91 = arith.constant 0 : i32
    %dma_start3A_92 = tpu.memref_slice %arg7[%dma_start3A_83, %dma_start3A_90, %dma_start3A_91] : memref<2x32x32xi32, #tpu.memory_space<vmem>> -> memref<1x32x32xi32, #tpu.memory_space<vmem>>
    %dma_start3A_93 = tpu.memref_squeeze %dma_start3A_92 : memref<1x32x32xi32, #tpu.memory_space<vmem>> -> memref<32x32xi32, #tpu.memory_space<vmem>>
    %dma_start3A_94 = arith.constant 0 : i32
    %dma_start3A_95 = tpu.memref_slice %arg3[%add3A_69, %dma_start3A_94] : memref<16384x32xi32, #tpu.memory_space<hbm>> -> memref<32x32xi32, #tpu.memory_space<hbm>>
    tpu.enqueue_dma source(%dma_start3A_95 : memref<32x32xi32, #tpu.memory_space<hbm>>) target(%dma_start3A_93 : memref<32x32xi32, #tpu.memory_space<vmem>>) target_semaphore(%arg11 : memref<!tpu.dma_semaphore, #tpu.memory_space<semaphore_mem>>)
    %scan3A_96 = arith.constant 0 : i32
    %scan3A_97 = arith.constant 0 : i32
    %scan3A_98 = arith.constant 16 : i32
    %scan3A_99 = arith.addi %scan3A_97, %scan3A_98 : i32
    %scan3A_100 = arith.constant 1 : i32
    %scan3A_101 = scf.for %scan3A_133 = %scan3A_97 to %scan3A_99 step %scan3A_100 iter_args(%scan3A_134 = %scan3A_96) -> (i32)  : i32 {
      %eq3A = arith.constant 0 : i32
      %eq3A_135 = arith.cmpi eq, %scan3A_133, %eq3A : i32
      %convert_element_type3A = arith.extui %eq3A_135 : i1 to i32
      %cond3A = arith.constant 0 : i32
      %cond3A_136 = arith.cmpi ne, %convert_element_type3A, %cond3A : i32
      scf.if %cond3A_136 {
        %scan3A_194 = arith.constant 0 : i32
        %scan3A_195 = arith.constant 0 : i32
        %scan3A_196 = arith.constant 50 : i32
        %scan3A_197 = arith.addi %scan3A_195, %scan3A_196 : i32
        %scan3A_198 = arith.constant 1 : i32
        %scan3A_199 = scf.for %scan3A_201 = %scan3A_195 to %scan3A_197 step %scan3A_198 iter_args(%scan3A_202 = %scan3A_194) -> (i32)  : i32 {
          %mul3A_203 = arith.constant 32 : i32
          %mul3A_204 = arith.muli %scan3A_201, %mul3A_203 : i32
          %dma_start3A_205 = arith.constant 0 : i32
          %dma_start3A_206 = arith.constant 0 : i32
          %dma_start3A_207 = arith.constant 0 : i32
          %dma_start3A_208 = arith.constant 0 : i32
          %dma_start3A_209 = tpu.memref_slice %arg9[%dma_start3A_206, %scan3A_201, %dma_start3A_207, %dma_start3A_208] : memref<2x50x32x32xf32, #tpu.memory_space<vmem>> -> memref<1x1x32x32xf32, #tpu.memory_space<vmem>>
          %dma_start3A_210 = tpu.memref_squeeze %dma_start3A_209 : memref<1x1x32x32xf32, #tpu.memory_space<vmem>> -> memref<32x32xf32, #tpu.memory_space<vmem>>
          %dma_start3A_211 = tpu.memref_slice %arg8[%dma_start3A_205, %mul3A_204] : memref<2x2048xi32, #tpu.memory_space<vmem>> -> memref<1x32xi32, #tpu.memory_space<vmem>>
          %dma_start3A_212 = tpu.memref_squeeze %dma_start3A_211 : memref<1x32xi32, #tpu.memory_space<vmem>> -> memref<32xi32, #tpu.memory_space<vmem>>
          %dma_start3A_213 = arith.constant 0 : i32
          %dma_start3A_214 = arith.constant 0 : i32
          %dma_start3A_215 = tpu.memref_slice %arg4[%dma_start3A_213, %dma_start3A_214] : memref<1000064x32xf32, #tpu.memory_space<hbm>> -> memref<1000064x32xf32, #tpu.memory_space<hbm>>
          tpu.enqueue_indirect_dma source(%dma_start3A_215 : memref<1000064x32xf32, #tpu.memory_space<hbm>>) target(%dma_start3A_210 : memref<32x32xf32, #tpu.memory_space<vmem>>) offsets(%dma_start3A_212 : memref<32xi32, #tpu.memory_space<vmem>>) semaphore(%arg12 : memref<!tpu.dma_semaphore, #tpu.memory_space<semaphore_mem>>)
          %scan3A_216 = arith.constant 0 : i32
          scf.yield %scan3A_216 : i32
        }
        %scan3A_200 = arith.constant 50 : i32
      } else {
      }
      %add3A_137 = arith.constant 1 : i32
      %add3A_138 = arith.addi %scan3A_133, %add3A_137 : i32
      %lt3A = arith.constant 16 : i32
      %lt3A_139 = arith.cmpi slt, %add3A_138, %lt3A : i32
      %convert_element_type3A_140 = arith.extui %lt3A_139 : i1 to i32
      %cond3A_141 = arith.constant 0 : i32
      %cond3A_142 = arith.cmpi ne, %convert_element_type3A_140, %cond3A_141 : i32
      scf.if %cond3A_142 {
        %add3A_194 = arith.constant 1 : i32
        %add3A_195 = arith.addi %scan3A_133, %add3A_194 : i32
        %and3A_196 = arith.constant 1 : i32
        %and3A_197 = arith.andi %add3A_195, %and3A_196 : i32
        %mul3A_198 = arith.constant 512 : i32
        %mul3A_199 = arith.muli %add3A, %mul3A_198 : i32
        %mul3A_200 = arith.constant 32 : i32
        %mul3A_201 = arith.muli %add3A_195, %mul3A_200 : i32
        %add3A_202 = arith.addi %mul3A_199, %mul3A_201 : i32
        %dma_wait3A_203 = arith.constant 0 : i32
        %dma_wait3A_204 = arith.constant 0 : i32
        %dma_wait3A_205 = tpu.memref_slice %arg6[%and3A_197, %dma_wait3A_203, %dma_wait3A_204] : memref<2x32x32xi32, #tpu.memory_space<vmem>> -> memref<1x32x32xi32, #tpu.memory_space<vmem>>
        %dma_wait3A_206 = tpu.memref_squeeze %dma_wait3A_205 : memref<1x32x32xi32, #tpu.memory_space<vmem>> -> memref<32x32xi32, #tpu.memory_space<vmem>>
        %dma_wait3A_207 = arith.constant 0 : i32
        %dma_wait3A_208 = tpu.memref_slice %arg2[%add3A_202, %dma_wait3A_207] : memref<16384x32xi32, #tpu.memory_space<hbm>> -> memref<32x32xi32, #tpu.memory_space<hbm>>
        %dma_wait3A_209 = arith.constant 0 : i32
        %dma_wait3A_210 = arith.constant 0 : i32
        %dma_wait3A_211 = tpu.memref_slice %arg6[%and3A_197, %dma_wait3A_209, %dma_wait3A_210] : memref<2x32x32xi32, #tpu.memory_space<vmem>> -> memref<1x32x32xi32, #tpu.memory_space<vmem>>
        %dma_wait3A_212 = tpu.memref_squeeze %dma_wait3A_211 : memref<1x32x32xi32, #tpu.memory_space<vmem>> -> memref<32x32xi32, #tpu.memory_space<vmem>>
        %dma_wait3A_213 = arith.constant 0 : i32
        %dma_wait3A_214 = tpu.memref_slice %arg2[%add3A_202, %dma_wait3A_213] : memref<16384x32xi32, #tpu.memory_space<hbm>> -> memref<32x32xi32, #tpu.memory_space<hbm>>
        tpu.wait_dma2 semaphore(%arg11 : memref<!tpu.dma_semaphore, #tpu.memory_space<semaphore_mem>>) src(%dma_wait3A_214 : memref<32x32xi32, #tpu.memory_space<hbm>>) dst(%dma_wait3A_212 : memref<32x32xi32, #tpu.memory_space<vmem>>)
        %dma_wait3A_215 = arith.constant 0 : i32
        %dma_wait3A_216 = arith.constant 0 : i32
        %dma_wait3A_217 = tpu.memref_slice %arg7[%and3A_197, %dma_wait3A_215, %dma_wait3A_216] : memref<2x32x32xi32, #tpu.memory_space<vmem>> -> memref<1x32x32xi32, #tpu.memory_space<vmem>>
        %dma_wait3A_218 = tpu.memref_squeeze %dma_wait3A_217 : memref<1x32x32xi32, #tpu.memory_space<vmem>> -> memref<32x32xi32, #tpu.memory_space<vmem>>
        %dma_wait3A_219 = arith.constant 0 : i32
        %dma_wait3A_220 = tpu.memref_slice %arg3[%add3A_202, %dma_wait3A_219] : memref<16384x32xi32, #tpu.memory_space<hbm>> -> memref<32x32xi32, #tpu.memory_space<hbm>>
        %dma_wait3A_221 = arith.constant 0 : i32
        %dma_wait3A_222 = arith.constant 0 : i32
        %dma_wait3A_223 = tpu.memref_slice %arg7[%and3A_197, %dma_wait3A_221, %dma_wait3A_222] : memref<2x32x32xi32, #tpu.memory_space<vmem>> -> memref<1x32x32xi32, #tpu.memory_space<vmem>>
        %dma_wait3A_224 = tpu.memref_squeeze %dma_wait3A_223 : memref<1x32x32xi32, #tpu.memory_space<vmem>> -> memref<32x32xi32, #tpu.memory_space<vmem>>
        %dma_wait3A_225 = arith.constant 0 : i32
        %dma_wait3A_226 = tpu.memref_slice %arg3[%add3A_202, %dma_wait3A_225] : memref<16384x32xi32, #tpu.memory_space<hbm>> -> memref<32x32xi32, #tpu.memory_space<hbm>>
        tpu.wait_dma2 semaphore(%arg11 : memref<!tpu.dma_semaphore, #tpu.memory_space<semaphore_mem>>) src(%dma_wait3A_226 : memref<32x32xi32, #tpu.memory_space<hbm>>) dst(%dma_wait3A_224 : memref<32x32xi32, #tpu.memory_space<vmem>>)
        %scan3A_227 = arith.constant 0 : i32
        %scan3A_228 = arith.constant 0 : i32
        %scan3A_229 = arith.constant 32 : i32
        %scan3A_230 = arith.addi %scan3A_228, %scan3A_229 : i32
        %scan3A_231 = arith.constant 1 : i32
        %scan3A_232 = scf.for %scan3A_248 = %scan3A_228 to %scan3A_230 step %scan3A_231 iter_args(%scan3A_249 = %scan3A_227) -> (i32)  : i32 {
          %get3A = arith.index_cast %and3A_197 : i32 to index
          %get3A_250 = arith.index_cast %scan3A_248 : i32 to index
          %get3A_251 = arith.constant 0 : index
          %get3A_252 = tpu.vector_load %arg6[%get3A, %get3A_250, %get3A_251] {strides = array<i32>} : memref<2x32x32xi32, #tpu.memory_space<vmem>>, vector<16xi32>,
          %add3A_253 = arith.constant 0 : i32
          %add3A_254 = vector.broadcast %add3A_253 : i32 to vector<16xi32>
          %add3A_255 = arith.addi %add3A_254, %iota3A : vector<16xi32>
          %mul3A_256 = arith.constant 32 : i32
          %mul3A_257 = vector.broadcast %mul3A_256 : i32 to vector<16xi32>
          %mul3A_258 = arith.muli %add3A_255, %mul3A_257 : vector<16xi32>
          %add3A_259 = vector.broadcast %scan3A_248 : i32 to vector<16xi32>
          %add3A_260 = arith.addi %mul3A_258, %add3A_259 : vector<16xi32>
          %scatter3A = arith.constant 0 : i32
          %scatter3A_261 = tpu.memref_slice %arg8[%and3A_197, %scatter3A] : memref<2x2048xi32, #tpu.memory_space<vmem>> -> memref<1x2048xi32, #tpu.memory_space<vmem>>
          %scatter3A_262 = tpu.memref_squeeze %scatter3A_261 : memref<1x2048xi32, #tpu.memory_space<vmem>> -> memref<2048xi32, #tpu.memory_space<vmem>>
          tpu.vector_store_idx %scatter3A_262[%add3A_260], %get3A_252 : memref<2048xi32, #tpu.memory_space<vmem>>[vector<16xi32>], vector<16xi32>,
          %get3A_263 = arith.index_cast %and3A_197 : i32 to index
          %get3A_264 = arith.index_cast %scan3A_248 : i32 to index
          %get3A_265 = arith.constant 0 : index
          %get3A_266 = tpu.vector_load %arg7[%get3A_263, %get3A_264, %get3A_265] {strides = array<i32>} : memref<2x32x32xi32, #tpu.memory_space<vmem>>, vector<16xi32>,
          %add3A_267 = arith.constant 32 : i32
          %add3A_268 = vector.broadcast %add3A_267 : i32 to vector<16xi32>
          %add3A_269 = arith.addi %add3A_268, %iota3A : vector<16xi32>
          %mul3A_270 = arith.constant 32 : i32
          %mul3A_271 = vector.broadcast %mul3A_270 : i32 to vector<16xi32>
          %mul3A_272 = arith.muli %add3A_269, %mul3A_271 : vector<16xi32>
          %add3A_273 = vector.broadcast %scan3A_248 : i32 to vector<16xi32>
          %add3A_274 = arith.addi %mul3A_272, %add3A_273 : vector<16xi32>
          %scatter3A_275 = arith.constant 0 : i32
          %scatter3A_276 = tpu.memref_slice %arg8[%and3A_197, %scatter3A_275] : memref<2x2048xi32, #tpu.memory_space<vmem>> -> memref<1x2048xi32, #tpu.memory_space<vmem>>
          %scatter3A_277 = tpu.memref_squeeze %scatter3A_276 : memref<1x2048xi32, #tpu.memory_space<vmem>> -> memref<2048xi32, #tpu.memory_space<vmem>>
          tpu.vector_store_idx %scatter3A_277[%add3A_274], %get3A_266 : memref<2048xi32, #tpu.memory_space<vmem>>[vector<16xi32>], vector<16xi32>,
          %get3A_278 = arith.index_cast %and3A_197 : i32 to index
          %get3A_279 = arith.index_cast %scan3A_248 : i32 to index
          %get3A_280 = arith.constant 16 : index
          %get3A_281 = tpu.vector_load %arg6[%get3A_278, %get3A_279, %get3A_280] {strides = array<i32>} : memref<2x32x32xi32, #tpu.memory_space<vmem>>, vector<16xi32>,
          %add3A_282 = arith.constant 16 : i32
          %add3A_283 = vector.broadcast %add3A_282 : i32 to vector<16xi32>
          %add3A_284 = arith.addi %add3A_283, %iota3A : vector<16xi32>
          %mul3A_285 = arith.constant 32 : i32
          %mul3A_286 = vector.broadcast %mul3A_285 : i32 to vector<16xi32>
          %mul3A_287 = arith.muli %add3A_284, %mul3A_286 : vector<16xi32>
          %add3A_288 = vector.broadcast %scan3A_248 : i32 to vector<16xi32>
          %add3A_289 = arith.addi %mul3A_287, %add3A_288 : vector<16xi32>
          %scatter3A_290 = arith.constant 0 : i32
          %scatter3A_291 = tpu.memref_slice %arg8[%and3A_197, %scatter3A_290] : memref<2x2048xi32, #tpu.memory_space<vmem>> -> memref<1x2048xi32, #tpu.memory_space<vmem>>
          %scatter3A_292 = tpu.memref_squeeze %scatter3A_291 : memref<1x2048xi32, #tpu.memory_space<vmem>> -> memref<2048xi32, #tpu.memory_space<vmem>>
          tpu.vector_store_idx %scatter3A_292[%add3A_289], %get3A_281 : memref<2048xi32, #tpu.memory_space<vmem>>[vector<16xi32>], vector<16xi32>,
          %get3A_293 = arith.index_cast %and3A_197 : i32 to index
          %get3A_294 = arith.index_cast %scan3A_248 : i32 to index
          %get3A_295 = arith.constant 16 : index
          %get3A_296 = tpu.vector_load %arg7[%get3A_293, %get3A_294, %get3A_295] {strides = array<i32>} : memref<2x32x32xi32, #tpu.memory_space<vmem>>, vector<16xi32>,
          %add3A_297 = arith.constant 48 : i32
          %add3A_298 = vector.broadcast %add3A_297 : i32 to vector<16xi32>
          %add3A_299 = arith.addi %add3A_298, %iota3A : vector<16xi32>
          %mul3A_300 = arith.constant 32 : i32
          %mul3A_301 = vector.broadcast %mul3A_300 : i32 to vector<16xi32>
          %mul3A_302 = arith.muli %add3A_299, %mul3A_301 : vector<16xi32>
          %add3A_303 = vector.broadcast %scan3A_248 : i32 to vector<16xi32>
          %add3A_304 = arith.addi %mul3A_302, %add3A_303 : vector<16xi32>
          %scatter3A_305 = arith.constant 0 : i32
          %scatter3A_306 = tpu.memref_slice %arg8[%and3A_197, %scatter3A_305] : memref<2x2048xi32, #tpu.memory_space<vmem>> -> memref<1x2048xi32, #tpu.memory_space<vmem>>
          %scatter3A_307 = tpu.memref_squeeze %scatter3A_306 : memref<1x2048xi32, #tpu.memory_space<vmem>> -> memref<2048xi32, #tpu.memory_space<vmem>>
          tpu.vector_store_idx %scatter3A_307[%add3A_304], %get3A_296 : memref<2048xi32, #tpu.memory_space<vmem>>[vector<16xi32>], vector<16xi32>,
          %scan3A_308 = arith.constant 0 : i32
          scf.yield %scan3A_308 : i32
        }
        %scan3A_233 = arith.constant 32 : i32
        %and3A_234 = arith.constant 1 : i32
        %and3A_235 = arith.andi %scan3A_133, %and3A_234 : i32
        %eq3A_236 = arith.constant 0 : i32
        %eq3A_237 = arith.cmpi eq, %and3A_235, %eq3A_236 : i32
        %convert_element_type3A_238 = arith.extui %eq3A_237 : i1 to i32
        %cond3A_239 = arith.constant 0 : i32
        %cond3A_240 = arith.cmpi ne, %convert_element_type3A_238, %cond3A_239 : i32
        scf.if %cond3A_240 {
          %add3A_248 = arith.constant 1 : i32
          %add3A_249 = arith.addi %scan3A_133, %add3A_248 : i32
          %and3A_250 = arith.constant 1 : i32
          %and3A_251 = arith.andi %add3A_249, %and3A_250 : i32
          %scan3A_252 = arith.constant 0 : i32
          %scan3A_253 = arith.constant 0 : i32
          %scan3A_254 = arith.constant 50 : i32
          %scan3A_255 = arith.addi %scan3A_253, %scan3A_254 : i32
          %scan3A_256 = arith.constant 1 : i32
          %scan3A_257 = scf.for %scan3A_259 = %scan3A_253 to %scan3A_255 step %scan3A_256 iter_args(%scan3A_260 = %scan3A_252) -> (i32)  : i32 {
            %mul3A_261 = arith.constant 32 : i32
            %mul3A_262 = arith.muli %scan3A_259, %mul3A_261 : i32
            %dma_start3A_263 = arith.constant 0 : i32
            %dma_start3A_264 = arith.constant 0 : i32
            %dma_start3A_265 = tpu.memref_slice %arg9[%and3A_251, %scan3A_259, %dma_start3A_263, %dma_start3A_264] : memref<2x50x32x32xf32, #tpu.memory_space<vmem>> -> memref<1x1x32x32xf32, #tpu.memory_space<vmem>>
            %dma_start3A_266 = tpu.memref_squeeze %dma_start3A_265 : memref<1x1x32x32xf32, #tpu.memory_space<vmem>> -> memref<32x32xf32, #tpu.memory_space<vmem>>
            %dma_start3A_267 = tpu.memref_slice %arg8[%and3A_251, %mul3A_262] : memref<2x2048xi32, #tpu.memory_space<vmem>> -> memref<1x32xi32, #tpu.memory_space<vmem>>
            %dma_start3A_268 = tpu.memref_squeeze %dma_start3A_267 : memref<1x32xi32, #tpu.memory_space<vmem>> -> memref<32xi32, #tpu.memory_space<vmem>>
            %dma_start3A_269 = arith.constant 0 : i32
            %dma_start3A_270 = arith.constant 0 : i32
            %dma_start3A_271 = tpu.memref_slice %arg4[%dma_start3A_269, %dma_start3A_270] : memref<1000064x32xf32, #tpu.memory_space<hbm>> -> memref<1000064x32xf32, #tpu.memory_space<hbm>>
            tpu.enqueue_indirect_dma source(%dma_start3A_271 : memref<1000064x32xf32, #tpu.memory_space<hbm>>) target(%dma_start3A_266 : memref<32x32xf32, #tpu.memory_space<vmem>>) offsets(%dma_start3A_268 : memref<32xi32, #tpu.memory_space<vmem>>) semaphore(%arg13 : memref<!tpu.dma_semaphore, #tpu.memory_space<semaphore_mem>>)
            %scan3A_272 = arith.constant 0 : i32
            scf.yield %scan3A_272 : i32
          }
          %scan3A_258 = arith.constant 50 : i32
        } else {
        }
        %and3A_241 = arith.constant 1 : i32
        %and3A_242 = arith.andi %scan3A_133, %and3A_241 : i32
        %eq3A_243 = arith.constant 1 : i32
        %eq3A_244 = arith.cmpi eq, %and3A_242, %eq3A_243 : i32
        %convert_element_type3A_245 = arith.extui %eq3A_244 : i1 to i32
        %cond3A_246 = arith.constant 0 : i32
        %cond3A_247 = arith.cmpi ne, %convert_element_type3A_245, %cond3A_246 : i32
        scf.if %cond3A_247 {
          %add3A_248 = arith.constant 1 : i32
          %add3A_249 = arith.addi %scan3A_133, %add3A_248 : i32
          %and3A_250 = arith.constant 1 : i32
          %and3A_251 = arith.andi %add3A_249, %and3A_250 : i32
          %scan3A_252 = arith.constant 0 : i32
          %scan3A_253 = arith.constant 0 : i32
          %scan3A_254 = arith.constant 50 : i32
          %scan3A_255 = arith.addi %scan3A_253, %scan3A_254 : i32
          %scan3A_256 = arith.constant 1 : i32
          %scan3A_257 = scf.for %scan3A_259 = %scan3A_253 to %scan3A_255 step %scan3A_256 iter_args(%scan3A_260 = %scan3A_252) -> (i32)  : i32 {
            %mul3A_261 = arith.constant 32 : i32
            %mul3A_262 = arith.muli %scan3A_259, %mul3A_261 : i32
            %dma_start3A_263 = arith.constant 0 : i32
            %dma_start3A_264 = arith.constant 0 : i32
            %dma_start3A_265 = tpu.memref_slice %arg9[%and3A_251, %scan3A_259, %dma_start3A_263, %dma_start3A_264] : memref<2x50x32x32xf32, #tpu.memory_space<vmem>> -> memref<1x1x32x32xf32, #tpu.memory_space<vmem>>
            %dma_start3A_266 = tpu.memref_squeeze %dma_start3A_265 : memref<1x1x32x32xf32, #tpu.memory_space<vmem>> -> memref<32x32xf32, #tpu.memory_space<vmem>>
            %dma_start3A_267 = tpu.memref_slice %arg8[%and3A_251, %mul3A_262] : memref<2x2048xi32, #tpu.memory_space<vmem>> -> memref<1x32xi32, #tpu.memory_space<vmem>>
            %dma_start3A_268 = tpu.memref_squeeze %dma_start3A_267 : memref<1x32xi32, #tpu.memory_space<vmem>> -> memref<32xi32, #tpu.memory_space<vmem>>
            %dma_start3A_269 = arith.constant 0 : i32
            %dma_start3A_270 = arith.constant 0 : i32
            %dma_start3A_271 = tpu.memref_slice %arg4[%dma_start3A_269, %dma_start3A_270] : memref<1000064x32xf32, #tpu.memory_space<hbm>> -> memref<1000064x32xf32, #tpu.memory_space<hbm>>
            tpu.enqueue_indirect_dma source(%dma_start3A_271 : memref<1000064x32xf32, #tpu.memory_space<hbm>>) target(%dma_start3A_266 : memref<32x32xf32, #tpu.memory_space<vmem>>) offsets(%dma_start3A_268 : memref<32xi32, #tpu.memory_space<vmem>>) semaphore(%arg12 : memref<!tpu.dma_semaphore, #tpu.memory_space<semaphore_mem>>)
            %scan3A_272 = arith.constant 0 : i32
            scf.yield %scan3A_272 : i32
          }
          %scan3A_258 = arith.constant 50 : i32
        } else {
        }
      } else {
      }
      %add3A_143 = arith.constant 2 : i32
      %add3A_144 = arith.addi %scan3A_133, %add3A_143 : i32
      %lt3A_145 = arith.constant 16 : i32
      %lt3A_146 = arith.cmpi slt, %add3A_144, %lt3A_145 : i32
      %convert_element_type3A_147 = arith.extui %lt3A_146 : i1 to i32
      %cond3A_148 = arith.constant 0 : i32
      %cond3A_149 = arith.cmpi ne, %convert_element_type3A_147, %cond3A_148 : i32
      scf.if %cond3A_149 {
        %add3A_194 = arith.constant 2 : i32
        %add3A_195 = arith.addi %scan3A_133, %add3A_194 : i32
        %and3A_196 = arith.constant 1 : i32
        %and3A_197 = arith.andi %add3A_195, %and3A_196 : i32
        %mul3A_198 = arith.constant 512 : i32
        %mul3A_199 = arith.muli %add3A, %mul3A_198 : i32
        %mul3A_200 = arith.constant 32 : i32
        %mul3A_201 = arith.muli %add3A_195, %mul3A_200 : i32
        %add3A_202 = arith.addi %mul3A_199, %mul3A_201 : i32
        %dma_start3A_203 = arith.constant 0 : i32
        %dma_start3A_204 = arith.constant 0 : i32
        %dma_start3A_205 = tpu.memref_slice %arg6[%and3A_197, %dma_start3A_203, %dma_start3A_204] : memref<2x32x32xi32, #tpu.memory_space<vmem>> -> memref<1x32x32xi32, #tpu.memory_space<vmem>>
        %dma_start3A_206 = tpu.memref_squeeze %dma_start3A_205 : memref<1x32x32xi32, #tpu.memory_space<vmem>> -> memref<32x32xi32, #tpu.memory_space<vmem>>
        %dma_start3A_207 = arith.constant 0 : i32
        %dma_start3A_208 = tpu.memref_slice %arg2[%add3A_202, %dma_start3A_207] : memref<16384x32xi32, #tpu.memory_space<hbm>> -> memref<32x32xi32, #tpu.memory_space<hbm>>
        %dma_start3A_209 = arith.constant 0 : i32
        %dma_start3A_210 = arith.constant 0 : i32
        %dma_start3A_211 = tpu.memref_slice %arg6[%and3A_197, %dma_start3A_209, %dma_start3A_210] : memref<2x32x32xi32, #tpu.memory_space<vmem>> -> memref<1x32x32xi32, #tpu.memory_space<vmem>>
        %dma_start3A_212 = tpu.memref_squeeze %dma_start3A_211 : memref<1x32x32xi32, #tpu.memory_space<vmem>> -> memref<32x32xi32, #tpu.memory_space<vmem>>
        %dma_start3A_213 = arith.constant 0 : i32
        %dma_start3A_214 = tpu.memref_slice %arg2[%add3A_202, %dma_start3A_213] : memref<16384x32xi32, #tpu.memory_space<hbm>> -> memref<32x32xi32, #tpu.memory_space<hbm>>
        tpu.enqueue_dma source(%dma_start3A_214 : memref<32x32xi32, #tpu.memory_space<hbm>>) target(%dma_start3A_212 : memref<32x32xi32, #tpu.memory_space<vmem>>) target_semaphore(%arg11 : memref<!tpu.dma_semaphore, #tpu.memory_space<semaphore_mem>>)
        %dma_start3A_215 = arith.constant 0 : i32
        %dma_start3A_216 = arith.constant 0 : i32
        %dma_start3A_217 = tpu.memref_slice %arg7[%and3A_197, %dma_start3A_215, %dma_start3A_216] : memref<2x32x32xi32, #tpu.memory_space<vmem>> -> memref<1x32x32xi32, #tpu.memory_space<vmem>>
        %dma_start3A_218 = tpu.memref_squeeze %dma_start3A_217 : memref<1x32x32xi32, #tpu.memory_space<vmem>> -> memref<32x32xi32, #tpu.memory_space<vmem>>
        %dma_start3A_219 = arith.constant 0 : i32
        %dma_start3A_220 = tpu.memref_slice %arg3[%add3A_202, %dma_start3A_219] : memref<16384x32xi32, #tpu.memory_space<hbm>> -> memref<32x32xi32, #tpu.memory_space<hbm>>
        %dma_start3A_221 = arith.constant 0 : i32
        %dma_start3A_222 = arith.constant 0 : i32
        %dma_start3A_223 = tpu.memref_slice %arg7[%and3A_197, %dma_start3A_221, %dma_start3A_222] : memref<2x32x32xi32, #tpu.memory_space<vmem>> -> memref<1x32x32xi32, #tpu.memory_space<vmem>>
        %dma_start3A_224 = tpu.memref_squeeze %dma_start3A_223 : memref<1x32x32xi32, #tpu.memory_space<vmem>> -> memref<32x32xi32, #tpu.memory_space<vmem>>
        %dma_start3A_225 = arith.constant 0 : i32
        %dma_start3A_226 = tpu.memref_slice %arg3[%add3A_202, %dma_start3A_225] : memref<16384x32xi32, #tpu.memory_space<hbm>> -> memref<32x32xi32, #tpu.memory_space<hbm>>
        tpu.enqueue_dma source(%dma_start3A_226 : memref<32x32xi32, #tpu.memory_space<hbm>>) target(%dma_start3A_224 : memref<32x32xi32, #tpu.memory_space<vmem>>) target_semaphore(%arg11 : memref<!tpu.dma_semaphore, #tpu.memory_space<semaphore_mem>>)
      } else {
      }
      %and3A = arith.constant 1 : i32
      %and3A_150 = arith.andi %scan3A_133, %and3A : i32
      %eq3A_151 = arith.constant 0 : i32
      %eq3A_152 = arith.cmpi eq, %and3A_150, %eq3A_151 : i32
      %convert_element_type3A_153 = arith.extui %eq3A_152 : i1 to i32
      %cond3A_154 = arith.constant 0 : i32
      %cond3A_155 = arith.cmpi ne, %convert_element_type3A_153, %cond3A_154 : i32
      scf.if %cond3A_155 {
        %and3A_194 = arith.constant 1 : i32
        %and3A_195 = arith.andi %scan3A_133, %and3A_194 : i32
        %scan3A_196 = arith.constant 0 : i32
        %scan3A_197 = arith.constant 0 : i32
        %scan3A_198 = arith.constant 50 : i32
        %scan3A_199 = arith.addi %scan3A_197, %scan3A_198 : i32
        %scan3A_200 = arith.constant 1 : i32
        %scan3A_201 = scf.for %scan3A_203 = %scan3A_197 to %scan3A_199 step %scan3A_200 iter_args(%scan3A_204 = %scan3A_196) -> (i32)  : i32 {
          %mul3A_205 = arith.constant 32 : i32
          %mul3A_206 = arith.muli %scan3A_203, %mul3A_205 : i32
          %dma_wait3A_207 = arith.constant 0 : i32
          %dma_wait3A_208 = arith.constant 0 : i32
          %dma_wait3A_209 = tpu.memref_slice %arg9[%and3A_195, %scan3A_203, %dma_wait3A_207, %dma_wait3A_208] : memref<2x50x32x32xf32, #tpu.memory_space<vmem>> -> memref<1x1x32x32xf32, #tpu.memory_space<vmem>>
          %dma_wait3A_210 = tpu.memref_squeeze %dma_wait3A_209 : memref<1x1x32x32xf32, #tpu.memory_space<vmem>> -> memref<32x32xf32, #tpu.memory_space<vmem>>
          %dma_wait3A_211 = tpu.memref_slice %arg8[%and3A_195, %mul3A_206] : memref<2x2048xi32, #tpu.memory_space<vmem>> -> memref<1x32xi32, #tpu.memory_space<vmem>>
          %dma_wait3A_212 = tpu.memref_squeeze %dma_wait3A_211 : memref<1x32xi32, #tpu.memory_space<vmem>> -> memref<32xi32, #tpu.memory_space<vmem>>
          %dma_wait3A_213 = arith.constant 0 : i32
          %dma_wait3A_214 = arith.constant 0 : i32
          %dma_wait3A_215 = tpu.memref_slice %arg4[%dma_wait3A_213, %dma_wait3A_214] : memref<1000064x32xf32, #tpu.memory_space<hbm>> -> memref<1000064x32xf32, #tpu.memory_space<hbm>>
          tpu.wait_indirect_dma semaphore(%arg12 : memref<!tpu.dma_semaphore, #tpu.memory_space<semaphore_mem>>) src(%dma_wait3A_215 : memref<1000064x32xf32, #tpu.memory_space<hbm>>) dst(%dma_wait3A_210 : memref<32x32xf32, #tpu.memory_space<vmem>>)
          %scan3A_216 = arith.constant 0 : i32
          scf.yield %scan3A_216 : i32
        }
        %scan3A_202 = arith.constant 50 : i32
      } else {
      }
      %and3A_156 = arith.constant 1 : i32
      %and3A_157 = arith.andi %scan3A_133, %and3A_156 : i32
      %eq3A_158 = arith.constant 1 : i32
      %eq3A_159 = arith.cmpi eq, %and3A_157, %eq3A_158 : i32
      %convert_element_type3A_160 = arith.extui %eq3A_159 : i1 to i32
      %cond3A_161 = arith.constant 0 : i32
      %cond3A_162 = arith.cmpi ne, %convert_element_type3A_160, %cond3A_161 : i32
      scf.if %cond3A_162 {
        %and3A_194 = arith.constant 1 : i32
        %and3A_195 = arith.andi %scan3A_133, %and3A_194 : i32
        %scan3A_196 = arith.constant 0 : i32
        %scan3A_197 = arith.constant 0 : i32
        %scan3A_198 = arith.constant 50 : i32
        %scan3A_199 = arith.addi %scan3A_197, %scan3A_198 : i32
        %scan3A_200 = arith.constant 1 : i32
        %scan3A_201 = scf.for %scan3A_203 = %scan3A_197 to %scan3A_199 step %scan3A_200 iter_args(%scan3A_204 = %scan3A_196) -> (i32)  : i32 {
          %mul3A_205 = arith.constant 32 : i32
          %mul3A_206 = arith.muli %scan3A_203, %mul3A_205 : i32
          %dma_wait3A_207 = arith.constant 0 : i32
          %dma_wait3A_208 = arith.constant 0 : i32
          %dma_wait3A_209 = tpu.memref_slice %arg9[%and3A_195, %scan3A_203, %dma_wait3A_207, %dma_wait3A_208] : memref<2x50x32x32xf32, #tpu.memory_space<vmem>> -> memref<1x1x32x32xf32, #tpu.memory_space<vmem>>
          %dma_wait3A_210 = tpu.memref_squeeze %dma_wait3A_209 : memref<1x1x32x32xf32, #tpu.memory_space<vmem>> -> memref<32x32xf32, #tpu.memory_space<vmem>>
          %dma_wait3A_211 = tpu.memref_slice %arg8[%and3A_195, %mul3A_206] : memref<2x2048xi32, #tpu.memory_space<vmem>> -> memref<1x32xi32, #tpu.memory_space<vmem>>
          %dma_wait3A_212 = tpu.memref_squeeze %dma_wait3A_211 : memref<1x32xi32, #tpu.memory_space<vmem>> -> memref<32xi32, #tpu.memory_space<vmem>>
          %dma_wait3A_213 = arith.constant 0 : i32
          %dma_wait3A_214 = arith.constant 0 : i32
          %dma_wait3A_215 = tpu.memref_slice %arg4[%dma_wait3A_213, %dma_wait3A_214] : memref<1000064x32xf32, #tpu.memory_space<hbm>> -> memref<1000064x32xf32, #tpu.memory_space<hbm>>
          tpu.wait_indirect_dma semaphore(%arg13 : memref<!tpu.dma_semaphore, #tpu.memory_space<semaphore_mem>>) src(%dma_wait3A_215 : memref<1000064x32xf32, #tpu.memory_space<hbm>>) dst(%dma_wait3A_210 : memref<32x32xf32, #tpu.memory_space<vmem>>)
          %scan3A_216 = arith.constant 0 : i32
          scf.yield %scan3A_216 : i32
        }
        %scan3A_202 = arith.constant 50 : i32
      } else {
      }
      %ge3A = arith.constant 2 : i32
      %ge3A_163 = arith.cmpi sge, %scan3A_133, %ge3A : i32
      %convert_element_type3A_164 = arith.extui %ge3A_163 : i1 to i32
      %cond3A_165 = arith.constant 0 : i32
      %cond3A_166 = arith.cmpi ne, %convert_element_type3A_164, %cond3A_165 : i32
      scf.if %cond3A_166 {
        %and3A_194 = arith.constant 1 : i32
        %and3A_195 = arith.andi %scan3A_133, %and3A_194 : i32
        %mul3A_196 = arith.constant 512 : i32
        %mul3A_197 = arith.muli %add3A, %mul3A_196 : i32
        %dma_wait3A_198 = arith.constant 0 : i32
        %dma_wait3A_199 = arith.constant 0 : i32
        %dma_wait3A_200 = tpu.memref_slice %arg10[%and3A_195, %dma_wait3A_198, %dma_wait3A_199] : memref<2x32x32xf32, #tpu.memory_space<vmem>> -> memref<1x32x32xf32, #tpu.memory_space<vmem>>
        %dma_wait3A_201 = tpu.memref_squeeze %dma_wait3A_200 : memref<1x32x32xf32, #tpu.memory_space<vmem>> -> memref<32x32xf32, #tpu.memory_space<vmem>>
        %dma_wait3A_202 = arith.constant 0 : i32
        %dma_wait3A_203 = tpu.memref_slice %arg5[%mul3A_197, %dma_wait3A_202] : memref<16384x32xf32, #tpu.memory_space<hbm>> -> memref<32x32xf32, #tpu.memory_space<hbm>>
        %dma_wait3A_204 = arith.constant 0 : i32
        %dma_wait3A_205 = tpu.memref_slice %arg5[%mul3A_197, %dma_wait3A_204] : memref<16384x32xf32, #tpu.memory_space<hbm>> -> memref<32x32xf32, #tpu.memory_space<hbm>>
        %dma_wait3A_206 = arith.constant 0 : i32
        %dma_wait3A_207 = arith.constant 0 : i32
        %dma_wait3A_208 = tpu.memref_slice %arg10[%and3A_195, %dma_wait3A_206, %dma_wait3A_207] : memref<2x32x32xf32, #tpu.memory_space<vmem>> -> memref<1x32x32xf32, #tpu.memory_space<vmem>>
        %dma_wait3A_209 = tpu.memref_squeeze %dma_wait3A_208 : memref<1x32x32xf32, #tpu.memory_space<vmem>> -> memref<32x32xf32, #tpu.memory_space<vmem>>
        tpu.wait_dma2 semaphore(%arg14 : memref<!tpu.dma_semaphore, #tpu.memory_space<semaphore_mem>>) src(%dma_wait3A_209 : memref<32x32xf32, #tpu.memory_space<vmem>>) dst(%dma_wait3A_205 : memref<32x32xf32, #tpu.memory_space<hbm>>)
      } else {
      }
      %and3A_167 = arith.constant 1 : i32
      %and3A_168 = arith.andi %scan3A_133, %and3A_167 : i32
      %scan3A_169 = arith.constant 0 : i32
      %scan3A_170 = arith.constant 0 : i32
      %scan3A_171 = arith.constant 32 : i32
      %scan3A_172 = arith.addi %scan3A_170, %scan3A_171 : i32
      %scan3A_173 = arith.constant 1 : i32
      %scan3A_174 = scf.for %scan3A_194 = %scan3A_170 to %scan3A_172 step %scan3A_173 iter_args(%scan3A_195 = %scan3A_169) -> (i32)  : i32 {
        %get3A = arith.constant 0 : i32
        %get3A_196 = arith.index_cast %and3A_168 : i32 to index
        %get3A_197 = arith.index_cast %get3A : i32 to index
        %get3A_198 = arith.index_cast %scan3A_194 : i32 to index
        %get3A_199 = arith.constant 0 : index
        %get3A_200 = tpu.vector_load %arg9[%get3A_196, %get3A_197, %get3A_198, %get3A_199] {strides = array<i32>} : memref<2x50x32x32xf32, #tpu.memory_space<vmem>>, vector<16xf32>,
        %get3A_201 = arith.constant 0 : i32
        %get3A_202 = arith.index_cast %and3A_168 : i32 to index
        %get3A_203 = arith.index_cast %get3A_201 : i32 to index
        %get3A_204 = arith.index_cast %scan3A_194 : i32 to index
        %get3A_205 = arith.constant 16 : index
        %get3A_206 = tpu.vector_load %arg9[%get3A_202, %get3A_203, %get3A_204, %get3A_205] {strides = array<i32>} : memref<2x50x32x32xf32, #tpu.memory_space<vmem>>, vector<16xf32>,
        %get3A_207 = arith.constant 1 : i32
        %get3A_208 = arith.index_cast %and3A_168 : i32 to index
        %get3A_209 = arith.index_cast %get3A_207 : i32 to index
        %get3A_210 = arith.index_cast %scan3A_194 : i32 to index
        %get3A_211 = arith.constant 0 : index
        %get3A_212 = tpu.vector_load %arg9[%get3A_208, %get3A_209, %get3A_210, %get3A_211] {strides = array<i32>} : memref<2x50x32x32xf32, #tpu.memory_space<vmem>>, vector<16xf32>,
        %add3A_213 = arith.addf %get3A_200, %get3A_212 : vector<16xf32>
        %get3A_214 = arith.constant 1 : i32
        %get3A_215 = arith.index_cast %and3A_168 : i32 to index
        %get3A_216 = arith.index_cast %get3A_214 : i32 to index
        %get3A_217 = arith.index_cast %scan3A_194 : i32 to index
        %get3A_218 = arith.constant 16 : index
        %get3A_219 = tpu.vector_load %arg9[%get3A_215, %get3A_216, %get3A_217, %get3A_218] {strides = array<i32>} : memref<2x50x32x32xf32, #tpu.memory_space<vmem>>, vector<16xf32>,
        %add3A_220 = arith.addf %get3A_206, %get3A_219 : vector<16xf32>
        %get3A_221 = arith.constant 2 : i32
        %get3A_222 = arith.index_cast %and3A_168 : i32 to index
        %get3A_223 = arith.index_cast %get3A_221 : i32 to index
        %get3A_224 = arith.index_cast %scan3A_194 : i32 to index
        %get3A_225 = arith.constant 0 : index
        %get3A_226 = tpu.vector_load %arg9[%get3A_222, %get3A_223, %get3A_224, %get3A_225] {strides = array<i32>} : memref<2x50x32x32xf32, #tpu.memory_space<vmem>>, vector<16xf32>,
        %add3A_227 = arith.addf %add3A_213, %get3A_226 : vector<16xf32>
        %get3A_228 = arith.constant 2 : i32
        %get3A_229 = arith.index_cast %and3A_168 : i32 to index
        %get3A_230 = arith.index_cast %get3A_228 : i32 to index
        %get3A_231 = arith.index_cast %scan3A_194 : i32 to index
        %get3A_232 = arith.constant 16 : index
        %get3A_233 = tpu.vector_load %arg9[%get3A_229, %get3A_230, %get3A_231, %get3A_232] {strides = array<i32>} : memref<2x50x32x32xf32, #tpu.memory_space<vmem>>, vector<16xf32>,
        %add3A_234 = arith.addf %add3A_220, %get3A_233 : vector<16xf32>
        %get3A_235 = arith.constant 3 : i32
        %get3A_236 = arith.index_cast %and3A_168 : i32 to index
        %get3A_237 = arith.index_cast %get3A_235 : i32 to index
        %get3A_238 = arith.index_cast %scan3A_194 : i32 to index
        %get3A_239 = arith.constant 0 : index
        %get3A_240 = tpu.vector_load %arg9[%get3A_236, %get3A_237, %get3A_238, %get3A_239] {strides = array<i32>} : memref<2x50x32x32xf32, #tpu.memory_space<vmem>>, vector<16xf32>,
        %add3A_241 = arith.addf %add3A_227, %get3A_240 : vector<16xf32>
        %get3A_242 = arith.constant 3 : i32
        %get3A_243 = arith.index_cast %and3A_168 : i32 to index
        %get3A_244 = arith.index_cast %get3A_242 : i32 to index
        %get3A_245 = arith.index_cast %scan3A_194 : i32 to index
        %get3A_246 = arith.constant 16 : index
        %get3A_247 = tpu.vector_load %arg9[%get3A_243, %get3A_244, %get3A_245, %get3A_246] {strides = array<i32>} : memref<2x50x32x32xf32, #tpu.memory_space<vmem>>, vector<16xf32>,
        %add3A_248 = arith.addf %add3A_234, %get3A_247 : vector<16xf32>
        %get3A_249 = arith.constant 4 : i32
        %get3A_250 = arith.index_cast %and3A_168 : i32 to index
        %get3A_251 = arith.index_cast %get3A_249 : i32 to index
        %get3A_252 = arith.index_cast %scan3A_194 : i32 to index
        %get3A_253 = arith.constant 0 : index
        %get3A_254 = tpu.vector_load %arg9[%get3A_250, %get3A_251, %get3A_252, %get3A_253] {strides = array<i32>} : memref<2x50x32x32xf32, #tpu.memory_space<vmem>>, vector<16xf32>,
        %add3A_255 = arith.addf %add3A_241, %get3A_254 : vector<16xf32>
        %get3A_256 = arith.constant 4 : i32
        %get3A_257 = arith.index_cast %and3A_168 : i32 to index
        %get3A_258 = arith.index_cast %get3A_256 : i32 to index
        %get3A_259 = arith.index_cast %scan3A_194 : i32 to index
        %get3A_260 = arith.constant 16 : index
        %get3A_261 = tpu.vector_load %arg9[%get3A_257, %get3A_258, %get3A_259, %get3A_260] {strides = array<i32>} : memref<2x50x32x32xf32, #tpu.memory_space<vmem>>, vector<16xf32>,
        %add3A_262 = arith.addf %add3A_248, %get3A_261 : vector<16xf32>
        %get3A_263 = arith.constant 5 : i32
        %get3A_264 = arith.index_cast %and3A_168 : i32 to index
        %get3A_265 = arith.index_cast %get3A_263 : i32 to index
        %get3A_266 = arith.index_cast %scan3A_194 : i32 to index
        %get3A_267 = arith.constant 0 : index
        %get3A_268 = tpu.vector_load %arg9[%get3A_264, %get3A_265, %get3A_266, %get3A_267] {strides = array<i32>} : memref<2x50x32x32xf32, #tpu.memory_space<vmem>>, vector<16xf32>,
        %add3A_269 = arith.addf %add3A_255, %get3A_268 : vector<16xf32>
        %get3A_270 = arith.constant 5 : i32
        %get3A_271 = arith.index_cast %and3A_168 : i32 to index
        %get3A_272 = arith.index_cast %get3A_270 : i32 to index
        %get3A_273 = arith.index_cast %scan3A_194 : i32 to index
        %get3A_274 = arith.constant 16 : index
        %get3A_275 = tpu.vector_load %arg9[%get3A_271, %get3A_272, %get3A_273, %get3A_274] {strides = array<i32>} : memref<2x50x32x32xf32, #tpu.memory_space<vmem>>, vector<16xf32>,
        %add3A_276 = arith.addf %add3A_262, %get3A_275 : vector<16xf32>
        %get3A_277 = arith.constant 6 : i32
        %get3A_278 = arith.index_cast %and3A_168 : i32 to index
        %get3A_279 = arith.index_cast %get3A_277 : i32 to index
        %get3A_280 = arith.index_cast %scan3A_194 : i32 to index
        %get3A_281 = arith.constant 0 : index
        %get3A_282 = tpu.vector_load %arg9[%get3A_278, %get3A_279, %get3A_280, %get3A_281] {strides = array<i32>} : memref<2x50x32x32xf32, #tpu.memory_space<vmem>>, vector<16xf32>,
        %add3A_283 = arith.addf %add3A_269, %get3A_282 : vector<16xf32>
        %get3A_284 = arith.constant 6 : i32
        %get3A_285 = arith.index_cast %and3A_168 : i32 to index
        %get3A_286 = arith.index_cast %get3A_284 : i32 to index
        %get3A_287 = arith.index_cast %scan3A_194 : i32 to index
        %get3A_288 = arith.constant 16 : index
        %get3A_289 = tpu.vector_load %arg9[%get3A_285, %get3A_286, %get3A_287, %get3A_288] {strides = array<i32>} : memref<2x50x32x32xf32, #tpu.memory_space<vmem>>, vector<16xf32>,
        %add3A_290 = arith.addf %add3A_276, %get3A_289 : vector<16xf32>
        %get3A_291 = arith.constant 7 : i32
        %get3A_292 = arith.index_cast %and3A_168 : i32 to index
        %get3A_293 = arith.index_cast %get3A_291 : i32 to index
        %get3A_294 = arith.index_cast %scan3A_194 : i32 to index
        %get3A_295 = arith.constant 0 : index
        %get3A_296 = tpu.vector_load %arg9[%get3A_292, %get3A_293, %get3A_294, %get3A_295] {strides = array<i32>} : memref<2x50x32x32xf32, #tpu.memory_space<vmem>>, vector<16xf32>,
        %add3A_297 = arith.addf %add3A_283, %get3A_296 : vector<16xf32>
        %get3A_298 = arith.constant 7 : i32
        %get3A_299 = arith.index_cast %and3A_168 : i32 to index
        %get3A_300 = arith.index_cast %get3A_298 : i32 to index
        %get3A_301 = arith.index_cast %scan3A_194 : i32 to index
        %get3A_302 = arith.constant 16 : index
        %get3A_303 = tpu.vector_load %arg9[%get3A_299, %get3A_300, %get3A_301, %get3A_302] {strides = array<i32>} : memref<2x50x32x32xf32, #tpu.memory_space<vmem>>, vector<16xf32>,
        %add3A_304 = arith.addf %add3A_290, %get3A_303 : vector<16xf32>
        %get3A_305 = arith.constant 8 : i32
        %get3A_306 = arith.index_cast %and3A_168 : i32 to index
        %get3A_307 = arith.index_cast %get3A_305 : i32 to index
        %get3A_308 = arith.index_cast %scan3A_194 : i32 to index
        %get3A_309 = arith.constant 0 : index
        %get3A_310 = tpu.vector_load %arg9[%get3A_306, %get3A_307, %get3A_308, %get3A_309] {strides = array<i32>} : memref<2x50x32x32xf32, #tpu.memory_space<vmem>>, vector<16xf32>,
        %add3A_311 = arith.addf %add3A_297, %get3A_310 : vector<16xf32>
        %get3A_312 = arith.constant 8 : i32
        %get3A_313 = arith.index_cast %and3A_168 : i32 to index
        %get3A_314 = arith.index_cast %get3A_312 : i32 to index
        %get3A_315 = arith.index_cast %scan3A_194 : i32 to index
        %get3A_316 = arith.constant 16 : index
        %get3A_317 = tpu.vector_load %arg9[%get3A_313, %get3A_314, %get3A_315, %get3A_316] {strides = array<i32>} : memref<2x50x32x32xf32, #tpu.memory_space<vmem>>, vector<16xf32>,
        %add3A_318 = arith.addf %add3A_304, %get3A_317 : vector<16xf32>
        %get3A_319 = arith.constant 9 : i32
        %get3A_320 = arith.index_cast %and3A_168 : i32 to index
        %get3A_321 = arith.index_cast %get3A_319 : i32 to index
        %get3A_322 = arith.index_cast %scan3A_194 : i32 to index
        %get3A_323 = arith.constant 0 : index
        %get3A_324 = tpu.vector_load %arg9[%get3A_320, %get3A_321, %get3A_322, %get3A_323] {strides = array<i32>} : memref<2x50x32x32xf32, #tpu.memory_space<vmem>>, vector<16xf32>,
        %add3A_325 = arith.addf %add3A_311, %get3A_324 : vector<16xf32>
        %get3A_326 = arith.constant 9 : i32
        %get3A_327 = arith.index_cast %and3A_168 : i32 to index
        %get3A_328 = arith.index_cast %get3A_326 : i32 to index
        %get3A_329 = arith.index_cast %scan3A_194 : i32 to index
        %get3A_330 = arith.constant 16 : index
        %get3A_331 = tpu.vector_load %arg9[%get3A_327, %get3A_328, %get3A_329, %get3A_330] {strides = array<i32>} : memref<2x50x32x32xf32, #tpu.memory_space<vmem>>, vector<16xf32>,
        %add3A_332 = arith.addf %add3A_318, %get3A_331 : vector<16xf32>
        %get3A_333 = arith.constant 10 : i32
        %get3A_334 = arith.index_cast %and3A_168 : i32 to index
        %get3A_335 = arith.index_cast %get3A_333 : i32 to index
        %get3A_336 = arith.index_cast %scan3A_194 : i32 to index
        %get3A_337 = arith.constant 0 : index
        %get3A_338 = tpu.vector_load %arg9[%get3A_334, %get3A_335, %get3A_336, %get3A_337] {strides = array<i32>} : memref<2x50x32x32xf32, #tpu.memory_space<vmem>>, vector<16xf32>,
        %add3A_339 = arith.addf %add3A_325, %get3A_338 : vector<16xf32>
        %get3A_340 = arith.constant 10 : i32
        %get3A_341 = arith.index_cast %and3A_168 : i32 to index
        %get3A_342 = arith.index_cast %get3A_340 : i32 to index
        %get3A_343 = arith.index_cast %scan3A_194 : i32 to index
        %get3A_344 = arith.constant 16 : index
        %get3A_345 = tpu.vector_load %arg9[%get3A_341, %get3A_342, %get3A_343, %get3A_344] {strides = array<i32>} : memref<2x50x32x32xf32, #tpu.memory_space<vmem>>, vector<16xf32>,
        %add3A_346 = arith.addf %add3A_332, %get3A_345 : vector<16xf32>
        %get3A_347 = arith.constant 11 : i32
        %get3A_348 = arith.index_cast %and3A_168 : i32 to index
        %get3A_349 = arith.index_cast %get3A_347 : i32 to index
        %get3A_350 = arith.index_cast %scan3A_194 : i32 to index
        %get3A_351 = arith.constant 0 : index
        %get3A_352 = tpu.vector_load %arg9[%get3A_348, %get3A_349, %get3A_350, %get3A_351] {strides = array<i32>} : memref<2x50x32x32xf32, #tpu.memory_space<vmem>>, vector<16xf32>,
        %add3A_353 = arith.addf %add3A_339, %get3A_352 : vector<16xf32>
        %get3A_354 = arith.constant 11 : i32
        %get3A_355 = arith.index_cast %and3A_168 : i32 to index
        %get3A_356 = arith.index_cast %get3A_354 : i32 to index
        %get3A_357 = arith.index_cast %scan3A_194 : i32 to index
        %get3A_358 = arith.constant 16 : index
        %get3A_359 = tpu.vector_load %arg9[%get3A_355, %get3A_356, %get3A_357, %get3A_358] {strides = array<i32>} : memref<2x50x32x32xf32, #tpu.memory_space<vmem>>, vector<16xf32>,
        %add3A_360 = arith.addf %add3A_346, %get3A_359 : vector<16xf32>
        %get3A_361 = arith.constant 12 : i32
        %get3A_362 = arith.index_cast %and3A_168 : i32 to index
        %get3A_363 = arith.index_cast %get3A_361 : i32 to index
        %get3A_364 = arith.index_cast %scan3A_194 : i32 to index
        %get3A_365 = arith.constant 0 : index
        %get3A_366 = tpu.vector_load %arg9[%get3A_362, %get3A_363, %get3A_364, %get3A_365] {strides = array<i32>} : memref<2x50x32x32xf32, #tpu.memory_space<vmem>>, vector<16xf32>,
        %add3A_367 = arith.addf %add3A_353, %get3A_366 : vector<16xf32>
        %get3A_368 = arith.constant 12 : i32
        %get3A_369 = arith.index_cast %and3A_168 : i32 to index
        %get3A_370 = arith.index_cast %get3A_368 : i32 to index
        %get3A_371 = arith.index_cast %scan3A_194 : i32 to index
        %get3A_372 = arith.constant 16 : index
        %get3A_373 = tpu.vector_load %arg9[%get3A_369, %get3A_370, %get3A_371, %get3A_372] {strides = array<i32>} : memref<2x50x32x32xf32, #tpu.memory_space<vmem>>, vector<16xf32>,
        %add3A_374 = arith.addf %add3A_360, %get3A_373 : vector<16xf32>
        %get3A_375 = arith.constant 13 : i32
        %get3A_376 = arith.index_cast %and3A_168 : i32 to index
        %get3A_377 = arith.index_cast %get3A_375 : i32 to index
        %get3A_378 = arith.index_cast %scan3A_194 : i32 to index
        %get3A_379 = arith.constant 0 : index
        %get3A_380 = tpu.vector_load %arg9[%get3A_376, %get3A_377, %get3A_378, %get3A_379] {strides = array<i32>} : memref<2x50x32x32xf32, #tpu.memory_space<vmem>>, vector<16xf32>,
        %add3A_381 = arith.addf %add3A_367, %get3A_380 : vector<16xf32>
        %get3A_382 = arith.constant 13 : i32
        %get3A_383 = arith.index_cast %and3A_168 : i32 to index
        %get3A_384 = arith.index_cast %get3A_382 : i32 to index
        %get3A_385 = arith.index_cast %scan3A_194 : i32 to index
        %get3A_386 = arith.constant 16 : index
        %get3A_387 = tpu.vector_load %arg9[%get3A_383, %get3A_384, %get3A_385, %get3A_386] {strides = array<i32>} : memref<2x50x32x32xf32, #tpu.memory_space<vmem>>, vector<16xf32>,
        %add3A_388 = arith.addf %add3A_374, %get3A_387 : vector<16xf32>
        %get3A_389 = arith.constant 14 : i32
        %get3A_390 = arith.index_cast %and3A_168 : i32 to index
        %get3A_391 = arith.index_cast %get3A_389 : i32 to index
        %get3A_392 = arith.index_cast %scan3A_194 : i32 to index
        %get3A_393 = arith.constant 0 : index
        %get3A_394 = tpu.vector_load %arg9[%get3A_390, %get3A_391, %get3A_392, %get3A_393] {strides = array<i32>} : memref<2x50x32x32xf32, #tpu.memory_space<vmem>>, vector<16xf32>,
        %add3A_395 = arith.addf %add3A_381, %get3A_394 : vector<16xf32>
        %get3A_396 = arith.constant 14 : i32
        %get3A_397 = arith.index_cast %and3A_168 : i32 to index
        %get3A_398 = arith.index_cast %get3A_396 : i32 to index
        %get3A_399 = arith.index_cast %scan3A_194 : i32 to index
        %get3A_400 = arith.constant 16 : index
        %get3A_401 = tpu.vector_load %arg9[%get3A_397, %get3A_398, %get3A_399, %get3A_400] {strides = array<i32>} : memref<2x50x32x32xf32, #tpu.memory_space<vmem>>, vector<16xf32>,
        %add3A_402 = arith.addf %add3A_388, %get3A_401 : vector<16xf32>
        %get3A_403 = arith.constant 15 : i32
        %get3A_404 = arith.index_cast %and3A_168 : i32 to index
        %get3A_405 = arith.index_cast %get3A_403 : i32 to index
        %get3A_406 = arith.index_cast %scan3A_194 : i32 to index
        %get3A_407 = arith.constant 0 : index
        %get3A_408 = tpu.vector_load %arg9[%get3A_404, %get3A_405, %get3A_406, %get3A_407] {strides = array<i32>} : memref<2x50x32x32xf32, #tpu.memory_space<vmem>>, vector<16xf32>,
        %add3A_409 = arith.addf %add3A_395, %get3A_408 : vector<16xf32>
        %get3A_410 = arith.constant 15 : i32
        %get3A_411 = arith.index_cast %and3A_168 : i32 to index
        %get3A_412 = arith.index_cast %get3A_410 : i32 to index
        %get3A_413 = arith.index_cast %scan3A_194 : i32 to index
        %get3A_414 = arith.constant 16 : index
        %get3A_415 = tpu.vector_load %arg9[%get3A_411, %get3A_412, %get3A_413, %get3A_414] {strides = array<i32>} : memref<2x50x32x32xf32, #tpu.memory_space<vmem>>, vector<16xf32>,
        %add3A_416 = arith.addf %add3A_402, %get3A_415 : vector<16xf32>
        %get3A_417 = arith.constant 16 : i32
        %get3A_418 = arith.index_cast %and3A_168 : i32 to index
        %get3A_419 = arith.index_cast %get3A_417 : i32 to index
        %get3A_420 = arith.index_cast %scan3A_194 : i32 to index
        %get3A_421 = arith.constant 0 : index
        %get3A_422 = tpu.vector_load %arg9[%get3A_418, %get3A_419, %get3A_420, %get3A_421] {strides = array<i32>} : memref<2x50x32x32xf32, #tpu.memory_space<vmem>>, vector<16xf32>,
        %add3A_423 = arith.addf %add3A_409, %get3A_422 : vector<16xf32>
        %get3A_424 = arith.constant 16 : i32
        %get3A_425 = arith.index_cast %and3A_168 : i32 to index
        %get3A_426 = arith.index_cast %get3A_424 : i32 to index
        %get3A_427 = arith.index_cast %scan3A_194 : i32 to index
        %get3A_428 = arith.constant 16 : index
        %get3A_429 = tpu.vector_load %arg9[%get3A_425, %get3A_426, %get3A_427, %get3A_428] {strides = array<i32>} : memref<2x50x32x32xf32, #tpu.memory_space<vmem>>, vector<16xf32>,
        %add3A_430 = arith.addf %add3A_416, %get3A_429 : vector<16xf32>
        %get3A_431 = arith.constant 17 : i32
        %get3A_432 = arith.index_cast %and3A_168 : i32 to index
        %get3A_433 = arith.index_cast %get3A_431 : i32 to index
        %get3A_434 = arith.index_cast %scan3A_194 : i32 to index
        %get3A_435 = arith.constant 0 : index
        %get3A_436 = tpu.vector_load %arg9[%get3A_432, %get3A_433, %get3A_434, %get3A_435] {strides = array<i32>} : memref<2x50x32x32xf32, #tpu.memory_space<vmem>>, vector<16xf32>,
        %add3A_437 = arith.addf %add3A_423, %get3A_436 : vector<16xf32>
        %get3A_438 = arith.constant 17 : i32
        %get3A_439 = arith.index_cast %and3A_168 : i32 to index
        %get3A_440 = arith.index_cast %get3A_438 : i32 to index
        %get3A_441 = arith.index_cast %scan3A_194 : i32 to index
        %get3A_442 = arith.constant 16 : index
        %get3A_443 = tpu.vector_load %arg9[%get3A_439, %get3A_440, %get3A_441, %get3A_442] {strides = array<i32>} : memref<2x50x32x32xf32, #tpu.memory_space<vmem>>, vector<16xf32>,
        %add3A_444 = arith.addf %add3A_430, %get3A_443 : vector<16xf32>
        %get3A_445 = arith.constant 18 : i32
        %get3A_446 = arith.index_cast %and3A_168 : i32 to index
        %get3A_447 = arith.index_cast %get3A_445 : i32 to index
        %get3A_448 = arith.index_cast %scan3A_194 : i32 to index
        %get3A_449 = arith.constant 0 : index
        %get3A_450 = tpu.vector_load %arg9[%get3A_446, %get3A_447, %get3A_448, %get3A_449] {strides = array<i32>} : memref<2x50x32x32xf32, #tpu.memory_space<vmem>>, vector<16xf32>,
        %add3A_451 = arith.addf %add3A_437, %get3A_450 : vector<16xf32>
        %get3A_452 = arith.constant 18 : i32
        %get3A_453 = arith.index_cast %and3A_168 : i32 to index
        %get3A_454 = arith.index_cast %get3A_452 : i32 to index
        %get3A_455 = arith.index_cast %scan3A_194 : i32 to index
        %get3A_456 = arith.constant 16 : index
        %get3A_457 = tpu.vector_load %arg9[%get3A_453, %get3A_454, %get3A_455, %get3A_456] {strides = array<i32>} : memref<2x50x32x32xf32, #tpu.memory_space<vmem>>, vector<16xf32>,
        %add3A_458 = arith.addf %add3A_444, %get3A_457 : vector<16xf32>
        %get3A_459 = arith.constant 19 : i32
        %get3A_460 = arith.index_cast %and3A_168 : i32 to index
        %get3A_461 = arith.index_cast %get3A_459 : i32 to index
        %get3A_462 = arith.index_cast %scan3A_194 : i32 to index
        %get3A_463 = arith.constant 0 : index
        %get3A_464 = tpu.vector_load %arg9[%get3A_460, %get3A_461, %get3A_462, %get3A_463] {strides = array<i32>} : memref<2x50x32x32xf32, #tpu.memory_space<vmem>>, vector<16xf32>,
        %add3A_465 = arith.addf %add3A_451, %get3A_464 : vector<16xf32>
        %get3A_466 = arith.constant 19 : i32
        %get3A_467 = arith.index_cast %and3A_168 : i32 to index
        %get3A_468 = arith.index_cast %get3A_466 : i32 to index
        %get3A_469 = arith.index_cast %scan3A_194 : i32 to index
        %get3A_470 = arith.constant 16 : index
        %get3A_471 = tpu.vector_load %arg9[%get3A_467, %get3A_468, %get3A_469, %get3A_470] {strides = array<i32>} : memref<2x50x32x32xf32, #tpu.memory_space<vmem>>, vector<16xf32>,
        %add3A_472 = arith.addf %add3A_458, %get3A_471 : vector<16xf32>
        %get3A_473 = arith.constant 20 : i32
        %get3A_474 = arith.index_cast %and3A_168 : i32 to index
        %get3A_475 = arith.index_cast %get3A_473 : i32 to index
        %get3A_476 = arith.index_cast %scan3A_194 : i32 to index
        %get3A_477 = arith.constant 0 : index
        %get3A_478 = tpu.vector_load %arg9[%get3A_474, %get3A_475, %get3A_476, %get3A_477] {strides = array<i32>} : memref<2x50x32x32xf32, #tpu.memory_space<vmem>>, vector<16xf32>,
        %add3A_479 = arith.addf %add3A_465, %get3A_478 : vector<16xf32>
        %get3A_480 = arith.constant 20 : i32
        %get3A_481 = arith.index_cast %and3A_168 : i32 to index
        %get3A_482 = arith.index_cast %get3A_480 : i32 to index
        %get3A_483 = arith.index_cast %scan3A_194 : i32 to index
        %get3A_484 = arith.constant 16 : index
        %get3A_485 = tpu.vector_load %arg9[%get3A_481, %get3A_482, %get3A_483, %get3A_484] {strides = array<i32>} : memref<2x50x32x32xf32, #tpu.memory_space<vmem>>, vector<16xf32>,
        %add3A_486 = arith.addf %add3A_472, %get3A_485 : vector<16xf32>
        %get3A_487 = arith.constant 21 : i32
        %get3A_488 = arith.index_cast %and3A_168 : i32 to index
        %get3A_489 = arith.index_cast %get3A_487 : i32 to index
        %get3A_490 = arith.index_cast %scan3A_194 : i32 to index
        %get3A_491 = arith.constant 0 : index
        %get3A_492 = tpu.vector_load %arg9[%get3A_488, %get3A_489, %get3A_490, %get3A_491] {strides = array<i32>} : memref<2x50x32x32xf32, #tpu.memory_space<vmem>>, vector<16xf32>,
        %add3A_493 = arith.addf %add3A_479, %get3A_492 : vector<16xf32>
        %get3A_494 = arith.constant 21 : i32
        %get3A_495 = arith.index_cast %and3A_168 : i32 to index
        %get3A_496 = arith.index_cast %get3A_494 : i32 to index
        %get3A_497 = arith.index_cast %scan3A_194 : i32 to index
        %get3A_498 = arith.constant 16 : index
        %get3A_499 = tpu.vector_load %arg9[%get3A_495, %get3A_496, %get3A_497, %get3A_498] {strides = array<i32>} : memref<2x50x32x32xf32, #tpu.memory_space<vmem>>, vector<16xf32>,
        %add3A_500 = arith.addf %add3A_486, %get3A_499 : vector<16xf32>
        %get3A_501 = arith.constant 22 : i32
        %get3A_502 = arith.index_cast %and3A_168 : i32 to index
        %get3A_503 = arith.index_cast %get3A_501 : i32 to index
        %get3A_504 = arith.index_cast %scan3A_194 : i32 to index
        %get3A_505 = arith.constant 0 : index
        %get3A_506 = tpu.vector_load %arg9[%get3A_502, %get3A_503, %get3A_504, %get3A_505] {strides = array<i32>} : memref<2x50x32x32xf32, #tpu.memory_space<vmem>>, vector<16xf32>,
        %add3A_507 = arith.addf %add3A_493, %get3A_506 : vector<16xf32>
        %get3A_508 = arith.constant 22 : i32
        %get3A_509 = arith.index_cast %and3A_168 : i32 to index
        %get3A_510 = arith.index_cast %get3A_508 : i32 to index
        %get3A_511 = arith.index_cast %scan3A_194 : i32 to index
        %get3A_512 = arith.constant 16 : index
        %get3A_513 = tpu.vector_load %arg9[%get3A_509, %get3A_510, %get3A_511, %get3A_512] {strides = array<i32>} : memref<2x50x32x32xf32, #tpu.memory_space<vmem>>, vector<16xf32>,
        %add3A_514 = arith.addf %add3A_500, %get3A_513 : vector<16xf32>
        %get3A_515 = arith.constant 23 : i32
        %get3A_516 = arith.index_cast %and3A_168 : i32 to index
        %get3A_517 = arith.index_cast %get3A_515 : i32 to index
        %get3A_518 = arith.index_cast %scan3A_194 : i32 to index
        %get3A_519 = arith.constant 0 : index
        %get3A_520 = tpu.vector_load %arg9[%get3A_516, %get3A_517, %get3A_518, %get3A_519] {strides = array<i32>} : memref<2x50x32x32xf32, #tpu.memory_space<vmem>>, vector<16xf32>,
        %add3A_521 = arith.addf %add3A_507, %get3A_520 : vector<16xf32>
        %get3A_522 = arith.constant 23 : i32
        %get3A_523 = arith.index_cast %and3A_168 : i32 to index
        %get3A_524 = arith.index_cast %get3A_522 : i32 to index
        %get3A_525 = arith.index_cast %scan3A_194 : i32 to index
        %get3A_526 = arith.constant 16 : index
        %get3A_527 = tpu.vector_load %arg9[%get3A_523, %get3A_524, %get3A_525, %get3A_526] {strides = array<i32>} : memref<2x50x32x32xf32, #tpu.memory_space<vmem>>, vector<16xf32>,
        %add3A_528 = arith.addf %add3A_514, %get3A_527 : vector<16xf32>
        %get3A_529 = arith.constant 24 : i32
        %get3A_530 = arith.index_cast %and3A_168 : i32 to index
        %get3A_531 = arith.index_cast %get3A_529 : i32 to index
        %get3A_532 = arith.index_cast %scan3A_194 : i32 to index
        %get3A_533 = arith.constant 0 : index
        %get3A_534 = tpu.vector_load %arg9[%get3A_530, %get3A_531, %get3A_532, %get3A_533] {strides = array<i32>} : memref<2x50x32x32xf32, #tpu.memory_space<vmem>>, vector<16xf32>,
        %add3A_535 = arith.addf %add3A_521, %get3A_534 : vector<16xf32>
        %get3A_536 = arith.constant 24 : i32
        %get3A_537 = arith.index_cast %and3A_168 : i32 to index
        %get3A_538 = arith.index_cast %get3A_536 : i32 to index
        %get3A_539 = arith.index_cast %scan3A_194 : i32 to index
        %get3A_540 = arith.constant 16 : index
        %get3A_541 = tpu.vector_load %arg9[%get3A_537, %get3A_538, %get3A_539, %get3A_540] {strides = array<i32>} : memref<2x50x32x32xf32, #tpu.memory_space<vmem>>, vector<16xf32>,
        %add3A_542 = arith.addf %add3A_528, %get3A_541 : vector<16xf32>
        %get3A_543 = arith.constant 25 : i32
        %get3A_544 = arith.index_cast %and3A_168 : i32 to index
        %get3A_545 = arith.index_cast %get3A_543 : i32 to index
        %get3A_546 = arith.index_cast %scan3A_194 : i32 to index
        %get3A_547 = arith.constant 0 : index
        %get3A_548 = tpu.vector_load %arg9[%get3A_544, %get3A_545, %get3A_546, %get3A_547] {strides = array<i32>} : memref<2x50x32x32xf32, #tpu.memory_space<vmem>>, vector<16xf32>,
        %add3A_549 = arith.addf %add3A_535, %get3A_548 : vector<16xf32>
        %get3A_550 = arith.constant 25 : i32
        %get3A_551 = arith.index_cast %and3A_168 : i32 to index
        %get3A_552 = arith.index_cast %get3A_550 : i32 to index
        %get3A_553 = arith.index_cast %scan3A_194 : i32 to index
        %get3A_554 = arith.constant 16 : index
        %get3A_555 = tpu.vector_load %arg9[%get3A_551, %get3A_552, %get3A_553, %get3A_554] {strides = array<i32>} : memref<2x50x32x32xf32, #tpu.memory_space<vmem>>, vector<16xf32>,
        %add3A_556 = arith.addf %add3A_542, %get3A_555 : vector<16xf32>
        %get3A_557 = arith.constant 26 : i32
        %get3A_558 = arith.index_cast %and3A_168 : i32 to index
        %get3A_559 = arith.index_cast %get3A_557 : i32 to index
        %get3A_560 = arith.index_cast %scan3A_194 : i32 to index
        %get3A_561 = arith.constant 0 : index
        %get3A_562 = tpu.vector_load %arg9[%get3A_558, %get3A_559, %get3A_560, %get3A_561] {strides = array<i32>} : memref<2x50x32x32xf32, #tpu.memory_space<vmem>>, vector<16xf32>,
        %add3A_563 = arith.addf %add3A_549, %get3A_562 : vector<16xf32>
        %get3A_564 = arith.constant 26 : i32
        %get3A_565 = arith.index_cast %and3A_168 : i32 to index
        %get3A_566 = arith.index_cast %get3A_564 : i32 to index
        %get3A_567 = arith.index_cast %scan3A_194 : i32 to index
        %get3A_568 = arith.constant 16 : index
        %get3A_569 = tpu.vector_load %arg9[%get3A_565, %get3A_566, %get3A_567, %get3A_568] {strides = array<i32>} : memref<2x50x32x32xf32, #tpu.memory_space<vmem>>, vector<16xf32>,
        %add3A_570 = arith.addf %add3A_556, %get3A_569 : vector<16xf32>
        %get3A_571 = arith.constant 27 : i32
        %get3A_572 = arith.index_cast %and3A_168 : i32 to index
        %get3A_573 = arith.index_cast %get3A_571 : i32 to index
        %get3A_574 = arith.index_cast %scan3A_194 : i32 to index
        %get3A_575 = arith.constant 0 : index
        %get3A_576 = tpu.vector_load %arg9[%get3A_572, %get3A_573, %get3A_574, %get3A_575] {strides = array<i32>} : memref<2x50x32x32xf32, #tpu.memory_space<vmem>>, vector<16xf32>,
        %add3A_577 = arith.addf %add3A_563, %get3A_576 : vector<16xf32>
        %get3A_578 = arith.constant 27 : i32
        %get3A_579 = arith.index_cast %and3A_168 : i32 to index
        %get3A_580 = arith.index_cast %get3A_578 : i32 to index
        %get3A_581 = arith.index_cast %scan3A_194 : i32 to index
        %get3A_582 = arith.constant 16 : index
        %get3A_583 = tpu.vector_load %arg9[%get3A_579, %get3A_580, %get3A_581, %get3A_582] {strides = array<i32>} : memref<2x50x32x32xf32, #tpu.memory_space<vmem>>, vector<16xf32>,
        %add3A_584 = arith.addf %add3A_570, %get3A_583 : vector<16xf32>
        %get3A_585 = arith.constant 28 : i32
        %get3A_586 = arith.index_cast %and3A_168 : i32 to index
        %get3A_587 = arith.index_cast %get3A_585 : i32 to index
        %get3A_588 = arith.index_cast %scan3A_194 : i32 to index
        %get3A_589 = arith.constant 0 : index
        %get3A_590 = tpu.vector_load %arg9[%get3A_586, %get3A_587, %get3A_588, %get3A_589] {strides = array<i32>} : memref<2x50x32x32xf32, #tpu.memory_space<vmem>>, vector<16xf32>,
        %add3A_591 = arith.addf %add3A_577, %get3A_590 : vector<16xf32>
        %get3A_592 = arith.constant 28 : i32
        %get3A_593 = arith.index_cast %and3A_168 : i32 to index
        %get3A_594 = arith.index_cast %get3A_592 : i32 to index
        %get3A_595 = arith.index_cast %scan3A_194 : i32 to index
        %get3A_596 = arith.constant 16 : index
        %get3A_597 = tpu.vector_load %arg9[%get3A_593, %get3A_594, %get3A_595, %get3A_596] {strides = array<i32>} : memref<2x50x32x32xf32, #tpu.memory_space<vmem>>, vector<16xf32>,
        %add3A_598 = arith.addf %add3A_584, %get3A_597 : vector<16xf32>
        %get3A_599 = arith.constant 29 : i32
        %get3A_600 = arith.index_cast %and3A_168 : i32 to index
        %get3A_601 = arith.index_cast %get3A_599 : i32 to index
        %get3A_602 = arith.index_cast %scan3A_194 : i32 to index
        %get3A_603 = arith.constant 0 : index
        %get3A_604 = tpu.vector_load %arg9[%get3A_600, %get3A_601, %get3A_602, %get3A_603] {strides = array<i32>} : memref<2x50x32x32xf32, #tpu.memory_space<vmem>>, vector<16xf32>,
        %add3A_605 = arith.addf %add3A_591, %get3A_604 : vector<16xf32>
        %get3A_606 = arith.constant 29 : i32
        %get3A_607 = arith.index_cast %and3A_168 : i32 to index
        %get3A_608 = arith.index_cast %get3A_606 : i32 to index
        %get3A_609 = arith.index_cast %scan3A_194 : i32 to index
        %get3A_610 = arith.constant 16 : index
        %get3A_611 = tpu.vector_load %arg9[%get3A_607, %get3A_608, %get3A_609, %get3A_610] {strides = array<i32>} : memref<2x50x32x32xf32, #tpu.memory_space<vmem>>, vector<16xf32>,
        %add3A_612 = arith.addf %add3A_598, %get3A_611 : vector<16xf32>
        %get3A_613 = arith.constant 30 : i32
        %get3A_614 = arith.index_cast %and3A_168 : i32 to index
        %get3A_615 = arith.index_cast %get3A_613 : i32 to index
        %get3A_616 = arith.index_cast %scan3A_194 : i32 to index
        %get3A_617 = arith.constant 0 : index
        %get3A_618 = tpu.vector_load %arg9[%get3A_614, %get3A_615, %get3A_616, %get3A_617] {strides = array<i32>} : memref<2x50x32x32xf32, #tpu.memory_space<vmem>>, vector<16xf32>,
        %add3A_619 = arith.addf %add3A_605, %get3A_618 : vector<16xf32>
        %get3A_620 = arith.constant 30 : i32
        %get3A_621 = arith.index_cast %and3A_168 : i32 to index
        %get3A_622 = arith.index_cast %get3A_620 : i32 to index
        %get3A_623 = arith.index_cast %scan3A_194 : i32 to index
        %get3A_624 = arith.constant 16 : index
        %get3A_625 = tpu.vector_load %arg9[%get3A_621, %get3A_622, %get3A_623, %get3A_624] {strides = array<i32>} : memref<2x50x32x32xf32, #tpu.memory_space<vmem>>, vector<16xf32>,
        %add3A_626 = arith.addf %add3A_612, %get3A_625 : vector<16xf32>
        %get3A_627 = arith.constant 31 : i32
        %get3A_628 = arith.index_cast %and3A_168 : i32 to index
        %get3A_629 = arith.index_cast %get3A_627 : i32 to index
        %get3A_630 = arith.index_cast %scan3A_194 : i32 to index
        %get3A_631 = arith.constant 0 : index
        %get3A_632 = tpu.vector_load %arg9[%get3A_628, %get3A_629, %get3A_630, %get3A_631] {strides = array<i32>} : memref<2x50x32x32xf32, #tpu.memory_space<vmem>>, vector<16xf32>,
        %add3A_633 = arith.addf %add3A_619, %get3A_632 : vector<16xf32>
        %get3A_634 = arith.constant 31 : i32
        %get3A_635 = arith.index_cast %and3A_168 : i32 to index
        %get3A_636 = arith.index_cast %get3A_634 : i32 to index
        %get3A_637 = arith.index_cast %scan3A_194 : i32 to index
        %get3A_638 = arith.constant 16 : index
        %get3A_639 = tpu.vector_load %arg9[%get3A_635, %get3A_636, %get3A_637, %get3A_638] {strides = array<i32>} : memref<2x50x32x32xf32, #tpu.memory_space<vmem>>, vector<16xf32>,
        %add3A_640 = arith.addf %add3A_626, %get3A_639 : vector<16xf32>
        %get3A_641 = arith.constant 32 : i32
        %get3A_642 = arith.index_cast %and3A_168 : i32 to index
        %get3A_643 = arith.index_cast %get3A_641 : i32 to index
        %get3A_644 = arith.index_cast %scan3A_194 : i32 to index
        %get3A_645 = arith.constant 0 : index
        %get3A_646 = tpu.vector_load %arg9[%get3A_642, %get3A_643, %get3A_644, %get3A_645] {strides = array<i32>} : memref<2x50x32x32xf32, #tpu.memory_space<vmem>>, vector<16xf32>,
        %add3A_647 = arith.addf %add3A_633, %get3A_646 : vector<16xf32>
        %get3A_648 = arith.constant 32 : i32
        %get3A_649 = arith.index_cast %and3A_168 : i32 to index
        %get3A_650 = arith.index_cast %get3A_648 : i32 to index
        %get3A_651 = arith.index_cast %scan3A_194 : i32 to index
        %get3A_652 = arith.constant 16 : index
        %get3A_653 = tpu.vector_load %arg9[%get3A_649, %get3A_650, %get3A_651, %get3A_652] {strides = array<i32>} : memref<2x50x32x32xf32, #tpu.memory_space<vmem>>, vector<16xf32>,
        %add3A_654 = arith.addf %add3A_640, %get3A_653 : vector<16xf32>
        %get3A_655 = arith.constant 33 : i32
        %get3A_656 = arith.index_cast %and3A_168 : i32 to index
        %get3A_657 = arith.index_cast %get3A_655 : i32 to index
        %get3A_658 = arith.index_cast %scan3A_194 : i32 to index
        %get3A_659 = arith.constant 0 : index
        %get3A_660 = tpu.vector_load %arg9[%get3A_656, %get3A_657, %get3A_658, %get3A_659] {strides = array<i32>} : memref<2x50x32x32xf32, #tpu.memory_space<vmem>>, vector<16xf32>,
        %add3A_661 = arith.addf %add3A_647, %get3A_660 : vector<16xf32>
        %get3A_662 = arith.constant 33 : i32
        %get3A_663 = arith.index_cast %and3A_168 : i32 to index
        %get3A_664 = arith.index_cast %get3A_662 : i32 to index
        %get3A_665 = arith.index_cast %scan3A_194 : i32 to index
        %get3A_666 = arith.constant 16 : index
        %get3A_667 = tpu.vector_load %arg9[%get3A_663, %get3A_664, %get3A_665, %get3A_666] {strides = array<i32>} : memref<2x50x32x32xf32, #tpu.memory_space<vmem>>, vector<16xf32>,
        %add3A_668 = arith.addf %add3A_654, %get3A_667 : vector<16xf32>
        %get3A_669 = arith.constant 34 : i32
        %get3A_670 = arith.index_cast %and3A_168 : i32 to index
        %get3A_671 = arith.index_cast %get3A_669 : i32 to index
        %get3A_672 = arith.index_cast %scan3A_194 : i32 to index
        %get3A_673 = arith.constant 0 : index
        %get3A_674 = tpu.vector_load %arg9[%get3A_670, %get3A_671, %get3A_672, %get3A_673] {strides = array<i32>} : memref<2x50x32x32xf32, #tpu.memory_space<vmem>>, vector<16xf32>,
        %add3A_675 = arith.addf %add3A_661, %get3A_674 : vector<16xf32>
        %get3A_676 = arith.constant 34 : i32
        %get3A_677 = arith.index_cast %and3A_168 : i32 to index
        %get3A_678 = arith.index_cast %get3A_676 : i32 to index
        %get3A_679 = arith.index_cast %scan3A_194 : i32 to index
        %get3A_680 = arith.constant 16 : index
        %get3A_681 = tpu.vector_load %arg9[%get3A_677, %get3A_678, %get3A_679, %get3A_680] {strides = array<i32>} : memref<2x50x32x32xf32, #tpu.memory_space<vmem>>, vector<16xf32>,
        %add3A_682 = arith.addf %add3A_668, %get3A_681 : vector<16xf32>
        %get3A_683 = arith.constant 35 : i32
        %get3A_684 = arith.index_cast %and3A_168 : i32 to index
        %get3A_685 = arith.index_cast %get3A_683 : i32 to index
        %get3A_686 = arith.index_cast %scan3A_194 : i32 to index
        %get3A_687 = arith.constant 0 : index
        %get3A_688 = tpu.vector_load %arg9[%get3A_684, %get3A_685, %get3A_686, %get3A_687] {strides = array<i32>} : memref<2x50x32x32xf32, #tpu.memory_space<vmem>>, vector<16xf32>,
        %add3A_689 = arith.addf %add3A_675, %get3A_688 : vector<16xf32>
        %get3A_690 = arith.constant 35 : i32
        %get3A_691 = arith.index_cast %and3A_168 : i32 to index
        %get3A_692 = arith.index_cast %get3A_690 : i32 to index
        %get3A_693 = arith.index_cast %scan3A_194 : i32 to index
        %get3A_694 = arith.constant 16 : index
        %get3A_695 = tpu.vector_load %arg9[%get3A_691, %get3A_692, %get3A_693, %get3A_694] {strides = array<i32>} : memref<2x50x32x32xf32, #tpu.memory_space<vmem>>, vector<16xf32>,
        %add3A_696 = arith.addf %add3A_682, %get3A_695 : vector<16xf32>
        %get3A_697 = arith.constant 36 : i32
        %get3A_698 = arith.index_cast %and3A_168 : i32 to index
        %get3A_699 = arith.index_cast %get3A_697 : i32 to index
        %get3A_700 = arith.index_cast %scan3A_194 : i32 to index
        %get3A_701 = arith.constant 0 : index
        %get3A_702 = tpu.vector_load %arg9[%get3A_698, %get3A_699, %get3A_700, %get3A_701] {strides = array<i32>} : memref<2x50x32x32xf32, #tpu.memory_space<vmem>>, vector<16xf32>,
        %add3A_703 = arith.addf %add3A_689, %get3A_702 : vector<16xf32>
        %get3A_704 = arith.constant 36 : i32
        %get3A_705 = arith.index_cast %and3A_168 : i32 to index
        %get3A_706 = arith.index_cast %get3A_704 : i32 to index
        %get3A_707 = arith.index_cast %scan3A_194 : i32 to index
        %get3A_708 = arith.constant 16 : index
        %get3A_709 = tpu.vector_load %arg9[%get3A_705, %get3A_706, %get3A_707, %get3A_708] {strides = array<i32>} : memref<2x50x32x32xf32, #tpu.memory_space<vmem>>, vector<16xf32>,
        %add3A_710 = arith.addf %add3A_696, %get3A_709 : vector<16xf32>
        %get3A_711 = arith.constant 37 : i32
        %get3A_712 = arith.index_cast %and3A_168 : i32 to index
        %get3A_713 = arith.index_cast %get3A_711 : i32 to index
        %get3A_714 = arith.index_cast %scan3A_194 : i32 to index
        %get3A_715 = arith.constant 0 : index
        %get3A_716 = tpu.vector_load %arg9[%get3A_712, %get3A_713, %get3A_714, %get3A_715] {strides = array<i32>} : memref<2x50x32x32xf32, #tpu.memory_space<vmem>>, vector<16xf32>,
        %add3A_717 = arith.addf %add3A_703, %get3A_716 : vector<16xf32>
        %get3A_718 = arith.constant 37 : i32
        %get3A_719 = arith.index_cast %and3A_168 : i32 to index
        %get3A_720 = arith.index_cast %get3A_718 : i32 to index
        %get3A_721 = arith.index_cast %scan3A_194 : i32 to index
        %get3A_722 = arith.constant 16 : index
        %get3A_723 = tpu.vector_load %arg9[%get3A_719, %get3A_720, %get3A_721, %get3A_722] {strides = array<i32>} : memref<2x50x32x32xf32, #tpu.memory_space<vmem>>, vector<16xf32>,
        %add3A_724 = arith.addf %add3A_710, %get3A_723 : vector<16xf32>
        %get3A_725 = arith.constant 38 : i32
        %get3A_726 = arith.index_cast %and3A_168 : i32 to index
        %get3A_727 = arith.index_cast %get3A_725 : i32 to index
        %get3A_728 = arith.index_cast %scan3A_194 : i32 to index
        %get3A_729 = arith.constant 0 : index
        %get3A_730 = tpu.vector_load %arg9[%get3A_726, %get3A_727, %get3A_728, %get3A_729] {strides = array<i32>} : memref<2x50x32x32xf32, #tpu.memory_space<vmem>>, vector<16xf32>,
        %add3A_731 = arith.addf %add3A_717, %get3A_730 : vector<16xf32>
        %get3A_732 = arith.constant 38 : i32
        %get3A_733 = arith.index_cast %and3A_168 : i32 to index
        %get3A_734 = arith.index_cast %get3A_732 : i32 to index
        %get3A_735 = arith.index_cast %scan3A_194 : i32 to index
        %get3A_736 = arith.constant 16 : index
        %get3A_737 = tpu.vector_load %arg9[%get3A_733, %get3A_734, %get3A_735, %get3A_736] {strides = array<i32>} : memref<2x50x32x32xf32, #tpu.memory_space<vmem>>, vector<16xf32>,
        %add3A_738 = arith.addf %add3A_724, %get3A_737 : vector<16xf32>
        %get3A_739 = arith.constant 39 : i32
        %get3A_740 = arith.index_cast %and3A_168 : i32 to index
        %get3A_741 = arith.index_cast %get3A_739 : i32 to index
        %get3A_742 = arith.index_cast %scan3A_194 : i32 to index
        %get3A_743 = arith.constant 0 : index
        %get3A_744 = tpu.vector_load %arg9[%get3A_740, %get3A_741, %get3A_742, %get3A_743] {strides = array<i32>} : memref<2x50x32x32xf32, #tpu.memory_space<vmem>>, vector<16xf32>,
        %add3A_745 = arith.addf %add3A_731, %get3A_744 : vector<16xf32>
        %get3A_746 = arith.constant 39 : i32
        %get3A_747 = arith.index_cast %and3A_168 : i32 to index
        %get3A_748 = arith.index_cast %get3A_746 : i32 to index
        %get3A_749 = arith.index_cast %scan3A_194 : i32 to index
        %get3A_750 = arith.constant 16 : index
        %get3A_751 = tpu.vector_load %arg9[%get3A_747, %get3A_748, %get3A_749, %get3A_750] {strides = array<i32>} : memref<2x50x32x32xf32, #tpu.memory_space<vmem>>, vector<16xf32>,
        %add3A_752 = arith.addf %add3A_738, %get3A_751 : vector<16xf32>
        %get3A_753 = arith.constant 40 : i32
        %get3A_754 = arith.index_cast %and3A_168 : i32 to index
        %get3A_755 = arith.index_cast %get3A_753 : i32 to index
        %get3A_756 = arith.index_cast %scan3A_194 : i32 to index
        %get3A_757 = arith.constant 0 : index
        %get3A_758 = tpu.vector_load %arg9[%get3A_754, %get3A_755, %get3A_756, %get3A_757] {strides = array<i32>} : memref<2x50x32x32xf32, #tpu.memory_space<vmem>>, vector<16xf32>,
        %add3A_759 = arith.addf %add3A_745, %get3A_758 : vector<16xf32>
        %get3A_760 = arith.constant 40 : i32
        %get3A_761 = arith.index_cast %and3A_168 : i32 to index
        %get3A_762 = arith.index_cast %get3A_760 : i32 to index
        %get3A_763 = arith.index_cast %scan3A_194 : i32 to index
        %get3A_764 = arith.constant 16 : index
        %get3A_765 = tpu.vector_load %arg9[%get3A_761, %get3A_762, %get3A_763, %get3A_764] {strides = array<i32>} : memref<2x50x32x32xf32, #tpu.memory_space<vmem>>, vector<16xf32>,
        %add3A_766 = arith.addf %add3A_752, %get3A_765 : vector<16xf32>
        %get3A_767 = arith.constant 41 : i32
        %get3A_768 = arith.index_cast %and3A_168 : i32 to index
        %get3A_769 = arith.index_cast %get3A_767 : i32 to index
        %get3A_770 = arith.index_cast %scan3A_194 : i32 to index
        %get3A_771 = arith.constant 0 : index
        %get3A_772 = tpu.vector_load %arg9[%get3A_768, %get3A_769, %get3A_770, %get3A_771] {strides = array<i32>} : memref<2x50x32x32xf32, #tpu.memory_space<vmem>>, vector<16xf32>,
        %add3A_773 = arith.addf %add3A_759, %get3A_772 : vector<16xf32>
        %get3A_774 = arith.constant 41 : i32
        %get3A_775 = arith.index_cast %and3A_168 : i32 to index
        %get3A_776 = arith.index_cast %get3A_774 : i32 to index
        %get3A_777 = arith.index_cast %scan3A_194 : i32 to index
        %get3A_778 = arith.constant 16 : index
        %get3A_779 = tpu.vector_load %arg9[%get3A_775, %get3A_776, %get3A_777, %get3A_778] {strides = array<i32>} : memref<2x50x32x32xf32, #tpu.memory_space<vmem>>, vector<16xf32>,
        %add3A_780 = arith.addf %add3A_766, %get3A_779 : vector<16xf32>
        %get3A_781 = arith.constant 42 : i32
        %get3A_782 = arith.index_cast %and3A_168 : i32 to index
        %get3A_783 = arith.index_cast %get3A_781 : i32 to index
        %get3A_784 = arith.index_cast %scan3A_194 : i32 to index
        %get3A_785 = arith.constant 0 : index
        %get3A_786 = tpu.vector_load %arg9[%get3A_782, %get3A_783, %get3A_784, %get3A_785] {strides = array<i32>} : memref<2x50x32x32xf32, #tpu.memory_space<vmem>>, vector<16xf32>,
        %add3A_787 = arith.addf %add3A_773, %get3A_786 : vector<16xf32>
        %get3A_788 = arith.constant 42 : i32
        %get3A_789 = arith.index_cast %and3A_168 : i32 to index
        %get3A_790 = arith.index_cast %get3A_788 : i32 to index
        %get3A_791 = arith.index_cast %scan3A_194 : i32 to index
        %get3A_792 = arith.constant 16 : index
        %get3A_793 = tpu.vector_load %arg9[%get3A_789, %get3A_790, %get3A_791, %get3A_792] {strides = array<i32>} : memref<2x50x32x32xf32, #tpu.memory_space<vmem>>, vector<16xf32>,
        %add3A_794 = arith.addf %add3A_780, %get3A_793 : vector<16xf32>
        %get3A_795 = arith.constant 43 : i32
        %get3A_796 = arith.index_cast %and3A_168 : i32 to index
        %get3A_797 = arith.index_cast %get3A_795 : i32 to index
        %get3A_798 = arith.index_cast %scan3A_194 : i32 to index
        %get3A_799 = arith.constant 0 : index
        %get3A_800 = tpu.vector_load %arg9[%get3A_796, %get3A_797, %get3A_798, %get3A_799] {strides = array<i32>} : memref<2x50x32x32xf32, #tpu.memory_space<vmem>>, vector<16xf32>,
        %add3A_801 = arith.addf %add3A_787, %get3A_800 : vector<16xf32>
        %get3A_802 = arith.constant 43 : i32
        %get3A_803 = arith.index_cast %and3A_168 : i32 to index
        %get3A_804 = arith.index_cast %get3A_802 : i32 to index
        %get3A_805 = arith.index_cast %scan3A_194 : i32 to index
        %get3A_806 = arith.constant 16 : index
        %get3A_807 = tpu.vector_load %arg9[%get3A_803, %get3A_804, %get3A_805, %get3A_806] {strides = array<i32>} : memref<2x50x32x32xf32, #tpu.memory_space<vmem>>, vector<16xf32>,
        %add3A_808 = arith.addf %add3A_794, %get3A_807 : vector<16xf32>
        %get3A_809 = arith.constant 44 : i32
        %get3A_810 = arith.index_cast %and3A_168 : i32 to index
        %get3A_811 = arith.index_cast %get3A_809 : i32 to index
        %get3A_812 = arith.index_cast %scan3A_194 : i32 to index
        %get3A_813 = arith.constant 0 : index
        %get3A_814 = tpu.vector_load %arg9[%get3A_810, %get3A_811, %get3A_812, %get3A_813] {strides = array<i32>} : memref<2x50x32x32xf32, #tpu.memory_space<vmem>>, vector<16xf32>,
        %add3A_815 = arith.addf %add3A_801, %get3A_814 : vector<16xf32>
        %get3A_816 = arith.constant 44 : i32
        %get3A_817 = arith.index_cast %and3A_168 : i32 to index
        %get3A_818 = arith.index_cast %get3A_816 : i32 to index
        %get3A_819 = arith.index_cast %scan3A_194 : i32 to index
        %get3A_820 = arith.constant 16 : index
        %get3A_821 = tpu.vector_load %arg9[%get3A_817, %get3A_818, %get3A_819, %get3A_820] {strides = array<i32>} : memref<2x50x32x32xf32, #tpu.memory_space<vmem>>, vector<16xf32>,
        %add3A_822 = arith.addf %add3A_808, %get3A_821 : vector<16xf32>
        %get3A_823 = arith.constant 45 : i32
        %get3A_824 = arith.index_cast %and3A_168 : i32 to index
        %get3A_825 = arith.index_cast %get3A_823 : i32 to index
        %get3A_826 = arith.index_cast %scan3A_194 : i32 to index
        %get3A_827 = arith.constant 0 : index
        %get3A_828 = tpu.vector_load %arg9[%get3A_824, %get3A_825, %get3A_826, %get3A_827] {strides = array<i32>} : memref<2x50x32x32xf32, #tpu.memory_space<vmem>>, vector<16xf32>,
        %add3A_829 = arith.addf %add3A_815, %get3A_828 : vector<16xf32>
        %get3A_830 = arith.constant 45 : i32
        %get3A_831 = arith.index_cast %and3A_168 : i32 to index
        %get3A_832 = arith.index_cast %get3A_830 : i32 to index
        %get3A_833 = arith.index_cast %scan3A_194 : i32 to index
        %get3A_834 = arith.constant 16 : index
        %get3A_835 = tpu.vector_load %arg9[%get3A_831, %get3A_832, %get3A_833, %get3A_834] {strides = array<i32>} : memref<2x50x32x32xf32, #tpu.memory_space<vmem>>, vector<16xf32>,
        %add3A_836 = arith.addf %add3A_822, %get3A_835 : vector<16xf32>
        %get3A_837 = arith.constant 46 : i32
        %get3A_838 = arith.index_cast %and3A_168 : i32 to index
        %get3A_839 = arith.index_cast %get3A_837 : i32 to index
        %get3A_840 = arith.index_cast %scan3A_194 : i32 to index
        %get3A_841 = arith.constant 0 : index
        %get3A_842 = tpu.vector_load %arg9[%get3A_838, %get3A_839, %get3A_840, %get3A_841] {strides = array<i32>} : memref<2x50x32x32xf32, #tpu.memory_space<vmem>>, vector<16xf32>,
        %add3A_843 = arith.addf %add3A_829, %get3A_842 : vector<16xf32>
        %get3A_844 = arith.constant 46 : i32
        %get3A_845 = arith.index_cast %and3A_168 : i32 to index
        %get3A_846 = arith.index_cast %get3A_844 : i32 to index
        %get3A_847 = arith.index_cast %scan3A_194 : i32 to index
        %get3A_848 = arith.constant 16 : index
        %get3A_849 = tpu.vector_load %arg9[%get3A_845, %get3A_846, %get3A_847, %get3A_848] {strides = array<i32>} : memref<2x50x32x32xf32, #tpu.memory_space<vmem>>, vector<16xf32>,
        %add3A_850 = arith.addf %add3A_836, %get3A_849 : vector<16xf32>
        %get3A_851 = arith.constant 47 : i32
        %get3A_852 = arith.index_cast %and3A_168 : i32 to index
        %get3A_853 = arith.index_cast %get3A_851 : i32 to index
        %get3A_854 = arith.index_cast %scan3A_194 : i32 to index
        %get3A_855 = arith.constant 0 : index
        %get3A_856 = tpu.vector_load %arg9[%get3A_852, %get3A_853, %get3A_854, %get3A_855] {strides = array<i32>} : memref<2x50x32x32xf32, #tpu.memory_space<vmem>>, vector<16xf32>,
        %add3A_857 = arith.addf %add3A_843, %get3A_856 : vector<16xf32>
        %get3A_858 = arith.constant 47 : i32
        %get3A_859 = arith.index_cast %and3A_168 : i32 to index
        %get3A_860 = arith.index_cast %get3A_858 : i32 to index
        %get3A_861 = arith.index_cast %scan3A_194 : i32 to index
        %get3A_862 = arith.constant 16 : index
        %get3A_863 = tpu.vector_load %arg9[%get3A_859, %get3A_860, %get3A_861, %get3A_862] {strides = array<i32>} : memref<2x50x32x32xf32, #tpu.memory_space<vmem>>, vector<16xf32>,
        %add3A_864 = arith.addf %add3A_850, %get3A_863 : vector<16xf32>
        %get3A_865 = arith.constant 48 : i32
        %get3A_866 = arith.index_cast %and3A_168 : i32 to index
        %get3A_867 = arith.index_cast %get3A_865 : i32 to index
        %get3A_868 = arith.index_cast %scan3A_194 : i32 to index
        %get3A_869 = arith.constant 0 : index
        %get3A_870 = tpu.vector_load %arg9[%get3A_866, %get3A_867, %get3A_868, %get3A_869] {strides = array<i32>} : memref<2x50x32x32xf32, #tpu.memory_space<vmem>>, vector<16xf32>,
        %add3A_871 = arith.addf %add3A_857, %get3A_870 : vector<16xf32>
        %get3A_872 = arith.constant 48 : i32
        %get3A_873 = arith.index_cast %and3A_168 : i32 to index
        %get3A_874 = arith.index_cast %get3A_872 : i32 to index
        %get3A_875 = arith.index_cast %scan3A_194 : i32 to index
        %get3A_876 = arith.constant 16 : index
        %get3A_877 = tpu.vector_load %arg9[%get3A_873, %get3A_874, %get3A_875, %get3A_876] {strides = array<i32>} : memref<2x50x32x32xf32, #tpu.memory_space<vmem>>, vector<16xf32>,
        %add3A_878 = arith.addf %add3A_864, %get3A_877 : vector<16xf32>
        %get3A_879 = arith.constant 49 : i32
        %get3A_880 = arith.index_cast %and3A_168 : i32 to index
        %get3A_881 = arith.index_cast %get3A_879 : i32 to index
        %get3A_882 = arith.index_cast %scan3A_194 : i32 to index
        %get3A_883 = arith.constant 0 : index
        %get3A_884 = tpu.vector_load %arg9[%get3A_880, %get3A_881, %get3A_882, %get3A_883] {strides = array<i32>} : memref<2x50x32x32xf32, #tpu.memory_space<vmem>>, vector<16xf32>,
        %add3A_885 = arith.addf %add3A_871, %get3A_884 : vector<16xf32>
        %get3A_886 = arith.constant 49 : i32
        %get3A_887 = arith.index_cast %and3A_168 : i32 to index
        %get3A_888 = arith.index_cast %get3A_886 : i32 to index
        %get3A_889 = arith.index_cast %scan3A_194 : i32 to index
        %get3A_890 = arith.constant 16 : index
        %get3A_891 = tpu.vector_load %arg9[%get3A_887, %get3A_888, %get3A_889, %get3A_890] {strides = array<i32>} : memref<2x50x32x32xf32, #tpu.memory_space<vmem>>, vector<16xf32>,
        %add3A_892 = arith.addf %add3A_878, %get3A_891 : vector<16xf32>
        %mul3A_893 = arith.constant 2.000000e-02 : f32
        %mul3A_894 = vector.broadcast %mul3A_893 : f32 to vector<16xf32>
        %mul3A_895 = arith.mulf %add3A_885, %mul3A_894 : vector<16xf32>
        %swap3A = arith.index_cast %and3A_168 : i32 to index
        %swap3A_896 = arith.index_cast %scan3A_194 : i32 to index
        %swap3A_897 = arith.constant 0 : index
        %swap3A_898 = tpu.vector_load %arg10[%swap3A, %swap3A_896, %swap3A_897] {strides = array<i32>} : memref<2x32x32xf32, #tpu.memory_space<vmem>>, vector<16xf32>,
        tpu.vector_store %arg10[%swap3A, %swap3A_896, %swap3A_897], %mul3A_895 {strides = array<i32>} : memref<2x32x32xf32, #tpu.memory_space<vmem>>, vector<16xf32>,
        %mul3A_899 = arith.constant 2.000000e-02 : f32
        %mul3A_900 = vector.broadcast %mul3A_899 : f32 to vector<16xf32>
        %mul3A_901 = arith.mulf %add3A_892, %mul3A_900 : vector<16xf32>
        %swap3A_902 = arith.index_cast %and3A_168 : i32 to index
        %swap3A_903 = arith.index_cast %scan3A_194 : i32 to index
        %swap3A_904 = arith.constant 16 : index
        %swap3A_905 = tpu.vector_load %arg10[%swap3A_902, %swap3A_903, %swap3A_904] {strides = array<i32>} : memref<2x32x32xf32, #tpu.memory_space<vmem>>, vector<16xf32>,
        tpu.vector_store %arg10[%swap3A_902, %swap3A_903, %swap3A_904], %mul3A_901 {strides = array<i32>} : memref<2x32x32xf32, #tpu.memory_space<vmem>>, vector<16xf32>,
        %scan3A_906 = arith.constant 0 : i32
        scf.yield %scan3A_906 : i32
      }
      %scan3A_175 = arith.constant 32 : i32
      %mul3A_176 = arith.constant 512 : i32
      %mul3A_177 = arith.muli %add3A, %mul3A_176 : i32
      %mul3A_178 = arith.constant 32 : i32
      %mul3A_179 = arith.muli %scan3A_133, %mul3A_178 : i32
      %add3A_180 = arith.addi %mul3A_177, %mul3A_179 : i32
      %dma_start3A_181 = arith.constant 0 : i32
      %dma_start3A_182 = arith.constant 0 : i32
      %dma_start3A_183 = tpu.memref_slice %arg10[%and3A_168, %dma_start3A_181, %dma_start3A_182] : memref<2x32x32xf32, #tpu.memory_space<vmem>> -> memref<1x32x32xf32, #tpu.memory_space<vmem>>
      %dma_start3A_184 = tpu.memref_squeeze %dma_start3A_183 : memref<1x32x32xf32, #tpu.memory_space<vmem>> -> memref<32x32xf32, #tpu.memory_space<vmem>>
      %dma_start3A_185 = arith.constant 0 : i32
      %dma_start3A_186 = tpu.memref_slice %arg5[%add3A_180, %dma_start3A_185] : memref<16384x32xf32, #tpu.memory_space<hbm>> -> memref<32x32xf32, #tpu.memory_space<hbm>>
      %dma_start3A_187 = arith.constant 0 : i32
      %dma_start3A_188 = tpu.memref_slice %arg5[%add3A_180, %dma_start3A_187] : memref<16384x32xf32, #tpu.memory_space<hbm>> -> memref<32x32xf32, #tpu.memory_space<hbm>>
      %dma_start3A_189 = arith.constant 0 : i32
      %dma_start3A_190 = arith.constant 0 : i32
      %dma_start3A_191 = tpu.memref_slice %arg10[%and3A_168, %dma_start3A_189, %dma_start3A_190] : memref<2x32x32xf32, #tpu.memory_space<vmem>> -> memref<1x32x32xf32, #tpu.memory_space<vmem>>
      %dma_start3A_192 = tpu.memref_squeeze %dma_start3A_191 : memref<1x32x32xf32, #tpu.memory_space<vmem>> -> memref<32x32xf32, #tpu.memory_space<vmem>>
      tpu.enqueue_dma source(%dma_start3A_192 : memref<32x32xf32, #tpu.memory_space<vmem>>) target(%dma_start3A_188 : memref<32x32xf32, #tpu.memory_space<hbm>>) target_semaphore(%arg14 : memref<!tpu.dma_semaphore, #tpu.memory_space<semaphore_mem>>)
      %scan3A_193 = arith.constant 0 : i32
      scf.yield %scan3A_193 : i32
    }
    %scan3A_102 = arith.constant 16 : i32
    %mul3A_103 = arith.constant 512 : i32
    %mul3A_104 = arith.muli %add3A, %mul3A_103 : i32
    %dma_wait3A_105 = arith.constant 0 : i32
    %dma_wait3A_106 = arith.constant 0 : i32
    %dma_wait3A_107 = arith.constant 0 : i32
    %dma_wait3A_108 = tpu.memref_slice %arg10[%dma_wait3A_105, %dma_wait3A_106, %dma_wait3A_107] : memref<2x32x32xf32, #tpu.memory_space<vmem>> -> memref<1x32x32xf32, #tpu.memory_space<vmem>>
    %dma_wait3A_109 = tpu.memref_squeeze %dma_wait3A_108 : memref<1x32x32xf32, #tpu.memory_space<vmem>> -> memref<32x32xf32, #tpu.memory_space<vmem>>
    %dma_wait3A_110 = arith.constant 0 : i32
    %dma_wait3A_111 = tpu.memref_slice %arg5[%mul3A_104, %dma_wait3A_110] : memref<16384x32xf32, #tpu.memory_space<hbm>> -> memref<32x32xf32, #tpu.memory_space<hbm>>
    %dma_wait3A_112 = arith.constant 0 : i32
    %dma_wait3A_113 = tpu.memref_slice %arg5[%mul3A_104, %dma_wait3A_112] : memref<16384x32xf32, #tpu.memory_space<hbm>> -> memref<32x32xf32, #tpu.memory_space<hbm>>
    %dma_wait3A_114 = arith.constant 0 : i32
    %dma_wait3A_115 = arith.constant 0 : i32
    %dma_wait3A_116 = tpu.memref_slice %arg10[%dma_wait3A_105, %dma_wait3A_114, %dma_wait3A_115] : memref<2x32x32xf32, #tpu.memory_space<vmem>> -> memref<1x32x32xf32, #tpu.memory_space<vmem>>
    %dma_wait3A_117 = tpu.memref_squeeze %dma_wait3A_116 : memref<1x32x32xf32, #tpu.memory_space<vmem>> -> memref<32x32xf32, #tpu.memory_space<vmem>>
    tpu.wait_dma2 semaphore(%arg14 : memref<!tpu.dma_semaphore, #tpu.memory_space<semaphore_mem>>) src(%dma_wait3A_117 : memref<32x32xf32, #tpu.memory_space<vmem>>) dst(%dma_wait3A_113 : memref<32x32xf32, #tpu.memory_space<hbm>>)
    %mul3A_118 = arith.constant 512 : i32
    %mul3A_119 = arith.muli %add3A, %mul3A_118 : i32
    %dma_wait3A_120 = arith.constant 1 : i32
    %dma_wait3A_121 = arith.constant 0 : i32
    %dma_wait3A_122 = arith.constant 0 : i32
    %dma_wait3A_123 = tpu.memref_slice %arg10[%dma_wait3A_120, %dma_wait3A_121, %dma_wait3A_122] : memref<2x32x32xf32, #tpu.memory_space<vmem>> -> memref<1x32x32xf32, #tpu.memory_space<vmem>>
    %dma_wait3A_124 = tpu.memref_squeeze %dma_wait3A_123 : memref<1x32x32xf32, #tpu.memory_space<vmem>> -> memref<32x32xf32, #tpu.memory_space<vmem>>
    %dma_wait3A_125 = arith.constant 0 : i32
    %dma_wait3A_126 = tpu.memref_slice %arg5[%mul3A_119, %dma_wait3A_125] : memref<16384x32xf32, #tpu.memory_space<hbm>> -> memref<32x32xf32, #tpu.memory_space<hbm>>
    %dma_wait3A_127 = arith.constant 0 : i32
    %dma_wait3A_128 = tpu.memref_slice %arg5[%mul3A_119, %dma_wait3A_127] : memref<16384x32xf32, #tpu.memory_space<hbm>> -> memref<32x32xf32, #tpu.memory_space<hbm>>
    %dma_wait3A_129 = arith.constant 0 : i32
    %dma_wait3A_130 = arith.constant 0 : i32
    %dma_wait3A_131 = tpu.memref_slice %arg10[%dma_wait3A_120, %dma_wait3A_129, %dma_wait3A_130] : memref<2x32x32xf32, #tpu.memory_space<vmem>> -> memref<1x32x32xf32, #tpu.memory_space<vmem>>
    %dma_wait3A_132 = tpu.memref_squeeze %dma_wait3A_131 : memref<1x32x32xf32, #tpu.memory_space<vmem>> -> memref<32x32xf32, #tpu.memory_space<vmem>>
    tpu.wait_dma2 semaphore(%arg14 : memref<!tpu.dma_semaphore, #tpu.memory_space<semaphore_mem>>) src(%dma_wait3A_132 : memref<32x32xf32, #tpu.memory_space<vmem>>) dst(%dma_wait3A_128 : memref<32x32xf32, #tpu.memory_space<hbm>>)
    return
  }
}

</mosaic_0001>

<sc_bundles>
// kernel: kernel.4.cloned.1.call-start
scs
__scs_entry_jumppad:
0x0: {  	(pc) =	sbr.rel $0x88, $3  }
0x1: {  	(tag) =	ssettag $0x0;
	lr =	simm.s32 $0x1  }
0x2: {  	[smem:$0x3F9F] =	sst lr;
	_ =	strace $0xD0000000  }
0x3: {  	_ = 	snop  }
0x4: {  	_ = 	snop  }
0x5: {  	_ = 	snop  }
0x6: {  	_ = 	snop  }
0x7: {  	_ = 	snop  }
__scs_overlays_trampoline_lowered:
0x8: {  	[smem:$0x3FAE] =	sst s0  }
0x9: {  	[smem:$0x3FAF] =	sst s1  }
0xa: {  	[smem:$0x3FB0] =	sst s2  }
0xb: {  	[smem:$0x3FB1] =	sst s3  }
0xc: {  	[smem:$0x3FB2] =	sst s4  }
0xd: {  	[smem:$0x3FB3] =	sst s5  }
0xe: {  	[smem:$0x3FB4] =	sst s6  }
0xf: {  	[smem:$0x3FB5] =	sst s7  }
0x10: {  	[smem:$0x3FB6] =	sst s8  }
0x11: {  	[smem:$0x3FB7] =	sst s9;
	s0 =	simm.s32 @!p0 $0x0  }
0x12: {  	s1 =	sld [smem:$0x3F9D];
	s0 =	simm.s32 @p0 $0x1  }
0x13: {  	[smem:$0x3FB8] =	sst s0;
	s0 =	simm.s32 @!p1 $0x0  }
0x14: {  	s2 =	sld [smem:$0x3F9C];
	s0 =	simm.s32 @p1 $0x1  }
0x15: {  	[smem:$0x3FB9] =	sst s0;
	s0 =	simm.s32 @!p2 $0x0  }
0x16: {  	s3 =	sld [smem:$0x3FDB];
	s0 =	simm.s32 @p2 $0x1  }
0x17: {  	s4 =	simm.s32 $0x1BF5;
	[smem:$0x3FBB] =	sst s0  }
0x18: {  	s0 =	sld [smem:$0x3F9E];
	_ =	swait.ge [sflag:s4], $0x0  }
0x19: {  	s7 =	sld [smem:$0x3F9F]  }
0x1a: {  	s8 =	sadd.s32 $0xFFFFE003, lr  }
0x1b: {  	s9 =	sadd.s32 $0xFFFFFEF7, lr;
	s5 =	simm.s32 $0xFFFFFFFF;
	p2 =	slt.u32 s8, $0xFFFFF086  }
0x1c: {  	p1 =	slt.u32 s9, $0xF7A;
	s5 =	simm.s32 @!p2 $0x0  }
0x1d: {  	s5 =	simm.s32 @p1 $0x1;
	p0 =	seq.s32 s7, s2  }
0x1e: {  	s7 =	smul.u32 @!p0 $0xF7A, s2;
	p2 =	seq.s32 @!p0 s5, $0x0  }
0x1f: {  	s9 =	smul.u32 $0xF7A, s1;
	s8 =	simm.s32 @!p0 $0x1BF5;
	p2 =	por !p2, p0  }
0x20: {  	[sflag:s8] =	ssyncset.s32 @!p0 $0xFFFFF086;
	s6 =	sadd.s32 @!p0 s3, s7;
	s7 =	simm.s32 @!p0 $0x108  }
0x21: {  	s3 =	sadd.s32 s3, s9;
	s6 =	sadd.s32 @!p0 $0x88, s6;
	s7 =	simm.s32 @p2 $0x1082  }
0x22: {  	[simem:s7], [sflag:s8] =	dma.local @!p0 [hbm:s6], $0xF7A  }
0x23: {  	s9 =	sor.u32 $0xD0000000, s2;
	s6 =	simm.s32 $0x108;
	_ =	swait.ge @!p0 [sflag:s8], $0x0  }
0x24: {  	s3 =	sadd.s32 $0x88, s3;
	s6 =	simm.s32 @!p1 $0x1082;
	[sflag:s4] =	ssyncset.s32 $0xFFFFF086  }
0x25: {  	[simem:s6], [sflag:s4] =	dma.local [hbm:s3], $0xF7A  }
0x26: {  	[smem:$0x3F9F] =	sst s1;
	(tag) =	ssettag s2;
	_ =	strace s9  }
0x27: {  	s1 =	sld [smem:$0x3FAF]  }
0x28: {  	s2 =	sld [smem:$0x3FB0]  }
0x29: {  	s4 =	sld [smem:$0x3FB2]  }
0x2a: {  	p0 =	seq.s32 s5, $0x0;
	s5 =	sld [smem:$0x3FB3]  }
0x2b: {  	s6 =	sld [smem:$0x3FB4]  }
0x2c: {  	s7 =	sld [smem:$0x3FB5]  }
0x2d: {  	s3 =	simm.s32 $0x108;
	s8 =	sld [smem:$0x3FB6]  }
0x2e: {  	s3 =	simm.s32 @!p0 $0x1082;
	s9 =	sld [smem:$0x3FB7]  }
0x2f: {  	lr =	sadd.s32 s0, s3;
	s0 =	sld [smem:$0x3FAE]  }
0x30: {  	s3 =	sld [smem:$0x3FB1]  }
0x31: {  	[smem:$0x3FBA] =	sst s10  }
0x32: {  	s10 =	sld [smem:$0x3FB8];
	_ =	sdelay $0x3  }
0x33: {  	p0 =	seq.s32 s10, $0x1;
	s10 =	sld [smem:$0x3FBA];
	_ =	sdelay $0x3  }
0x34: {  	[smem:$0x3FBA] =	sst s10  }
0x35: {  	s10 =	sld [smem:$0x3FB9];
	_ =	sdelay $0x3  }
0x36: {  	p1 =	seq.s32 s10, $0x1;
	s10 =	sld [smem:$0x3FBA];
	_ =	sdelay $0x3  }
0x37: {  	[smem:$0x3FBA] =	sst s10  }
0x38: {  	s10 =	sld [smem:$0x3FBB]  }
0x39: {  	_ = 	snop;
	(pc) =	sbr.ind lr, $3  }
0x3a: {  	_ = 	snop  }
0x3b: {  	_ = 	snop  }
0x3c: {  	p2 =	seq.s32 s10, $0x1;
	s10 =	sld [smem:$0x3FBA]  }
0x3d: {  	_ =	shalt  }
0x3e: {  	_ =	shalt  }
0x3f: {  	_ =	shalt  }
0x40: {  	_ =	shalt  }
0x41: {  	_ =	shalt  }
0x42: {  	_ =	shalt  }
0x43: {  	_ =	shalt  }
0x44: {  	_ =	shalt  }
0x45: {  	_ =	shalt  }
0x46: {  	_ =	shalt  }
0x47: {  	_ =	shalt  }
0x48: {  	_ =	shalt  }
0x49: {  	_ =	shalt  }
0x4a: {  	_ =	shalt  }
0x4b: {  	_ =	shalt  }
0x4c: {  	_ =	shalt  }
0x4d: {  	_ =	shalt  }
0x4e: {  	_ =	shalt  }
0x4f: {  	_ =	shalt  }
0x50: {  	_ =	shalt  }
0x51: {  	_ =	shalt  }
0x52: {  	_ =	shalt  }
0x53: {  	_ =	shalt  }
0x54: {  	_ =	shalt  }
0x55: {  	_ =	shalt  }
0x56: {  	_ =	shalt  }
0x57: {  	_ =	shalt  }
0x58: {  	_ =	shalt  }
0x59: {  	_ =	shalt  }
0x5a: {  	_ =	shalt  }
0x5b: {  	_ =	shalt  }
0x5c: {  	_ =	shalt  }
0x5d: {  	_ =	shalt  }
0x5e: {  	_ =	shalt  }
0x5f: {  	_ =	shalt  }
0x60: {  	_ =	shalt  }
0x61: {  	_ =	shalt  }
0x62: {  	_ =	shalt  }
0x63: {  	_ =	shalt  }
0x64: {  	_ =	shalt  }
0x65: {  	_ =	shalt  }
0x66: {  	_ =	shalt  }
0x67: {  	_ =	shalt  }
0x68: {  	_ =	shalt  }
0x69: {  	_ =	shalt  }
0x6a: {  	_ =	shalt  }
0x6b: {  	_ =	shalt  }
0x6c: {  	_ =	shalt  }
0x6d: {  	_ =	shalt  }
0x6e: {  	_ =	shalt  }
0x6f: {  	_ =	shalt  }
0x70: {  	_ =	shalt  }
0x71: {  	_ =	shalt  }
0x72: {  	_ =	shalt  }
0x73: {  	_ =	shalt  }
0x74: {  	_ =	shalt  }
0x75: {  	_ =	shalt  }
0x76: {  	_ =	shalt  }
0x77: {  	_ =	shalt  }
0x78: {  	_ =	shalt  }
0x79: {  	_ =	shalt  }
0x7a: {  	_ =	shalt  }
0x7b: {  	_ =	shalt  }
0x7c: {  	_ =	shalt  }
0x7d: {  	_ =	shalt  }
0x7e: {  	_ =	shalt  }
0x7f: {  	_ =	shalt  }
0x80: {  	_ =	shalt  }
0x81: {  	_ =	shalt  }
0x82: {  	_ =	shalt  }
0x83: {  	_ =	shalt  }
0x84: {  	_ =	shalt  }
0x85: {  	_ =	shalt  }
0x86: {  	_ =	shalt  }
0x87: {  	_ =	shalt  }
.Lfunc_end0:
.L_simem_size_0:
called_computation_lowered:
.L_overlay_start_0:
0x88: {  	s2 =	sld [smem:$0x3FD9]  }
0x89: {  	s3 =	sld [smem:$0x3FFE];
	_ =	sdelay $0x1  }
0x8a: {  	s1 =	srdreg.scid  }
0x8b: {  	s0 =	sand.u32 $0x1, s1  }
0x8c: {  	s17 =	sshll.u32 s0, $0xA;
	s2 =	sadd.s32 s3, s2  }
0x8d: {  	s2 =	sadd.s32 s2, s17  }
0x8e: {  	[smem:$0x3FC6] =	sst s2  }
0x8f: {  	_ = 	snop  }
0x90: {  	s2 =	sld [smem:$0x3FC8];
	(tm) =	ssettm $0x1  }
0x91: {  	s18 =	sld [smem:$0x3FFB];
	_ =	sdelay $0x3  }
0x92: {  	_ =	strace s18  }
0x93: {  	s3 =	sld [smem:$0x3FFC];
	_ =	sdelay $0x3  }
0x94: {  	_ =	strace s3  }
0x95: {  	s3 =	sld [smem:$0x3FFD];
	_ =	sdelay $0x3  }
0x96: {  	_ =	strace s3  }
0x97: {  	_ =	strace $0x8FFFFFFF  }
0x98: {  	s19 =	sld [smem:$0x3FDB];
	_ =	sdelay $0x1  }
0x99: {  	s4 =	simm.s32 $_scs_section_size  }
0x9a: {  	s5 =	simm.s32 $_size__tile_overlayer_lowered;
	s6 =	simm.s32 $_tile_overlayer_lowered  }
0x9b: {  	s22 =	simm.s32 $0x1BFF;
	s21 =	sshll.u32 s6, $0x1;
	s3 =	sadd.s32 s4, s19  }
0x9c: {  	s7 =	simm.s32 $0x0;
	s20 =	sshll.u32 s5, $0x1;
	s5 =	sadd.s32 s21, s3  }
0x9d: {  	[timem:s7], [sflag:s22] =	dma.local [hbm:s5], s20  }
0x9e: {  	_ =	swait.ge [sflag:s22], s20  }
0x9f: {  	s4 =	ssub.s32 $0x0, s20;
	[sflag:s22] =	ssyncset.done $0x0  }
0xa0: {  	[sflag:s22] =	ssyncadd.s32 s4;
	_ =	sdelay $0x1  }
0xa1: {  	s23 =	simm.s32 $0x1B8B  }
0xa2: {  	_ =	swait.ge [sflag:s23], $0x1  }
0xa3: {  	[sflag:s23] =	ssyncset.done $0x0  }
0xa4: {  	s25 =	simm.s32 $0x1B8E;
	s24 =	sld [smem:$0x3FFE];
	[sflag:s23] =	ssyncadd.s32 $0xFFFFFFFF  }
0xa5: {  	s26 =	simm.s32 $execute0_lowered;
	[smem:$0x3FD2] =	sst s25  }
0xa6: {  	s5 =	sshll.u32 s26, $0x1;
	_ =	strace $0x80000046;
	[dreg:$0x1] =	wrdreg $0xFFFFFFFF  }
0xa7: {  	s28 =	simm.s32 $_size_execute0_lowered;
	s3 =	sadd.s32 s3, s5;
	[dreg:$0x0] =	wrdreg $0x0  }
0xa8: {  	s5 =	sshll.u32 s28, $0x1;
	[dreg:$0x2] =	wrdreg s3  }
0xa9: {  	[dreg:$0x3] =	wrdreg s5  }
0xaa: {  	[dreg:$0x4] =	wrdreg $0xC0  }
0xab: {  	_ =	task [dreg:s7], $0x5FFFF  }
0xac: {  	[dreg:$0x1] =	wrdreg $0xFFFFFFFF  }
0xad: {  	[dreg:$0x0] =	wrdreg $0x60  }
0xae: {  	[dreg:$0x2] =	wrdreg s2  }
0xaf: {  	[dreg:$0x3] =	wrdreg s24  }
0xb0: {  	[dreg:$0x4] =	wrdreg $0x9  }
0xb1: {  	_ =	task.clear_ibuf [dreg:s7], $0x5FFFF;
	_ =	strace $0x90000046  }
0xb2: {  	s29 =	simm.s32 $0x9;
	_ =	strace $0x80000048  }
0xb3: {  	_ =	swait.ge [sflag:s29], $0x1  }
0xb4: {  	[sflag:s29] =	ssyncadd.s32 $0xFFFFFFFF  }
0xb5: {  	_ =	strace $0x90000048  }
0xb6: {  	_ =	sfence  }
0xb7: {  	s30 =	sld [smem:$0x0];
	_ =	sdelay $0x2  }
0xb8: {  	s31 =	sshll.u32 s1, $0xD;
	s1 =	sshrl.u32 s1, $0x2  }
0xb9: {  	s3 =	sand.u32 $0x4000, s31;
	s1 =	sadd.s32 s1, s30  }
0xba: {  	s0 =	sor.u32 s3, s0;
	s1 =	sshll.u32 s1, $0x11  }
0xbb: {  	s0 =	sor.u32 s1, s0  }
0xbc: {  	s0 =	sadd.s32 $0x8F2B, s0  }
0xbd: {  	[sflag:s0] =	ssyncadd.remote.s32 $0x1  }
0xbe: {  	_ =	sfence.sel $0xFFFF  }
0xbf: {  	[dreg:$0x0] =	wrdreg $0xFFFFFFFF;
	(pc) =	sbr.abs _section_cstart, $3  }
0xc0: {  	[dreg:$0x1] =	wrdreg $0xFFFFFFFF  }
0xc1: {  	_ =	task.clear_ibuf [dreg:s7], $0x2FFFF;
	_ =	strace $0x9FFFFFFF  }
0xc2: {  	(tm) =	ssettm $0x7FFFFFFF  }
0xc3: {  	_ =	shalt  }
tec
execute0_lowered:
.L_overlay_start_1:
0x0: {  	(tag) =	ssettag $0x1  }
0x1: {  	vm2 =	vcmask $0x300;
	v0 =	vimm.s32 $0x1380;
	v1 =	vimm.s32 $0x14131211  }
0x2: {  	v2 =	vimm.s32 $0x18171615;
	vm0 =	vcmask $0x704;
	vm1 =	vcmask $0x1F10  }
0x3: {  	v3 =	vimm.s32 $0x1C1B1A19;
	v4 =	vimm.s32 $0x15141312;
	v5 =	vimm.s32 $0x19181716  }
0x4: {  	v6 =	vimm.s32 $0x1001F1E;
	v7 =	vimm.s32 $0x16151413;
	v8 =	vimm.s32 $0x1E1D1C1B  }
0x5: {  	v9 =	vimm.s32 $0x201001F;
	v10 =	vimm.s32 $0x4030201;
	v11 =	vimm.s32 $0x5040302  }
0x6: {  	v12 =	vimm.s32 $0x6050403;
	vm13 =	vcmask $0xB08;
	v35 =	vimm.s32 $0x2000  }
0x7: {  	v36 =	vimm.s32 $0x2080;
	v13 =	vimm.s32 $0x3200;
	v14 =	vimm.s32 $0x3280  }
0x8: {  	v15 =	vimm.s32 $0x3300;
	v16 =	vimm.s32 $0x3380;
	v17 =	vimm.s32 $0x0  }
0x9: {  	v18 =	vimm.s32 $0x80;
	v19 =	vimm.s32 $0x100;
	v20 =	vimm.s32 $0x180  }
0xa: {  	v21 =	vimm.s32 $0x200;
	v22 =	vimm.s32 $0x280;
	v23 =	vimm.s32 $0x300  }
0xb: {  	v24 =	vimm.s32 $0x380;
	v25 =	vimm.s32 $0x1000;
	v26 =	vimm.s32 $0x1080  }
0xc: {  	v27 =	vimm.s32 $0x1100;
	v28 =	vimm.s32 $0x1180;
	v30 =	vimm.s32 $0x1200  }
0xd: {  	v31 =	vimm.s32 $0x1280;
	vm14 =	vcmask $0xF0C;
	vm15 =	vcmask $0x1310  }
0xe: {  	vm4 =	vcmask $0x1714;
	vm5 =	vcmask $0x1B18;
	vm6 =	vcmask $0x1F1C  }
0xf: {  	vm7 =	vcmask $0x2320;
	vm8 =	vcmask $0x2724;
	vm9 =	vcmask $0x2B28  }
0x10: {  	vm10 =	vcmask $0x2F2C;
	vm11 =	vcmask $0x3330;
	vm12 =	vcmask $0x3734  }
0x11: {  	v0 =	vsel vm2, $0x0, v0;
	v1 =	vunpack.c.0.s8.s32 v1;
	v2 =	vunpack.c.0.s8.s32 v2  }
0x12: {  	v55 =	vunpack.c.0.s8.s32 v3;
	v3 =	vimm.s32 $0x1F1E1D;
	v33 =	vunpack.c.0.s8.s32 v6  }
0x13: {  	v6 =	vunpack.c.0.s8.s32 v7;
	v7 =	vimm.s32 $0x1A191817;
	v8 =	vunpack.c.0.s8.s32 v8  }
0x14: {  	v34 =	vunpack.c.0.s8.s32 v9;
	v9 =	vimm.s32 $0x17161514;
	v10 =	vunpack.c.0.s8.s32 v10  }
0x15: {  	v11 =	vunpack.c.0.s8.s32 v11;
	v13 =	vsel vm2, $0x1280, v13;
	v14 =	vsel vm2, $0x1300, v14  }
0x16: {  	v15 =	vsel vm2, $0x1380, v15;
	v16 =	vsel vm2, $0x2000, v16;
	v17 =	vsel vm2, $0x2080, v17  }
0x17: {  	v18 =	vsel vm2, $0x2100, v18;
	v19 =	vsel vm2, $0x2180, v19;
	v20 =	vsel vm2, $0x2200, v20  }
0x18: {  	v21 =	vsel vm2, $0x2280, v21;
	v22 =	vsel vm2, $0x2300, v22;
	v23 =	vsel vm2, $0x2380, v23  }
0x19: {  	v24 =	vsel vm2, $0x3000, v24;
	v25 =	vsel vm2, $0x3080, v25;
	v26 =	vsel vm2, $0x3100, v26  }
0x1a: {  	v27 =	vsel vm2, $0x3180, v27;
	v28 =	vsel vm2, $0x3200, v28;
	v30 =	vsel vm2, $0x3280, v30  }
0x1b: {  	v31 =	vsel vm2, $0x3300, v31;
	v0 =	vsel vm0, $0x80, v0;
	v32 =	vunpack.c.0.s8.s32 v3  }
0x1c: {  	v3 =	vunpack.c.0.s8.s32 v4;
	v4 =	vunpack.c.0.s8.s32 v5;
	v5 =	vimm.s32 $0x1D1C1B1A  }
0x1d: {  	v7 =	vunpack.c.0.s8.s32 v7;
	v13 =	vsel vm0, $0x1300, v13;
	v14 =	vsel vm0, $0x1380, v14  }
0x1e: {  	v15 =	vsel vm0, $0x2000, v15;
	v16 =	vsel vm0, $0x2080, v16;
	v17 =	vsel vm0, $0x2100, v17  }
0x1f: {  	v18 =	vsel vm0, $0x2180, v18;
	v19 =	vsel vm0, $0x2200, v19;
	v20 =	vsel vm0, $0x2280, v20  }
0x20: {  	v21 =	vsel vm0, $0x2300, v21;
	v22 =	vsel vm0, $0x2380, v22;
	v23 =	vsel vm0, $0x3000, v23  }
0x21: {  	v24 =	vsel vm0, $0x3080, v24;
	v25 =	vsel vm0, $0x3100, v25;
	v26 =	vsel vm0, $0x3180, v26  }
0x22: {  	v27 =	vsel vm0, $0x3200, v27;
	v28 =	vsel vm0, $0x3280, v28;
	v30 =	vsel vm0, $0x3300, v30  }
0x23: {  	v31 =	vsel vm0, $0x3380, v31;
	v1 =	vsel vm1, v2, v1;
	v5 =	vunpack.c.0.s8.s32 v5  }
0x24: {  	v63 =	vsel vm1, v55, v2;
	v54 =	vsel vm1, v11, v33;
	v0 =	vsel vm13, $0x100, v0  }
0x25: {  	v2 =	vsel vm2, $0x100, v36;
	v11 =	vimm.s32 $0x3100;
	v13 =	vsel vm13, $0x1380, v13  }
0x26: {  	v14 =	vsel vm13, $0x2000, v14;
	v15 =	vsel vm13, $0x2080, v15;
	v16 =	vsel vm13, $0x2100, v16  }
0x27: {  	v17 =	vsel vm13, $0x2180, v17;
	v18 =	vsel vm13, $0x2200, v18;
	v19 =	vsel vm13, $0x2280, v19  }
0x28: {  	v20 =	vsel vm13, $0x2300, v20;
	v21 =	vsel vm13, $0x2380, v21;
	v22 =	vsel vm13, $0x3000, v22  }
0x29: {  	v23 =	vsel vm13, $0x3080, v23;
	v24 =	vsel vm13, $0x3100, v24;
	v25 =	vsel vm13, $0x3180, v25  }
0x2a: {  	v26 =	vsel vm13, $0x3200, v26;
	v27 =	vsel vm13, $0x3280, v27;
	v28 =	vsel vm13, $0x3300, v28  }
0x2b: {  	v30 =	vsel vm13, $0x3380, v30;
	v31 =	vsel vm13, $0x0, v31;
	v43 =	vsel vm1, v32, v55  }
0x2c: {  	v3 =	vsel vm1, v4, v3;
	v59 =	vsel vm1, v10, v32;
	v46 =	vsel vm1, v8, v7  }
0x2d: {  	[tilespmem:$0x1FC70] =	vst v1;
	v1 =	vsel vm2, $0x80, v35;
	v10 =	vimm.s32 $0x3080;
	v11 =	vsel vm2, $0x1180, v11  }
0x2e: {  	v35 =	vimm.s32 $0x1300;
	v0 =	vsel vm14, $0x180, v0;
	v2 =	vsel vm0, $0x180, v2  }
0x2f: {  	v13 =	vsel vm14, $0x2000, v13;
	v14 =	vsel vm14, $0x2080, v14;
	v15 =	vsel vm14, $0x2100, v15  }
0x30: {  	v16 =	vsel vm14, $0x2180, v16;
	v17 =	vsel vm14, $0x2200, v17;
	v18 =	vsel vm14, $0x2280, v18  }
0x31: {  	v19 =	vsel vm14, $0x2300, v19;
	v20 =	vsel vm14, $0x2380, v20;
	v21 =	vsel vm14, $0x3000, v21  }
0x32: {  	v22 =	vsel vm14, $0x3080, v22;
	v23 =	vsel vm14, $0x3100, v23;
	v24 =	vsel vm14, $0x3180, v24  }
0x33: {  	v25 =	vsel vm14, $0x3200, v25;
	v26 =	vsel vm14, $0x3280, v26;
	v27 =	vsel vm14, $0x3300, v27  }
0x34: {  	v28 =	vsel vm14, $0x3380, v28;
	v30 =	vsel vm14, $0x0, v30;
	v31 =	vsel vm14, $0x80, v31  }
0x35: {  	[tilespmem:$0x1FC80] =	vst v3;
	v61 =	vsel vm1, v33, v5;
	v3 =	vsel vm1, v7, v6;
	v6 =	vimm.s32 $0x1F1E1D1C  }
0x36: {  	v57 =	vsel vm1, v5, v4;
	v4 =	vimm.s32 $0x2180;
	v5 =	vimm.s32 $0x2200  }
0x37: {  	v7 =	vimm.s32 $0x2300;
	v10 =	vsel vm2, $0x1100, v10;
	v35 =	vsel vm2, $0x3380, v35  }
0x38: {  	v1 =	vsel vm0, $0x100, v1;
	v11 =	vsel vm0, $0x1200, v11;
	v0 =	vsel vm15, $0x200, v0  }
0x39: {  	v2 =	vsel vm13, $0x200, v2;
	v13 =	vsel vm15, $0x2080, v13;
	v14 =	vsel vm15, $0x2100, v14  }
0x3a: {  	v15 =	vsel vm15, $0x2180, v15;
	v16 =	vsel vm15, $0x2200, v16;
	v17 =	vsel vm15, $0x2280, v17  }
0x3b: {  	v18 =	vsel vm15, $0x2300, v18;
	v19 =	vsel vm15, $0x2380, v19;
	v20 =	vsel vm15, $0x3000, v20  }
0x3c: {  	v21 =	vsel vm15, $0x3080, v21;
	v22 =	vsel vm15, $0x3100, v22;
	v23 =	vsel vm15, $0x3180, v23  }
0x3d: {  	v24 =	vsel vm15, $0x3200, v24;
	v25 =	vsel vm15, $0x3280, v25;
	v26 =	vsel vm15, $0x3300, v26  }
0x3e: {  	v27 =	vsel vm15, $0x3380, v27;
	v28 =	vsel vm15, $0x0, v28;
	v30 =	vsel vm15, $0x80, v30  }
0x3f: {  	v31 =	vsel vm15, $0x100, v31;
	[tilespmem:$0x1FCB0] =	vst v3;
	v3 =	vsel vm1, v34, v8;
	v39 =	vunpack.c.0.s8.s32 v6  }
0x40: {  	v6 =	vunpack.c.0.s8.s32 v9;
	v9 =	vimm.s32 $0x1B1A1918;
	v4 =	vsel vm2, $0x200, v4  }
0x41: {  	v5 =	vsel vm2, $0x280, v5;
	v7 =	vsel vm2, $0x380, v7;
	v8 =	vimm.s32 $0x2380  }
0x42: {  	v10 =	vsel vm0, $0x1180, v10;
	v35 =	vsel vm0, $0x0, v35;
	v1 =	vsel vm13, $0x180, v1  }
0x43: {  	v11 =	vsel vm13, $0x1280, v11;
	v0 =	vsel vm4, $0x280, v0;
	v2 =	vsel vm14, $0x280, v2  }
0x44: {  	v13 =	vsel vm4, $0x2100, v13;
	v14 =	vsel vm4, $0x2180, v14;
	v15 =	vsel vm4, $0x2200, v15  }
0x45: {  	v16 =	vsel vm4, $0x2280, v16;
	v17 =	vsel vm4, $0x2300, v17;
	v18 =	vsel vm4, $0x2380, v18  }
0x46: {  	v19 =	vsel vm4, $0x3000, v19;
	v20 =	vsel vm4, $0x3080, v20;
	v21 =	vsel vm4, $0x3100, v21  }
0x47: {  	v22 =	vsel vm4, $0x3180, v22;
	v23 =	vsel vm4, $0x3200, v23;
	v24 =	vsel vm4, $0x3280, v24  }
0x48: {  	v25 =	vsel vm4, $0x3300, v25;
	v26 =	vsel vm4, $0x3380, v26;
	v27 =	vsel vm4, $0x0, v27  }
0x49: {  	v28 =	vsel vm4, $0x80, v28;
	v30 =	vsel vm4, $0x100, v30;
	v31 =	vsel vm4, $0x180, v31  }
0x4a: {  	[tilespmem:$0x1FCA0] =	vst v3;
	v3 =	vimm.s32 $0x3020100;
	v9 =	vunpack.c.0.s8.s32 v9;
	v8 =	vsel vm2, $0x1000, v8  }
0x4b: {  	v4 =	vsel vm0, $0x280, v4;
	v5 =	vsel vm0, $0x300, v5;
	v7 =	vsel vm0, $0x1000, v7  }
0x4c: {  	v10 =	vsel vm13, $0x1200, v10;
	v35 =	vsel vm13, $0x80, v35;
	v1 =	vsel vm14, $0x200, v1  }
0x4d: {  	v11 =	vsel vm14, $0x1300, v11;
	v0 =	vsel vm5, $0x300, v0;
	v2 =	vsel vm15, $0x300, v2  }
0x4e: {  	v13 =	vsel vm5, $0x2180, v13;
	v14 =	vsel vm5, $0x2200, v14;
	v15 =	vsel vm5, $0x2280, v15  }
0x4f: {  	v16 =	vsel vm5, $0x2300, v16;
	v17 =	vsel vm5, $0x2380, v17;
	v18 =	vsel vm5, $0x3000, v18  }
0x50: {  	v19 =	vsel vm5, $0x3080, v19;
	v20 =	vsel vm5, $0x3100, v20;
	v21 =	vsel vm5, $0x3180, v21  }
0x51: {  	v22 =	vsel vm5, $0x3200, v22;
	v23 =	vsel vm5, $0x3280, v23;
	v24 =	vsel vm5, $0x3300, v24  }
0x52: {  	v25 =	vsel vm5, $0x3380, v25;
	v26 =	vsel vm5, $0x0, v26;
	v27 =	vsel vm5, $0x80, v27  }
0x53: {  	v28 =	vsel vm5, $0x100, v28;
	v30 =	vsel vm5, $0x180, v30;
	v31 =	vsel vm5, $0x200, v31  }
0x54: {  	v3 =	vunpack.c.0.s8.s32 v3;
	v8 =	vsel vm0, $0x1080, v8;
	v4 =	vsel vm13, $0x300, v4  }
0x55: {  	v5 =	vsel vm13, $0x380, v5;
	v7 =	vsel vm13, $0x1080, v7;
	v10 =	vsel vm14, $0x1280, v10  }
0x56: {  	v35 =	vsel vm14, $0x100, v35;
	v1 =	vsel vm15, $0x280, v1;
	v11 =	vsel vm15, $0x1380, v11  }
0x57: {  	v0 =	vsel vm6, $0x380, v0;
	v2 =	vsel vm4, $0x380, v2;
	v13 =	vsel vm6, $0x2200, v13  }
0x58: {  	v14 =	vsel vm6, $0x2280, v14;
	v15 =	vsel vm6, $0x2300, v15;
	v16 =	vsel vm6, $0x2380, v16  }
0x59: {  	v17 =	vsel vm6, $0x3000, v17;
	v18 =	vsel vm6, $0x3080, v18;
	v19 =	vsel vm6, $0x3100, v19  }
0x5a: {  	v20 =	vsel vm6, $0x3180, v20;
	v21 =	vsel vm6, $0x3200, v21;
	v22 =	vsel vm6, $0x3280, v22  }
0x5b: {  	v23 =	vsel vm6, $0x3300, v23;
	v24 =	vsel vm6, $0x3380, v24;
	v25 =	vsel vm6, $0x0, v25  }
0x5c: {  	v26 =	vsel vm6, $0x80, v26;
	v27 =	vsel vm6, $0x100, v27;
	v28 =	vsel vm6, $0x180, v28  }
0x5d: {  	v30 =	vsel vm6, $0x200, v30;
	v31 =	vsel vm6, $0x280, v31;
	v60 =	vsel vm1, v9, v6  }
0x5e: {  	v58 =	vsel vm1, v39, v9;
	v6 =	vimm.s32 $0x2280;
	v9 =	vimm.s32 $0x3000  }
0x5f: {  	v8 =	vsel vm13, $0x1100, v8;
	v4 =	vsel vm14, $0x380, v4;
	v5 =	vsel vm14, $0x1000, v5  }
0x60: {  	v7 =	vsel vm14, $0x1100, v7;
	v10 =	vsel vm15, $0x1300, v10;
	v35 =	vsel vm15, $0x180, v35  }
0x61: {  	v1 =	vsel vm4, $0x300, v1;
	v11 =	vsel vm4, $0x2000, v11;
	v0 =	vsel vm7, $0x1000, v0  }
0x62: {  	v2 =	vsel vm5, $0x1000, v2;
	v13 =	vsel vm7, $0x2280, v13;
	v14 =	vsel vm7, $0x2300, v14  }
0x63: {  	v15 =	vsel vm7, $0x2380, v15;
	v16 =	vsel vm7, $0x3000, v16;
	v17 =	vsel vm7, $0x3080, v17  }
0x64: {  	v18 =	vsel vm7, $0x3100, v18;
	v19 =	vsel vm7, $0x3180, v19;
	v20 =	vsel vm7, $0x3200, v20  }
0x65: {  	v21 =	vsel vm7, $0x3280, v21;
	v22 =	vsel vm7, $0x3300, v22;
	v23 =	vsel vm7, $0x3380, v23  }
0x66: {  	v24 =	vsel vm7, $0x0, v24;
	v25 =	vsel vm7, $0x80, v25;
	v26 =	vsel vm7, $0x100, v26  }
0x67: {  	v27 =	vsel vm7, $0x180, v27;
	v28 =	vsel vm7, $0x200, v28;
	v30 =	vsel vm7, $0x280, v30  }
0x68: {  	v31 =	vsel vm7, $0x300, v31;
	v48 =	vsel vm1, v3, v39;
	v3 =	vunpack.c.0.s8.s32 v12  }
0x69: {  	v6 =	vsel vm2, $0x300, v6;
	v9 =	vsel vm2, $0x1080, v9;
	v12 =	vimm.s32 $0x3180  }
0x6a: {  	v8 =	vsel vm14, $0x1180, v8;
	v4 =	vsel vm15, $0x1000, v4;
	v5 =	vsel vm15, $0x1080, v5  }
0x6b: {  	v7 =	vsel vm15, $0x1180, v7;
	v10 =	vsel vm4, $0x1380, v10;
	v35 =	vsel vm4, $0x200, v35  }
0x6c: {  	v1 =	vsel vm5, $0x380, v1;
	v11 =	vsel vm5, $0x2080, v11;
	v0 =	vsel vm8, $0x1080, v0  }
0x6d: {  	v2 =	vsel vm6, $0x1080, v2;
	v13 =	vsel vm8, $0x2300, v13;
	v14 =	vsel vm8, $0x2380, v14  }
0x6e: {  	v15 =	vsel vm8, $0x3000, v15;
	v16 =	vsel vm8, $0x3080, v16;
	v17 =	vsel vm8, $0x3100, v17  }
0x6f: {  	v18 =	vsel vm8, $0x3180, v18;
	v19 =	vsel vm8, $0x3200, v19;
	v20 =	vsel vm8, $0x3280, v20  }
0x70: {  	v21 =	vsel vm8, $0x3300, v21;
	v22 =	vsel vm8, $0x3380, v22;
	v23 =	vsel vm8, $0x0, v23  }
0x71: {  	v24 =	vsel vm8, $0x80, v24;
	v25 =	vsel vm8, $0x100, v25;
	v26 =	vsel vm8, $0x180, v26  }
0x72: {  	v27 =	vsel vm8, $0x200, v27;
	v28 =	vsel vm8, $0x280, v28;
	v30 =	vsel vm8, $0x300, v30  }
0x73: {  	v31 =	vsel vm8, $0x380, v31;
	v12 =	vsel vm2, $0x1200, v12;
	v6 =	vsel vm0, $0x380, v6  }
0x74: {  	v9 =	vsel vm0, $0x1100, v9;
	v8 =	vsel vm15, $0x1200, v8;
	v4 =	vsel vm4, $0x1080, v4  }
0x75: {  	v5 =	vsel vm4, $0x1100, v5;
	v7 =	vsel vm4, $0x1200, v7;
	v10 =	vsel vm5, $0x2000, v10  }
0x76: {  	v35 =	vsel vm5, $0x280, v35;
	v1 =	vsel vm6, $0x1000, v1;
	v11 =	vsel vm6, $0x2100, v11  }
0x77: {  	v0 =	vsel vm9, $0x1100, v0;
	v2 =	vsel vm7, $0x1100, v2;
	v13 =	vsel vm9, $0x2380, v13  }
0x78: {  	v14 =	vsel vm9, $0x3000, v14;
	v15 =	vsel vm9, $0x3080, v15;
	v16 =	vsel vm9, $0x3100, v16  }
0x79: {  	v17 =	vsel vm9, $0x3180, v17;
	v18 =	vsel vm9, $0x3200, v18;
	v19 =	vsel vm9, $0x3280, v19  }
0x7a: {  	v20 =	vsel vm9, $0x3300, v20;
	v21 =	vsel vm9, $0x3380, v21;
	v22 =	vsel vm9, $0x0, v22  }
0x7b: {  	v23 =	vsel vm9, $0x80, v23;
	v24 =	vsel vm9, $0x100, v24;
	v25 =	vsel vm9, $0x180, v25  }
0x7c: {  	v26 =	vsel vm9, $0x200, v26;
	v27 =	vsel vm9, $0x280, v27;
	v28 =	vsel vm9, $0x300, v28  }
0x7d: {  	v30 =	vsel vm9, $0x380, v30;
	v31 =	vsel vm9, $0x1000, v31;
	v51 =	vsel vm1, v3, v34  }
0x7e: {  	v3 =	vimm.s32 $0x2100;
	v12 =	vsel vm0, $0x1280, v12;
	v6 =	vsel vm13, $0x1000, v6  }
0x7f: {  	v9 =	vsel vm13, $0x1180, v9;
	v8 =	vsel vm4, $0x1280, v8;
	v4 =	vsel vm5, $0x1100, v4  }
0x80: {  	v5 =	vsel vm5, $0x1180, v5;
	v7 =	vsel vm5, $0x1280, v7;
	v10 =	vsel vm6, $0x2080, v10  }
0x81: {  	v35 =	vsel vm6, $0x300, v35;
	v1 =	vsel vm7, $0x1080, v1;
	v11 =	vsel vm7, $0x2180, v11  }
0x82: {  	v0 =	vsel vm10, $0x1180, v0;
	v2 =	vsel vm8, $0x1180, v2;
	v13 =	vsel vm10, $0x3000, v13  }
0x83: {  	v14 =	vsel vm10, $0x3080, v14;
	v15 =	vsel vm10, $0x3100, v15;
	v16 =	vsel vm10, $0x3180, v16  }
0x84: {  	v17 =	vsel vm10, $0x3200, v17;
	v18 =	vsel vm10, $0x3280, v18;
	v19 =	vsel vm10, $0x3300, v19  }
0x85: {  	v20 =	vsel vm10, $0x3380, v20;
	v21 =	vsel vm10, $0x0, v21;
	v22 =	vsel vm10, $0x80, v22  }
0x86: {  	v23 =	vsel vm10, $0x100, v23;
	v24 =	vsel vm10, $0x180, v24;
	v25 =	vsel vm10, $0x200, v25  }
0x87: {  	v26 =	vsel vm10, $0x280, v26;
	v27 =	vsel vm10, $0x300, v27;
	v28 =	vsel vm10, $0x380, v28  }
0x88: {  	v30 =	vsel vm10, $0x1000, v30;
	v31 =	vsel vm10, $0x1080, v31;
	v3 =	vsel vm2, $0x180, v3  }
0x89: {  	v12 =	vsel vm13, $0x1300, v12;
	v6 =	vsel vm14, $0x1080, v6;
	v9 =	vsel vm14, $0x1200, v9  }
0x8a: {  	v8 =	vsel vm5, $0x1300, v8;
	v4 =	vsel vm6, $0x1180, v4;
	v5 =	vsel vm6, $0x1200, v5  }
0x8b: {  	v7 =	vsel vm6, $0x1300, v7;
	v10 =	vsel vm7, $0x2100, v10;
	v35 =	vsel vm7, $0x380, v35  }
0x8c: {  	v1 =	vsel vm8, $0x1100, v1;
	v11 =	vsel vm8, $0x2200, v11;
	v0 =	vsel vm11, $0x1200, v0  }
0x8d: {  	v2 =	vsel vm9, $0x1200, v2;
	v13 =	vsel vm11, $0x3080, v13;
	v14 =	vsel vm11, $0x3100, v14  }
0x8e: {  	v15 =	vsel vm11, $0x3180, v15;
	v16 =	vsel vm11, $0x3200, v16;
	v17 =	vsel vm11, $0x3280, v17  }
0x8f: {  	v18 =	vsel vm11, $0x3300, v18;
	v19 =	vsel vm11, $0x3380, v19;
	v20 =	vsel vm11, $0x0, v20  }
0x90: {  	v21 =	vsel vm11, $0x80, v21;
	v22 =	vsel vm11, $0x100, v22;
	v23 =	vsel vm11, $0x180, v23  }
0x91: {  	v38 =	vsel vm11, $0x200, v24;
	v25 =	vsel vm11, $0x280, v25;
	v26 =	vsel vm11, $0x300, v26  }
0x92: {  	v27 =	vsel vm11, $0x380, v27;
	v28 =	vsel vm11, $0x1000, v28;
	v30 =	vsel vm11, $0x1080, v30  }
0x93: {  	v31 =	vsel vm11, $0x1100, v31;
	v3 =	vsel vm0, $0x200, v3;
	v12 =	vsel vm14, $0x1380, v12  }
0x94: {  	v6 =	vsel vm15, $0x1100, v6;
	v9 =	vsel vm15, $0x1280, v9;
	v8 =	vsel vm6, $0x1380, v8  }
0x95: {  	v4 =	vsel vm7, $0x1200, v4;
	v5 =	vsel vm7, $0x1280, v5;
	v7 =	vsel vm7, $0x1380, v7  }
0x96: {  	v10 =	vsel vm8, $0x2180, v10;
	v35 =	vsel vm8, $0x1000, v35;
	v1 =	vsel vm9, $0x1180, v1  }
0x97: {  	v11 =	vsel vm9, $0x2280, v11;
	v0 =	vsel vm12, $0x1280, v0;
	v2 =	vsel vm10, $0x1280, v2  }
0x98: {  	v3 =	vsel vm13, $0x280, v3;
	v12 =	vsel vm15, $0x2000, v12;
	v6 =	vsel vm4, $0x1180, v6  }
0x99: {  	v9 =	vsel vm4, $0x1300, v9;
	v8 =	vsel vm7, $0x2000, v8;
	v4 =	vsel vm8, $0x1280, v4  }
0x9a: {  	v5 =	vsel vm8, $0x1300, v5;
	v7 =	vsel vm8, $0x2000, v7;
	v10 =	vsel vm9, $0x2200, v10  }
0x9b: {  	v35 =	vsel vm9, $0x1080, v35;
	v1 =	vsel vm10, $0x1200, v1;
	v11 =	vsel vm10, $0x2300, v11  }
0x9c: {  	vm13 =	vcmask $0x3B38;
	v2 =	vsel vm11, $0x1300, v2;
	v3 =	vsel vm14, $0x300, v3  }
0x9d: {  	v12 =	vsel vm4, $0x2080, v12;
	v6 =	vsel vm5, $0x1200, v6;
	v9 =	vsel vm5, $0x1380, v9  }
0x9e: {  	v8 =	vsel vm8, $0x2080, v8;
	v4 =	vsel vm9, $0x1300, v4;
	v5 =	vsel vm9, $0x1380, v5  }
0x9f: {  	v7 =	vsel vm9, $0x2080, v7;
	v10 =	vsel vm10, $0x2280, v10;
	v35 =	vsel vm10, $0x1100, v35  }
0xa0: {  	v1 =	vsel vm11, $0x1280, v1;
	v11 =	vsel vm11, $0x2380, v11;
	v36 =	vsel vm13, $0x1300, v0  }
0xa1: {  	v40 =	vsel vm12, $0x1380, v2;
	vm14 =	vcmask $0x2F10;
	v3 =	vsel vm15, $0x380, v3  }
0xa2: {  	v12 =	vsel vm5, $0x2100, v12;
	v6 =	vsel vm6, $0x1280, v6;
	v9 =	vsel vm6, $0x2000, v9  }
0xa3: {  	v8 =	vsel vm9, $0x2100, v8;
	v4 =	vsel vm10, $0x1380, v4;
	v5 =	vsel vm10, $0x2000, v5  }
0xa4: {  	v7 =	vsel vm10, $0x2100, v7;
	v10 =	vsel vm11, $0x2300, v10;
	v35 =	vsel vm11, $0x1180, v35  }
0xa5: {  	v37 =	vsel vm12, $0x1300, v1;
	v0 =	vsel vm13, $0x2000, v40;
	v47 =	vsel vm12, $0x3000, v11  }
0xa6: {  	vm15 =	vcmask $0x3F30;
	v3 =	vsel vm4, $0x1000, v3;
	v12 =	vsel vm6, $0x2180, v12  }
0xa7: {  	v6 =	vsel vm7, $0x1300, v6;
	v9 =	vsel vm7, $0x2080, v9;
	v8 =	vsel vm10, $0x2180, v8  }
0xa8: {  	v4 =	vsel vm11, $0x2000, v4;
	v5 =	vsel vm11, $0x2080, v5;
	v7 =	vsel vm11, $0x2180, v7  }
0xa9: {  	v50 =	vsel vm13, $0x1380, v37;
	v40 =	vsel vm12, $0x2380, v10;
	v3 =	vsel vm5, $0x1080, v3  }
0xaa: {  	v12 =	vsel vm7, $0x2200, v12;
	v6 =	vsel vm8, $0x1380, v6;
	v9 =	vsel vm8, $0x2100, v9  }
0xab: {  	v8 =	vsel vm11, $0x2200, v8;
	v49 =	vsel vm12, $0x2080, v4;
	v52 =	vsel vm12, $0x2100, v5  }
0xac: {  	v56 =	vsel vm12, $0x2200, v7;
	v3 =	vsel vm6, $0x1100, v3;
	v12 =	vsel vm8, $0x2280, v12  }
0xad: {  	v6 =	vsel vm9, $0x2000, v6;
	v9 =	vsel vm9, $0x2180, v9;
	v45 =	vsel vm13, $0x2100, v49  }
0xae: {  	v5 =	vsel vm13, $0x2180, v52;
	v49 =	vsel vm13, $0x2280, v56;
	v62 =	vsel vm12, $0x2280, v8  }
0xaf: {  	v8 =	vsel vm13, $0x3080, v47;
	v56 =	vsel vm12, $0x3200, v15;
	v47 =	vsel vm12, $0x3300, v17  }
0xb0: {  	v3 =	vsel vm7, $0x1180, v3;
	v12 =	vsel vm9, $0x2300, v12;
	v6 =	vsel vm10, $0x2080, v6  }
0xb1: {  	[tilespmem:$0x1FBD0] =	vst v0;
	v9 =	vsel vm10, $0x2200, v9;
	v0 =	vsel vm13, $0x2300, v62;
	v62 =	vsel vm13, $0x3280, v56  }
0xb2: {  	v4 =	vmovc v36;
	v56 =	vsel vm12, $0x100, v21;
	v36 =	vsel vm12, $0x180, v22;
	v3 =	vsel vm8, $0x1200, v3  }
0xb3: {  	v12 =	vsel vm10, $0x2380, v12;
	v6 =	vsel vm11, $0x2100, v6;
	v9 =	vsel vm11, $0x2280, v9  }
0xb4: {  	v21 =	vmovc v62;
	v62 =	vimm.s32 $0x32107654;
	v3 =	vsel vm9, $0x1280, v3;
	v12 =	vsel vm11, $0x3000, v12  }
0xb5: {  	v53 =	vsel vm12, $0x2180, v6;
	v37 =	vsel vm12, $0x2300, v9;
	v3 =	vsel vm10, $0x1300, v3  }
0xb6: {  	v55 =	vsel vm13, $0x2200, v53;
	v6 =	vsel vm13, $0x2380, v37;
	v52 =	vsel vm12, $0x3080, v12  }
0xb7: {  	v53 =	vsel vm12, $0x3100, v13;
	v12 =	vsel vm13, $0x180, v56;
	v37 =	vsel vm12, $0x200, v23  }
0xb8: {  	v3 =	vsel vm11, $0x1380, v3;
	v29 =	vsel vm13, $0x3100, v52;
	v44 =	vsel vm13, $0x3180, v53  }
0xb9: {  	v9 =	vmovc v55;
	v55 =	vsel vm12, $0x3180, v14;
	v52 =	vsel vm12, $0x3380, v18;
	v53 =	vsel vm12, $0x0, v19  }
0xba: {  	[tilespmem:$0x1FBE0] =	vst v0;
	v41 =	vsel vm12, $0x2000, v3;
	v0 =	vsel vm13, $0x3200, v55;
	v17 =	vsel vm13, $0x0, v52  }
0xbb: {  	v55 =	vsel vm12, $0x80, v20;
	v3 =	vsel vm12, $0x380, v26;
	v42 =	vsel vm13, $0x2080, v41  }
0xbc: {  	v41 =	vsel vm13, $0x3000, v40;
	[tilespmem:$0x1FBF0] =	vst v0;
	v0 =	vsel vm13, $0x3380, v47;
	v40 =	vsel vm13, $0x80, v53  }
0xbd: {  	v47 =	vsel vm12, $0x300, v25;
	v52 =	vsel vm13, $0x1000, v3;
	v53 =	vsel vm12, $0x1000, v27  }
0xbe: {  	v3 =	vsel vm12, $0x1100, v30;
	v27 =	vimm.s32 $0x43218765;
	v30 =	vsel vm12, $0x1180, v31  }
0xbf: {  	v31 =	vsel vm12, $0x1200, v35;
	v7 =	vmovc v42;
	v42 =	vsel vm12, $0x3280, v16;
	[tilespmem:$0x1FC00] =	vst v0;
	v0 =	vsel vm13, $0x100, v55  }
0xc0: {  	v13 =	vmovc v41;
	v41 =	vsel vm13, $0x280, v37;
	v55 =	vsel vm12, $0x1080, v28;
	[tilespmem:$0x1FC10] =	vst v0;
	v0 =	vunpack.c.l.s4.s8 v62  }
0xc1: {  	v56 =	vunpack.c.l.s4.s8 v27;
	v11 =	vsel vm13, $0x1180, v3;
	v10 =	vsel vm13, $0x1280, v31  }
0xc2: {  	v24 =	vsel vm13, $0x3300, v42;
	v62 =	vsel vm13, $0x200, v36;
	v0 =	vunpack.c.0.s8.s32 v0  }
0xc3: {  	[tilespmem:$0x1FC20] =	vst v41;
	v42 =	vsel vm12, $0x280, v38;
	v36 =	vsel vm13, $0x1100, v55;
	v41 =	vimm.s32 $0x6543A987  }
0xc4: {  	v55 =	vimm.s32 $0xE0D0C0B;
	v35 =	vunpack.c.l.s4.s8 v41;
	v0 =	vand.u32 $0xF, v0  }
0xc5: {  	v38 =	vunpack.c.0.s8.s32 v56;
	v0 =	vsel vm14, v0, v39;
	v39 =	vimm.s32 $0x54329876  }
0xc6: {  	[tilespmem:$0x1FC30] =	vst v52;
	v20 =	vsel vm13, $0x300, v42;
	v52 =	vunpack.c.0.s8.s32 v35;
	v3 =	vunpack.c.l.s4.s8 v39  }
0xc7: {  	[tilespmem:$0x1FC50] =	vst v10;
	v42 =	vimm.s32 $0xC0B0A09;
	v10 =	vunpack.c.0.s8.s32 v55;
	v2 =	vand.u32 $0xF, v38  }
0xc8: {  	v2 =	vsel vm14, v2, v32;
	v32 =	vand.u32 $0xF, v52;
	v3 =	vunpack.c.0.s8.s32 v3  }
0xc9: {  	v22 =	vsel vm13, $0x380, v47;
	v47 =	vunpack.c.0.s8.s32 v42;
	v56 =	vsel vm14, v32, v34  }
0xca: {  	s0 =	rddreg [dreg:$0x0];
	v38 =	vsel vm15, v10, v56;
	v3 =	vand.u32 $0xF, v3  }
0xcb: {  	s9 =	rddreg [dreg:$0x1];
	s3 =	simm.s32 $0x0;
	[tilespmem:$0x1FC40] =	vst v36;
	v10 =	vlaneseq.u32;
	v3 =	vsel vm14, v3, v33;
	v33 =	vsel vm15, v47, v2  }
0xcc: {  	s2 =	srdreg.scid;
	[smem:$0x7FF] =	sst s3;
	[tilespmem:$0x1FC60] =	vst v33;
	v33 =	vadd.s32 $0xF, v10  }
0xcd: {  	s6 =	sand.u32 $0x1, s2;
	s2 =	rddreg [dreg:$0x2];
	v14 =	vmov v6;
	v6 =	vsel vm13, $0x1080, v53;
	_ =	strace $0x80000047;
	[tilespmem:$0x1FC90] =	vst v33  }
0xce: {  	v37 =	vimm.s32 $0xB0A0908;
	v53 =	vimm.s32 $0xD0C0B0A;
	v52 =	vadd.s32 $0x2, v10;
	[tilespmem:$0x1FCD0] =	vst v50  }
0xcf: {  	v1 =	vunpack.c.0.s8.s32 v37;
	v37 =	vunpack.c.0.s8.s32 v53;
	v53 =	vadd.s32 $0x3, v10;
	[tilespmem:$0x1FD00] =	vst v52  }
0xd0: {  	v25 =	vadd.s32 $0x1, v10;
	v16 =	vadd.s32 $0x4, v10;
	[tilespmem:$0x1FD10] =	vst v53  }
0xd1: {  	v41 =	vmov v7;
	v7 =	vcombine.low v60, v48;
	v48 =	vmov v16;
	[tilespmem:$0x1FD20] =	vst v25  }
0xd2: {  	v36 =	vadd.s32 $0x5, v10;
	[tilespmem:$0x1FD30] =	vst v48  }
0xd3: {  	v55 =	vadd.s32 $0x6, v10;
	[tilespmem:$0x1FD40] =	vst v36  }
0xd4: {  	v47 =	vadd.s32 $0x7, v10;
	[tilespmem:$0x1FD50] =	vst v55  }
0xd5: {  	v18 =	vadd.s32 $0x8, v10;
	[tilespmem:$0x1FD60] =	vst v47  }
0xd6: {  	v15 =	vsel vm13, $0x1200, v30;
	v34 =	vmovc v6;
	v27 =	vadd.s32 $0x9, v10;
	v6 =	vadd.s32 $0xB, v10;
	[tilespmem:$0x1FD70] =	vst v18  }
0xd7: {  	v30 =	vcombine.low v63, v59;
	v35 =	vimm.s32 $0x76543210;
	v32 =	vcombine.low v46, v51;
	v51 =	vmovc v6;
	[tilespmem:$0x1FD80] =	vst v27  }
0xd8: {  	v39 =	vsel vm15, v1, v0;
	v0 =	vunpack.c.l.s4.s8 v35;
	v56 =	vcombine.low v57, v54;
	v57 =	vmovc v7;
	[tilespmem:$0x1FDA0] =	vst v51  }
0xd9: {  	[tilespmem:$0x1FDB0] =	vst v57  }
0xda: {  	v0 =	vunpack.c.0.s8.s32 v0;
	[tilespmem:$0x1FDC0] =	vst v30  }
0xdb: {  	[tilespmem:$0x1FDD0] =	vst v56  }
0xdc: {  	v60 =	vmov v8;
	v6 =	vadd.s32 $0xC, v10;
	v8 =	vcombine.low v58, v0;
	[tilespmem:$0x1FDE0] =	vst v32  }
0xdd: {  	[tilespmem:$0x1FDF0] =	vst v6  }
0xde: {  	v58 =	vadd.s32 $0xD, v10;
	[tilespmem:$0x1FE00] =	vst v8  }
0xdf: {  	[tilespmem:$0x1FE10] =	vst v58  }
0xe0: {  	v26 =	vsel vm15, v37, v3;
	[tilespmem:$0x1FE70] =	vst v38  }
0xe1: {  	[tilespmem:$0x1FE80] =	vst v26  }
0xe2: {  	[tilespmem:$0x1FE90] =	vst v39  }
0xe3: {  	[tilespmem:$0x1FEA0] =	vst v15  }
0xe4: {  	v16 =	vmov v34;
	[tilespmem:$0x1FEB0] =	vst v11  }
0xe5: {  	v31 =	vmov v22;
	[tilespmem:$0x1FEC0] =	vst v16  }
0xe6: {  	[tilespmem:$0x1FED0] =	vst v31  }
0xe7: {  	[tilespmem:$0x1FEF0] =	vst v62  }
0xe8: {  	[tilespmem:$0x1FF00] =	vst v12  }
0xe9: {  	[tilespmem:$0x1FF10] =	vst v40  }
0xea: {  	[tilespmem:$0x1FF20] =	vst v4  }
0xeb: {  	[tilespmem:$0x1FF30] =	vst v17  }
0xec: {  	[tilespmem:$0x1FF40] =	vst v24  }
0xed: {  	[tilespmem:$0x1FF50] =	vst v21  }
0xee: {  	[tilespmem:$0x1FF70] =	vst v29  }
0xef: {  	[tilespmem:$0x1FF80] =	vst v60  }
0xf0: {  	[tilespmem:$0x1FF90] =	vst v13  }
0xf1: {  	v42 =	vimm.s32 $0x98765432;
	v22 =	vmov v49;
	[tilespmem:$0x1FFA0] =	vst v14  }
0xf2: {  	v49 =	vmov v45;
	v45 =	vmov v5;
	v2 =	vunpack.c.l.s4.s8 v42;
	[tilespmem:$0x1FFB0] =	vst v22  }
0xf3: {  	[tilespmem:$0x1FFD0] =	vst v45;
	v7 =	vld [tilespmem:$0x1FC70]  }
0xf4: {  	v3 =	vadd.s32 $0xA, v10;
	v2 =	vunpack.c.0.s8.s32 v2;
	[tilespmem:$0x1FFE0] =	vst v49;
	v59 =	vld [tilespmem:$0x1FC80]  }
0xf5: {  	v37 =	vimm.s32 $0x87654321;
	v54 =	vmov v3;
	v3 =	vimm.s32 $0xA9876543;
	[tilespmem:$0x1FFF0] =	vst v41  }
0xf6: {  	v5 =	vmovc v50;
	v1 =	vunpack.c.l.s4.s8 v37;
	v50 =	vmovc v44;
	v46 =	vunpack.c.l.s4.s8 v3;
	[tilespmem:$0x1FD90] =	vst v54;
	v63 =	vand.u32 $0xF, v2  }
0xf7: {  	[tilespmem:$0x1FF60] =	vst v50;
	v33 =	vmov v20;
	v35 =	vcombine.low v61, v63  }
0xf8: {  	s1 =	stileid.u32;
	s13 =	simm.s32 $0x7A1400;
	s14 =	simm.s32 $0x4000;
	v1 =	vunpack.c.0.s8.s32 v1;
	v0 =	vunpack.c.0.s8.s32 v46;
	[tilespmem:$0x1FEE0] =	vst v33  }
0xf9: {  	s15 =	simm.s32 $0x1;
	s16 =	simm.s32 $0xC000;
	s18 =	simm.s32 $0x8000;
	v42 =	vld [tilespmem:$0x1FCA0];
	[tilespmem:$0x1FE60] =	vst v35;
	v37 =	vcombine.low v7, v43;
	v7 =	vmovc v9;
	v23 =	vcombine.low v59, v61;
	v59 =	vlaneseq.u32  }
0xfa: {  	s19 =	simm.s32 $0x0;
	s4 =	sshll.u32 s1, $0x1;
	s10 =	smul.u32 $0xFFFFFF84, s1;
	v46 =	vld [tilespmem:$0x1FCB0];
	v1 =	vand.u32 $0xF, v1;
	v9 =	vadd.s32 $0xE, v10;
	v10 =	vor.u32 $0x10, v59;
	[tilespmem:$0x1FFC0] =	vst v7  }
0xfb: {  	s5 =	sadd.s32 $0xC00, s9;
	s17 =	sor.u32 s6, s4;
	s7 =	smul.u32 $0xFFFFFFC2, s6;
	v43 =	vcombine.low v43, v1;
	[tilespmem:$0x1FCF0] =	vst v10  }
0xfc: {  	s8 =	ssub.s32 $0x2, s6;
	s6 =	sadd.s32 $0xE00, s9;
	s4 =	smul.u32 $0x3E, s17;
	[tilespmem:$0x1FE20] =	vst v37  }
.Ltmp0:
0xfd: {  	s9 =	sadd.s32 $0x3D1600, s9;
	s11 =	sshrl.u32 s8, $0x1;
	v0 =	vand.u32 $0xF, v0;
	v20 =	vmov v9;
	[tilespmem:$0x1FE30] =	vst v43;
	(pc) =	sbr.rel .LBB2_1-.Ltmp0, $4  }
0xfe: {  	s12 =	smul.u32 $0x7C00, s17;
	p0 =	sne.s32 s17, $0x0;
	s17 =	simm.s32 $0x2;
	v9 =	vcombine.low v42, v0;
	[tilespmem:$0x1FE40] =	vst v20  }
0xff: {  	s11 =	ssub.s32 s8, s11;
	s10 =	sadd.s32 s10, s7;
	s31 =	ssub.s32 $0x7A1, s4;
	v1 =	vcombine.low v46, v42;
	[tilespmem:$0x1FE50] =	vst v23  }
0x100: {  	s8 =	sadd.s32 s0, s12;
	s10 =	sadd.s32 $0x7A1, s10;
	s11 =	smax.u32 s11, $0x1;
	[tilespmem:$0x1FCE0] =	vst v9  }
0x101: {  	s12 =	simm.s32 $0x1000;
	s7 =	smin.u32 s31, $0x3E;
	s10 =	smin.u32 s10, $0x3E;
	v34 =	vmov v39;
	v44 =	vmov v17;
	v61 =	vmov v23;
	[tilespmem:$0x1FCC0] =	vst v1  }
.LBB2_14:
0x102: {  	_ =	swait.ge [sflag:s17], $0x4000  }
0x103: {  	[sflag:s17] =	ssyncset.done $0x0  }
0x104: {  	[sflag:s17] =	ssyncadd.s32 $0xFFFFC000  }
0x105: {  	_ =	swait.ge [sflag:s17], $0x4000  }
0x106: {  	s20 =	simm.s32 @!p0 $0x0;
	[sflag:s17] =	ssyncset.done $0x0  }
0x107: {  	s21 =	simm.s32 @!p0 $0x10000;
	s22 =	simm.s32 @!p0 $0x3;
	[sflag:s17] =	ssyncadd.s32 $0xFFFFC000  }
0x108: {  	[tilespmem:s21], [sflag:$0x3] =	stream.linear.gather @!p0 [hbm4b:s5+s20], $0x800, $0x38;
	[tilespmem:$0x10800] =	vst v63  }
0x109: {  	_ =	swait.ge @!p0 [sflag:s22], $0x800  }
0x10a: {  	s19 =	sadd.s32 $0x1, s19;
	[sflag:s22] =	ssyncset.done @!p0 $0x0  }
0x10b: {  	p1 =	sne.s32 s19, s11;
	[sflag:s22] =	ssyncadd.s32 @!p0 $0xFFFFF800  }
0x10c: {  	[hbm4b:s9+s20] =	stream.linear.scatter @!p0 [tilespmem:s21], [sflag:$0x4], $0x800, $0x38;
	[tilespmem:$0x10800] =	vst v63  }
.Ltmp1:
0x10d: {  	_ = 	snop;
	(pc) =	sbr.rel @!p1 .LBB2_15-.Ltmp1, $4  }
0x10e: {  	s20 =	simm.s32 @!p0 $0x4  }
0x10f: {  	_ =	swait.ge @!p0 [sflag:s20], $0x800  }
0x110: {  	[sflag:s20] =	ssyncset.done @!p0 $0x0  }
0x111: {  	[sflag:s20] =	ssyncadd.s32 @!p0 $0xFFFFF800  }
.LBB2_1:
.Ltmp2:
0x112: {  	(pc) =	sbr.rel .LBB2_2-.Ltmp2, $3  }
0x113: {  	_ =	sdelay $0x1  }
0x114: {  	[tilespmem:s3], [sflag:$0x1] =	stream.strided.gather [hbm4b:s8+s12], $0x4000, s13, s12, $0x38;
	[tilespmem:$0x10800] =	vst v63  }
0x115: {  	s21 =	simm.s32 $0x0  }
.LBB2_13:
0x116: {  	p1 =	sne.s32 s20, s10  }
.Ltmp3:
0x117: {  	_ = 	snop;
	(pc) =	sbr.rel @!p1 .LBB2_14-.Ltmp3, $2  }
0x118: {  	_ =	sdelay $0x2  }
0x119: {  	s21 =	smov.u32 s20  }
.LBB2_2:
0x11a: {  	s20 =	sadd.s32 $0x1, s21  }
0x11b: {  	p2 =	sge.u32 s20, s7  }
.Ltmp4:
0x11c: {  	_ = 	snop;
	(pc) =	sbr.rel @p2 .LBB2_6-.Ltmp4, $3  }
0x11d: {  	_ =	sdelay $0x1  }
0x11e: {  	s22 =	sand.u32 $0x1, s21  }
0x11f: {  	p1 =	seq.s32 s22, $0x1  }
.Ltmp5:
0x120: {  	(pc) =	sbr.rel @!p1 .LBB2_4-.Ltmp5, $3  }
0x121: {  	_ =	sdelay $0x1  }
0x122: {  	s22 =	sadd.s32 s4, s20  }
0x123: {  	s22 =	sshll.u32 s22, $0x9  }
.Ltmp6:
0x124: {  	(pc) =	sbr.rel .LBB2_10-.Ltmp6, $4  }
0x125: {  	_ = 	snop  }
0x126: {  	s22 =	sand.u32 $0x1FFFFC00, s22  }
0x127: {  	s22 =	sadd.s32 s0, s22  }
0x128: {  	[tilespmem:s3], [sflag:$0x1] =	stream.strided.gather [hbm4b:s22+s12], $0x4000, s13, s12, $0x38;
	[tilespmem:$0x10800] =	vst v63  }
.LBB2_6:
.Ltmp7:
0x129: {  	(pc) =	sbr.rel @p1 .LBB2_10-.Ltmp7, $4  }
.Ltmp8:
0x12a: {  	(pc) =	sbr.rel @!p1 .LBB2_7-.Ltmp8, $4  }
0x12b: {  	_ = 	snop  }
0x12c: {  	_ = 	snop  }
0x12d: {  	_ = 	snop  }
0x12e: {  	_ = 	snop  }
.LBB2_4:
0x12f: {  	s22 =	sand.u32 $0x1FFFFE00, s22  }
0x130: {  	s22 =	sadd.s32 s0, s22  }
0x131: {  	[tilespmem:s14], [sflag:$0x1] =	stream.strided.gather [hbm4b:s22+s12], $0x4000, s13, s12, $0x38;
	[tilespmem:$0x10800] =	vst v63  }
0x132: {  	s22 =	simm.s32 $0x0  }
.LBB2_7:
0x133: {  	s23 =	simm.s32 $0x0  }
0x134: {  	v63 =	vlaneseq.u32;
	v0 =	vmov s23  }
0x135: {  	v1 =	vor.u32 s23, v63;
	v0 =	vshll.u32 v0, $0x3  }
0x136: {  	v2 =	vand.u32 $0x6F, v1;
	v0 =	vand.u32 $0xC00, v0  }
0x137: {  	v2 =	vor.u32 v0, v2  }
0x138: {  	v3 =	vor.u32 v4, v2;
	_ =	sdelay $0x1  }
0x139: {  	_ =	swait.ge [sflag:s15], $0x4000  }
0x13a: {  	[sflag:s15] =	ssyncset.done $0x0  }
0x13b: {  	[sflag:s15] =	ssyncadd.s32 $0xFFFFC000;
	v0 =	vshll.u32 v1, $0x5  }
0x13c: {  	v17 =	vld.idx.msk [tilespmem:v3+s3+$0x0], $0xffff;
	v3 =	vor.u32 v63, v0  }
0x13d: {  	v1 =	vor.u32 v5, v2  }
0x13e: {  	v39 =	vld [tilespmem:$0x1FBD0];
	_ =	sdelay $0x2  }
0x13f: {  	[tilespmem:v3+s18+$0x0] =	vst.idx.msk $0xffff, v17  }
0x140: {  	v19 =	vmov v5;
	v3 =	vor.u32 v25, v0;
	v5 =	vld.idx.msk [tilespmem:v1+s3+$0x0], $0xffff  }
0x141: {  	v1 =	vor.u32 v39, v2;
	_ =	sdelay $0x3  }
0x142: {  	[tilespmem:v3+s18+$0x0] =	vst.idx.msk $0xffff, v5  }
0x143: {  	v3 =	vor.u32 v52, v0;
	v5 =	vld.idx.msk [tilespmem:v1+s3+$0x0], $0xffff  }
0x144: {  	v1 =	vor.u32 v41, v2;
	_ =	sdelay $0x3  }
0x145: {  	[tilespmem:v3+s18+$0x0] =	vst.idx.msk $0xffff, v5  }
0x146: {  	v3 =	vor.u32 v53, v0;
	v5 =	vld.idx.msk [tilespmem:v1+s3+$0x0], $0xffff  }
0x147: {  	v1 =	vor.u32 v49, v2;
	_ =	sdelay $0x3  }
0x148: {  	[tilespmem:v3+s18+$0x0] =	vst.idx.msk $0xffff, v5  }
0x149: {  	v3 =	vor.u32 v48, v0;
	v5 =	vld.idx.msk [tilespmem:v1+s3+$0x0], $0xffff  }
0x14a: {  	v1 =	vor.u32 v45, v2;
	_ =	sdelay $0x3  }
0x14b: {  	[tilespmem:v3+s18+$0x0] =	vst.idx.msk $0xffff, v5  }
0x14c: {  	v3 =	vor.u32 v36, v0;
	v5 =	vld.idx.msk [tilespmem:v1+s3+$0x0], $0xffff  }
0x14d: {  	v1 =	vor.u32 v7, v2;
	_ =	sdelay $0x3  }
0x14e: {  	[tilespmem:v3+s18+$0x0] =	vst.idx.msk $0xffff, v5  }
0x14f: {  	v3 =	vor.u32 v55, v0;
	v5 =	vld.idx.msk [tilespmem:v1+s3+$0x0], $0xffff  }
0x150: {  	v1 =	vor.u32 v22, v2;
	_ =	sdelay $0x3  }
0x151: {  	[tilespmem:v3+s18+$0x0] =	vst.idx.msk $0xffff, v5  }
0x152: {  	v5 =	vld.idx.msk [tilespmem:v1+s3+$0x0], $0xffff  }
0x153: {  	v1 =	vld [tilespmem:$0x1FBE0];
	_ =	sdelay $0x3  }
0x154: {  	v3 =	vor.u32 v47, v0  }
0x155: {  	v1 =	vor.u32 v1, v2;
	_ =	sdelay $0x3  }
0x156: {  	[tilespmem:v3+s18+$0x0] =	vst.idx.msk $0xffff, v5  }
0x157: {  	v3 =	vor.u32 v18, v0;
	v5 =	vld.idx.msk [tilespmem:v1+s3+$0x0], $0xffff  }
0x158: {  	v1 =	vor.u32 v14, v2;
	_ =	sdelay $0x3  }
0x159: {  	[tilespmem:v3+s18+$0x0] =	vst.idx.msk $0xffff, v5  }
0x15a: {  	v3 =	vor.u32 v27, v0;
	v5 =	vld.idx.msk [tilespmem:v1+s3+$0x0], $0xffff  }
0x15b: {  	v1 =	vor.u32 v13, v2;
	_ =	sdelay $0x3  }
0x15c: {  	[tilespmem:v3+s18+$0x0] =	vst.idx.msk $0xffff, v5  }
0x15d: {  	v3 =	vor.u32 v54, v0;
	v5 =	vld.idx.msk [tilespmem:v1+s3+$0x0], $0xffff  }
0x15e: {  	v1 =	vor.u32 v60, v2;
	_ =	sdelay $0x3  }
0x15f: {  	[tilespmem:v3+s18+$0x0] =	vst.idx.msk $0xffff, v5  }
0x160: {  	v3 =	vor.u32 v51, v0;
	v5 =	vld.idx.msk [tilespmem:v1+s3+$0x0], $0xffff  }
0x161: {  	v1 =	vor.u32 v29, v2;
	_ =	sdelay $0x3  }
0x162: {  	[tilespmem:v3+s18+$0x0] =	vst.idx.msk $0xffff, v5  }
0x163: {  	v3 =	vor.u32 v6, v0;
	v5 =	vld.idx.msk [tilespmem:v1+s3+$0x0], $0xffff  }
0x164: {  	v1 =	vor.u32 v50, v2;
	_ =	sdelay $0x3  }
0x165: {  	[tilespmem:v3+s18+$0x0] =	vst.idx.msk $0xffff, v5  }
0x166: {  	v5 =	vld.idx.msk [tilespmem:v1+s3+$0x0], $0xffff  }
0x167: {  	v1 =	vld [tilespmem:$0x1FBF0];
	_ =	sdelay $0x3  }
0x168: {  	v3 =	vor.u32 v58, v0  }
0x169: {  	v1 =	vor.u32 v1, v2;
	_ =	sdelay $0x3  }
0x16a: {  	[tilespmem:v3+s18+$0x0] =	vst.idx.msk $0xffff, v5  }
0x16b: {  	v3 =	vor.u32 v20, v0;
	v5 =	vld.idx.msk [tilespmem:v1+s3+$0x0], $0xffff  }
0x16c: {  	v46 =	vld [tilespmem:$0x1FC90];
	v1 =	vor.u32 v21, v2;
	_ =	sdelay $0x3  }
0x16d: {  	[tilespmem:v3+s18+$0x0] =	vst.idx.msk $0xffff, v5  }
0x16e: {  	v3 =	vor.u32 v46, v0;
	v42 =	vld.idx.msk [tilespmem:v1+s3+$0x0], $0xffff  }
0x16f: {  	v1 =	vor.u32 v24, v2;
	_ =	sdelay $0x3  }
0x170: {  	[tilespmem:v3+s18+$0x0] =	vst.idx.msk $0xffff, v42  }
0x171: {  	v42 =	vld.idx.msk [tilespmem:v1+s3+$0x0], $0xffff  }
0x172: {  	v1 =	vld [tilespmem:$0x1FC00];
	_ =	sdelay $0x3  }
0x173: {  	v3 =	vor.u32 v10, v0  }
0x174: {  	v1 =	vor.u32 v1, v2;
	_ =	sdelay $0x3  }
0x175: {  	[tilespmem:v3+s18+$0x0] =	vst.idx.msk $0xffff, v42  }
0x176: {  	v23 =	vmov v7;
	v17 =	vmov v44;
	v3 =	vor.u32 v37, v0;
	v7 =	vld.idx.msk [tilespmem:v1+s3+$0x0], $0xffff  }
0x177: {  	v1 =	vor.u32 v17, v2;
	_ =	sdelay $0x3  }
0x178: {  	[tilespmem:v3+s18+$0x0] =	vst.idx.msk $0xffff, v7  }
0x179: {  	v3 =	vor.u32 v61, v0;
	v7 =	vld.idx.msk [tilespmem:v1+s3+$0x0], $0xffff;
	_ =	sdelay $0x4  }
0x17a: {  	v1 =	vor.u32 v40, v2;
	[tilespmem:v3+s18+$0x0] =	vst.idx.msk $0xffff, v7;
	v7 =	vmov v50;
	v50 =	vld [tilespmem:$0x1FCC0]  }
0x17b: {  	v60 =	vld [tilespmem:$0x1FC10];
	_ =	sdelay $0x3  }
0x17c: {  	v42 =	vld.idx.msk [tilespmem:v1+s3+$0x0], $0xffff;
	v3 =	vor.u32 v50, v0  }
0x17d: {  	v1 =	vor.u32 v60, v2;
	_ =	sdelay $0x3  }
0x17e: {  	v59 =	vmov v26;
	[tilespmem:v3+s18+$0x0] =	vst.idx.msk $0xffff, v42  }
0x17f: {  	v26 =	vmovc v12;
	v44 =	vmovc v29;
	v29 =	vmov v41;
	v41 =	vmov v52;
	v3 =	vor.u32 v57, v0;
	v52 =	vld.idx.msk [tilespmem:v1+s3+$0x0], $0xffff  }
0x180: {  	v1 =	vor.u32 v26, v2;
	_ =	sdelay $0x3  }
0x181: {  	[tilespmem:v3+s18+$0x0] =	vst.idx.msk $0xffff, v52  }
0x182: {  	v12 =	vmov v13;
	v3 =	vor.u32 v30, v0;
	v13 =	vld.idx.msk [tilespmem:v1+s3+$0x0], $0xffff  }
0x183: {  	v1 =	vor.u32 v62, v2  }
0x184: {  	v52 =	vld [tilespmem:$0x1FC20];
	_ =	sdelay $0x2  }
0x185: {  	[tilespmem:v3+s18+$0x0] =	vst.idx.msk $0xffff, v13  }
0x186: {  	v57 =	vmov v61;
	v61 =	vmov v62;
	v3 =	vor.u32 v56, v0;
	v62 =	vld.idx.msk [tilespmem:v1+s3+$0x0], $0xffff  }
0x187: {  	v1 =	vor.u32 v52, v2;
	_ =	sdelay $0x3  }
0x188: {  	v13 =	vmov v48;
	v48 =	vmov v32;
	[tilespmem:v3+s18+$0x0] =	vst.idx.msk $0xffff, v62  }
0x189: {  	v28 =	vmovc v25;
	v25 =	vmov v18;
	v18 =	vmov v33;
	v3 =	vor.u32 v48, v0;
	v62 =	vld.idx.msk [tilespmem:v1+s3+$0x0], $0xffff  }
0x18a: {  	v1 =	vor.u32 v18, v2;
	_ =	sdelay $0x3  }
0x18b: {  	v43 =	vmov v11;
	v11 =	vmov v8;
	[tilespmem:v3+s18+$0x0] =	vst.idx.msk $0xffff, v62  }
0x18c: {  	v32 =	vmov v6;
	v3 =	vor.u32 v11, v0;
	v6 =	vld.idx.msk [tilespmem:v1+s3+$0x0], $0xffff  }
0x18d: {  	v8 =	vmov v22;
	v22 =	vmov v55;
	v55 =	vld [tilespmem:$0x1FE30];
	v1 =	vor.u32 v31, v2  }
0x18e: {  	v5 =	vld [tilespmem:$0x1FC30];
	_ =	sdelay $0x2  }
0x18f: {  	[tilespmem:v3+s18+$0x0] =	vst.idx.msk $0xffff, v6  }
0x190: {  	v3 =	vor.u32 v55, v0;
	v6 =	vld.idx.msk [tilespmem:v1+s3+$0x0], $0xffff  }
0x191: {  	v1 =	vor.u32 v5, v2;
	_ =	sdelay $0x3  }
0x192: {  	[tilespmem:v3+s18+$0x0] =	vst.idx.msk $0xffff, v6  }
0x193: {  	v54 =	vmovc v45;
	v45 =	vmov v40;
	v40 =	vmov v15;
	v3 =	vor.u32 v35, v0;
	v15 =	vld.idx.msk [tilespmem:v1+s3+$0x0], $0xffff  }
0x194: {  	v1 =	vor.u32 v16, v2  }
0x195: {  	v37 =	vld [tilespmem:$0x1FC40];
	_ =	sdelay $0x2  }
0x196: {  	[tilespmem:v3+s18+$0x0] =	vst.idx.msk $0xffff, v15  }
0x197: {  	v6 =	vmov v16;
	v3 =	vor.u32 v9, v0;
	v16 =	vld.idx.msk [tilespmem:v1+s3+$0x0], $0xffff  }
0x198: {  	v1 =	vor.u32 v37, v2;
	_ =	sdelay $0x3  }
0x199: {  	[tilespmem:v3+s18+$0x0] =	vst.idx.msk $0xffff, v16  }
0x19a: {  	v3 =	vor.u32 v34, v0;
	v16 =	vld.idx.msk [tilespmem:v1+s3+$0x0], $0xffff  }
0x19b: {  	v33 =	vld [tilespmem:$0x1FC60];
	v1 =	vor.u32 v43, v2;
	_ =	sdelay $0x3  }
0x19c: {  	[tilespmem:v3+s18+$0x0] =	vst.idx.msk $0xffff, v16  }
0x19d: {  	v3 =	vor.u32 v33, v0;
	v16 =	vld.idx.msk [tilespmem:v1+s3+$0x0], $0xffff  }
0x19e: {  	v1 =	vor.u32 v40, v2  }
0x19f: {  	v38 =	vmov v21;
	v21 =	vld [tilespmem:$0x1FC50];
	_ =	sdelay $0x2  }
0x1a0: {  	[tilespmem:v3+s18+$0x0] =	vst.idx.msk $0xffff, v16  }
0x1a1: {  	v62 =	vmov v31;
	v31 =	vld.idx.msk [tilespmem:v1+s3+$0x0], $0xffff;
	v1 =	vor.u32 v59, v0  }
0x1a2: {  	v42 =	vmov v53;
	v53 =	vor.u32 v21, v2;
	v16 =	vld [tilespmem:$0x1FE70]  }
0x1a3: {  	s31 =	simm.s32 $0x10  }
0x1a4: {  	v2 =	vmov s31  }
0x1a5: {  	v2 =	vshll.u32 v2, $0x3;
	v3 =	vor.u32 s31, v63  }
0x1a6: {  	v2 =	vand.u32 $0xC00, v2;
	[tilespmem:v1+s18+$0x0] =	vst.idx.msk $0xffff, v31;
	v1 =	vand.u32 $0x7F, v3  }
0x1a7: {  	v0 =	vor.u32 v16, v0;
	v31 =	vld.idx.msk [tilespmem:v53+s3+$0x0], $0xffff;
	v1 =	vor.u32 v2, v1  }
0x1a8: {  	v2 =	vor.u32 v4, v1;
	_ =	sdelay $0x3  }
0x1a9: {  	[tilespmem:v0+s18+$0x0] =	vst.idx.msk $0xffff, v31;
	v0 =	vshll.u32 v3, $0x5  }
0x1aa: {  	v4 =	vld.idx.msk [tilespmem:v2+s3+$0x0], $0xffff;
	v3 =	vor.u32 v63, v0  }
0x1ab: {  	v2 =	vor.u32 v19, v1;
	_ =	sdelay $0x3  }
0x1ac: {  	[tilespmem:v3+s18+$0x0] =	vst.idx.msk $0xffff, v4  }
0x1ad: {  	v3 =	vor.u32 v28, v0;
	v4 =	vld.idx.msk [tilespmem:v2+s3+$0x0], $0xffff  }
0x1ae: {  	v2 =	vor.u32 v39, v1;
	_ =	sdelay $0x3  }
0x1af: {  	[tilespmem:v3+s18+$0x0] =	vst.idx.msk $0xffff, v4  }
0x1b0: {  	v3 =	vor.u32 v41, v0;
	v4 =	vld.idx.msk [tilespmem:v2+s3+$0x0], $0xffff  }
0x1b1: {  	v2 =	vor.u32 v29, v1;
	_ =	sdelay $0x3  }
0x1b2: {  	[tilespmem:v3+s18+$0x0] =	vst.idx.msk $0xffff, v4  }
0x1b3: {  	v3 =	vor.u32 v42, v0;
	v4 =	vld.idx.msk [tilespmem:v2+s3+$0x0], $0xffff  }
0x1b4: {  	v2 =	vor.u32 v49, v1;
	_ =	sdelay $0x3  }
0x1b5: {  	[tilespmem:v3+s18+$0x0] =	vst.idx.msk $0xffff, v4  }
0x1b6: {  	v3 =	vor.u32 v13, v0;
	v4 =	vld.idx.msk [tilespmem:v2+s3+$0x0], $0xffff  }
0x1b7: {  	v2 =	vor.u32 v54, v1;
	_ =	sdelay $0x3  }
0x1b8: {  	[tilespmem:v3+s18+$0x0] =	vst.idx.msk $0xffff, v4  }
0x1b9: {  	v3 =	vor.u32 v36, v0;
	v4 =	vld.idx.msk [tilespmem:v2+s3+$0x0], $0xffff  }
0x1ba: {  	v2 =	vor.u32 v23, v1;
	_ =	sdelay $0x3  }
0x1bb: {  	[tilespmem:v3+s18+$0x0] =	vst.idx.msk $0xffff, v4  }
0x1bc: {  	v3 =	vor.u32 v22, v0;
	v4 =	vld.idx.msk [tilespmem:v2+s3+$0x0], $0xffff;
	_ =	sdelay $0x3  }
0x1bd: {  	v2 =	vor.u32 v8, v1  }
0x1be: {  	[tilespmem:v3+s18+$0x0] =	vst.idx.msk $0xffff, v4;
	v4 =	vld [tilespmem:$0x1FBE0];
	_ =	sdelay $0x3  }
0x1bf: {  	v3 =	vor.u32 v47, v0;
	v8 =	vld.idx.msk [tilespmem:v2+s3+$0x0], $0xffff  }
0x1c0: {  	v2 =	vor.u32 v4, v1;
	_ =	sdelay $0x3  }
0x1c1: {  	[tilespmem:v3+s18+$0x0] =	vst.idx.msk $0xffff, v8  }
0x1c2: {  	v3 =	vor.u32 v25, v0;
	v8 =	vld.idx.msk [tilespmem:v2+s3+$0x0], $0xffff  }
0x1c3: {  	v2 =	vor.u32 v14, v1;
	_ =	sdelay $0x3  }
0x1c4: {  	[tilespmem:v3+s18+$0x0] =	vst.idx.msk $0xffff, v8  }
0x1c5: {  	v3 =	vor.u32 v27, v0;
	v8 =	vld.idx.msk [tilespmem:v2+s3+$0x0], $0xffff  }
0x1c6: {  	v47 =	vld [tilespmem:$0x1FD90];
	v2 =	vor.u32 v12, v1  }
0x1c7: {  	v49 =	vld [tilespmem:$0x1FF80];
	_ =	sdelay $0x2  }
0x1c8: {  	[tilespmem:v3+s18+$0x0] =	vst.idx.msk $0xffff, v8  }
0x1c9: {  	v3 =	vor.u32 v47, v0;
	v8 =	vld.idx.msk [tilespmem:v2+s3+$0x0], $0xffff  }
0x1ca: {  	v2 =	vor.u32 v49, v1;
	_ =	sdelay $0x3  }
0x1cb: {  	[tilespmem:v3+s18+$0x0] =	vst.idx.msk $0xffff, v8  }
0x1cc: {  	v3 =	vor.u32 v51, v0;
	v8 =	vld.idx.msk [tilespmem:v2+s3+$0x0], $0xffff  }
0x1cd: {  	v2 =	vor.u32 v44, v1;
	_ =	sdelay $0x3  }
0x1ce: {  	[tilespmem:v3+s18+$0x0] =	vst.idx.msk $0xffff, v8  }
0x1cf: {  	v3 =	vor.u32 v32, v0;
	v8 =	vld.idx.msk [tilespmem:v2+s3+$0x0], $0xffff  }
0x1d0: {  	v2 =	vor.u32 v7, v1  }
0x1d1: {  	v53 =	vld [tilespmem:$0x1FBF0];
	_ =	sdelay $0x2  }
0x1d2: {  	[tilespmem:v3+s18+$0x0] =	vst.idx.msk $0xffff, v8  }
0x1d3: {  	v3 =	vor.u32 v58, v0;
	v7 =	vld.idx.msk [tilespmem:v2+s3+$0x0], $0xffff  }
0x1d4: {  	v2 =	vor.u32 v53, v1;
	_ =	sdelay $0x3  }
0x1d5: {  	[tilespmem:v3+s18+$0x0] =	vst.idx.msk $0xffff, v7  }
0x1d6: {  	v3 =	vor.u32 v20, v0;
	v7 =	vld.idx.msk [tilespmem:v2+s3+$0x0], $0xffff  }
0x1d7: {  	v2 =	vor.u32 v38, v1;
	_ =	sdelay $0x3  }
0x1d8: {  	[tilespmem:v3+s18+$0x0] =	vst.idx.msk $0xffff, v7  }
0x1d9: {  	v3 =	vor.u32 v46, v0;
	v7 =	vld.idx.msk [tilespmem:v2+s3+$0x0], $0xffff  }
0x1da: {  	v2 =	vor.u32 v24, v1  }
0x1db: {  	v54 =	vld [tilespmem:$0x1FC00];
	_ =	sdelay $0x2  }
0x1dc: {  	[tilespmem:v3+s18+$0x0] =	vst.idx.msk $0xffff, v7  }
0x1dd: {  	v3 =	vor.u32 v10, v0;
	v7 =	vld.idx.msk [tilespmem:v2+s3+$0x0], $0xffff  }
0x1de: {  	v58 =	vld [tilespmem:$0x1FE20];
	v2 =	vor.u32 v54, v1;
	_ =	sdelay $0x3  }
0x1df: {  	[tilespmem:v3+s18+$0x0] =	vst.idx.msk $0xffff, v7  }
0x1e0: {  	v3 =	vor.u32 v58, v0;
	v7 =	vld.idx.msk [tilespmem:v2+s3+$0x0], $0xffff  }
0x1e1: {  	v2 =	vor.u32 v17, v1;
	_ =	sdelay $0x3  }
0x1e2: {  	[tilespmem:v3+s18+$0x0] =	vst.idx.msk $0xffff, v7  }
0x1e3: {  	v3 =	vor.u32 v57, v0;
	v7 =	vld.idx.msk [tilespmem:v2+s3+$0x0], $0xffff  }
0x1e4: {  	v2 =	vor.u32 v45, v1;
	_ =	sdelay $0x3  }
0x1e5: {  	[tilespmem:v3+s18+$0x0] =	vst.idx.msk $0xffff, v7  }
0x1e6: {  	v3 =	vor.u32 v50, v0;
	v7 =	vld.idx.msk [tilespmem:v2+s3+$0x0], $0xffff  }
0x1e7: {  	v2 =	vor.u32 v60, v1;
	v60 =	vld [tilespmem:$0x1FDB0];
	_ =	sdelay $0x3  }
0x1e8: {  	[tilespmem:v3+s18+$0x0] =	vst.idx.msk $0xffff, v7  }
0x1e9: {  	v3 =	vor.u32 v60, v0;
	v8 =	vld.idx.msk [tilespmem:v2+s3+$0x0], $0xffff  }
0x1ea: {  	v2 =	vor.u32 v26, v1;
	_ =	sdelay $0x3  }
0x1eb: {  	[tilespmem:v3+s18+$0x0] =	vst.idx.msk $0xffff, v8  }
0x1ec: {  	v3 =	vor.u32 v30, v0;
	v8 =	vld.idx.msk [tilespmem:v2+s3+$0x0], $0xffff  }
0x1ed: {  	v2 =	vor.u32 v61, v1;
	_ =	sdelay $0x3  }
0x1ee: {  	[tilespmem:v3+s18+$0x0] =	vst.idx.msk $0xffff, v8  }
0x1ef: {  	v3 =	vor.u32 v56, v0;
	v8 =	vld.idx.msk [tilespmem:v2+s3+$0x0], $0xffff  }
0x1f0: {  	v2 =	vor.u32 v52, v1;
	_ =	sdelay $0x3  }
0x1f1: {  	[tilespmem:v3+s18+$0x0] =	vst.idx.msk $0xffff, v8  }
0x1f2: {  	v3 =	vor.u32 v48, v0;
	v8 =	vld.idx.msk [tilespmem:v2+s3+$0x0], $0xffff  }
0x1f3: {  	v2 =	vor.u32 v18, v1;
	_ =	sdelay $0x3  }
0x1f4: {  	[tilespmem:v3+s18+$0x0] =	vst.idx.msk $0xffff, v8  }
0x1f5: {  	v3 =	vor.u32 v11, v0;
	v8 =	vld.idx.msk [tilespmem:v2+s3+$0x0], $0xffff  }
0x1f6: {  	v2 =	vor.u32 v62, v1;
	_ =	sdelay $0x3  }
0x1f7: {  	[tilespmem:v3+s18+$0x0] =	vst.idx.msk $0xffff, v8  }
0x1f8: {  	v3 =	vor.u32 v55, v0;
	v63 =	vld.idx.msk [tilespmem:v2+s3+$0x0], $0xffff  }
0x1f9: {  	v2 =	vor.u32 v5, v1;
	_ =	sdelay $0x3  }
0x1fa: {  	[tilespmem:v3+s18+$0x0] =	vst.idx.msk $0xffff, v63  }
0x1fb: {  	v3 =	vor.u32 v35, v0;
	v5 =	vld.idx.msk [tilespmem:v2+s3+$0x0], $0xffff  }
0x1fc: {  	v2 =	vor.u32 v6, v1;
	_ =	sdelay $0x3  }
0x1fd: {  	[tilespmem:v3+s18+$0x0] =	vst.idx.msk $0xffff, v5  }
0x1fe: {  	v3 =	vor.u32 v9, v0;
	v5 =	vld.idx.msk [tilespmem:v2+s3+$0x0], $0xffff  }
0x1ff: {  	v2 =	vor.u32 v37, v1;
	_ =	sdelay $0x3  }
0x200: {  	[tilespmem:v3+s18+$0x0] =	vst.idx.msk $0xffff, v5  }
0x201: {  	v3 =	vor.u32 v34, v0;
	v5 =	vld.idx.msk [tilespmem:v2+s3+$0x0], $0xffff  }
0x202: {  	v2 =	vor.u32 v43, v1;
	_ =	sdelay $0x3  }
0x203: {  	[tilespmem:v3+s18+$0x0] =	vst.idx.msk $0xffff, v5  }
0x204: {  	v3 =	vor.u32 v33, v0;
	v2 =	vld.idx.msk [tilespmem:v2+s3+$0x0], $0xffff  }
0x205: {  	v5 =	vor.u32 v40, v1;
	_ =	sdelay $0x3  }
0x206: {  	[tilespmem:v3+s18+$0x0] =	vst.idx.msk $0xffff, v2  }
0x207: {  	s24 =	simm.s32 $0x30;
	s23 =	simm.s32 $0x0;
	v1 =	vor.u32 v21, v1;
	v3 =	vor.u32 v59, v0;
	v2 =	vld.idx.msk [tilespmem:v5+s3+$0x0], $0xffff  }
.LBB2_8:
0x208: {  	v6 =	vld [tilespmem:$0x1FE70]  }
0x209: {  	s25 =	sadd.s32 $0xFFFFFFF0, s24;
	v8 =	vld [tilespmem:$0x1FF20]  }
0x20a: {  	v5 =	vlaneseq.u32;
	v4 =	vmov s25  }
0x20b: {  	v5 =	vor.u32 s25, v5;
	v4 =	vshll.u32 v4, $0x3  }
0x20c: {  	[tilespmem:v3+s18+$0x0] =	vst.idx.msk $0xffff, v2;
	v2 =	vand.u32 $0x6F, v5;
	v3 =	vand.u32 $0xC00, v4  }
0x20d: {  	v4 =	vld.idx.msk [tilespmem:v1+s3+$0x0], $0xffff;
	v1 =	vor.u32 v3, v2;
	v0 =	vor.u32 v6, v0  }
0x20e: {  	v2 =	vor.u32 v8, v1  }
0x20f: {  	v19 =	vld [tilespmem:$0x1FCD0];
	_ =	sdelay $0x2  }
0x210: {  	v7 =	vlaneseq.u32;
	[tilespmem:v0+s18+$0x0] =	vst.idx.msk $0xffff, v4;
	v0 =	vshll.u32 v5, $0x5  }
0x211: {  	v2 =	vld.idx.msk [tilespmem:v2+s3+$0x0], $0xffff;
	v3 =	vor.u32 v7, v0  }
0x212: {  	v27 =	vld [tilespmem:$0x1FD20];
	v4 =	vor.u32 v19, v1  }
0x213: {  	v26 =	vld [tilespmem:$0x1FBD0];
	_ =	sdelay $0x2  }
0x214: {  	[tilespmem:v3+s18+$0x0] =	vst.idx.msk $0xffff, v2  }
0x215: {  	v3 =	vor.u32 v27, v0;
	v2 =	vld.idx.msk [tilespmem:v4+s3+$0x0], $0xffff  }
0x216: {  	v21 =	vld [tilespmem:$0x1FD00];
	v4 =	vor.u32 v26, v1;
	_ =	sdelay $0x3  }
0x217: {  	v28 =	vld [tilespmem:$0x1FFF0];
	[tilespmem:v3+s18+$0x0] =	vst.idx.msk $0xffff, v2  }
0x218: {  	v3 =	vor.u32 v21, v0;
	v2 =	vld.idx.msk [tilespmem:v4+s3+$0x0], $0xffff;
	_ =	sdelay $0x4  }
0x219: {  	v4 =	vor.u32 v28, v1;
	[tilespmem:v3+s18+$0x0] =	vst.idx.msk $0xffff, v2;
	v3 =	vld [tilespmem:$0x1FD10]  }
0x21a: {  	v61 =	vld [tilespmem:$0x1FFE0];
	_ =	sdelay $0x3  }
0x21b: {  	v2 =	vld.idx.msk [tilespmem:v4+s3+$0x0], $0xffff;
	v3 =	vor.u32 v3, v0  }
0x21c: {  	v4 =	vor.u32 v61, v1;
	_ =	sdelay $0x3  }
0x21d: {  	v30 =	vld [tilespmem:$0x1FD30];
	[tilespmem:v3+s18+$0x0] =	vst.idx.msk $0xffff, v2  }
0x21e: {  	v2 =	vld.idx.msk [tilespmem:v4+s3+$0x0], $0xffff  }
0x21f: {  	v4 =	vld [tilespmem:$0x1FFD0];
	_ =	sdelay $0x3  }
0x220: {  	v3 =	vor.u32 v30, v0  }
0x221: {  	v24 =	vld [tilespmem:$0x1FD40];
	v4 =	vor.u32 v4, v1  }
0x222: {  	v23 =	vld [tilespmem:$0x1FFC0];
	_ =	sdelay $0x2  }
0x223: {  	[tilespmem:v3+s18+$0x0] =	vst.idx.msk $0xffff, v2  }
0x224: {  	v3 =	vor.u32 v24, v0;
	v2 =	vld.idx.msk [tilespmem:v4+s3+$0x0], $0xffff  }
0x225: {  	v42 =	vld [tilespmem:$0x1FD50];
	v4 =	vor.u32 v23, v1  }
0x226: {  	v33 =	vld [tilespmem:$0x1FFB0];
	_ =	sdelay $0x2  }
0x227: {  	[tilespmem:v3+s18+$0x0] =	vst.idx.msk $0xffff, v2  }
0x228: {  	v3 =	vor.u32 v42, v0;
	v2 =	vld.idx.msk [tilespmem:v4+s3+$0x0], $0xffff  }
0x229: {  	v4 =	vor.u32 v33, v1;
	_ =	sdelay $0x3  }
0x22a: {  	v32 =	vld [tilespmem:$0x1FD60];
	[tilespmem:v3+s18+$0x0] =	vst.idx.msk $0xffff, v2  }
0x22b: {  	v2 =	vld.idx.msk [tilespmem:v4+s3+$0x0], $0xffff  }
0x22c: {  	v4 =	vld [tilespmem:$0x1FBE0];
	_ =	sdelay $0x3  }
0x22d: {  	v3 =	vor.u32 v32, v0  }
0x22e: {  	v31 =	vld [tilespmem:$0x1FD70];
	v4 =	vor.u32 v4, v1  }
0x22f: {  	v45 =	vld [tilespmem:$0x1FFA0];
	_ =	sdelay $0x2  }
0x230: {  	[tilespmem:v3+s18+$0x0] =	vst.idx.msk $0xffff, v2  }
0x231: {  	v3 =	vor.u32 v31, v0;
	v2 =	vld.idx.msk [tilespmem:v4+s3+$0x0], $0xffff  }
0x232: {  	v41 =	vld [tilespmem:$0x1FD80];
	v4 =	vor.u32 v45, v1  }
0x233: {  	v37 =	vld [tilespmem:$0x1FF90];
	_ =	sdelay $0x2  }
0x234: {  	[tilespmem:v3+s18+$0x0] =	vst.idx.msk $0xffff, v2  }
0x235: {  	v3 =	vor.u32 v41, v0;
	v2 =	vld.idx.msk [tilespmem:v4+s3+$0x0], $0xffff  }
0x236: {  	v4 =	vor.u32 v37, v1;
	_ =	sdelay $0x3  }
0x237: {  	v36 =	vld [tilespmem:$0x1FD90];
	[tilespmem:v3+s18+$0x0] =	vst.idx.msk $0xffff, v2  }
0x238: {  	v2 =	vld.idx.msk [tilespmem:v4+s3+$0x0], $0xffff  }
0x239: {  	v4 =	vld [tilespmem:$0x1FF80];
	_ =	sdelay $0x3  }
0x23a: {  	v3 =	vor.u32 v36, v0  }
0x23b: {  	v48 =	vld [tilespmem:$0x1FDA0];
	v4 =	vor.u32 v4, v1  }
0x23c: {  	v49 =	vld [tilespmem:$0x1FF70];
	_ =	sdelay $0x2  }
0x23d: {  	[tilespmem:v3+s18+$0x0] =	vst.idx.msk $0xffff, v2  }
0x23e: {  	v3 =	vor.u32 v48, v0;
	v2 =	vld.idx.msk [tilespmem:v4+s3+$0x0], $0xffff  }
0x23f: {  	v53 =	vld [tilespmem:$0x1FDF0];
	v4 =	vor.u32 v49, v1  }
0x240: {  	v7 =	vld [tilespmem:$0x1FF60];
	_ =	sdelay $0x2  }
0x241: {  	[tilespmem:v3+s18+$0x0] =	vst.idx.msk $0xffff, v2  }
0x242: {  	v3 =	vor.u32 v53, v0;
	v2 =	vld.idx.msk [tilespmem:v4+s3+$0x0], $0xffff  }
0x243: {  	v57 =	vld [tilespmem:$0x1FE10];
	v4 =	vor.u32 v7, v1  }
0x244: {  	v40 =	vld [tilespmem:$0x1FBF0];
	_ =	sdelay $0x2  }
0x245: {  	[tilespmem:v3+s18+$0x0] =	vst.idx.msk $0xffff, v2  }
0x246: {  	v3 =	vor.u32 v57, v0;
	v2 =	vld.idx.msk [tilespmem:v4+s3+$0x0], $0xffff  }
0x247: {  	v47 =	vld [tilespmem:$0x1FE40];
	v4 =	vor.u32 v40, v1  }
0x248: {  	v11 =	vld [tilespmem:$0x1FF50];
	_ =	sdelay $0x2  }
0x249: {  	[tilespmem:v3+s18+$0x0] =	vst.idx.msk $0xffff, v2  }
0x24a: {  	v3 =	vor.u32 v47, v0;
	v2 =	vld.idx.msk [tilespmem:v4+s3+$0x0], $0xffff  }
0x24b: {  	v29 =	vld [tilespmem:$0x1FC90];
	v4 =	vor.u32 v11, v1  }
0x24c: {  	v12 =	vld [tilespmem:$0x1FF40];
	_ =	sdelay $0x2  }
0x24d: {  	[tilespmem:v3+s18+$0x0] =	vst.idx.msk $0xffff, v2  }
0x24e: {  	v3 =	vor.u32 v29, v0;
	v2 =	vld.idx.msk [tilespmem:v4+s3+$0x0], $0xffff  }
0x24f: {  	v4 =	vor.u32 v12, v1;
	_ =	sdelay $0x3  }
0x250: {  	v10 =	vld [tilespmem:$0x1FCF0];
	[tilespmem:v3+s18+$0x0] =	vst.idx.msk $0xffff, v2  }
0x251: {  	v2 =	vld.idx.msk [tilespmem:v4+s3+$0x0], $0xffff  }
0x252: {  	v4 =	vld [tilespmem:$0x1FC00];
	_ =	sdelay $0x3  }
0x253: {  	v3 =	vor.u32 v10, v0  }
0x254: {  	v44 =	vld [tilespmem:$0x1FE20];
	v4 =	vor.u32 v4, v1  }
0x255: {  	v14 =	vld [tilespmem:$0x1FF30];
	_ =	sdelay $0x2  }
0x256: {  	[tilespmem:v3+s18+$0x0] =	vst.idx.msk $0xffff, v2  }
0x257: {  	v3 =	vor.u32 v44, v0;
	v2 =	vld.idx.msk [tilespmem:v4+s3+$0x0], $0xffff  }
0x258: {  	v50 =	vld [tilespmem:$0x1FE50];
	v4 =	vor.u32 v14, v1  }
0x259: {  	v55 =	vld [tilespmem:$0x1FF10];
	_ =	sdelay $0x2  }
0x25a: {  	[tilespmem:v3+s18+$0x0] =	vst.idx.msk $0xffff, v2  }
0x25b: {  	v3 =	vor.u32 v50, v0;
	v2 =	vld.idx.msk [tilespmem:v4+s3+$0x0], $0xffff  }
0x25c: {  	v60 =	vld [tilespmem:$0x1FCC0];
	v4 =	vor.u32 v55, v1  }
0x25d: {  	v13 =	vld [tilespmem:$0x1FC10];
	_ =	sdelay $0x2  }
0x25e: {  	[tilespmem:v3+s18+$0x0] =	vst.idx.msk $0xffff, v2  }
0x25f: {  	v3 =	vor.u32 v60, v0;
	v2 =	vld.idx.msk [tilespmem:v4+s3+$0x0], $0xffff  }
0x260: {  	v39 =	vld [tilespmem:$0x1FDB0];
	v4 =	vor.u32 v13, v1  }
0x261: {  	v58 =	vld [tilespmem:$0x1FF00];
	_ =	sdelay $0x2  }
0x262: {  	[tilespmem:v3+s18+$0x0] =	vst.idx.msk $0xffff, v2  }
0x263: {  	v3 =	vor.u32 v39, v0;
	v2 =	vld.idx.msk [tilespmem:v4+s3+$0x0], $0xffff  }
0x264: {  	v54 =	vld [tilespmem:$0x1FDC0];
	v4 =	vor.u32 v58, v1  }
0x265: {  	v16 =	vld [tilespmem:$0x1FEF0];
	_ =	sdelay $0x2  }
0x266: {  	[tilespmem:v3+s18+$0x0] =	vst.idx.msk $0xffff, v2  }
0x267: {  	v3 =	vor.u32 v54, v0;
	v2 =	vld.idx.msk [tilespmem:v4+s3+$0x0], $0xffff  }
0x268: {  	v46 =	vld [tilespmem:$0x1FDD0];
	v4 =	vor.u32 v16, v1  }
0x269: {  	v52 =	vld [tilespmem:$0x1FC20];
	_ =	sdelay $0x2  }
0x26a: {  	[tilespmem:v3+s18+$0x0] =	vst.idx.msk $0xffff, v2  }
0x26b: {  	v3 =	vor.u32 v46, v0;
	v2 =	vld.idx.msk [tilespmem:v4+s3+$0x0], $0xffff  }
0x26c: {  	v15 =	vld [tilespmem:$0x1FDE0];
	v4 =	vor.u32 v52, v1  }
0x26d: {  	v18 =	vld [tilespmem:$0x1FEE0];
	_ =	sdelay $0x2  }
0x26e: {  	[tilespmem:v3+s18+$0x0] =	vst.idx.msk $0xffff, v2  }
0x26f: {  	v3 =	vor.u32 v15, v0;
	v2 =	vld.idx.msk [tilespmem:v4+s3+$0x0], $0xffff  }
0x270: {  	v51 =	vld [tilespmem:$0x1FE00];
	v4 =	vor.u32 v18, v1  }
0x271: {  	v35 =	vld [tilespmem:$0x1FED0];
	_ =	sdelay $0x2  }
0x272: {  	[tilespmem:v3+s18+$0x0] =	vst.idx.msk $0xffff, v2  }
0x273: {  	v3 =	vor.u32 v51, v0;
	v2 =	vld.idx.msk [tilespmem:v4+s3+$0x0], $0xffff  }
0x274: {  	v43 =	vld [tilespmem:$0x1FE30];
	v4 =	vor.u32 v35, v1  }
0x275: {  	v17 =	vld [tilespmem:$0x1FC30];
	_ =	sdelay $0x2  }
0x276: {  	[tilespmem:v3+s18+$0x0] =	vst.idx.msk $0xffff, v2  }
0x277: {  	v3 =	vor.u32 v43, v0;
	v2 =	vld.idx.msk [tilespmem:v4+s3+$0x0], $0xffff  }
0x278: {  	v63 =	vld [tilespmem:$0x1FE60];
	v4 =	vor.u32 v17, v1  }
0x279: {  	v22 =	vld [tilespmem:$0x1FEC0];
	_ =	sdelay $0x2  }
0x27a: {  	[tilespmem:v3+s18+$0x0] =	vst.idx.msk $0xffff, v2  }
0x27b: {  	v3 =	vor.u32 v63, v0;
	v2 =	vld.idx.msk [tilespmem:v4+s3+$0x0], $0xffff  }
0x27c: {  	v9 =	vld [tilespmem:$0x1FCE0];
	v4 =	vor.u32 v22, v1  }
0x27d: {  	v59 =	vld [tilespmem:$0x1FC40];
	_ =	sdelay $0x2  }
0x27e: {  	[tilespmem:v3+s18+$0x0] =	vst.idx.msk $0xffff, v2  }
0x27f: {  	v3 =	vor.u32 v9, v0;
	v2 =	vld.idx.msk [tilespmem:v4+s3+$0x0], $0xffff  }
0x280: {  	v25 =	vld [tilespmem:$0x1FE90];
	v4 =	vor.u32 v59, v1  }
0x281: {  	v34 =	vld [tilespmem:$0x1FEB0];
	_ =	sdelay $0x2  }
0x282: {  	[tilespmem:v3+s18+$0x0] =	vst.idx.msk $0xffff, v2  }
0x283: {  	v3 =	vor.u32 v25, v0;
	v2 =	vld.idx.msk [tilespmem:v4+s3+$0x0], $0xffff  }
0x284: {  	v38 =	vld [tilespmem:$0x1FC60];
	v4 =	vor.u32 v34, v1  }
0x285: {  	v56 =	vld [tilespmem:$0x1FEA0];
	_ =	sdelay $0x2  }
0x286: {  	[tilespmem:v3+s18+$0x0] =	vst.idx.msk $0xffff, v2  }
0x287: {  	v3 =	vor.u32 v38, v0;
	v2 =	vld.idx.msk [tilespmem:v4+s3+$0x0], $0xffff  }
0x288: {  	v20 =	vld [tilespmem:$0x1FE80];
	v4 =	vor.u32 v56, v1  }
0x289: {  	v62 =	vld [tilespmem:$0x1FC50];
	_ =	sdelay $0x2  }
0x28a: {  	[tilespmem:v3+s18+$0x0] =	vst.idx.msk $0xffff, v2  }
0x28b: {  	v3 =	vor.u32 v20, v0;
	v2 =	vld.idx.msk [tilespmem:v4+s3+$0x0], $0xffff  }
0x28c: {  	v1 =	vor.u32 v62, v1;
	_ =	sdelay $0x2  }
0x28d: {  	v5 =	vlaneseq.u32;
	v4 =	vmov s24  }
0x28e: {  	[tilespmem:v3+s18+$0x0] =	vst.idx.msk $0xffff, v2;
	v2 =	vor.u32 s24, v5;
	v3 =	vshll.u32 v4, $0x3  }
0x28f: {  	v4 =	vld.idx.msk [tilespmem:v1+s3+$0x0], $0xffff;
	v1 =	vand.u32 $0x7F, v2;
	v3 =	vand.u32 $0xC00, v3  }
0x290: {  	v0 =	vor.u32 v6, v0;
	v1 =	vor.u32 v3, v1  }
0x291: {  	v3 =	vor.u32 v8, v1;
	_ =	sdelay $0x3  }
0x292: {  	[tilespmem:v0+s18+$0x0] =	vst.idx.msk $0xffff, v4;
	v0 =	vshll.u32 v2, $0x5  }
0x293: {  	v2 =	vld.idx.msk [tilespmem:v3+s3+$0x0], $0xffff;
	v3 =	vor.u32 v5, v0  }
0x294: {  	v4 =	vor.u32 v19, v1;
	_ =	sdelay $0x3  }
0x295: {  	[tilespmem:v3+s18+$0x0] =	vst.idx.msk $0xffff, v2  }
0x296: {  	v3 =	vor.u32 v27, v0;
	v2 =	vld.idx.msk [tilespmem:v4+s3+$0x0], $0xffff  }
0x297: {  	v4 =	vor.u32 v26, v1;
	_ =	sdelay $0x3  }
0x298: {  	[tilespmem:v3+s18+$0x0] =	vst.idx.msk $0xffff, v2  }
0x299: {  	v3 =	vor.u32 v21, v0;
	v2 =	vld.idx.msk [tilespmem:v4+s3+$0x0], $0xffff;
	_ =	sdelay $0x4  }
0x29a: {  	v4 =	vor.u32 v28, v1;
	[tilespmem:v3+s18+$0x0] =	vst.idx.msk $0xffff, v2;
	v3 =	vld [tilespmem:$0x1FD10];
	_ =	sdelay $0x4  }
0x29b: {  	v2 =	vld.idx.msk [tilespmem:v4+s3+$0x0], $0xffff;
	v3 =	vor.u32 v3, v0  }
0x29c: {  	v4 =	vor.u32 v61, v1;
	_ =	sdelay $0x3  }
0x29d: {  	[tilespmem:v3+s18+$0x0] =	vst.idx.msk $0xffff, v2  }
0x29e: {  	v2 =	vld.idx.msk [tilespmem:v4+s3+$0x0], $0xffff  }
0x29f: {  	v4 =	vld [tilespmem:$0x1FFD0];
	_ =	sdelay $0x3  }
0x2a0: {  	v3 =	vor.u32 v30, v0  }
0x2a1: {  	v4 =	vor.u32 v4, v1;
	_ =	sdelay $0x3  }
0x2a2: {  	[tilespmem:v3+s18+$0x0] =	vst.idx.msk $0xffff, v2  }
0x2a3: {  	v3 =	vor.u32 v24, v0;
	v2 =	vld.idx.msk [tilespmem:v4+s3+$0x0], $0xffff  }
0x2a4: {  	v4 =	vor.u32 v23, v1;
	_ =	sdelay $0x3  }
0x2a5: {  	[tilespmem:v3+s18+$0x0] =	vst.idx.msk $0xffff, v2  }
0x2a6: {  	v3 =	vor.u32 v42, v0;
	v2 =	vld.idx.msk [tilespmem:v4+s3+$0x0], $0xffff  }
0x2a7: {  	v4 =	vor.u32 v33, v1;
	_ =	sdelay $0x3  }
0x2a8: {  	[tilespmem:v3+s18+$0x0] =	vst.idx.msk $0xffff, v2  }
0x2a9: {  	v2 =	vld.idx.msk [tilespmem:v4+s3+$0x0], $0xffff  }
0x2aa: {  	v4 =	vld [tilespmem:$0x1FBE0];
	_ =	sdelay $0x3  }
0x2ab: {  	v3 =	vor.u32 v32, v0  }
0x2ac: {  	v4 =	vor.u32 v4, v1;
	_ =	sdelay $0x3  }
0x2ad: {  	[tilespmem:v3+s18+$0x0] =	vst.idx.msk $0xffff, v2  }
0x2ae: {  	v3 =	vor.u32 v31, v0;
	v2 =	vld.idx.msk [tilespmem:v4+s3+$0x0], $0xffff  }
0x2af: {  	v4 =	vor.u32 v45, v1;
	_ =	sdelay $0x3  }
0x2b0: {  	[tilespmem:v3+s18+$0x0] =	vst.idx.msk $0xffff, v2  }
0x2b1: {  	v3 =	vor.u32 v41, v0;
	v2 =	vld.idx.msk [tilespmem:v4+s3+$0x0], $0xffff  }
0x2b2: {  	v4 =	vor.u32 v37, v1;
	_ =	sdelay $0x3  }
0x2b3: {  	[tilespmem:v3+s18+$0x0] =	vst.idx.msk $0xffff, v2  }
0x2b4: {  	v2 =	vld.idx.msk [tilespmem:v4+s3+$0x0], $0xffff  }
0x2b5: {  	v4 =	vld [tilespmem:$0x1FF80];
	_ =	sdelay $0x3  }
0x2b6: {  	v3 =	vor.u32 v36, v0  }
0x2b7: {  	v4 =	vor.u32 v4, v1;
	_ =	sdelay $0x3  }
0x2b8: {  	[tilespmem:v3+s18+$0x0] =	vst.idx.msk $0xffff, v2  }
0x2b9: {  	v3 =	vor.u32 v48, v0;
	v2 =	vld.idx.msk [tilespmem:v4+s3+$0x0], $0xffff  }
0x2ba: {  	v4 =	vor.u32 v49, v1;
	_ =	sdelay $0x3  }
0x2bb: {  	[tilespmem:v3+s18+$0x0] =	vst.idx.msk $0xffff, v2  }
0x2bc: {  	v3 =	vor.u32 v53, v0;
	v2 =	vld.idx.msk [tilespmem:v4+s3+$0x0], $0xffff  }
0x2bd: {  	v4 =	vor.u32 v7, v1;
	_ =	sdelay $0x3  }
0x2be: {  	[tilespmem:v3+s18+$0x0] =	vst.idx.msk $0xffff, v2  }
0x2bf: {  	v3 =	vor.u32 v57, v0;
	v2 =	vld.idx.msk [tilespmem:v4+s3+$0x0], $0xffff  }
0x2c0: {  	v4 =	vor.u32 v40, v1;
	_ =	sdelay $0x3  }
0x2c1: {  	[tilespmem:v3+s18+$0x0] =	vst.idx.msk $0xffff, v2  }
0x2c2: {  	v3 =	vor.u32 v47, v0;
	v2 =	vld.idx.msk [tilespmem:v4+s3+$0x0], $0xffff  }
0x2c3: {  	v4 =	vor.u32 v11, v1;
	_ =	sdelay $0x3  }
0x2c4: {  	[tilespmem:v3+s18+$0x0] =	vst.idx.msk $0xffff, v2  }
0x2c5: {  	v3 =	vor.u32 v29, v0;
	v2 =	vld.idx.msk [tilespmem:v4+s3+$0x0], $0xffff  }
0x2c6: {  	v4 =	vor.u32 v12, v1;
	_ =	sdelay $0x3  }
0x2c7: {  	[tilespmem:v3+s18+$0x0] =	vst.idx.msk $0xffff, v2  }
0x2c8: {  	v2 =	vld.idx.msk [tilespmem:v4+s3+$0x0], $0xffff  }
0x2c9: {  	v4 =	vld [tilespmem:$0x1FC00];
	_ =	sdelay $0x3  }
0x2ca: {  	v3 =	vor.u32 v10, v0  }
0x2cb: {  	v4 =	vor.u32 v4, v1;
	_ =	sdelay $0x3  }
0x2cc: {  	[tilespmem:v3+s18+$0x0] =	vst.idx.msk $0xffff, v2  }
0x2cd: {  	v3 =	vor.u32 v44, v0;
	v2 =	vld.idx.msk [tilespmem:v4+s3+$0x0], $0xffff  }
0x2ce: {  	v4 =	vor.u32 v14, v1;
	_ =	sdelay $0x3  }
0x2cf: {  	[tilespmem:v3+s18+$0x0] =	vst.idx.msk $0xffff, v2  }
0x2d0: {  	v3 =	vor.u32 v50, v0;
	v2 =	vld.idx.msk [tilespmem:v4+s3+$0x0], $0xffff  }
0x2d1: {  	v4 =	vor.u32 v55, v1;
	_ =	sdelay $0x3  }
0x2d2: {  	[tilespmem:v3+s18+$0x0] =	vst.idx.msk $0xffff, v2  }
0x2d3: {  	v3 =	vor.u32 v60, v0;
	v2 =	vld.idx.msk [tilespmem:v4+s3+$0x0], $0xffff  }
0x2d4: {  	v4 =	vor.u32 v13, v1;
	_ =	sdelay $0x3  }
0x2d5: {  	[tilespmem:v3+s18+$0x0] =	vst.idx.msk $0xffff, v2  }
0x2d6: {  	v3 =	vor.u32 v39, v0;
	v2 =	vld.idx.msk [tilespmem:v4+s3+$0x0], $0xffff  }
0x2d7: {  	v4 =	vor.u32 v58, v1;
	_ =	sdelay $0x3  }
0x2d8: {  	[tilespmem:v3+s18+$0x0] =	vst.idx.msk $0xffff, v2  }
0x2d9: {  	v3 =	vor.u32 v54, v0;
	v2 =	vld.idx.msk [tilespmem:v4+s3+$0x0], $0xffff  }
0x2da: {  	v4 =	vor.u32 v16, v1;
	_ =	sdelay $0x3  }
0x2db: {  	[tilespmem:v3+s18+$0x0] =	vst.idx.msk $0xffff, v2  }
0x2dc: {  	v3 =	vor.u32 v46, v0;
	v2 =	vld.idx.msk [tilespmem:v4+s3+$0x0], $0xffff  }
0x2dd: {  	v4 =	vor.u32 v52, v1;
	_ =	sdelay $0x3  }
0x2de: {  	[tilespmem:v3+s18+$0x0] =	vst.idx.msk $0xffff, v2  }
0x2df: {  	v3 =	vor.u32 v15, v0;
	v2 =	vld.idx.msk [tilespmem:v4+s3+$0x0], $0xffff  }
0x2e0: {  	v4 =	vor.u32 v18, v1;
	_ =	sdelay $0x3  }
0x2e1: {  	[tilespmem:v3+s18+$0x0] =	vst.idx.msk $0xffff, v2  }
0x2e2: {  	v3 =	vor.u32 v51, v0;
	v2 =	vld.idx.msk [tilespmem:v4+s3+$0x0], $0xffff  }
0x2e3: {  	v4 =	vor.u32 v35, v1;
	_ =	sdelay $0x3  }
0x2e4: {  	[tilespmem:v3+s18+$0x0] =	vst.idx.msk $0xffff, v2  }
0x2e5: {  	v3 =	vor.u32 v43, v0;
	v2 =	vld.idx.msk [tilespmem:v4+s3+$0x0], $0xffff  }
0x2e6: {  	v4 =	vor.u32 v17, v1;
	_ =	sdelay $0x3  }
0x2e7: {  	[tilespmem:v3+s18+$0x0] =	vst.idx.msk $0xffff, v2  }
0x2e8: {  	v3 =	vor.u32 v63, v0;
	v2 =	vld.idx.msk [tilespmem:v4+s3+$0x0], $0xffff  }
0x2e9: {  	v4 =	vor.u32 v22, v1;
	_ =	sdelay $0x3  }
0x2ea: {  	[tilespmem:v3+s18+$0x0] =	vst.idx.msk $0xffff, v2  }
0x2eb: {  	v3 =	vor.u32 v9, v0;
	v2 =	vld.idx.msk [tilespmem:v4+s3+$0x0], $0xffff  }
0x2ec: {  	v4 =	vor.u32 v59, v1;
	_ =	sdelay $0x3  }
0x2ed: {  	[tilespmem:v3+s18+$0x0] =	vst.idx.msk $0xffff, v2  }
0x2ee: {  	v3 =	vor.u32 v25, v0;
	v2 =	vld.idx.msk [tilespmem:v4+s3+$0x0], $0xffff  }
0x2ef: {  	v4 =	vor.u32 v34, v1;
	_ =	sdelay $0x3  }
0x2f0: {  	[tilespmem:v3+s18+$0x0] =	vst.idx.msk $0xffff, v2  }
0x2f1: {  	s23 =	sadd.s32 $0x2, s23;
	v3 =	vor.u32 v38, v0;
	v2 =	vld.idx.msk [tilespmem:v4+s3+$0x0], $0xffff  }
0x2f2: {  	p1 =	slt.u32 s23, $0x1E;
	v4 =	vor.u32 v56, v1  }
.Ltmp9:
0x2f3: {  	_ = 	snop;
	(pc) =	sbr.rel @p1 .LBB2_8-.Ltmp9, $3  }
0x2f4: {  	_ =	sdelay $0x1  }
0x2f5: {  	[tilespmem:v3+s18+$0x0] =	vst.idx.msk $0xffff, v2  }
0x2f6: {  	s24 =	sadd.s32 $0x20, s24;
	v1 =	vor.u32 v62, v1;
	v3 =	vor.u32 v20, v0;
	v2 =	vld.idx.msk [tilespmem:v4+s3+$0x0], $0xffff  }
0x2f7: {  	v38 =	vld [tilespmem:$0x1FE70];
	_ =	sdelay $0x3  }
0x2f8: {  	[tilespmem:v3+s18+$0x0] =	vst.idx.msk $0xffff, v2  }
0x2f9: {  	v1 =	vld.idx.msk [tilespmem:v1+s3+$0x0], $0xffff;
	v0 =	vor.u32 v38, v0;
	_ =	sdelay $0x3  }
0x2fa: {  	p1 =	slt.u32 s21, $0x2  }
0x2fb: {  	s23 =	simm.s32 @!p1 $0x2;
	[tilespmem:v0+s18+$0x0] =	vst.idx.msk $0xffff, v1  }
0x2fc: {  	_ =	swait.ge @!p1 [sflag:s23], $0x4000  }
0x2fd: {  	v4 =	vld [tilespmem:$0x1FF20]  }
0x2fe: {  	v9 =	vld [tilespmem:$0x1FCE0]  }
0x2ff: {  	v10 =	vld [tilespmem:$0x1FCF0]  }
0x300: {  	v41 =	vld [tilespmem:$0x1FFF0]  }
0x301: {  	v49 =	vld [tilespmem:$0x1FFE0]  }
0x302: {  	v45 =	vld [tilespmem:$0x1FFD0]  }
0x303: {  	v7 =	vld [tilespmem:$0x1FFC0]  }
0x304: {  	v22 =	vld [tilespmem:$0x1FFB0]  }
0x305: {  	v14 =	vld [tilespmem:$0x1FFA0]  }
0x306: {  	v13 =	vld [tilespmem:$0x1FF90]  }
0x307: {  	v60 =	vld [tilespmem:$0x1FF80]  }
0x308: {  	v29 =	vld [tilespmem:$0x1FF70]  }
0x309: {  	v50 =	vld [tilespmem:$0x1FF60]  }
0x30a: {  	v21 =	vld [tilespmem:$0x1FF50]  }
0x30b: {  	v24 =	vld [tilespmem:$0x1FF40]  }
0x30c: {  	v44 =	vld [tilespmem:$0x1FF30]  }
0x30d: {  	v40 =	vld [tilespmem:$0x1FF10]  }
0x30e: {  	v12 =	vld [tilespmem:$0x1FF00]  }
0x30f: {  	v62 =	vld [tilespmem:$0x1FEF0]  }
0x310: {  	v33 =	vld [tilespmem:$0x1FEE0]  }
0x311: {  	v31 =	vld [tilespmem:$0x1FED0]  }
0x312: {  	v16 =	vld [tilespmem:$0x1FEC0]  }
0x313: {  	v15 =	vld [tilespmem:$0x1FEA0]  }
0x314: {  	v11 =	vld [tilespmem:$0x1FEB0]  }
0x315: {  	v34 =	vld [tilespmem:$0x1FE90]  }
0x316: {  	v26 =	vld [tilespmem:$0x1FE80]  }
0x317: {  	v25 =	vld [tilespmem:$0x1FD20]  }
0x318: {  	v52 =	vld [tilespmem:$0x1FD00]  }
0x319: {  	v53 =	vld [tilespmem:$0x1FD10]  }
0x31a: {  	v48 =	vld [tilespmem:$0x1FD30]  }
0x31b: {  	v36 =	vld [tilespmem:$0x1FD40]  }
0x31c: {  	v55 =	vld [tilespmem:$0x1FD50]  }
0x31d: {  	v47 =	vld [tilespmem:$0x1FD60]  }
0x31e: {  	v18 =	vld [tilespmem:$0x1FD70]  }
0x31f: {  	v54 =	vld [tilespmem:$0x1FD90]  }
0x320: {  	v27 =	vld [tilespmem:$0x1FD80]  }
0x321: {  	v56 =	vld [tilespmem:$0x1FDD0]  }
0x322: {  	v57 =	vld [tilespmem:$0x1FDB0]  }
0x323: {  	v51 =	vld [tilespmem:$0x1FDA0]  }
0x324: {  	v30 =	vld [tilespmem:$0x1FDC0]  }
0x325: {  	v32 =	vld [tilespmem:$0x1FDE0]  }
0x326: {  	v8 =	vld [tilespmem:$0x1FE00]  }
0x327: {  	[sflag:s23] =	ssyncset.done @!p1 $0x0;
	v6 =	vld [tilespmem:$0x1FDF0]  }
0x328: {  	v43 =	vld [tilespmem:$0x1FE30];
	[sflag:s23] =	ssyncadd.s32 @!p1 $0xFFFFC000;
	p1 =	seq.s32 s22, $0x0  }
.Ltmp10:
0x329: {  	s24 =	sadd.s32 s4, s21;
	v58 =	vld [tilespmem:$0x1FE10];
	(pc) =	sbr.rel @p1 .LBB2_13-.Ltmp10, $4  }
0x32a: {  	s24 =	sshll.u32 s24, $0xB;
	v35 =	vld [tilespmem:$0x1FE60]  }
0x32b: {  	s24 =	sand.u32 $0x1FFFF000, s24;
	v37 =	vld [tilespmem:$0x1FE20]  }
0x32c: {  	s31 =	sadd.s32 s6, s24;
	v20 =	vld [tilespmem:$0x1FE40]  }
0x32d: {  	v5 =	vmov v19;
	v61 =	vld [tilespmem:$0x1FE50];
	[hbm4b:s31+s3] =	stream.linear.scatter [tilespmem:s18], [sflag:$0x2], $0x4000, $0x38  }
.LBB2_10:
0x32e: {  	s22 =	simm.s32 $0x0  }
0x32f: {  	v19 =	vlaneseq.u32;
	v0 =	vmov s22  }
0x330: {  	v1 =	vor.u32 s22, v19;
	v0 =	vshll.u32 v0, $0x3  }
0x331: {  	v2 =	vand.u32 $0x6F, v1;
	v0 =	vand.u32 $0xC00, v0  }
0x332: {  	v2 =	vor.u32 v0, v2  }
0x333: {  	v3 =	vor.u32 v4, v2;
	_ =	sdelay $0x1  }
0x334: {  	_ =	swait.ge [sflag:s15], $0x4000  }
0x335: {  	v28 =	vmov v9;
	[sflag:s15] =	ssyncset.done $0x0  }
0x336: {  	v9 =	vmovc v22;
	[sflag:s15] =	ssyncadd.s32 $0xFFFFC000;
	v39 =	vmovc v20;
	v20 =	vmov v21;
	v21 =	vmov v24;
	v0 =	vshll.u32 v1, $0x5  }
0x337: {  	v1 =	vld.idx.msk [tilespmem:v3+s14+$0x0], $0xffff;
	v3 =	vor.u32 v19, v0  }
0x338: {  	v46 =	vmovc v53;
	v53 =	vmov v27;
	v27 =	vmov v62;
	v4 =	vor.u32 v5, v2  }
0x339: {  	v62 =	vmovc v58;
	v58 =	vmovc v21;
	v21 =	vmov v13;
	v13 =	vmov v9;
	v9 =	vmov v7;
	v7 =	vld [tilespmem:$0x1FBD0];
	_ =	sdelay $0x2  }
0x33a: {  	[tilespmem:v3+s16+$0x0] =	vst.idx.msk $0xffff, v1  }
0x33b: {  	v42 =	vmov v41;
	v3 =	vor.u32 v25, v0;
	v1 =	vld.idx.msk [tilespmem:v4+s14+$0x0], $0xffff;
	v4 =	vmov v60  }
0x33c: {  	v41 =	vmovc v49;
	v49 =	vmovc v36;
	v36 =	vmov v29;
	v29 =	vmov v4;
	v4 =	vor.u32 v7, v2;
	_ =	sdelay $0x3  }
0x33d: {  	v24 =	vmov v10;
	v10 =	vmov v45;
	v45 =	vmov v52;
	[tilespmem:v3+s16+$0x0] =	vst.idx.msk $0xffff, v1  }
0x33e: {  	v3 =	vor.u32 v45, v0;
	v1 =	vld.idx.msk [tilespmem:v4+s14+$0x0], $0xffff  }
0x33f: {  	v4 =	vor.u32 v42, v2;
	_ =	sdelay $0x3  }
0x340: {  	[tilespmem:v3+s16+$0x0] =	vst.idx.msk $0xffff, v1  }
0x341: {  	v3 =	vor.u32 v46, v0;
	v1 =	vld.idx.msk [tilespmem:v4+s14+$0x0], $0xffff  }
0x342: {  	v4 =	vor.u32 v41, v2;
	_ =	sdelay $0x3  }
0x343: {  	[tilespmem:v3+s16+$0x0] =	vst.idx.msk $0xffff, v1  }
0x344: {  	v3 =	vor.u32 v48, v0;
	v1 =	vld.idx.msk [tilespmem:v4+s14+$0x0], $0xffff  }
0x345: {  	v4 =	vor.u32 v10, v2;
	_ =	sdelay $0x3  }
0x346: {  	[tilespmem:v3+s16+$0x0] =	vst.idx.msk $0xffff, v1  }
0x347: {  	v3 =	vor.u32 v49, v0;
	v1 =	vld.idx.msk [tilespmem:v4+s14+$0x0], $0xffff  }
0x348: {  	v4 =	vor.u32 v9, v2;
	_ =	sdelay $0x3  }
0x349: {  	v17 =	vmov v50;
	v50 =	vmov v55;
	[tilespmem:v3+s16+$0x0] =	vst.idx.msk $0xffff, v1  }
0x34a: {  	v3 =	vor.u32 v50, v0;
	v1 =	vld.idx.msk [tilespmem:v4+s14+$0x0], $0xffff  }
0x34b: {  	v4 =	vor.u32 v13, v2  }
0x34c: {  	v59 =	vmov v51;
	v51 =	vmov v20;
	v20 =	vmov v14;
	v14 =	vld [tilespmem:$0x1FBE0];
	_ =	sdelay $0x2  }
0x34d: {  	[tilespmem:v3+s16+$0x0] =	vst.idx.msk $0xffff, v1  }
0x34e: {  	v3 =	vor.u32 v47, v0;
	v1 =	vld.idx.msk [tilespmem:v4+s14+$0x0], $0xffff  }
0x34f: {  	v4 =	vor.u32 v14, v2;
	_ =	sdelay $0x3  }
0x350: {  	v52 =	vmov v18;
	[tilespmem:v3+s16+$0x0] =	vst.idx.msk $0xffff, v1  }
0x351: {  	v3 =	vor.u32 v52, v0;
	v1 =	vld.idx.msk [tilespmem:v4+s14+$0x0], $0xffff  }
0x352: {  	v4 =	vor.u32 v20, v2;
	_ =	sdelay $0x3  }
0x353: {  	[tilespmem:v3+s16+$0x0] =	vst.idx.msk $0xffff, v1  }
0x354: {  	v3 =	vor.u32 v53, v0;
	v1 =	vld.idx.msk [tilespmem:v4+s14+$0x0], $0xffff  }
0x355: {  	v4 =	vor.u32 v21, v2;
	_ =	sdelay $0x3  }
0x356: {  	[tilespmem:v3+s16+$0x0] =	vst.idx.msk $0xffff, v1  }
0x357: {  	v3 =	vor.u32 v54, v0;
	v1 =	vld.idx.msk [tilespmem:v4+s14+$0x0], $0xffff  }
0x358: {  	v4 =	vor.u32 v29, v2;
	_ =	sdelay $0x3  }
0x359: {  	[tilespmem:v3+s16+$0x0] =	vst.idx.msk $0xffff, v1  }
0x35a: {  	v3 =	vor.u32 v59, v0;
	v1 =	vld.idx.msk [tilespmem:v4+s14+$0x0], $0xffff  }
0x35b: {  	v4 =	vor.u32 v36, v2;
	_ =	sdelay $0x3  }
0x35c: {  	v60 =	vmov v6;
	[tilespmem:v3+s16+$0x0] =	vst.idx.msk $0xffff, v1  }
0x35d: {  	v3 =	vor.u32 v60, v0;
	v1 =	vld.idx.msk [tilespmem:v4+s14+$0x0], $0xffff  }
0x35e: {  	v4 =	vor.u32 v17, v2  }
0x35f: {  	v19 =	vmov v44;
	v44 =	vld [tilespmem:$0x1FBF0];
	_ =	sdelay $0x2  }
0x360: {  	[tilespmem:v3+s16+$0x0] =	vst.idx.msk $0xffff, v1  }
0x361: {  	v3 =	vor.u32 v62, v0;
	v1 =	vld.idx.msk [tilespmem:v4+s14+$0x0], $0xffff  }
0x362: {  	v4 =	vor.u32 v44, v2;
	_ =	sdelay $0x3  }
0x363: {  	[tilespmem:v3+s16+$0x0] =	vst.idx.msk $0xffff, v1  }
0x364: {  	v3 =	vor.u32 v39, v0;
	v1 =	vld.idx.msk [tilespmem:v4+s14+$0x0], $0xffff  }
0x365: {  	v22 =	vmovc v15;
	v15 =	vmovc v37;
	v37 =	vmov v38;
	v38 =	vmov v17;
	v17 =	vld [tilespmem:$0x1FC90];
	v4 =	vor.u32 v51, v2;
	_ =	sdelay $0x3  }
0x366: {  	[tilespmem:v3+s16+$0x0] =	vst.idx.msk $0xffff, v1  }
0x367: {  	v3 =	vor.u32 v17, v0;
	v1 =	vld.idx.msk [tilespmem:v4+s14+$0x0], $0xffff  }
0x368: {  	v4 =	vor.u32 v58, v2  }
0x369: {  	v63 =	vld [tilespmem:$0x1FC00];
	_ =	sdelay $0x2  }
0x36a: {  	[tilespmem:v3+s16+$0x0] =	vst.idx.msk $0xffff, v1  }
0x36b: {  	v3 =	vor.u32 v24, v0;
	v1 =	vld.idx.msk [tilespmem:v4+s14+$0x0], $0xffff  }
0x36c: {  	v4 =	vor.u32 v63, v2;
	_ =	sdelay $0x3  }
0x36d: {  	[tilespmem:v3+s16+$0x0] =	vst.idx.msk $0xffff, v1  }
0x36e: {  	v3 =	vor.u32 v15, v0;
	v1 =	vld.idx.msk [tilespmem:v4+s14+$0x0], $0xffff  }
0x36f: {  	v4 =	vor.u32 v19, v2;
	_ =	sdelay $0x3  }
0x370: {  	[tilespmem:v3+s16+$0x0] =	vst.idx.msk $0xffff, v1  }
0x371: {  	v3 =	vor.u32 v61, v0;
	v1 =	vld.idx.msk [tilespmem:v4+s14+$0x0], $0xffff  }
0x372: {  	v5 =	vmov v31;
	v15 =	vld [tilespmem:$0x1FCC0];
	v4 =	vor.u32 v40, v2  }
0x373: {  	v23 =	vmov v8;
	v8 =	vmov v5;
	v5 =	vld [tilespmem:$0x1FC10];
	_ =	sdelay $0x2  }
0x374: {  	[tilespmem:v3+s16+$0x0] =	vst.idx.msk $0xffff, v1  }
0x375: {  	v3 =	vor.u32 v15, v0;
	v1 =	vld.idx.msk [tilespmem:v4+s14+$0x0], $0xffff  }
0x376: {  	v4 =	vor.u32 v5, v2;
	_ =	sdelay $0x3  }
0x377: {  	[tilespmem:v3+s16+$0x0] =	vst.idx.msk $0xffff, v1  }
0x378: {  	v3 =	vor.u32 v57, v0;
	v1 =	vld.idx.msk [tilespmem:v4+s14+$0x0], $0xffff  }
0x379: {  	v4 =	vor.u32 v12, v2;
	_ =	sdelay $0x3  }
0x37a: {  	[tilespmem:v3+s16+$0x0] =	vst.idx.msk $0xffff, v1  }
0x37b: {  	v3 =	vor.u32 v30, v0;
	v1 =	vld.idx.msk [tilespmem:v4+s14+$0x0], $0xffff  }
0x37c: {  	v4 =	vor.u32 v27, v2  }
0x37d: {  	v6 =	vld [tilespmem:$0x1FC20];
	_ =	sdelay $0x2  }
0x37e: {  	[tilespmem:v3+s16+$0x0] =	vst.idx.msk $0xffff, v1  }
0x37f: {  	v3 =	vor.u32 v56, v0;
	v1 =	vld.idx.msk [tilespmem:v4+s14+$0x0], $0xffff  }
0x380: {  	v4 =	vor.u32 v6, v2;
	_ =	sdelay $0x3  }
0x381: {  	[tilespmem:v3+s16+$0x0] =	vst.idx.msk $0xffff, v1  }
0x382: {  	v3 =	vor.u32 v32, v0;
	v1 =	vld.idx.msk [tilespmem:v4+s14+$0x0], $0xffff  }
0x383: {  	v4 =	vor.u32 v33, v2;
	_ =	sdelay $0x3  }
0x384: {  	[tilespmem:v3+s16+$0x0] =	vst.idx.msk $0xffff, v1  }
0x385: {  	v3 =	vor.u32 v23, v0;
	v1 =	vld.idx.msk [tilespmem:v4+s14+$0x0], $0xffff  }
0x386: {  	v4 =	vor.u32 v8, v2  }
0x387: {  	v31 =	vmov v11;
	v11 =	vld [tilespmem:$0x1FC30];
	_ =	sdelay $0x2  }
0x388: {  	[tilespmem:v3+s16+$0x0] =	vst.idx.msk $0xffff, v1  }
0x389: {  	v3 =	vor.u32 v43, v0;
	v1 =	vld.idx.msk [tilespmem:v4+s14+$0x0], $0xffff  }
0x38a: {  	v4 =	vor.u32 v11, v2;
	_ =	sdelay $0x3  }
0x38b: {  	[tilespmem:v3+s16+$0x0] =	vst.idx.msk $0xffff, v1  }
0x38c: {  	v3 =	vor.u32 v35, v0;
	v1 =	vld.idx.msk [tilespmem:v4+s14+$0x0], $0xffff  }
0x38d: {  	v4 =	vor.u32 v16, v2  }
0x38e: {  	v18 =	vld [tilespmem:$0x1FC40];
	_ =	sdelay $0x2  }
0x38f: {  	[tilespmem:v3+s16+$0x0] =	vst.idx.msk $0xffff, v1  }
0x390: {  	v3 =	vor.u32 v28, v0;
	v1 =	vld.idx.msk [tilespmem:v4+s14+$0x0], $0xffff  }
0x391: {  	v4 =	vor.u32 v18, v2;
	_ =	sdelay $0x3  }
0x392: {  	[tilespmem:v3+s16+$0x0] =	vst.idx.msk $0xffff, v1  }
0x393: {  	v3 =	vor.u32 v34, v0;
	v1 =	vld.idx.msk [tilespmem:v4+s14+$0x0], $0xffff  }
0x394: {  	v55 =	vmov v25;
	v25 =	vld [tilespmem:$0x1FC60];
	v4 =	vor.u32 v31, v2;
	_ =	sdelay $0x3  }
0x395: {  	[tilespmem:v3+s16+$0x0] =	vst.idx.msk $0xffff, v1  }
0x396: {  	v3 =	vor.u32 v25, v0;
	v1 =	vld.idx.msk [tilespmem:v4+s14+$0x0], $0xffff  }
0x397: {  	v4 =	vor.u32 v22, v2;
	_ =	sdelay $0x3  }
0x398: {  	v11 =	vmov v26;
	[tilespmem:v3+s16+$0x0] =	vst.idx.msk $0xffff, v1;
	v3 =	vor.u32 v26, v0;
	v26 =	vld [tilespmem:$0x1FC50]  }
0x399: {  	v1 =	vld.idx.msk [tilespmem:v4+s14+$0x0], $0xffff;
	_ =	sdelay $0x1  }
0x39a: {  	s31 =	simm.s32 $0x10  }
0x39b: {  	v8 =	vlaneseq.u32;
	v4 =	vmov s31  }
0x39c: {  	v5 =	vor.u32 s31, v8;
	v4 =	vshll.u32 v4, $0x3  }
0x39d: {  	v2 =	vor.u32 v26, v2;
	[tilespmem:v3+s16+$0x0] =	vst.idx.msk $0xffff, v1;
	v1 =	vand.u32 $0x7F, v5;
	v3 =	vand.u32 $0xC00, v4  }
0x39e: {  	v1 =	vor.u32 v3, v1;
	v3 =	vld [tilespmem:$0x1FF20];
	_ =	sdelay $0x3  }
0x39f: {  	v0 =	vor.u32 v37, v0;
	v2 =	vld.idx.msk [tilespmem:v2+s14+$0x0], $0xffff  }
0x3a0: {  	v3 =	vor.u32 v3, v1  }
0x3a1: {  	v4 =	vld [tilespmem:$0x1FCD0];
	_ =	sdelay $0x2  }
0x3a2: {  	[tilespmem:v0+s16+$0x0] =	vst.idx.msk $0xffff, v2;
	v0 =	vshll.u32 v5, $0x5  }
0x3a3: {  	v2 =	vld.idx.msk [tilespmem:v3+s14+$0x0], $0xffff;
	v3 =	vor.u32 v8, v0  }
0x3a4: {  	v4 =	vor.u32 v4, v1;
	_ =	sdelay $0x3  }
0x3a5: {  	[tilespmem:v3+s16+$0x0] =	vst.idx.msk $0xffff, v2  }
0x3a6: {  	v3 =	vor.u32 v55, v0;
	v2 =	vld.idx.msk [tilespmem:v4+s14+$0x0], $0xffff  }
0x3a7: {  	v4 =	vor.u32 v7, v1;
	_ =	sdelay $0x3  }
0x3a8: {  	[tilespmem:v3+s16+$0x0] =	vst.idx.msk $0xffff, v2  }
0x3a9: {  	v3 =	vor.u32 v45, v0;
	v2 =	vld.idx.msk [tilespmem:v4+s14+$0x0], $0xffff  }
0x3aa: {  	v4 =	vor.u32 v42, v1;
	_ =	sdelay $0x3  }
0x3ab: {  	[tilespmem:v3+s16+$0x0] =	vst.idx.msk $0xffff, v2  }
0x3ac: {  	v3 =	vor.u32 v46, v0;
	v2 =	vld.idx.msk [tilespmem:v4+s14+$0x0], $0xffff  }
0x3ad: {  	v4 =	vor.u32 v41, v1;
	_ =	sdelay $0x3  }
0x3ae: {  	[tilespmem:v3+s16+$0x0] =	vst.idx.msk $0xffff, v2  }
0x3af: {  	v3 =	vor.u32 v48, v0;
	v2 =	vld.idx.msk [tilespmem:v4+s14+$0x0], $0xffff  }
0x3b0: {  	v4 =	vor.u32 v10, v1;
	_ =	sdelay $0x3  }
0x3b1: {  	[tilespmem:v3+s16+$0x0] =	vst.idx.msk $0xffff, v2  }
0x3b2: {  	v3 =	vor.u32 v49, v0;
	v2 =	vld.idx.msk [tilespmem:v4+s14+$0x0], $0xffff  }
0x3b3: {  	v4 =	vor.u32 v9, v1;
	_ =	sdelay $0x3  }
0x3b4: {  	[tilespmem:v3+s16+$0x0] =	vst.idx.msk $0xffff, v2  }
0x3b5: {  	v3 =	vor.u32 v50, v0;
	v2 =	vld.idx.msk [tilespmem:v4+s14+$0x0], $0xffff  }
0x3b6: {  	v4 =	vor.u32 v13, v1;
	_ =	sdelay $0x3  }
0x3b7: {  	[tilespmem:v3+s16+$0x0] =	vst.idx.msk $0xffff, v2  }
0x3b8: {  	v3 =	vor.u32 v47, v0;
	v2 =	vld.idx.msk [tilespmem:v4+s14+$0x0], $0xffff  }
0x3b9: {  	v4 =	vor.u32 v14, v1;
	_ =	sdelay $0x3  }
0x3ba: {  	[tilespmem:v3+s16+$0x0] =	vst.idx.msk $0xffff, v2  }
0x3bb: {  	v3 =	vor.u32 v52, v0;
	v2 =	vld.idx.msk [tilespmem:v4+s14+$0x0], $0xffff  }
0x3bc: {  	v4 =	vor.u32 v20, v1;
	_ =	sdelay $0x3  }
0x3bd: {  	[tilespmem:v3+s16+$0x0] =	vst.idx.msk $0xffff, v2  }
0x3be: {  	v3 =	vor.u32 v53, v0;
	v2 =	vld.idx.msk [tilespmem:v4+s14+$0x0], $0xffff  }
0x3bf: {  	v4 =	vor.u32 v21, v1;
	_ =	sdelay $0x3  }
0x3c0: {  	[tilespmem:v3+s16+$0x0] =	vst.idx.msk $0xffff, v2  }
0x3c1: {  	v3 =	vor.u32 v54, v0;
	v2 =	vld.idx.msk [tilespmem:v4+s14+$0x0], $0xffff  }
0x3c2: {  	v4 =	vor.u32 v29, v1;
	_ =	sdelay $0x3  }
0x3c3: {  	[tilespmem:v3+s16+$0x0] =	vst.idx.msk $0xffff, v2  }
0x3c4: {  	v3 =	vor.u32 v59, v0;
	v2 =	vld.idx.msk [tilespmem:v4+s14+$0x0], $0xffff  }
0x3c5: {  	v4 =	vor.u32 v36, v1;
	_ =	sdelay $0x3  }
0x3c6: {  	[tilespmem:v3+s16+$0x0] =	vst.idx.msk $0xffff, v2  }
0x3c7: {  	v3 =	vor.u32 v60, v0;
	v2 =	vld.idx.msk [tilespmem:v4+s14+$0x0], $0xffff  }
0x3c8: {  	v4 =	vor.u32 v38, v1;
	_ =	sdelay $0x3  }
0x3c9: {  	[tilespmem:v3+s16+$0x0] =	vst.idx.msk $0xffff, v2  }
0x3ca: {  	v3 =	vor.u32 v62, v0;
	v2 =	vld.idx.msk [tilespmem:v4+s14+$0x0], $0xffff  }
0x3cb: {  	v4 =	vor.u32 v44, v1;
	_ =	sdelay $0x3  }
0x3cc: {  	[tilespmem:v3+s16+$0x0] =	vst.idx.msk $0xffff, v2  }
0x3cd: {  	v3 =	vor.u32 v39, v0;
	v2 =	vld.idx.msk [tilespmem:v4+s14+$0x0], $0xffff  }
0x3ce: {  	v4 =	vor.u32 v51, v1;
	_ =	sdelay $0x3  }
0x3cf: {  	[tilespmem:v3+s16+$0x0] =	vst.idx.msk $0xffff, v2  }
0x3d0: {  	v3 =	vor.u32 v17, v0;
	v2 =	vld.idx.msk [tilespmem:v4+s14+$0x0], $0xffff  }
0x3d1: {  	v4 =	vor.u32 v58, v1;
	_ =	sdelay $0x3  }
0x3d2: {  	[tilespmem:v3+s16+$0x0] =	vst.idx.msk $0xffff, v2  }
0x3d3: {  	v3 =	vor.u32 v24, v0;
	v2 =	vld.idx.msk [tilespmem:v4+s14+$0x0], $0xffff;
	_ =	sdelay $0x4  }
0x3d4: {  	v4 =	vor.u32 v63, v1;
	[tilespmem:v3+s16+$0x0] =	vst.idx.msk $0xffff, v2;
	v3 =	vld [tilespmem:$0x1FE20];
	_ =	sdelay $0x4  }
0x3d5: {  	v2 =	vld.idx.msk [tilespmem:v4+s14+$0x0], $0xffff;
	v3 =	vor.u32 v3, v0  }
0x3d6: {  	v4 =	vor.u32 v19, v1;
	_ =	sdelay $0x3  }
0x3d7: {  	[tilespmem:v3+s16+$0x0] =	vst.idx.msk $0xffff, v2  }
0x3d8: {  	v3 =	vor.u32 v61, v0;
	v2 =	vld.idx.msk [tilespmem:v4+s14+$0x0], $0xffff  }
0x3d9: {  	v4 =	vor.u32 v40, v1;
	_ =	sdelay $0x3  }
0x3da: {  	[tilespmem:v3+s16+$0x0] =	vst.idx.msk $0xffff, v2  }
0x3db: {  	v2 =	vld.idx.msk [tilespmem:v4+s14+$0x0], $0xffff  }
0x3dc: {  	v4 =	vld [tilespmem:$0x1FC10];
	_ =	sdelay $0x3  }
0x3dd: {  	v3 =	vor.u32 v15, v0  }
0x3de: {  	v4 =	vor.u32 v4, v1;
	_ =	sdelay $0x3  }
0x3df: {  	[tilespmem:v3+s16+$0x0] =	vst.idx.msk $0xffff, v2  }
0x3e0: {  	v3 =	vor.u32 v57, v0;
	v2 =	vld.idx.msk [tilespmem:v4+s14+$0x0], $0xffff  }
0x3e1: {  	v4 =	vor.u32 v12, v1;
	_ =	sdelay $0x3  }
0x3e2: {  	[tilespmem:v3+s16+$0x0] =	vst.idx.msk $0xffff, v2  }
0x3e3: {  	v3 =	vor.u32 v30, v0;
	v2 =	vld.idx.msk [tilespmem:v4+s14+$0x0], $0xffff  }
0x3e4: {  	v4 =	vor.u32 v27, v1;
	_ =	sdelay $0x3  }
0x3e5: {  	[tilespmem:v3+s16+$0x0] =	vst.idx.msk $0xffff, v2  }
0x3e6: {  	v2 =	vld.idx.msk [tilespmem:v4+s14+$0x0], $0xffff  }
0x3e7: {  	v4 =	vld [tilespmem:$0x1FC20];
	_ =	sdelay $0x3  }
0x3e8: {  	v3 =	vor.u32 v56, v0  }
0x3e9: {  	v4 =	vor.u32 v4, v1;
	_ =	sdelay $0x3  }
0x3ea: {  	[tilespmem:v3+s16+$0x0] =	vst.idx.msk $0xffff, v2  }
0x3eb: {  	v3 =	vor.u32 v32, v0;
	v2 =	vld.idx.msk [tilespmem:v4+s14+$0x0], $0xffff  }
0x3ec: {  	v4 =	vor.u32 v33, v1;
	_ =	sdelay $0x3  }
0x3ed: {  	[tilespmem:v3+s16+$0x0] =	vst.idx.msk $0xffff, v2  }
0x3ee: {  	v2 =	vld.idx.msk [tilespmem:v4+s14+$0x0], $0xffff  }
0x3ef: {  	v4 =	vld [tilespmem:$0x1FED0];
	_ =	sdelay $0x3  }
0x3f0: {  	v3 =	vor.u32 v23, v0  }
0x3f1: {  	v4 =	vor.u32 v4, v1;
	_ =	sdelay $0x3  }
0x3f2: {  	[tilespmem:v3+s16+$0x0] =	vst.idx.msk $0xffff, v2  }
0x3f3: {  	v2 =	vld.idx.msk [tilespmem:v4+s14+$0x0], $0xffff  }
0x3f4: {  	v4 =	vld [tilespmem:$0x1FC30];
	_ =	sdelay $0x3  }
0x3f5: {  	v3 =	vor.u32 v43, v0  }
0x3f6: {  	v4 =	vor.u32 v4, v1;
	_ =	sdelay $0x3  }
0x3f7: {  	[tilespmem:v3+s16+$0x0] =	vst.idx.msk $0xffff, v2  }
0x3f8: {  	v6 =	vmov v16;
	v3 =	vor.u32 v35, v0;
	v2 =	vld.idx.msk [tilespmem:v4+s14+$0x0], $0xffff  }
0x3f9: {  	v4 =	vor.u32 v6, v1;
	_ =	sdelay $0x3  }
0x3fa: {  	[tilespmem:v3+s16+$0x0] =	vst.idx.msk $0xffff, v2  }
0x3fb: {  	v16 =	vmov v18;
	v3 =	vor.u32 v28, v0;
	v2 =	vld.idx.msk [tilespmem:v4+s14+$0x0], $0xffff  }
0x3fc: {  	v4 =	vor.u32 v16, v1;
	_ =	sdelay $0x3  }
0x3fd: {  	[tilespmem:v3+s16+$0x0] =	vst.idx.msk $0xffff, v2  }
0x3fe: {  	v3 =	vor.u32 v34, v0;
	v2 =	vld.idx.msk [tilespmem:v4+s14+$0x0], $0xffff  }
0x3ff: {  	v4 =	vor.u32 v31, v1;
	_ =	sdelay $0x3  }
0x400: {  	[tilespmem:v3+s16+$0x0] =	vst.idx.msk $0xffff, v2  }
0x401: {  	v3 =	vor.u32 v25, v0;
	v2 =	vld.idx.msk [tilespmem:v4+s14+$0x0], $0xffff  }
0x402: {  	v4 =	vor.u32 v22, v1;
	_ =	sdelay $0x3  }
0x403: {  	[tilespmem:v3+s16+$0x0] =	vst.idx.msk $0xffff, v2  }
0x404: {  	s23 =	simm.s32 $0x30;
	s22 =	simm.s32 $0x0;
	v1 =	vor.u32 v26, v1;
	v3 =	vor.u32 v11, v0;
	v2 =	vld.idx.msk [tilespmem:v4+s14+$0x0], $0xffff  }
.LBB2_11:
0x405: {  	v6 =	vld [tilespmem:$0x1FE70]  }
0x406: {  	s24 =	sadd.s32 $0xFFFFFFF0, s23;
	v19 =	vld [tilespmem:$0x1FF20]  }
0x407: {  	v5 =	vlaneseq.u32;
	v4 =	vmov s24  }
0x408: {  	v5 =	vor.u32 s24, v5;
	v4 =	vshll.u32 v4, $0x3  }
0x409: {  	[tilespmem:v3+s16+$0x0] =	vst.idx.msk $0xffff, v2;
	v2 =	vand.u32 $0x6F, v5;
	v3 =	vand.u32 $0xC00, v4  }
0x40a: {  	v4 =	vld.idx.msk [tilespmem:v1+s14+$0x0], $0xffff;
	v1 =	vor.u32 v3, v2;
	v0 =	vor.u32 v6, v0  }
0x40b: {  	v2 =	vor.u32 v19, v1  }
0x40c: {  	v35 =	vld [tilespmem:$0x1FCD0];
	_ =	sdelay $0x2  }
0x40d: {  	v7 =	vlaneseq.u32;
	[tilespmem:v0+s16+$0x0] =	vst.idx.msk $0xffff, v4;
	v0 =	vshll.u32 v5, $0x5  }
0x40e: {  	v2 =	vld.idx.msk [tilespmem:v2+s14+$0x0], $0xffff;
	v3 =	vor.u32 v7, v0  }
0x40f: {  	v4 =	vor.u32 v35, v1;
	_ =	sdelay $0x3  }
0x410: {  	v48 =	vld [tilespmem:$0x1FD20];
	[tilespmem:v3+s16+$0x0] =	vst.idx.msk $0xffff, v2  }
0x411: {  	v2 =	vld.idx.msk [tilespmem:v4+s14+$0x0], $0xffff  }
0x412: {  	v4 =	vld [tilespmem:$0x1FBD0];
	_ =	sdelay $0x3  }
0x413: {  	v3 =	vor.u32 v48, v0  }
0x414: {  	v4 =	vor.u32 v4, v1;
	_ =	sdelay $0x3  }
0x415: {  	v46 =	vld [tilespmem:$0x1FD00];
	[tilespmem:v3+s16+$0x0] =	vst.idx.msk $0xffff, v2  }
0x416: {  	v2 =	vld.idx.msk [tilespmem:v4+s14+$0x0], $0xffff  }
0x417: {  	v4 =	vld [tilespmem:$0x1FFF0];
	_ =	sdelay $0x3  }
0x418: {  	v3 =	vor.u32 v46, v0  }
0x419: {  	v4 =	vor.u32 v4, v1;
	_ =	sdelay $0x3  }
0x41a: {  	v47 =	vld [tilespmem:$0x1FD10];
	[tilespmem:v3+s16+$0x0] =	vst.idx.msk $0xffff, v2  }
0x41b: {  	v2 =	vld.idx.msk [tilespmem:v4+s14+$0x0], $0xffff  }
0x41c: {  	v4 =	vld [tilespmem:$0x1FFE0];
	_ =	sdelay $0x3  }
0x41d: {  	v3 =	vor.u32 v47, v0  }
0x41e: {  	v49 =	vld [tilespmem:$0x1FD30];
	v4 =	vor.u32 v4, v1  }
0x41f: {  	v42 =	vld [tilespmem:$0x1FFD0];
	_ =	sdelay $0x2  }
0x420: {  	[tilespmem:v3+s16+$0x0] =	vst.idx.msk $0xffff, v2  }
0x421: {  	v3 =	vor.u32 v49, v0;
	v2 =	vld.idx.msk [tilespmem:v4+s14+$0x0], $0xffff  }
0x422: {  	v50 =	vld [tilespmem:$0x1FD40];
	v4 =	vor.u32 v42, v1  }
0x423: {  	v7 =	vld [tilespmem:$0x1FFC0];
	_ =	sdelay $0x2  }
0x424: {  	[tilespmem:v3+s16+$0x0] =	vst.idx.msk $0xffff, v2  }
0x425: {  	v3 =	vor.u32 v50, v0;
	v2 =	vld.idx.msk [tilespmem:v4+s14+$0x0], $0xffff  }
0x426: {  	v51 =	vld [tilespmem:$0x1FD50];
	v4 =	vor.u32 v7, v1  }
0x427: {  	v41 =	vld [tilespmem:$0x1FFB0];
	_ =	sdelay $0x2  }
0x428: {  	[tilespmem:v3+s16+$0x0] =	vst.idx.msk $0xffff, v2  }
0x429: {  	v3 =	vor.u32 v51, v0;
	v2 =	vld.idx.msk [tilespmem:v4+s14+$0x0], $0xffff  }
0x42a: {  	v52 =	vld [tilespmem:$0x1FD60];
	v4 =	vor.u32 v41, v1  }
0x42b: {  	v8 =	vld [tilespmem:$0x1FBE0];
	_ =	sdelay $0x2  }
0x42c: {  	[tilespmem:v3+s16+$0x0] =	vst.idx.msk $0xffff, v2  }
0x42d: {  	v3 =	vor.u32 v52, v0;
	v2 =	vld.idx.msk [tilespmem:v4+s14+$0x0], $0xffff  }
0x42e: {  	v53 =	vld [tilespmem:$0x1FD70];
	v4 =	vor.u32 v8, v1  }
0x42f: {  	v9 =	vld [tilespmem:$0x1FFA0];
	_ =	sdelay $0x2  }
0x430: {  	[tilespmem:v3+s16+$0x0] =	vst.idx.msk $0xffff, v2  }
0x431: {  	v3 =	vor.u32 v53, v0;
	v2 =	vld.idx.msk [tilespmem:v4+s14+$0x0], $0xffff  }
0x432: {  	v54 =	vld [tilespmem:$0x1FD80];
	v4 =	vor.u32 v9, v1  }
0x433: {  	v10 =	vld [tilespmem:$0x1FF90];
	_ =	sdelay $0x2  }
0x434: {  	[tilespmem:v3+s16+$0x0] =	vst.idx.msk $0xffff, v2  }
0x435: {  	v3 =	vor.u32 v54, v0;
	v2 =	vld.idx.msk [tilespmem:v4+s14+$0x0], $0xffff  }
0x436: {  	v55 =	vld [tilespmem:$0x1FD90];
	v4 =	vor.u32 v10, v1  }
0x437: {  	v11 =	vld [tilespmem:$0x1FF80];
	_ =	sdelay $0x2  }
0x438: {  	[tilespmem:v3+s16+$0x0] =	vst.idx.msk $0xffff, v2  }
0x439: {  	v3 =	vor.u32 v55, v0;
	v2 =	vld.idx.msk [tilespmem:v4+s14+$0x0], $0xffff  }
0x43a: {  	v56 =	vld [tilespmem:$0x1FDA0];
	v4 =	vor.u32 v11, v1  }
0x43b: {  	v12 =	vld [tilespmem:$0x1FF70];
	_ =	sdelay $0x2  }
0x43c: {  	[tilespmem:v3+s16+$0x0] =	vst.idx.msk $0xffff, v2  }
0x43d: {  	v3 =	vor.u32 v56, v0;
	v2 =	vld.idx.msk [tilespmem:v4+s14+$0x0], $0xffff  }
0x43e: {  	v61 =	vld [tilespmem:$0x1FDF0];
	v4 =	vor.u32 v12, v1  }
0x43f: {  	v13 =	vld [tilespmem:$0x1FF60];
	_ =	sdelay $0x2  }
0x440: {  	[tilespmem:v3+s16+$0x0] =	vst.idx.msk $0xffff, v2  }
0x441: {  	v3 =	vor.u32 v61, v0;
	v2 =	vld.idx.msk [tilespmem:v4+s14+$0x0], $0xffff  }
0x442: {  	v63 =	vld [tilespmem:$0x1FE10];
	v4 =	vor.u32 v13, v1  }
0x443: {  	v14 =	vld [tilespmem:$0x1FBF0];
	_ =	sdelay $0x2  }
0x444: {  	[tilespmem:v3+s16+$0x0] =	vst.idx.msk $0xffff, v2  }
0x445: {  	v3 =	vor.u32 v63, v0;
	v2 =	vld.idx.msk [tilespmem:v4+s14+$0x0], $0xffff  }
0x446: {  	v38 =	vld [tilespmem:$0x1FE40];
	v4 =	vor.u32 v14, v1;
	_ =	sdelay $0x3  }
0x447: {  	v15 =	vld [tilespmem:$0x1FF50];
	[tilespmem:v3+s16+$0x0] =	vst.idx.msk $0xffff, v2  }
0x448: {  	v3 =	vor.u32 v38, v0;
	v2 =	vld.idx.msk [tilespmem:v4+s14+$0x0], $0xffff;
	_ =	sdelay $0x4  }
0x449: {  	v4 =	vor.u32 v15, v1;
	[tilespmem:v3+s16+$0x0] =	vst.idx.msk $0xffff, v2;
	v3 =	vld [tilespmem:$0x1FC90]  }
0x44a: {  	v16 =	vld [tilespmem:$0x1FF40];
	_ =	sdelay $0x3  }
0x44b: {  	v2 =	vld.idx.msk [tilespmem:v4+s14+$0x0], $0xffff;
	v3 =	vor.u32 v3, v0  }
0x44c: {  	v45 =	vld [tilespmem:$0x1FCF0];
	v4 =	vor.u32 v16, v1  }
0x44d: {  	v17 =	vld [tilespmem:$0x1FC00];
	_ =	sdelay $0x2  }
0x44e: {  	[tilespmem:v3+s16+$0x0] =	vst.idx.msk $0xffff, v2  }
0x44f: {  	v3 =	vor.u32 v45, v0;
	v2 =	vld.idx.msk [tilespmem:v4+s14+$0x0], $0xffff  }
0x450: {  	v43 =	vld [tilespmem:$0x1FE20];
	v4 =	vor.u32 v17, v1  }
0x451: {  	v18 =	vld [tilespmem:$0x1FF30];
	_ =	sdelay $0x2  }
0x452: {  	[tilespmem:v3+s16+$0x0] =	vst.idx.msk $0xffff, v2  }
0x453: {  	v3 =	vor.u32 v43, v0;
	v2 =	vld.idx.msk [tilespmem:v4+s14+$0x0], $0xffff  }
0x454: {  	v37 =	vld [tilespmem:$0x1FE50];
	v4 =	vor.u32 v18, v1;
	_ =	sdelay $0x3  }
0x455: {  	v40 =	vld [tilespmem:$0x1FF10];
	[tilespmem:v3+s16+$0x0] =	vst.idx.msk $0xffff, v2  }
0x456: {  	v3 =	vor.u32 v37, v0;
	v2 =	vld.idx.msk [tilespmem:v4+s14+$0x0], $0xffff;
	_ =	sdelay $0x4  }
0x457: {  	v4 =	vor.u32 v40, v1;
	[tilespmem:v3+s16+$0x0] =	vst.idx.msk $0xffff, v2;
	v3 =	vld [tilespmem:$0x1FCC0]  }
0x458: {  	v20 =	vld [tilespmem:$0x1FC10];
	_ =	sdelay $0x3  }
0x459: {  	v2 =	vld.idx.msk [tilespmem:v4+s14+$0x0], $0xffff;
	v3 =	vor.u32 v3, v0  }
0x45a: {  	v57 =	vld [tilespmem:$0x1FDB0];
	v4 =	vor.u32 v20, v1  }
0x45b: {  	v21 =	vld [tilespmem:$0x1FF00];
	_ =	sdelay $0x2  }
0x45c: {  	[tilespmem:v3+s16+$0x0] =	vst.idx.msk $0xffff, v2  }
0x45d: {  	v3 =	vor.u32 v57, v0;
	v2 =	vld.idx.msk [tilespmem:v4+s14+$0x0], $0xffff  }
0x45e: {  	v58 =	vld [tilespmem:$0x1FDC0];
	v4 =	vor.u32 v21, v1  }
0x45f: {  	v22 =	vld [tilespmem:$0x1FEF0];
	_ =	sdelay $0x2  }
0x460: {  	[tilespmem:v3+s16+$0x0] =	vst.idx.msk $0xffff, v2  }
0x461: {  	v3 =	vor.u32 v58, v0;
	v2 =	vld.idx.msk [tilespmem:v4+s14+$0x0], $0xffff  }
0x462: {  	v59 =	vld [tilespmem:$0x1FDD0];
	v4 =	vor.u32 v22, v1  }
0x463: {  	v23 =	vld [tilespmem:$0x1FC20];
	_ =	sdelay $0x2  }
0x464: {  	[tilespmem:v3+s16+$0x0] =	vst.idx.msk $0xffff, v2  }
0x465: {  	v3 =	vor.u32 v59, v0;
	v2 =	vld.idx.msk [tilespmem:v4+s14+$0x0], $0xffff  }
0x466: {  	v60 =	vld [tilespmem:$0x1FDE0];
	v4 =	vor.u32 v23, v1  }
0x467: {  	v24 =	vld [tilespmem:$0x1FEE0];
	_ =	sdelay $0x2  }
0x468: {  	[tilespmem:v3+s16+$0x0] =	vst.idx.msk $0xffff, v2  }
0x469: {  	v3 =	vor.u32 v60, v0;
	v2 =	vld.idx.msk [tilespmem:v4+s14+$0x0], $0xffff  }
0x46a: {  	v62 =	vld [tilespmem:$0x1FE00];
	v4 =	vor.u32 v24, v1  }
0x46b: {  	v25 =	vld [tilespmem:$0x1FED0];
	_ =	sdelay $0x2  }
0x46c: {  	[tilespmem:v3+s16+$0x0] =	vst.idx.msk $0xffff, v2  }
0x46d: {  	v3 =	vor.u32 v62, v0;
	v2 =	vld.idx.msk [tilespmem:v4+s14+$0x0], $0xffff  }
0x46e: {  	v39 =	vld [tilespmem:$0x1FE30];
	v4 =	vor.u32 v25, v1  }
0x46f: {  	v26 =	vld [tilespmem:$0x1FC30];
	_ =	sdelay $0x2  }
0x470: {  	[tilespmem:v3+s16+$0x0] =	vst.idx.msk $0xffff, v2  }
0x471: {  	v3 =	vor.u32 v39, v0;
	v2 =	vld.idx.msk [tilespmem:v4+s14+$0x0], $0xffff  }
0x472: {  	v36 =	vld [tilespmem:$0x1FE60];
	v4 =	vor.u32 v26, v1  }
0x473: {  	v27 =	vld [tilespmem:$0x1FEC0];
	_ =	sdelay $0x2  }
0x474: {  	[tilespmem:v3+s16+$0x0] =	vst.idx.msk $0xffff, v2  }
0x475: {  	v3 =	vor.u32 v36, v0;
	v2 =	vld.idx.msk [tilespmem:v4+s14+$0x0], $0xffff  }
0x476: {  	v44 =	vld [tilespmem:$0x1FCE0];
	v4 =	vor.u32 v27, v1  }
0x477: {  	v28 =	vld [tilespmem:$0x1FC40];
	_ =	sdelay $0x2  }
0x478: {  	[tilespmem:v3+s16+$0x0] =	vst.idx.msk $0xffff, v2  }
0x479: {  	v3 =	vor.u32 v44, v0;
	v2 =	vld.idx.msk [tilespmem:v4+s14+$0x0], $0xffff  }
0x47a: {  	v32 =	vld [tilespmem:$0x1FE90];
	v4 =	vor.u32 v28, v1  }
0x47b: {  	v29 =	vld [tilespmem:$0x1FEB0];
	_ =	sdelay $0x2  }
0x47c: {  	[tilespmem:v3+s16+$0x0] =	vst.idx.msk $0xffff, v2  }
0x47d: {  	v3 =	vor.u32 v32, v0;
	v2 =	vld.idx.msk [tilespmem:v4+s14+$0x0], $0xffff  }
0x47e: {  	v33 =	vld [tilespmem:$0x1FC60];
	v4 =	vor.u32 v29, v1  }
0x47f: {  	v30 =	vld [tilespmem:$0x1FEA0];
	_ =	sdelay $0x2  }
0x480: {  	[tilespmem:v3+s16+$0x0] =	vst.idx.msk $0xffff, v2  }
0x481: {  	v3 =	vor.u32 v33, v0;
	v2 =	vld.idx.msk [tilespmem:v4+s14+$0x0], $0xffff  }
0x482: {  	v34 =	vld [tilespmem:$0x1FE80];
	v4 =	vor.u32 v30, v1  }
0x483: {  	v31 =	vld [tilespmem:$0x1FC50];
	_ =	sdelay $0x2  }
0x484: {  	[tilespmem:v3+s16+$0x0] =	vst.idx.msk $0xffff, v2  }
0x485: {  	v3 =	vor.u32 v34, v0;
	v2 =	vld.idx.msk [tilespmem:v4+s14+$0x0], $0xffff  }
0x486: {  	v1 =	vor.u32 v31, v1;
	_ =	sdelay $0x2  }
0x487: {  	v5 =	vlaneseq.u32;
	v4 =	vmov s23  }
0x488: {  	[tilespmem:v3+s16+$0x0] =	vst.idx.msk $0xffff, v2;
	v2 =	vor.u32 s23, v5;
	v3 =	vshll.u32 v4, $0x3  }
0x489: {  	v4 =	vld.idx.msk [tilespmem:v1+s14+$0x0], $0xffff;
	v1 =	vand.u32 $0x7F, v2;
	v3 =	vand.u32 $0xC00, v3  }
0x48a: {  	v0 =	vor.u32 v6, v0;
	v1 =	vor.u32 v3, v1  }
0x48b: {  	v3 =	vor.u32 v19, v1;
	_ =	sdelay $0x3  }
0x48c: {  	[tilespmem:v0+s16+$0x0] =	vst.idx.msk $0xffff, v4;
	v0 =	vshll.u32 v2, $0x5  }
0x48d: {  	v2 =	vld.idx.msk [tilespmem:v3+s14+$0x0], $0xffff;
	v3 =	vor.u32 v5, v0  }
0x48e: {  	v4 =	vor.u32 v35, v1;
	_ =	sdelay $0x3  }
0x48f: {  	[tilespmem:v3+s16+$0x0] =	vst.idx.msk $0xffff, v2  }
0x490: {  	v2 =	vld.idx.msk [tilespmem:v4+s14+$0x0], $0xffff  }
0x491: {  	v4 =	vld [tilespmem:$0x1FBD0];
	_ =	sdelay $0x3  }
0x492: {  	v3 =	vor.u32 v48, v0  }
0x493: {  	v4 =	vor.u32 v4, v1;
	_ =	sdelay $0x3  }
0x494: {  	[tilespmem:v3+s16+$0x0] =	vst.idx.msk $0xffff, v2  }
0x495: {  	v2 =	vld.idx.msk [tilespmem:v4+s14+$0x0], $0xffff  }
0x496: {  	v4 =	vld [tilespmem:$0x1FFF0];
	_ =	sdelay $0x3  }
0x497: {  	v3 =	vor.u32 v46, v0  }
0x498: {  	v4 =	vor.u32 v4, v1;
	_ =	sdelay $0x3  }
0x499: {  	[tilespmem:v3+s16+$0x0] =	vst.idx.msk $0xffff, v2  }
0x49a: {  	v2 =	vld.idx.msk [tilespmem:v4+s14+$0x0], $0xffff  }
0x49b: {  	v4 =	vld [tilespmem:$0x1FFE0];
	_ =	sdelay $0x3  }
0x49c: {  	v3 =	vor.u32 v47, v0  }
0x49d: {  	v4 =	vor.u32 v4, v1;
	_ =	sdelay $0x3  }
0x49e: {  	[tilespmem:v3+s16+$0x0] =	vst.idx.msk $0xffff, v2  }
0x49f: {  	v3 =	vor.u32 v49, v0;
	v2 =	vld.idx.msk [tilespmem:v4+s14+$0x0], $0xffff  }
0x4a0: {  	v4 =	vor.u32 v42, v1;
	_ =	sdelay $0x3  }
0x4a1: {  	[tilespmem:v3+s16+$0x0] =	vst.idx.msk $0xffff, v2  }
0x4a2: {  	v3 =	vor.u32 v50, v0;
	v2 =	vld.idx.msk [tilespmem:v4+s14+$0x0], $0xffff  }
0x4a3: {  	v4 =	vor.u32 v7, v1;
	_ =	sdelay $0x3  }
0x4a4: {  	[tilespmem:v3+s16+$0x0] =	vst.idx.msk $0xffff, v2  }
0x4a5: {  	v3 =	vor.u32 v51, v0;
	v2 =	vld.idx.msk [tilespmem:v4+s14+$0x0], $0xffff  }
0x4a6: {  	v4 =	vor.u32 v41, v1;
	_ =	sdelay $0x3  }
0x4a7: {  	[tilespmem:v3+s16+$0x0] =	vst.idx.msk $0xffff, v2  }
0x4a8: {  	v3 =	vor.u32 v52, v0;
	v2 =	vld.idx.msk [tilespmem:v4+s14+$0x0], $0xffff  }
0x4a9: {  	v4 =	vor.u32 v8, v1;
	_ =	sdelay $0x3  }
0x4aa: {  	[tilespmem:v3+s16+$0x0] =	vst.idx.msk $0xffff, v2  }
0x4ab: {  	v3 =	vor.u32 v53, v0;
	v2 =	vld.idx.msk [tilespmem:v4+s14+$0x0], $0xffff  }
0x4ac: {  	v4 =	vor.u32 v9, v1;
	_ =	sdelay $0x3  }
0x4ad: {  	[tilespmem:v3+s16+$0x0] =	vst.idx.msk $0xffff, v2  }
0x4ae: {  	v3 =	vor.u32 v54, v0;
	v2 =	vld.idx.msk [tilespmem:v4+s14+$0x0], $0xffff  }
0x4af: {  	v4 =	vor.u32 v10, v1;
	_ =	sdelay $0x3  }
0x4b0: {  	[tilespmem:v3+s16+$0x0] =	vst.idx.msk $0xffff, v2  }
0x4b1: {  	v3 =	vor.u32 v55, v0;
	v2 =	vld.idx.msk [tilespmem:v4+s14+$0x0], $0xffff  }
0x4b2: {  	v4 =	vor.u32 v11, v1;
	_ =	sdelay $0x3  }
0x4b3: {  	[tilespmem:v3+s16+$0x0] =	vst.idx.msk $0xffff, v2  }
0x4b4: {  	v3 =	vor.u32 v56, v0;
	v2 =	vld.idx.msk [tilespmem:v4+s14+$0x0], $0xffff  }
0x4b5: {  	v4 =	vor.u32 v12, v1;
	_ =	sdelay $0x3  }
0x4b6: {  	[tilespmem:v3+s16+$0x0] =	vst.idx.msk $0xffff, v2  }
0x4b7: {  	v3 =	vor.u32 v61, v0;
	v2 =	vld.idx.msk [tilespmem:v4+s14+$0x0], $0xffff  }
0x4b8: {  	v4 =	vor.u32 v13, v1;
	_ =	sdelay $0x3  }
0x4b9: {  	[tilespmem:v3+s16+$0x0] =	vst.idx.msk $0xffff, v2  }
0x4ba: {  	v3 =	vor.u32 v63, v0;
	v2 =	vld.idx.msk [tilespmem:v4+s14+$0x0], $0xffff  }
0x4bb: {  	v4 =	vor.u32 v14, v1;
	_ =	sdelay $0x3  }
0x4bc: {  	[tilespmem:v3+s16+$0x0] =	vst.idx.msk $0xffff, v2  }
0x4bd: {  	v3 =	vor.u32 v38, v0;
	v2 =	vld.idx.msk [tilespmem:v4+s14+$0x0], $0xffff;
	_ =	sdelay $0x4  }
0x4be: {  	v4 =	vor.u32 v15, v1;
	[tilespmem:v3+s16+$0x0] =	vst.idx.msk $0xffff, v2;
	v3 =	vld [tilespmem:$0x1FC90];
	_ =	sdelay $0x4  }
0x4bf: {  	v2 =	vld.idx.msk [tilespmem:v4+s14+$0x0], $0xffff;
	v3 =	vor.u32 v3, v0  }
0x4c0: {  	v4 =	vor.u32 v16, v1;
	_ =	sdelay $0x3  }
0x4c1: {  	[tilespmem:v3+s16+$0x0] =	vst.idx.msk $0xffff, v2  }
0x4c2: {  	v3 =	vor.u32 v45, v0;
	v2 =	vld.idx.msk [tilespmem:v4+s14+$0x0], $0xffff  }
0x4c3: {  	v4 =	vor.u32 v17, v1;
	_ =	sdelay $0x3  }
0x4c4: {  	[tilespmem:v3+s16+$0x0] =	vst.idx.msk $0xffff, v2  }
0x4c5: {  	v3 =	vor.u32 v43, v0;
	v2 =	vld.idx.msk [tilespmem:v4+s14+$0x0], $0xffff  }
0x4c6: {  	v4 =	vor.u32 v18, v1;
	_ =	sdelay $0x3  }
0x4c7: {  	[tilespmem:v3+s16+$0x0] =	vst.idx.msk $0xffff, v2  }
0x4c8: {  	v3 =	vor.u32 v37, v0;
	v2 =	vld.idx.msk [tilespmem:v4+s14+$0x0], $0xffff;
	_ =	sdelay $0x4  }
0x4c9: {  	v4 =	vor.u32 v40, v1;
	[tilespmem:v3+s16+$0x0] =	vst.idx.msk $0xffff, v2;
	v3 =	vld [tilespmem:$0x1FCC0];
	_ =	sdelay $0x4  }
0x4ca: {  	v2 =	vld.idx.msk [tilespmem:v4+s14+$0x0], $0xffff;
	v3 =	vor.u32 v3, v0  }
0x4cb: {  	v4 =	vor.u32 v20, v1;
	_ =	sdelay $0x3  }
0x4cc: {  	[tilespmem:v3+s16+$0x0] =	vst.idx.msk $0xffff, v2  }
0x4cd: {  	v3 =	vor.u32 v57, v0;
	v2 =	vld.idx.msk [tilespmem:v4+s14+$0x0], $0xffff  }
0x4ce: {  	v4 =	vor.u32 v21, v1;
	_ =	sdelay $0x3  }
0x4cf: {  	[tilespmem:v3+s16+$0x0] =	vst.idx.msk $0xffff, v2  }
0x4d0: {  	v3 =	vor.u32 v58, v0;
	v2 =	vld.idx.msk [tilespmem:v4+s14+$0x0], $0xffff  }
0x4d1: {  	v4 =	vor.u32 v22, v1;
	_ =	sdelay $0x3  }
0x4d2: {  	[tilespmem:v3+s16+$0x0] =	vst.idx.msk $0xffff, v2  }
0x4d3: {  	v3 =	vor.u32 v59, v0;
	v2 =	vld.idx.msk [tilespmem:v4+s14+$0x0], $0xffff  }
0x4d4: {  	v4 =	vor.u32 v23, v1;
	_ =	sdelay $0x3  }
0x4d5: {  	[tilespmem:v3+s16+$0x0] =	vst.idx.msk $0xffff, v2  }
0x4d6: {  	v3 =	vor.u32 v60, v0;
	v2 =	vld.idx.msk [tilespmem:v4+s14+$0x0], $0xffff  }
0x4d7: {  	v4 =	vor.u32 v24, v1;
	_ =	sdelay $0x3  }
0x4d8: {  	[tilespmem:v3+s16+$0x0] =	vst.idx.msk $0xffff, v2  }
0x4d9: {  	v3 =	vor.u32 v62, v0;
	v2 =	vld.idx.msk [tilespmem:v4+s14+$0x0], $0xffff  }
0x4da: {  	v4 =	vor.u32 v25, v1;
	_ =	sdelay $0x3  }
0x4db: {  	[tilespmem:v3+s16+$0x0] =	vst.idx.msk $0xffff, v2  }
0x4dc: {  	v3 =	vor.u32 v39, v0;
	v2 =	vld.idx.msk [tilespmem:v4+s14+$0x0], $0xffff  }
0x4dd: {  	v4 =	vor.u32 v26, v1;
	_ =	sdelay $0x3  }
0x4de: {  	[tilespmem:v3+s16+$0x0] =	vst.idx.msk $0xffff, v2  }
0x4df: {  	v3 =	vor.u32 v36, v0;
	v2 =	vld.idx.msk [tilespmem:v4+s14+$0x0], $0xffff  }
0x4e0: {  	v4 =	vor.u32 v27, v1;
	_ =	sdelay $0x3  }
0x4e1: {  	[tilespmem:v3+s16+$0x0] =	vst.idx.msk $0xffff, v2  }
0x4e2: {  	v3 =	vor.u32 v44, v0;
	v2 =	vld.idx.msk [tilespmem:v4+s14+$0x0], $0xffff  }
0x4e3: {  	v4 =	vor.u32 v28, v1;
	_ =	sdelay $0x3  }
0x4e4: {  	[tilespmem:v3+s16+$0x0] =	vst.idx.msk $0xffff, v2  }
0x4e5: {  	v3 =	vor.u32 v32, v0;
	v2 =	vld.idx.msk [tilespmem:v4+s14+$0x0], $0xffff  }
0x4e6: {  	v4 =	vor.u32 v29, v1;
	_ =	sdelay $0x3  }
0x4e7: {  	[tilespmem:v3+s16+$0x0] =	vst.idx.msk $0xffff, v2  }
0x4e8: {  	s22 =	sadd.s32 $0x2, s22;
	v3 =	vor.u32 v33, v0;
	v2 =	vld.idx.msk [tilespmem:v4+s14+$0x0], $0xffff  }
0x4e9: {  	p1 =	slt.u32 s22, $0x1E;
	v4 =	vor.u32 v30, v1  }
.Ltmp11:
0x4ea: {  	_ = 	snop;
	(pc) =	sbr.rel @p1 .LBB2_11-.Ltmp11, $3  }
0x4eb: {  	_ =	sdelay $0x1  }
0x4ec: {  	[tilespmem:v3+s16+$0x0] =	vst.idx.msk $0xffff, v2  }
0x4ed: {  	s23 =	sadd.s32 $0x20, s23;
	v1 =	vor.u32 v31, v1;
	v3 =	vor.u32 v34, v0;
	v2 =	vld.idx.msk [tilespmem:v4+s14+$0x0], $0xffff  }
0x4ee: {  	v38 =	vld [tilespmem:$0x1FE70];
	_ =	sdelay $0x3  }
0x4ef: {  	[tilespmem:v3+s16+$0x0] =	vst.idx.msk $0xffff, v2  }
0x4f0: {  	v1 =	vld.idx.msk [tilespmem:v1+s14+$0x0], $0xffff;
	v0 =	vor.u32 v38, v0;
	_ =	sdelay $0x3  }
0x4f1: {  	p1 =	slt.u32 s21, $0x2  }
0x4f2: {  	s22 =	simm.s32 @!p1 $0x2;
	[tilespmem:v0+s16+$0x0] =	vst.idx.msk $0xffff, v1  }
0x4f3: {  	_ =	swait.ge @!p1 [sflag:s22], $0x4000  }
0x4f4: {  	v4 =	vld [tilespmem:$0x1FF20]  }
0x4f5: {  	v41 =	vld [tilespmem:$0x1FFF0]  }
0x4f6: {  	v49 =	vld [tilespmem:$0x1FFE0]  }
0x4f7: {  	v45 =	vld [tilespmem:$0x1FFD0]  }
0x4f8: {  	v7 =	vld [tilespmem:$0x1FFC0]  }
0x4f9: {  	v22 =	vld [tilespmem:$0x1FFB0]  }
0x4fa: {  	v14 =	vld [tilespmem:$0x1FFA0]  }
0x4fb: {  	v13 =	vld [tilespmem:$0x1FF90]  }
0x4fc: {  	v60 =	vld [tilespmem:$0x1FF80]  }
0x4fd: {  	v29 =	vld [tilespmem:$0x1FF70]  }
0x4fe: {  	v50 =	vld [tilespmem:$0x1FF60]  }
0x4ff: {  	v21 =	vld [tilespmem:$0x1FF50]  }
0x500: {  	v24 =	vld [tilespmem:$0x1FF40]  }
0x501: {  	v44 =	vld [tilespmem:$0x1FF30]  }
0x502: {  	v40 =	vld [tilespmem:$0x1FF10]  }
0x503: {  	v12 =	vld [tilespmem:$0x1FF00]  }
0x504: {  	v62 =	vld [tilespmem:$0x1FEF0]  }
0x505: {  	v33 =	vld [tilespmem:$0x1FEE0]  }
0x506: {  	v31 =	vld [tilespmem:$0x1FED0]  }
0x507: {  	v16 =	vld [tilespmem:$0x1FEC0]  }
0x508: {  	v11 =	vld [tilespmem:$0x1FEB0]  }
0x509: {  	v15 =	vld [tilespmem:$0x1FEA0]  }
0x50a: {  	v34 =	vld [tilespmem:$0x1FE90]  }
0x50b: {  	v26 =	vld [tilespmem:$0x1FE80]  }
0x50c: {  	v25 =	vld [tilespmem:$0x1FD20]  }
0x50d: {  	v52 =	vld [tilespmem:$0x1FD00]  }
0x50e: {  	v53 =	vld [tilespmem:$0x1FD10]  }
0x50f: {  	v48 =	vld [tilespmem:$0x1FD30]  }
0x510: {  	v36 =	vld [tilespmem:$0x1FD40]  }
0x511: {  	v55 =	vld [tilespmem:$0x1FD50]  }
0x512: {  	v47 =	vld [tilespmem:$0x1FD60]  }
0x513: {  	v18 =	vld [tilespmem:$0x1FD70]  }
0x514: {  	v27 =	vld [tilespmem:$0x1FD80]  }
0x515: {  	v54 =	vld [tilespmem:$0x1FD90]  }
0x516: {  	v51 =	vld [tilespmem:$0x1FDA0]  }
0x517: {  	v57 =	vld [tilespmem:$0x1FDB0]  }
0x518: {  	v30 =	vld [tilespmem:$0x1FDC0]  }
0x519: {  	v56 =	vld [tilespmem:$0x1FDD0]  }
0x51a: {  	v32 =	vld [tilespmem:$0x1FDE0]  }
0x51b: {  	v6 =	vld [tilespmem:$0x1FDF0]  }
0x51c: {  	v8 =	vld [tilespmem:$0x1FE00]  }
0x51d: {  	v58 =	vld [tilespmem:$0x1FE10]  }
0x51e: {  	v37 =	vld [tilespmem:$0x1FE20]  }
0x51f: {  	v43 =	vld [tilespmem:$0x1FE30]  }
.Ltmp12:
0x520: {  	v20 =	vld [tilespmem:$0x1FE40];
	(pc) =	sbr.rel .LBB2_13-.Ltmp12, $4  }
0x521: {  	s31 =	sadd.s32 s4, s21;
	v61 =	vld [tilespmem:$0x1FE50]  }
0x522: {  	v5 =	vmov v35;
	s21 =	sshll.u32 s31, $0xB;
	[sflag:s22] =	ssyncset.done @!p1 $0x0;
	v35 =	vld [tilespmem:$0x1FE60]  }
0x523: {  	s21 =	sadd.s32 s6, s21;
	v9 =	vld [tilespmem:$0x1FCE0];
	[sflag:s22] =	ssyncadd.s32 @!p1 $0xFFFFC000  }
0x524: {  	v10 =	vld [tilespmem:$0x1FCF0];
	[hbm4b:s21+s3] =	stream.linear.scatter [tilespmem:s16], [sflag:$0x2], $0x4000, $0x38  }
.LBB2_15:
0x525: {  	_ =	sfence.sel $0x180000  }
0x526: {  	[bflag:$0x0] =	sbarrier.arrive $0xFFFF  }
0x527: {  	p0 =	sne.s32 s1, $0x0;
	_ =	strace $0x90000047  }
0x528: {  	s0 =	sadd.s32 @!p0 $0x100000, s2;
	[bflag:$0x2] =	sbarrier.arrive $0xFFFF  }
0x529: {  	[sflag:s0] =	ssyncadd.tile.s32 @!p0 $0x1;
	_ =	shalt  }
.Lfunc_end2:
_tile_overlayer_lowered:
.L_overlay_start_2:
0x52a: {  	(tag) =	ssettag $0x2  }
0x52b: {  	s0 =	rddreg [dreg:$0x0];
	s2 =	stileid.u32  }
0x52c: {  	s1 =	rddreg [dreg:$0x1];
	p0 =	sne.s32 s2, $0x0  }
0x52d: {  	s3 =	rddreg [dreg:$0x2];
	[bflag:$0x3] =	sbarrier.arrive $0xFFFF;
	s2 =	simm.s32 @!p0 $0x1C04  }
0x52e: {  	[timem:s3], [sflag:s2] =	dma.local @!p0 [hbm:s0], s1  }
0x52f: {  	s0 =	simm.s32 @!p0 $0x4  }
0x530: {  	_ =	swait.ge @!p0 [sflag:s0], s1  }
0x531: {  	s1 =	ssub.s32 @!p0 $0x0, s1;
	[sflag:s0] =	ssyncset.done @!p0 $0x0  }
0x532: {  	[sflag:s0] =	ssyncadd.s32 @!p0 s1  }
0x533: {  	[bflag:$0x3] =	sbarrier.arrive $0xFFFF  }
0x534: {  	_ =	shalt  }

// kernel: kernel.7.cloned.1.call-start
scs
__scs_entry_jumppad:
0x0: {  	(pc) =	sbr.rel $0x88, $3  }
0x1: {  	(tag) =	ssettag $0x0;
	lr =	simm.s32 $0x1  }
0x2: {  	[smem:$0x3F9F] =	sst lr;
	_ =	strace $0xD0000000  }
0x3: {  	_ = 	snop  }
0x4: {  	_ = 	snop  }
0x5: {  	_ = 	snop  }
0x6: {  	_ = 	snop  }
0x7: {  	_ = 	snop  }
__scs_overlays_trampoline_lowered:
0x8: {  	[smem:$0x3FAE] =	sst s0  }
0x9: {  	[smem:$0x3FAF] =	sst s1  }
0xa: {  	[smem:$0x3FB0] =	sst s2  }
0xb: {  	[smem:$0x3FB1] =	sst s3  }
0xc: {  	[smem:$0x3FB2] =	sst s4  }
0xd: {  	[smem:$0x3FB3] =	sst s5  }
0xe: {  	[smem:$0x3FB4] =	sst s6  }
0xf: {  	[smem:$0x3FB5] =	sst s7  }
0x10: {  	[smem:$0x3FB6] =	sst s8  }
0x11: {  	[smem:$0x3FB7] =	sst s9;
	s0 =	simm.s32 @!p0 $0x0  }
0x12: {  	s1 =	sld [smem:$0x3F9D];
	s0 =	simm.s32 @p0 $0x1  }
0x13: {  	[smem:$0x3FB8] =	sst s0;
	s0 =	simm.s32 @!p1 $0x0  }
0x14: {  	s2 =	sld [smem:$0x3F9C];
	s0 =	simm.s32 @p1 $0x1  }
0x15: {  	[smem:$0x3FB9] =	sst s0;
	s0 =	simm.s32 @!p2 $0x0  }
0x16: {  	s3 =	sld [smem:$0x3FDB];
	s0 =	simm.s32 @p2 $0x1  }
0x17: {  	s4 =	simm.s32 $0x1BF5;
	[smem:$0x3FBB] =	sst s0  }
0x18: {  	s0 =	sld [smem:$0x3F9E];
	_ =	swait.ge [sflag:s4], $0x0  }
0x19: {  	s7 =	sld [smem:$0x3F9F]  }
0x1a: {  	s8 =	sadd.s32 $0xFFFFE003, lr  }
0x1b: {  	s9 =	sadd.s32 $0xFFFFFEF7, lr;
	s5 =	simm.s32 $0xFFFFFFFF;
	p2 =	slt.u32 s8, $0xFFFFF086  }
0x1c: {  	p1 =	slt.u32 s9, $0xF7A;
	s5 =	simm.s32 @!p2 $0x0  }
0x1d: {  	s5 =	simm.s32 @p1 $0x1;
	p0 =	seq.s32 s7, s2  }
0x1e: {  	s7 =	smul.u32 @!p0 $0xF7A, s2;
	p2 =	seq.s32 @!p0 s5, $0x0  }
0x1f: {  	s9 =	smul.u32 $0xF7A, s1;
	s8 =	simm.s32 @!p0 $0x1BF5;
	p2 =	por !p2, p0  }
0x20: {  	[sflag:s8] =	ssyncset.s32 @!p0 $0xFFFFF086;
	s6 =	sadd.s32 @!p0 s3, s7;
	s7 =	simm.s32 @!p0 $0x108  }
0x21: {  	s3 =	sadd.s32 s3, s9;
	s6 =	sadd.s32 @!p0 $0x88, s6;
	s7 =	simm.s32 @p2 $0x1082  }
0x22: {  	[simem:s7], [sflag:s8] =	dma.local @!p0 [hbm:s6], $0xF7A  }
0x23: {  	s9 =	sor.u32 $0xD0000000, s2;
	s6 =	simm.s32 $0x108;
	_ =	swait.ge @!p0 [sflag:s8], $0x0  }
0x24: {  	s3 =	sadd.s32 $0x88, s3;
	s6 =	simm.s32 @!p1 $0x1082;
	[sflag:s4] =	ssyncset.s32 $0xFFFFF086  }
0x25: {  	[simem:s6], [sflag:s4] =	dma.local [hbm:s3], $0xF7A  }
0x26: {  	[smem:$0x3F9F] =	sst s1;
	(tag) =	ssettag s2;
	_ =	strace s9  }
0x27: {  	s1 =	sld [smem:$0x3FAF]  }
0x28: {  	s2 =	sld [smem:$0x3FB0]  }
0x29: {  	s4 =	sld [smem:$0x3FB2]  }
0x2a: {  	p0 =	seq.s32 s5, $0x0;
	s5 =	sld [smem:$0x3FB3]  }
0x2b: {  	s6 =	sld [smem:$0x3FB4]  }
0x2c: {  	s7 =	sld [smem:$0x3FB5]  }
0x2d: {  	s3 =	simm.s32 $0x108;
	s8 =	sld [smem:$0x3FB6]  }
0x2e: {  	s3 =	simm.s32 @!p0 $0x1082;
	s9 =	sld [smem:$0x3FB7]  }
0x2f: {  	lr =	sadd.s32 s0, s3;
	s0 =	sld [smem:$0x3FAE]  }
0x30: {  	s3 =	sld [smem:$0x3FB1]  }
0x31: {  	[smem:$0x3FBA] =	sst s10  }
0x32: {  	s10 =	sld [smem:$0x3FB8];
	_ =	sdelay $0x3  }
0x33: {  	p0 =	seq.s32 s10, $0x1;
	s10 =	sld [smem:$0x3FBA];
	_ =	sdelay $0x3  }
0x34: {  	[smem:$0x3FBA] =	sst s10  }
0x35: {  	s10 =	sld [smem:$0x3FB9];
	_ =	sdelay $0x3  }
0x36: {  	p1 =	seq.s32 s10, $0x1;
	s10 =	sld [smem:$0x3FBA];
	_ =	sdelay $0x3  }
0x37: {  	[smem:$0x3FBA] =	sst s10  }
0x38: {  	s10 =	sld [smem:$0x3FBB]  }
0x39: {  	_ = 	snop;
	(pc) =	sbr.ind lr, $3  }
0x3a: {  	_ = 	snop  }
0x3b: {  	_ = 	snop  }
0x3c: {  	p2 =	seq.s32 s10, $0x1;
	s10 =	sld [smem:$0x3FBA]  }
0x3d: {  	_ =	shalt  }
0x3e: {  	_ =	shalt  }
0x3f: {  	_ =	shalt  }
0x40: {  	_ =	shalt  }
0x41: {  	_ =	shalt  }
0x42: {  	_ =	shalt  }
0x43: {  	_ =	shalt  }
0x44: {  	_ =	shalt  }
0x45: {  	_ =	shalt  }
0x46: {  	_ =	shalt  }
0x47: {  	_ =	shalt  }
0x48: {  	_ =	shalt  }
0x49: {  	_ =	shalt  }
0x4a: {  	_ =	shalt  }
0x4b: {  	_ =	shalt  }
0x4c: {  	_ =	shalt  }
0x4d: {  	_ =	shalt  }
0x4e: {  	_ =	shalt  }
0x4f: {  	_ =	shalt  }
0x50: {  	_ =	shalt  }
0x51: {  	_ =	shalt  }
0x52: {  	_ =	shalt  }
0x53: {  	_ =	shalt  }
0x54: {  	_ =	shalt  }
0x55: {  	_ =	shalt  }
0x56: {  	_ =	shalt  }
0x57: {  	_ =	shalt  }
0x58: {  	_ =	shalt  }
0x59: {  	_ =	shalt  }
0x5a: {  	_ =	shalt  }
0x5b: {  	_ =	shalt  }
0x5c: {  	_ =	shalt  }
0x5d: {  	_ =	shalt  }
0x5e: {  	_ =	shalt  }
0x5f: {  	_ =	shalt  }
0x60: {  	_ =	shalt  }
0x61: {  	_ =	shalt  }
0x62: {  	_ =	shalt  }
0x63: {  	_ =	shalt  }
0x64: {  	_ =	shalt  }
0x65: {  	_ =	shalt  }
0x66: {  	_ =	shalt  }
0x67: {  	_ =	shalt  }
0x68: {  	_ =	shalt  }
0x69: {  	_ =	shalt  }
0x6a: {  	_ =	shalt  }
0x6b: {  	_ =	shalt  }
0x6c: {  	_ =	shalt  }
0x6d: {  	_ =	shalt  }
0x6e: {  	_ =	shalt  }
0x6f: {  	_ =	shalt  }
0x70: {  	_ =	shalt  }
0x71: {  	_ =	shalt  }
0x72: {  	_ =	shalt  }
0x73: {  	_ =	shalt  }
0x74: {  	_ =	shalt  }
0x75: {  	_ =	shalt  }
0x76: {  	_ =	shalt  }
0x77: {  	_ =	shalt  }
0x78: {  	_ =	shalt  }
0x79: {  	_ =	shalt  }
0x7a: {  	_ =	shalt  }
0x7b: {  	_ =	shalt  }
0x7c: {  	_ =	shalt  }
0x7d: {  	_ =	shalt  }
0x7e: {  	_ =	shalt  }
0x7f: {  	_ =	shalt  }
0x80: {  	_ =	shalt  }
0x81: {  	_ =	shalt  }
0x82: {  	_ =	shalt  }
0x83: {  	_ =	shalt  }
0x84: {  	_ =	shalt  }
0x85: {  	_ =	shalt  }
0x86: {  	_ =	shalt  }
0x87: {  	_ =	shalt  }
.Lfunc_end0:
.L_simem_size_0:
called_computation.1_lowered:
.L_overlay_start_0:
0x88: {  	s2 =	sld [smem:$0x3FD9]  }
0x89: {  	s3 =	sld [smem:$0x3FFE];
	_ =	sdelay $0x1  }
0x8a: {  	s1 =	srdreg.scid  }
0x8b: {  	s0 =	sand.u32 $0x1, s1  }
0x8c: {  	s17 =	sshll.u32 s0, $0xA;
	s2 =	sadd.s32 s3, s2  }
0x8d: {  	s2 =	sadd.s32 s2, s17  }
0x8e: {  	[smem:$0x3FC6] =	sst s2  }
0x8f: {  	_ = 	snop  }
0x90: {  	s2 =	sld [smem:$0x3FD0];
	(tm) =	ssettm $0x1  }
0x91: {  	s18 =	sld [smem:$0x3FFB];
	_ =	sdelay $0x3  }
0x92: {  	_ =	strace s18  }
0x93: {  	s3 =	sld [smem:$0x3FFC];
	_ =	sdelay $0x3  }
0x94: {  	_ =	strace s3  }
0x95: {  	s3 =	sld [smem:$0x3FFD];
	_ =	sdelay $0x3  }
0x96: {  	_ =	strace s3  }
0x97: {  	_ =	strace $0x8FFFFFFF  }
0x98: {  	s19 =	sld [smem:$0x3FDB];
	_ =	sdelay $0x1  }
0x99: {  	s4 =	simm.s32 $_scs_section_size  }
0x9a: {  	s5 =	simm.s32 $_size__tile_overlayer_lowered;
	s6 =	simm.s32 $_tile_overlayer_lowered  }
0x9b: {  	s22 =	simm.s32 $0x1BFF;
	s21 =	sshll.u32 s6, $0x1;
	s3 =	sadd.s32 s4, s19  }
0x9c: {  	s7 =	simm.s32 $0x0;
	s20 =	sshll.u32 s5, $0x1;
	s5 =	sadd.s32 s21, s3  }
0x9d: {  	[timem:s7], [sflag:s22] =	dma.local [hbm:s5], s20  }
0x9e: {  	_ =	swait.ge [sflag:s22], s20  }
0x9f: {  	s4 =	ssub.s32 $0x0, s20;
	[sflag:s22] =	ssyncset.done $0x0  }
0xa0: {  	[sflag:s22] =	ssyncadd.s32 s4;
	_ =	sdelay $0x1  }
0xa1: {  	s23 =	simm.s32 $0x1B8B  }
0xa2: {  	_ =	swait.ge [sflag:s23], $0x1  }
0xa3: {  	[sflag:s23] =	ssyncset.done $0x0  }
0xa4: {  	s25 =	simm.s32 $0x1B8E;
	s24 =	sld [smem:$0x3FFE];
	[sflag:s23] =	ssyncadd.s32 $0xFFFFFFFF  }
0xa5: {  	s26 =	simm.s32 $execute0_lowered;
	[smem:$0x3FD2] =	sst s25  }
0xa6: {  	s5 =	sshll.u32 s26, $0x1;
	_ =	strace $0x80000049;
	[dreg:$0x1] =	wrdreg $0xFFFFFFFF  }
0xa7: {  	s28 =	simm.s32 $_size_execute0_lowered;
	s3 =	sadd.s32 s3, s5;
	[dreg:$0x0] =	wrdreg $0x0  }
0xa8: {  	s5 =	sshll.u32 s28, $0x1;
	[dreg:$0x2] =	wrdreg s3  }
0xa9: {  	[dreg:$0x3] =	wrdreg s5  }
0xaa: {  	[dreg:$0x4] =	wrdreg $0xC0  }
0xab: {  	_ =	task [dreg:s7], $0x5FFFF  }
0xac: {  	[dreg:$0x1] =	wrdreg $0xFFFFFFFF  }
0xad: {  	[dreg:$0x0] =	wrdreg $0x60  }
0xae: {  	[dreg:$0x2] =	wrdreg s2  }
0xaf: {  	[dreg:$0x3] =	wrdreg s24  }
0xb0: {  	[dreg:$0x4] =	wrdreg $0x9  }
0xb1: {  	_ =	task.clear_ibuf [dreg:s7], $0x5FFFF;
	_ =	strace $0x90000049  }
0xb2: {  	s29 =	simm.s32 $0x9;
	_ =	strace $0x8000004B  }
0xb3: {  	_ =	swait.ge [sflag:s29], $0x1  }
0xb4: {  	[sflag:s29] =	ssyncadd.s32 $0xFFFFFFFF  }
0xb5: {  	_ =	strace $0x9000004B  }
0xb6: {  	_ =	sfence  }
0xb7: {  	s30 =	sld [smem:$0x0];
	_ =	sdelay $0x2  }
0xb8: {  	s31 =	sshll.u32 s1, $0xD;
	s1 =	sshrl.u32 s1, $0x2  }
0xb9: {  	s3 =	sand.u32 $0x4000, s31;
	s1 =	sadd.s32 s1, s30  }
0xba: {  	s0 =	sor.u32 s3, s0;
	s1 =	sshll.u32 s1, $0x11  }
0xbb: {  	s0 =	sor.u32 s1, s0  }
0xbc: {  	s0 =	sadd.s32 $0x8F2B, s0  }
0xbd: {  	[sflag:s0] =	ssyncadd.remote.s32 $0x1  }
0xbe: {  	_ =	sfence.sel $0xFFFF  }
0xbf: {  	[dreg:$0x0] =	wrdreg $0xFFFFFFFF;
	(pc) =	sbr.abs _section_cstart, $3  }
0xc0: {  	[dreg:$0x1] =	wrdreg $0xFFFFFFFF  }
0xc1: {  	_ =	task.clear_ibuf [dreg:s7], $0x2FFFF;
	_ =	strace $0x9FFFFFFF  }
0xc2: {  	(tm) =	ssettm $0x7FFFFFFF  }
0xc3: {  	_ =	shalt  }
tec
execute0_lowered:
.L_overlay_start_1:
0x0: {  	(tag) =	ssettag $0x1  }
0x1: {  	s1 =	rddreg [dreg:$0x0]  }
0x2: {  	s6 =	rddreg [dreg:$0x1]  }
0x3: {  	s0 =	rddreg [dreg:$0x2]  }
0x4: {  	s3 =	simm.s32 $0x0;
	s4 =	srdreg.scid;
	s2 =	stileid.u32  }
0x5: {  	s13 =	simm.s32 $0x800;
	s14 =	simm.s32 $0x1;
	s15 =	simm.s32 $0x1000  }
0x6: {  	s16 =	simm.s32 $0x400;
	s17 =	simm.s32 $0xC00;
	s18 =	simm.s32 $0x20  }
0x7: {  	s19 =	simm.s32 $0x2;
	s20 =	simm.s32 $0x3;
	s21 =	simm.s32 $0x4  }
0x8: {  	s22 =	simm.s32 $0x0;
	[smem:$0x7FF] =	sst s3;
	s4 =	sand.u32 $0x1, s4  }
0x9: {  	s5 =	sshll.u32 s2, $0xC;
	_ =	strace $0x8000004A;
	s7 =	sshll.u32 s4, $0xB  }
0xa: {  	s8 =	ssub.s32 $0x2, s4;
	s4 =	sadd.s32 $0x3D1800, s6;
	s10 =	sor.u32 s7, s5  }
0xb: {  	v0 =	vlaneseq.u32;
	s31 =	sshrl.u32 s8, $0x1;
	s5 =	sadd.s32 $0xE00, s6;
	s11 =	sadd.s32 s10, s6  }
0xc: {  	v0 =	vmul.u32 $0x20, v0;
	s12 =	ssub.s32 s8, s31;
	s6 =	sadd.s32 s1, s10;
	s9 =	sor.u32 $0x80, s10  }
0xd: {  	s7 =	sadd.s32 s4, s10;
	s10 =	sor.u32 $0x100, s10;
	s8 =	sadd.s32 s1, s9  }
0xe: {  	v1 =	vor.u32 $0x400, v0;
	v2 =	vor.u32 $0x200, v0;
	v3 =	vor.u32 $0x600, v0;
	s9 =	sadd.s32 s4, s9;
	s11 =	sadd.s32 $0x3E1800, s11;
	s12 =	smax.u32 s12, $0x1  }
.LBB2_1:
0xf: {  	[tilespmem:s3], [sflag:$0x1] =	stream.linear.gather [hbm4b:s6+s3], $0x400, $0x38;
	[tilespmem:$0x1B800] =	vst v63  }
0x10: {  	_ = 	snop  }
0x11: {  	[tilespmem:s13], [sflag:$0x1] =	stream.linear.gather [hbm4b:s7+s3], $0x400, $0x38;
	[tilespmem:$0x1B800] =	vst v63  }
0x12: {  	_ =	swait.ge [sflag:s14], $0x400  }
0x13: {  	[sflag:s14] =	ssyncset.done $0x0  }
0x14: {  	[sflag:s14] =	ssyncadd.s32 $0xFFFFFC00  }
0x15: {  	_ =	swait.ge [sflag:s14], $0x400  }
0x16: {  	[sflag:s14] =	ssyncset.done $0x0  }
0x17: {  	s24 =	simm.s32 $0x10;
	[sflag:s14] =	ssyncadd.s32 $0xFFFFFC00  }
0x18: {  	v5 =	vor.u32 s3, v0;
	v4 =	vld [tilespmem:s24+$0xFFFFFFF0];
	_ =	sdelay $0x4  }
0x19: {  	s23 =	simm.s32 $0x810;
	[tilespmem:v5+s15+$0x0] =	vst.idx.msk $0xffff, v4  }
0x1a: {  	v5 =	vor.u32 s3, v1;
	v4 =	vld [tilespmem:s23+$0xFFFFFFF0];
	_ =	sdelay $0x4  }
0x1b: {  	[tilespmem:v5+s15+$0x0] =	vst.idx.msk $0xffff, v4  }
0x1c: {  	v5 =	vor.u32 s3, v2;
	v4 =	vld [tilespmem:s24+$0x0];
	_ =	sdelay $0x4  }
0x1d: {  	[tilespmem:v5+s15+$0x0] =	vst.idx.msk $0xffff, v4  }
0x1e: {  	v5 =	vor.u32 s3, v3;
	v4 =	vld [tilespmem:s23+$0x0];
	_ =	sdelay $0x4  }
0x1f: {  	s25 =	simm.s32 $0x30;
	s24 =	simm.s32 $0x1;
	[tilespmem:v5+s15+$0x0] =	vst.idx.msk $0xffff, v4  }
0x20: {  	s26 =	simm.s32 $0x2;
	v5 =	vor.u32 s24, v0;
	v4 =	vld [tilespmem:s25+$0xFFFFFFF0]  }
.LBB2_2:
0x21: {  	p0 =	sne.s32 s26, $0x1F;
	_ =	sdelay $0x3  }
0x22: {  	s23 =	sadd.s32 $0x20, s23;
	[tilespmem:v5+s15+$0x0] =	vst.idx.msk $0xffff, v4  }
0x23: {  	v5 =	vor.u32 s24, v1;
	v4 =	vld [tilespmem:s23+$0xFFFFFFF0];
	_ =	sdelay $0x4  }
0x24: {  	[tilespmem:v5+s15+$0x0] =	vst.idx.msk $0xffff, v4  }
0x25: {  	v5 =	vor.u32 s24, v2;
	v4 =	vld [tilespmem:s25+$0x0];
	_ =	sdelay $0x4  }
0x26: {  	[tilespmem:v5+s15+$0x0] =	vst.idx.msk $0xffff, v4  }
0x27: {  	v5 =	vor.u32 s24, v3;
	s24 =	smov.u32 s26;
	v4 =	vld [tilespmem:s23+$0x0];
	_ =	sdelay $0x1  }
.Ltmp0:
0x28: {  	(pc) =	sbr.rel @p0 .LBB2_2-.Ltmp0, $3  }
0x29: {  	_ =	sdelay $0x1  }
0x2a: {  	s25 =	sadd.s32 $0x20, s25;
	[tilespmem:v5+s15+$0x0] =	vst.idx.msk $0xffff, v4  }
0x2b: {  	s26 =	sadd.s32 $0x1, s26;
	v5 =	vor.u32 s24, v0;
	v4 =	vld [tilespmem:s25+$0xFFFFFFF0]  }
0x2c: {  	_ =	sdelay $0x3  }
0x2d: {  	s23 =	sadd.s32 $0x20, s23;
	[tilespmem:v5+s15+$0x0] =	vst.idx.msk $0xffff, v4  }
0x2e: {  	v5 =	vor.u32 s24, v1;
	v4 =	vld [tilespmem:s23+$0xFFFFFFF0];
	_ =	sdelay $0x4  }
0x2f: {  	[tilespmem:v5+s15+$0x0] =	vst.idx.msk $0xffff, v4  }
0x30: {  	v5 =	vor.u32 s24, v2;
	v4 =	vld [tilespmem:s25+$0x0];
	_ =	sdelay $0x4  }
0x31: {  	[tilespmem:v5+s15+$0x0] =	vst.idx.msk $0xffff, v4  }
0x32: {  	v5 =	vor.u32 s24, v3;
	v4 =	vld [tilespmem:s23+$0x0];
	_ =	sdelay $0x4  }
0x33: {  	s23 =	simm.s32 $0x0;
	[tilespmem:v5+s15+$0x0] =	vst.idx.msk $0xffff, v4  }
0x34: {  	[tilespmem:s16], [sflag:$0x1] =	stream.linear.gather [hbm4b:s8+s23], $0x400, $0x38;
	[tilespmem:$0x1B800] =	vst v63  }
0x35: {  	_ = 	snop  }
0x36: {  	[tilespmem:s17], [sflag:$0x1] =	stream.linear.gather [hbm4b:s9+s23], $0x400, $0x38;
	[tilespmem:$0x1B800] =	vst v63  }
.LBB2_4:
0x37: {  	p0 =	sne.s32 s23, $0x0  }
.Ltmp1:
0x38: {  	_ = 	snop;
	(pc) =	sbr.rel @!p0 .LBB2_5-.Ltmp1, $1  }
0x39: {  	_ =	sdelay $0x3  }
0x3a: {  	p0 =	seq.s32 s23, $0xF  }
.Ltmp2:
0x3b: {  	_ = 	snop;
	(pc) =	sbr.rel @!p0 .LBB2_9-.Ltmp2, $1  }
0x3c: {  	_ =	sdelay $0x3  }
.Ltmp3:
0x3d: {  	(pc) =	sbr.rel .LBB2_22-.Ltmp3, $2  }
0x3e: {  	_ =	sdelay $0x2  }
0x3f: {  	s26 =	simm.s32 $0x1;
	s24 =	simm.s32 $0x10  }
.LBB2_9:
.Ltmp4:
0x40: {  	(pc) =	sbr.rel .LBB2_10-.Ltmp4, $2  }
0x41: {  	_ =	sdelay $0x2  }
0x42: {  	s24 =	sadd.s32 $0x1, s23  }
.LBB2_5:
0x43: {  	s24 =	simm.s32 $0x2000;
	s25 =	simm.s32 $0x0  }
.LBB2_6:
0x44: {  	p0 =	seq.s32 s25, $0x1880  }
.Ltmp5:
0x45: {  	_ = 	snop;
	(pc) =	sbr.rel @!p0 .LBB2_6-.Ltmp5, $4  }
0x46: {  	s26 =	sshra.s32 s25, $0x2  }
0x47: {  	s26 =	sadd.s32 $0x1000, s26  }
0x48: {  	[tilespmem:s24], [sflag:$0x2] =	stream.indirect.gather [hbm4b:s5+s18], $0x20, s26, s18, $0xb8;
	[tilespmem:$0x1B800] =	vst v63  }
0x49: {  	s25 =	sadd.s32 $0x80, s25;
	s24 =	sadd.s32 $0x400, s24  }
0x4a: {  	s24 =	simm.s32 $0x1  }
.LBB2_10:
0x4b: {  	_ =	swait.ge [sflag:s14], $0x400  }
0x4c: {  	[sflag:s14] =	ssyncset.done $0x0  }
0x4d: {  	[sflag:s14] =	ssyncadd.s32 $0xFFFFFC00  }
0x4e: {  	s28 =	sand.u32 $0x1, s24;
	_ =	swait.ge [sflag:s14], $0x400  }
0x4f: {  	s26 =	sshll.u32 s28, $0xA;
	[sflag:s14] =	ssyncset.done $0x0  }
0x50: {  	s29 =	simm.s32 $0x0;
	s30 =	sor.u32 $0x10, s26;
	[sflag:s14] =	ssyncadd.s32 $0xFFFFFC00  }
0x51: {  	v5 =	vor.u32 s29, v0;
	v4 =	vld [tilespmem:s30+$0xFFFFFFF0];
	_ =	sdelay $0x2  }
0x52: {  	s25 =	sshll.u32 s28, $0xB  }
0x53: {  	s25 =	sor.u32 $0x1000, s25  }
0x54: {  	s26 =	sor.u32 $0x810, s26;
	[tilespmem:v5+s25+$0x0] =	vst.idx.msk $0xffff, v4  }
0x55: {  	v5 =	vor.u32 s29, v1;
	v4 =	vld [tilespmem:s26+$0xFFFFFFF0];
	_ =	sdelay $0x4  }
0x56: {  	[tilespmem:v5+s25+$0x0] =	vst.idx.msk $0xffff, v4  }
0x57: {  	v5 =	vor.u32 s29, v2;
	v4 =	vld [tilespmem:s30+$0x0];
	_ =	sdelay $0x4  }
0x58: {  	[tilespmem:v5+s25+$0x0] =	vst.idx.msk $0xffff, v4  }
0x59: {  	v5 =	vor.u32 s29, v3;
	v4 =	vld [tilespmem:s26+$0x0];
	_ =	sdelay $0x4  }
0x5a: {  	s30 =	sadd.s32 $0x20, s30;
	s29 =	simm.s32 $0x1;
	[tilespmem:v5+s25+$0x0] =	vst.idx.msk $0xffff, v4  }
0x5b: {  	s31 =	simm.s32 $0x2;
	v5 =	vor.u32 s29, v0;
	v4 =	vld [tilespmem:s30+$0xFFFFFFF0]  }
.LBB2_11:
0x5c: {  	p0 =	sne.s32 s31, $0x1F;
	_ =	sdelay $0x3  }
0x5d: {  	s26 =	sadd.s32 $0x20, s26;
	[tilespmem:v5+s25+$0x0] =	vst.idx.msk $0xffff, v4  }
0x5e: {  	v5 =	vor.u32 s29, v1;
	v4 =	vld [tilespmem:s26+$0xFFFFFFF0];
	_ =	sdelay $0x4  }
0x5f: {  	[tilespmem:v5+s25+$0x0] =	vst.idx.msk $0xffff, v4  }
0x60: {  	v5 =	vor.u32 s29, v2;
	v4 =	vld [tilespmem:s30+$0x0];
	_ =	sdelay $0x4  }
0x61: {  	[tilespmem:v5+s25+$0x0] =	vst.idx.msk $0xffff, v4  }
0x62: {  	v5 =	vor.u32 s29, v3;
	s29 =	smov.u32 s31;
	v4 =	vld [tilespmem:s26+$0x0];
	_ =	sdelay $0x1  }
.Ltmp6:
0x63: {  	(pc) =	sbr.rel @p0 .LBB2_11-.Ltmp6, $3  }
0x64: {  	_ =	sdelay $0x1  }
0x65: {  	s30 =	sadd.s32 $0x20, s30;
	[tilespmem:v5+s25+$0x0] =	vst.idx.msk $0xffff, v4  }
0x66: {  	s31 =	sadd.s32 $0x1, s31;
	v5 =	vor.u32 s29, v0;
	v4 =	vld [tilespmem:s30+$0xFFFFFFF0]  }
0x67: {  	_ =	sdelay $0x3  }
0x68: {  	s26 =	sadd.s32 $0x20, s26;
	[tilespmem:v5+s25+$0x0] =	vst.idx.msk $0xffff, v4  }
0x69: {  	v5 =	vor.u32 s29, v1;
	v4 =	vld [tilespmem:s26+$0xFFFFFFF0];
	_ =	sdelay $0x4  }
0x6a: {  	[tilespmem:v5+s25+$0x0] =	vst.idx.msk $0xffff, v4  }
0x6b: {  	v5 =	vor.u32 s29, v2;
	v4 =	vld [tilespmem:s30+$0x0];
	_ =	sdelay $0x4  }
0x6c: {  	s31 =	sand.u32 $0x1, s23;
	[tilespmem:v5+s25+$0x0] =	vst.idx.msk $0xffff, v4  }
0x6d: {  	p0 =	seq.s32 s31, $0x1;
	v5 =	vor.u32 s29, v3;
	v4 =	vld [tilespmem:s26+$0x0]  }
.Ltmp7:
0x6e: {  	_ = 	snop;
	(pc) =	sbr.rel @p0 .LBB2_16-.Ltmp7, $2  }
0x6f: {  	_ =	sdelay $0x2  }
0x70: {  	s28 =	smul.u32 $0x32000, s28;
	s26 =	sand.u32 $0x1, s23;
	[tilespmem:v5+s25+$0x0] =	vst.idx.msk $0xffff, v4  }
0x71: {  	_ = 	snop  }
0x72: {  	s29 =	sshrl.u32 s28, $0x2  }
0x73: {  	s30 =	simm.s32 $0x1800;
	s29 =	sadd.s32 $0x2000, s29  }
0x74: {  	[tilespmem:s29], [sflag:$0x3] =	stream.indirect.gather [hbm4b:s5+s18], $0x20, s30, s18, $0xb8;
	[tilespmem:$0x1B800] =	vst v63  }
0x75: {  	s30 =	simm.s32 $0x80  }
.LBB2_14:
0x76: {  	p1 =	sne.s32 s30, $0x1880  }
.Ltmp8:
0x77: {  	_ = 	snop;
	(pc) =	sbr.rel @p1 .LBB2_14-.Ltmp8, $4  }
0x78: {  	_ = 	snop  }
0x79: {  	s31 =	sshra.s32 s30, $0x2;
	s30 =	sadd.s32 $0x80, s30  }
0x7a: {  	s29 =	sadd.s32 $0x400, s29;
	s31 =	sadd.s32 $0x1800, s31  }
0x7b: {  	[tilespmem:s29], [sflag:$0x3] =	stream.indirect.gather [hbm4b:s5+s18], $0x20, s31, s18, $0xb8;
	[tilespmem:$0x1B800] =	vst v63  }
0x7c: {  	p1 =	seq.s32 s26, $0x0  }
.Ltmp9:
0x7d: {  	_ = 	snop;
	(pc) =	sbr.rel @p1 .LBB2_18-.Ltmp9, $1  }
0x7e: {  	_ =	sdelay $0x3  }
.LBB2_16:
0x7f: {  	_ = 	snop  }
0x80: {  	s28 =	sshrl.u32 s28, $0x2  }
0x81: {  	s29 =	sadd.s32 $0x0, s25;
	s28 =	sadd.s32 $0x2000, s28  }
0x82: {  	[tilespmem:s28], [sflag:$0x2] =	stream.indirect.gather [hbm4b:s5+s18], $0x20, s29, s18, $0xb8;
	[tilespmem:$0x1B800] =	vst v63  }
0x83: {  	s29 =	simm.s32 $0x80  }
.LBB2_17:
0x84: {  	p1 =	sne.s32 s29, $0x1880  }
.Ltmp10:
0x85: {  	_ = 	snop;
	(pc) =	sbr.rel @p1 .LBB2_17-.Ltmp10, $4  }
0x86: {  	_ = 	snop  }
0x87: {  	s30 =	sshra.s32 s29, $0x2;
	s29 =	sadd.s32 $0x80, s29  }
0x88: {  	s28 =	sadd.s32 $0x400, s28;
	s30 =	sadd.s32 s30, s25  }
0x89: {  	[tilespmem:s28], [sflag:$0x2] =	stream.indirect.gather [hbm4b:s5+s18], $0x20, s30, s18, $0xb8;
	[tilespmem:$0x1B800] =	vst v63  }
.LBB2_18:
0x8a: {  	p1 =	sgt.u32 s23, $0xD  }
0x8b: {  	s25 =	sshll.u32 @!p1 s23, $0x7  }
0x8c: {  	s28 =	sshll.u32 @!p1 s23, $0xA;
	s30 =	simm.s32 @!p1 $0x0;
	s25 =	sadd.s32 @!p1 s25, s10  }
.Ltmp11:
0x8d: {  	s28 =	sand.u32 @!p1 $0x400, s28;
	s29 =	sadd.s32 @!p1 s1, s25;
	(pc) =	sbr.rel @p0 .LBB2_22-.Ltmp11, $4  }
0x8e: {  	[tilespmem:s28], [sflag:$0x1] =	stream.linear.gather @!p1 [hbm4b:s29+s30], $0x400, $0x38;
	[tilespmem:$0x1B800] =	vst v63  }
0x8f: {  	s25 =	sadd.s32 @!p1 s4, s25;
	s28 =	sor.u32 @!p1 $0x800, s28  }
0x90: {  	[tilespmem:s28], [sflag:$0x1] =	stream.linear.gather @!p1 [hbm4b:s25+s30], $0x400, $0x38;
	[tilespmem:$0x1B800] =	vst v63  }
0x91: {  	s25 =	simm.s32 $0x32  }
0x92: {  	_ =	swait.ge [sflag:s19], $0x400  }
0x93: {  	s25 =	sadd.s32 $0xFFFFFFFF, s25;
	[sflag:s19] =	ssyncset.done $0x0  }
.LBB2_20:
0x94: {  	p0 =	sne.s32 s25, $0x1;
	s25 =	sadd.s32 $0xFFFFFFFF, s25;
	[sflag:s19] =	ssyncadd.s32 $0xFFFFFC00  }
.Ltmp12:
0x95: {  	(pc) =	sbr.rel @p0 .LBB2_20-.Ltmp12, $3  }
0x96: {  	_ =	sdelay $0x1  }
0x97: {  	_ =	swait.ge [sflag:s19], $0x400  }
0x98: {  	[sflag:s19] =	ssyncset.done $0x0  }
0x99: {  	p0 =	seq.s32 s26, $0x0  }
.Ltmp13:
0x9a: {  	_ = 	snop;
	(pc) =	sbr.rel @p0 .LBB2_25-.Ltmp13, $2  }
0x9b: {  	_ =	sdelay $0x2  }
0x9c: {  	[sflag:s19] =	ssyncadd.s32 $0xFFFFFC00;
	s26 =	simm.s32 $0x1;
	s28 =	simm.s32 $0x0  }
.LBB2_22:
0x9d: {  	_ =	swait.ge [sflag:s20], $0x400  }
0x9e: {  	s25 =	simm.s32 $0x31;
	[sflag:s20] =	ssyncset.done $0x0  }
.LBB2_23:
0x9f: {  	p0 =	sne.s32 s25, $0x1;
	s25 =	sadd.s32 $0xFFFFFFFF, s25;
	[sflag:s20] =	ssyncadd.s32 $0xFFFFFC00  }
.Ltmp14:
0xa0: {  	(pc) =	sbr.rel @p0 .LBB2_23-.Ltmp14, $3  }
0xa1: {  	_ =	sdelay $0x1  }
0xa2: {  	_ =	swait.ge [sflag:s20], $0x400  }
0xa3: {  	[sflag:s20] =	ssyncset.done $0x0  }
0xa4: {  	[sflag:s20] =	ssyncadd.s32 $0xFFFFFC00;
	s28 =	smov.u32 s26  }
.LBB2_25:
0xa5: {  	s25 =	smul.u32 $0x32000, s28;
	_ =	sdelay $0x1  }
0xa6: {  	s25 =	sshrl.u32 s25, $0x2  }
0xa7: {  	s25 =	sadd.s32 $0x2000, s25  }
0xa8: {  	p0 =	slt.u32 s23, $0x2;
	v4 =	vmov s25  }
0xa9: {  	s25 =	simm.s32 @!p0 $0x4  }
0xaa: {  	_ =	swait.ge @!p0 [sflag:s25], $0x400  }
0xab: {  	[sflag:s25] =	ssyncset.done @!p0 $0x0  }
0xac: {  	[sflag:s25] =	ssyncadd.s32 @!p0 $0xFFFFFC00;
	s25 =	simm.s32 $0x0  }
0xad: {  	s26 =	sshll.u32 s28, $0xA;
	v6 =	vld.idx.msk [tilespmem:v4+s25+$0x400 ss:$0x1], $0xffff  }
0xae: {  	s28 =	sor.u32 $0x1B010, s26;
	v7 =	vld.idx.msk [tilespmem:v4+s25+$0x0 ss:$0x1], $0xffff  }
0xaf: {  	s26 =	sor.u32 $0x1B000, s26;
	v5 =	vmov s28;
	s28 =	simm.s32 $0x80;
	v8 =	vld.idx.msk [tilespmem:v4+s25+$0x410 ss:$0x1], $0xffff  }
.LBB2_26:
0xb0: {  	p0 =	sne.s32 s28, $0xF80;
	v9 =	vld.idx.msk [tilespmem:v4+s25+$0x10 ss:$0x1], $0xffff  }
0xb1: {  	v10 =	vld.idx.msk [tilespmem:v4+s25+$0x800 ss:$0x1], $0xffff  }
0xb2: {  	v11 =	vld.idx.msk [tilespmem:v4+s25+$0x810 ss:$0x1], $0xffff  }
0xb3: {  	v12 =	vld.idx.msk [tilespmem:v4+s25+$0xC00 ss:$0x1], $0xffff  }
0xb4: {  	v13 =	vld.idx.msk [tilespmem:v4+s25+$0xC10 ss:$0x1], $0xffff  }
0xb5: {  	v6 =	vadd.f32 v6, v7;
	v7 =	vld.idx.msk [tilespmem:v4+s25+$0x1000 ss:$0x1], $0xffff  }
0xb6: {  	v8 =	vadd.f32 v8, v9;
	v9 =	vld.idx.msk [tilespmem:v4+s25+$0x1010 ss:$0x1], $0xffff  }
0xb7: {  	v6 =	vadd.f32 v10, v6;
	v10 =	vld.idx.msk [tilespmem:v4+s25+$0x1400 ss:$0x1], $0xffff  }
0xb8: {  	v8 =	vadd.f32 v11, v8;
	v11 =	vld.idx.msk [tilespmem:v4+s25+$0x1410 ss:$0x1], $0xffff  }
0xb9: {  	v6 =	vadd.f32 v12, v6;
	v12 =	vld.idx.msk [tilespmem:v4+s25+$0x1800 ss:$0x1], $0xffff  }
0xba: {  	v8 =	vadd.f32 v13, v8;
	v13 =	vld.idx.msk [tilespmem:v4+s25+$0x1810 ss:$0x1], $0xffff  }
0xbb: {  	v6 =	vadd.f32 v7, v6;
	v7 =	vld.idx.msk [tilespmem:v4+s25+$0x1C00 ss:$0x1], $0xffff  }
0xbc: {  	v8 =	vadd.f32 v9, v8;
	v9 =	vld.idx.msk [tilespmem:v4+s25+$0x1C10 ss:$0x1], $0xffff  }
0xbd: {  	v6 =	vadd.f32 v10, v6;
	v10 =	vld.idx.msk [tilespmem:v4+s25+$0x2000 ss:$0x1], $0xffff  }
0xbe: {  	v8 =	vadd.f32 v11, v8;
	v11 =	vld.idx.msk [tilespmem:v4+s25+$0x2010 ss:$0x1], $0xffff  }
0xbf: {  	v6 =	vadd.f32 v12, v6;
	v12 =	vld.idx.msk [tilespmem:v4+s25+$0x2400 ss:$0x1], $0xffff  }
0xc0: {  	v8 =	vadd.f32 v13, v8;
	v13 =	vld.idx.msk [tilespmem:v4+s25+$0x2410 ss:$0x1], $0xffff  }
0xc1: {  	v6 =	vadd.f32 v7, v6;
	v7 =	vld.idx.msk [tilespmem:v4+s25+$0x2800 ss:$0x1], $0xffff  }
0xc2: {  	v8 =	vadd.f32 v9, v8;
	v9 =	vld.idx.msk [tilespmem:v4+s25+$0x2810 ss:$0x1], $0xffff  }
0xc3: {  	v6 =	vadd.f32 v10, v6;
	v10 =	vld.idx.msk [tilespmem:v4+s25+$0x2C00 ss:$0x1], $0xffff  }
0xc4: {  	v8 =	vadd.f32 v11, v8;
	v11 =	vld.idx.msk [tilespmem:v4+s25+$0x2C10 ss:$0x1], $0xffff  }
0xc5: {  	v6 =	vadd.f32 v12, v6;
	v12 =	vld.idx.msk [tilespmem:v4+s25+$0x3000 ss:$0x1], $0xffff  }
0xc6: {  	v8 =	vadd.f32 v13, v8;
	v13 =	vld.idx.msk [tilespmem:v4+s25+$0x3010 ss:$0x1], $0xffff  }
0xc7: {  	v6 =	vadd.f32 v7, v6;
	v7 =	vld.idx.msk [tilespmem:v4+s25+$0x3400 ss:$0x1], $0xffff  }
0xc8: {  	v8 =	vadd.f32 v9, v8;
	v9 =	vld.idx.msk [tilespmem:v4+s25+$0x3410 ss:$0x1], $0xffff  }
0xc9: {  	v6 =	vadd.f32 v10, v6;
	v10 =	vld.idx.msk [tilespmem:v4+s25+$0x3800 ss:$0x1], $0xffff  }
0xca: {  	v8 =	vadd.f32 v11, v8;
	v11 =	vld.idx.msk [tilespmem:v4+s25+$0x3810 ss:$0x1], $0xffff  }
0xcb: {  	v6 =	vadd.f32 v12, v6;
	v12 =	vld.idx.msk [tilespmem:v4+s25+$0x3C00 ss:$0x1], $0xffff  }
0xcc: {  	v8 =	vadd.f32 v13, v8;
	v13 =	vld.idx.msk [tilespmem:v4+s25+$0x3C10 ss:$0x1], $0xffff  }
0xcd: {  	v6 =	vadd.f32 v7, v6;
	v7 =	vld.idx.msk [tilespmem:v4+s25+$0x4000 ss:$0x1], $0xffff  }
0xce: {  	v8 =	vadd.f32 v9, v8;
	v9 =	vld.idx.msk [tilespmem:v4+s25+$0x4010 ss:$0x1], $0xffff  }
0xcf: {  	v6 =	vadd.f32 v10, v6;
	v10 =	vld.idx.msk [tilespmem:v4+s25+$0x4400 ss:$0x1], $0xffff  }
0xd0: {  	v8 =	vadd.f32 v11, v8;
	v11 =	vld.idx.msk [tilespmem:v4+s25+$0x4410 ss:$0x1], $0xffff  }
0xd1: {  	v6 =	vadd.f32 v12, v6;
	v12 =	vld.idx.msk [tilespmem:v4+s25+$0x4800 ss:$0x1], $0xffff  }
0xd2: {  	v8 =	vadd.f32 v13, v8;
	v13 =	vld.idx.msk [tilespmem:v4+s25+$0x4810 ss:$0x1], $0xffff  }
0xd3: {  	v6 =	vadd.f32 v7, v6;
	v7 =	vld.idx.msk [tilespmem:v4+s25+$0x4C00 ss:$0x1], $0xffff  }
0xd4: {  	v8 =	vadd.f32 v9, v8;
	v9 =	vld.idx.msk [tilespmem:v4+s25+$0x4C10 ss:$0x1], $0xffff  }
0xd5: {  	v6 =	vadd.f32 v10, v6;
	v10 =	vld.idx.msk [tilespmem:v4+s25+$0x5000 ss:$0x1], $0xffff  }
0xd6: {  	v8 =	vadd.f32 v11, v8;
	v11 =	vld.idx.msk [tilespmem:v4+s25+$0x5010 ss:$0x1], $0xffff  }
0xd7: {  	v6 =	vadd.f32 v12, v6;
	v12 =	vld.idx.msk [tilespmem:v4+s25+$0x5400 ss:$0x1], $0xffff  }
0xd8: {  	v8 =	vadd.f32 v13, v8;
	v13 =	vld.idx.msk [tilespmem:v4+s25+$0x5410 ss:$0x1], $0xffff  }
0xd9: {  	v6 =	vadd.f32 v7, v6;
	v7 =	vld.idx.msk [tilespmem:v4+s25+$0x5800 ss:$0x1], $0xffff  }
0xda: {  	v8 =	vadd.f32 v9, v8;
	v9 =	vld.idx.msk [tilespmem:v4+s25+$0x5810 ss:$0x1], $0xffff  }
0xdb: {  	v6 =	vadd.f32 v10, v6;
	v10 =	vld.idx.msk [tilespmem:v4+s25+$0x5C00 ss:$0x1], $0xffff  }
0xdc: {  	v8 =	vadd.f32 v11, v8;
	v11 =	vld.idx.msk [tilespmem:v4+s25+$0x5C10 ss:$0x1], $0xffff  }
0xdd: {  	v6 =	vadd.f32 v12, v6;
	v12 =	vld.idx.msk [tilespmem:v4+s25+$0x6000 ss:$0x1], $0xffff  }
0xde: {  	v8 =	vadd.f32 v13, v8;
	v13 =	vld.idx.msk [tilespmem:v4+s25+$0x6010 ss:$0x1], $0xffff  }
0xdf: {  	v6 =	vadd.f32 v7, v6;
	v7 =	vld.idx.msk [tilespmem:v4+s25+$0x6400 ss:$0x1], $0xffff  }
0xe0: {  	v8 =	vadd.f32 v9, v8;
	v9 =	vld.idx.msk [tilespmem:v4+s25+$0x6410 ss:$0x1], $0xffff  }
0xe1: {  	v6 =	vadd.f32 v10, v6;
	v10 =	vld.idx.msk [tilespmem:v4+s25+$0x6800 ss:$0x1], $0xffff  }
0xe2: {  	v8 =	vadd.f32 v11, v8;
	v11 =	vld.idx.msk [tilespmem:v4+s25+$0x6810 ss:$0x1], $0xffff  }
0xe3: {  	v6 =	vadd.f32 v12, v6;
	v12 =	vld.idx.msk [tilespmem:v4+s25+$0x6C00 ss:$0x1], $0xffff  }
0xe4: {  	v8 =	vadd.f32 v13, v8;
	v13 =	vld.idx.msk [tilespmem:v4+s25+$0x6C10 ss:$0x1], $0xffff  }
0xe5: {  	v6 =	vadd.f32 v7, v6;
	v7 =	vld.idx.msk [tilespmem:v4+s25+$0x7000 ss:$0x1], $0xffff  }
0xe6: {  	v8 =	vadd.f32 v9, v8;
	v9 =	vld.idx.msk [tilespmem:v4+s25+$0x7010 ss:$0x1], $0xffff  }
0xe7: {  	v6 =	vadd.f32 v10, v6;
	v10 =	vld.idx.msk [tilespmem:v4+s25+$0x7400 ss:$0x1], $0xffff  }
0xe8: {  	v8 =	vadd.f32 v11, v8;
	v11 =	vld.idx.msk [tilespmem:v4+s25+$0x7410 ss:$0x1], $0xffff  }
0xe9: {  	v6 =	vadd.f32 v12, v6;
	v12 =	vld.idx.msk [tilespmem:v4+s25+$0x7800 ss:$0x1], $0xffff  }
0xea: {  	v8 =	vadd.f32 v13, v8;
	v13 =	vld.idx.msk [tilespmem:v4+s25+$0x7810 ss:$0x1], $0xffff  }
0xeb: {  	v6 =	vadd.f32 v7, v6;
	v7 =	vld.idx.msk [tilespmem:v4+s25+$0x7C00 ss:$0x1], $0xffff  }
0xec: {  	v8 =	vadd.f32 v9, v8;
	v9 =	vld.idx.msk [tilespmem:v4+s25+$0x7C10 ss:$0x1], $0xffff  }
0xed: {  	v6 =	vadd.f32 v10, v6;
	v10 =	vld.idx.msk [tilespmem:v4+s25+$0x8000 ss:$0x1], $0xffff  }
0xee: {  	v8 =	vadd.f32 v11, v8;
	v11 =	vld.idx.msk [tilespmem:v4+s25+$0x8010 ss:$0x1], $0xffff  }
0xef: {  	v6 =	vadd.f32 v12, v6;
	v12 =	vld.idx.msk [tilespmem:v4+s25+$0x8400 ss:$0x1], $0xffff  }
0xf0: {  	v8 =	vadd.f32 v13, v8;
	v13 =	vld.idx.msk [tilespmem:v4+s25+$0x8410 ss:$0x1], $0xffff  }
0xf1: {  	v6 =	vadd.f32 v7, v6;
	v7 =	vld.idx.msk [tilespmem:v4+s25+$0x8800 ss:$0x1], $0xffff  }
0xf2: {  	v8 =	vadd.f32 v9, v8;
	v9 =	vld.idx.msk [tilespmem:v4+s25+$0x8810 ss:$0x1], $0xffff  }
0xf3: {  	v6 =	vadd.f32 v10, v6;
	v10 =	vld.idx.msk [tilespmem:v4+s25+$0x8C00 ss:$0x1], $0xffff  }
0xf4: {  	v8 =	vadd.f32 v11, v8;
	v11 =	vld.idx.msk [tilespmem:v4+s25+$0x8C10 ss:$0x1], $0xffff  }
0xf5: {  	v6 =	vadd.f32 v12, v6;
	v12 =	vld.idx.msk [tilespmem:v4+s25+$0x9000 ss:$0x1], $0xffff  }
0xf6: {  	v8 =	vadd.f32 v13, v8;
	v13 =	vld.idx.msk [tilespmem:v4+s25+$0x9010 ss:$0x1], $0xffff  }
0xf7: {  	v6 =	vadd.f32 v7, v6;
	v7 =	vld.idx.msk [tilespmem:v4+s25+$0x9400 ss:$0x1], $0xffff  }
0xf8: {  	v8 =	vadd.f32 v9, v8;
	v9 =	vld.idx.msk [tilespmem:v4+s25+$0x9410 ss:$0x1], $0xffff  }
0xf9: {  	v6 =	vadd.f32 v10, v6;
	v10 =	vld.idx.msk [tilespmem:v4+s25+$0x9800 ss:$0x1], $0xffff  }
0xfa: {  	v8 =	vadd.f32 v11, v8;
	v11 =	vld.idx.msk [tilespmem:v4+s25+$0x9810 ss:$0x1], $0xffff  }
0xfb: {  	v6 =	vadd.f32 v12, v6;
	v12 =	vld.idx.msk [tilespmem:v4+s25+$0x9C00 ss:$0x1], $0xffff  }
0xfc: {  	v8 =	vadd.f32 v13, v8;
	v13 =	vld.idx.msk [tilespmem:v4+s25+$0x9C10 ss:$0x1], $0xffff  }
0xfd: {  	v6 =	vadd.f32 v7, v6;
	v7 =	vld.idx.msk [tilespmem:v4+s25+$0xA000 ss:$0x1], $0xffff  }
0xfe: {  	v8 =	vadd.f32 v9, v8;
	v9 =	vld.idx.msk [tilespmem:v4+s25+$0xA010 ss:$0x1], $0xffff  }
0xff: {  	v6 =	vadd.f32 v10, v6;
	v10 =	vld.idx.msk [tilespmem:v4+s25+$0xA400 ss:$0x1], $0xffff  }
0x100: {  	v8 =	vadd.f32 v11, v8;
	v11 =	vld.idx.msk [tilespmem:v4+s25+$0xA410 ss:$0x1], $0xffff  }
0x101: {  	v6 =	vadd.f32 v12, v6;
	v12 =	vld.idx.msk [tilespmem:v4+s25+$0xA800 ss:$0x1], $0xffff  }
0x102: {  	v8 =	vadd.f32 v13, v8;
	v13 =	vld.idx.msk [tilespmem:v4+s25+$0xA810 ss:$0x1], $0xffff  }
0x103: {  	v6 =	vadd.f32 v7, v6;
	v7 =	vld.idx.msk [tilespmem:v4+s25+$0xAC00 ss:$0x1], $0xffff  }
0x104: {  	v8 =	vadd.f32 v9, v8;
	v9 =	vld.idx.msk [tilespmem:v4+s25+$0xAC10 ss:$0x1], $0xffff  }
0x105: {  	v6 =	vadd.f32 v10, v6;
	v10 =	vld.idx.msk [tilespmem:v4+s25+$0xB000 ss:$0x1], $0xffff  }
0x106: {  	v8 =	vadd.f32 v11, v8;
	v11 =	vld.idx.msk [tilespmem:v4+s25+$0xB010 ss:$0x1], $0xffff  }
0x107: {  	v6 =	vadd.f32 v12, v6;
	v12 =	vld.idx.msk [tilespmem:v4+s25+$0xB400 ss:$0x1], $0xffff  }
0x108: {  	v8 =	vadd.f32 v13, v8;
	v13 =	vld.idx.msk [tilespmem:v4+s25+$0xB410 ss:$0x1], $0xffff  }
0x109: {  	v6 =	vadd.f32 v7, v6;
	v7 =	vld.idx.msk [tilespmem:v4+s25+$0xB800 ss:$0x1], $0xffff  }
0x10a: {  	v8 =	vadd.f32 v9, v8;
	v9 =	vld.idx.msk [tilespmem:v4+s25+$0xB810 ss:$0x1], $0xffff  }
0x10b: {  	v6 =	vadd.f32 v10, v6;
	v10 =	vld.idx.msk [tilespmem:v4+s25+$0xBC00 ss:$0x1], $0xffff  }
0x10c: {  	v8 =	vadd.f32 v11, v8;
	v11 =	vld.idx.msk [tilespmem:v4+s25+$0xBC10 ss:$0x1], $0xffff  }
0x10d: {  	v6 =	vadd.f32 v12, v6;
	v12 =	vld.idx.msk [tilespmem:v4+s25+$0xC000 ss:$0x1], $0xffff  }
0x10e: {  	v8 =	vadd.f32 v13, v8;
	v13 =	vld.idx.msk [tilespmem:v4+s25+$0xC010 ss:$0x1], $0xffff  }
0x10f: {  	v6 =	vadd.f32 v7, v6;
	v7 =	vld.idx.msk [tilespmem:v4+s25+$0xC400 ss:$0x1], $0xffff  }
0x110: {  	v8 =	vadd.f32 v9, v8;
	v9 =	vld.idx.msk [tilespmem:v4+s25+$0xC410 ss:$0x1], $0xffff  }
0x111: {  	v6 =	vadd.f32 v10, v6  }
0x112: {  	v8 =	vadd.f32 v11, v8  }
0x113: {  	v6 =	vadd.f32 v12, v6  }
0x114: {  	v8 =	vadd.f32 v13, v8  }
0x115: {  	v6 =	vadd.f32 v7, v6  }
0x116: {  	v7 =	vadd.f32 v9, v8  }
0x117: {  	v6 =	vmul.f32 $1.999999960e-02, v6  }
0x118: {  	v7 =	vmul.f32 $1.999999960e-02, v7  }
.Ltmp15:
0x119: {  	[tilespmem:v5+s25+$0xFFFFFFF0 ss:$0x1] =	vst.idx.msk $0xffff, v6;
	(pc) =	sbr.rel @p0 .LBB2_26-.Ltmp15, $4  }
0x11a: {  	[tilespmem:v5+s25+$0x0 ss:$0x1] =	vst.idx.msk $0xffff, v7;
	s25 =	sshra.s32 s28, $0x2  }
0x11b: {  	v6 =	vld.idx.msk [tilespmem:v4+s25+$0x400 ss:$0x1], $0xffff  }
0x11c: {  	v7 =	vld.idx.msk [tilespmem:v4+s25+$0x0 ss:$0x1], $0xffff  }
0x11d: {  	s28 =	sadd.s32 $0x80, s28;
	v8 =	vld.idx.msk [tilespmem:v4+s25+$0x410 ss:$0x1], $0xffff  }
0x11e: {  	_ =	sdelay $0x3  }
0x11f: {  	v9 =	vld.idx.msk [tilespmem:v4+s25+$0x10 ss:$0x1], $0xffff  }
0x120: {  	v10 =	vld.idx.msk [tilespmem:v4+s25+$0x800 ss:$0x1], $0xffff  }
0x121: {  	v11 =	vld.idx.msk [tilespmem:v4+s25+$0x810 ss:$0x1], $0xffff  }
0x122: {  	v12 =	vld.idx.msk [tilespmem:v4+s25+$0xC00 ss:$0x1], $0xffff  }
0x123: {  	v13 =	vld.idx.msk [tilespmem:v4+s25+$0xC10 ss:$0x1], $0xffff;
	v6 =	vadd.f32 v6, v7  }
0x124: {  	v21 =	vld.idx.msk [tilespmem:v4+s25+$0x1000 ss:$0x1], $0xffff;
	v8 =	vadd.f32 v8, v9  }
0x125: {  	v22 =	vld.idx.msk [tilespmem:v4+s25+$0x1010 ss:$0x1], $0xffff;
	v6 =	vadd.f32 v10, v6  }
0x126: {  	v23 =	vld.idx.msk [tilespmem:v4+s25+$0x1400 ss:$0x1], $0xffff;
	v8 =	vadd.f32 v11, v8  }
0x127: {  	v24 =	vld.idx.msk [tilespmem:v4+s25+$0x1410 ss:$0x1], $0xffff;
	v6 =	vadd.f32 v12, v6  }
0x128: {  	v25 =	vld.idx.msk [tilespmem:v4+s25+$0x1800 ss:$0x1], $0xffff;
	v8 =	vadd.f32 v13, v8  }
0x129: {  	v26 =	vld.idx.msk [tilespmem:v4+s25+$0x1810 ss:$0x1], $0xffff;
	v6 =	vadd.f32 v21, v6  }
0x12a: {  	v27 =	vld.idx.msk [tilespmem:v4+s25+$0x1C00 ss:$0x1], $0xffff;
	v8 =	vadd.f32 v22, v8  }
0x12b: {  	v28 =	vld.idx.msk [tilespmem:v4+s25+$0x1C10 ss:$0x1], $0xffff;
	v6 =	vadd.f32 v23, v6  }
0x12c: {  	v29 =	vld.idx.msk [tilespmem:v4+s25+$0x2000 ss:$0x1], $0xffff;
	v8 =	vadd.f32 v24, v8  }
0x12d: {  	v30 =	vld.idx.msk [tilespmem:v4+s25+$0x2010 ss:$0x1], $0xffff;
	v6 =	vadd.f32 v25, v6  }
0x12e: {  	v31 =	vld.idx.msk [tilespmem:v4+s25+$0x2400 ss:$0x1], $0xffff;
	v8 =	vadd.f32 v26, v8  }
0x12f: {  	v32 =	vld.idx.msk [tilespmem:v4+s25+$0x2410 ss:$0x1], $0xffff;
	v6 =	vadd.f32 v27, v6  }
0x130: {  	v33 =	vld.idx.msk [tilespmem:v4+s25+$0x2800 ss:$0x1], $0xffff;
	v8 =	vadd.f32 v28, v8  }
0x131: {  	v34 =	vld.idx.msk [tilespmem:v4+s25+$0x2810 ss:$0x1], $0xffff;
	v6 =	vadd.f32 v29, v6  }
0x132: {  	v35 =	vld.idx.msk [tilespmem:v4+s25+$0x2C00 ss:$0x1], $0xffff;
	v8 =	vadd.f32 v30, v8  }
0x133: {  	v36 =	vld.idx.msk [tilespmem:v4+s25+$0x2C10 ss:$0x1], $0xffff;
	v6 =	vadd.f32 v31, v6  }
0x134: {  	v37 =	vld.idx.msk [tilespmem:v4+s25+$0x3000 ss:$0x1], $0xffff;
	v8 =	vadd.f32 v32, v8  }
0x135: {  	v38 =	vld.idx.msk [tilespmem:v4+s25+$0x3010 ss:$0x1], $0xffff;
	v6 =	vadd.f32 v33, v6  }
0x136: {  	v39 =	vld.idx.msk [tilespmem:v4+s25+$0x3400 ss:$0x1], $0xffff;
	v8 =	vadd.f32 v34, v8  }
0x137: {  	v40 =	vld.idx.msk [tilespmem:v4+s25+$0x3410 ss:$0x1], $0xffff;
	v6 =	vadd.f32 v35, v6  }
0x138: {  	v41 =	vld.idx.msk [tilespmem:v4+s25+$0x3800 ss:$0x1], $0xffff;
	v8 =	vadd.f32 v36, v8  }
0x139: {  	v42 =	vld.idx.msk [tilespmem:v4+s25+$0x3810 ss:$0x1], $0xffff;
	v6 =	vadd.f32 v37, v6  }
0x13a: {  	v43 =	vld.idx.msk [tilespmem:v4+s25+$0x3C00 ss:$0x1], $0xffff;
	v8 =	vadd.f32 v38, v8  }
0x13b: {  	v44 =	vld.idx.msk [tilespmem:v4+s25+$0x3C10 ss:$0x1], $0xffff;
	v6 =	vadd.f32 v39, v6  }
0x13c: {  	v45 =	vld.idx.msk [tilespmem:v4+s25+$0x4000 ss:$0x1], $0xffff;
	v8 =	vadd.f32 v40, v8  }
0x13d: {  	v46 =	vld.idx.msk [tilespmem:v4+s25+$0x4010 ss:$0x1], $0xffff;
	v6 =	vadd.f32 v41, v6  }
0x13e: {  	v47 =	vld.idx.msk [tilespmem:v4+s25+$0x4400 ss:$0x1], $0xffff;
	v8 =	vadd.f32 v42, v8  }
0x13f: {  	v48 =	vld.idx.msk [tilespmem:v4+s25+$0x4410 ss:$0x1], $0xffff;
	v6 =	vadd.f32 v43, v6  }
0x140: {  	v49 =	vld.idx.msk [tilespmem:v4+s25+$0x4800 ss:$0x1], $0xffff;
	v8 =	vadd.f32 v44, v8  }
0x141: {  	v50 =	vld.idx.msk [tilespmem:v4+s25+$0x4810 ss:$0x1], $0xffff;
	v6 =	vadd.f32 v45, v6  }
0x142: {  	v51 =	vld.idx.msk [tilespmem:v4+s25+$0x4C00 ss:$0x1], $0xffff;
	v8 =	vadd.f32 v46, v8  }
0x143: {  	v52 =	vld.idx.msk [tilespmem:v4+s25+$0x4C10 ss:$0x1], $0xffff;
	v6 =	vadd.f32 v47, v6  }
0x144: {  	v53 =	vld.idx.msk [tilespmem:v4+s25+$0x5000 ss:$0x1], $0xffff;
	v8 =	vadd.f32 v48, v8  }
0x145: {  	v54 =	vld.idx.msk [tilespmem:v4+s25+$0x5010 ss:$0x1], $0xffff;
	v6 =	vadd.f32 v49, v6  }
0x146: {  	v55 =	vld.idx.msk [tilespmem:v4+s25+$0x5400 ss:$0x1], $0xffff;
	v8 =	vadd.f32 v50, v8  }
0x147: {  	v56 =	vld.idx.msk [tilespmem:v4+s25+$0x5410 ss:$0x1], $0xffff;
	v6 =	vadd.f32 v51, v6  }
0x148: {  	v57 =	vld.idx.msk [tilespmem:v4+s25+$0x5800 ss:$0x1], $0xffff;
	v8 =	vadd.f32 v52, v8  }
0x149: {  	v58 =	vld.idx.msk [tilespmem:v4+s25+$0x5810 ss:$0x1], $0xffff;
	v6 =	vadd.f32 v53, v6  }
0x14a: {  	v59 =	vld.idx.msk [tilespmem:v4+s25+$0x5C00 ss:$0x1], $0xffff;
	v8 =	vadd.f32 v54, v8  }
0x14b: {  	v60 =	vld.idx.msk [tilespmem:v4+s25+$0x5C10 ss:$0x1], $0xffff;
	v6 =	vadd.f32 v55, v6  }
0x14c: {  	v61 =	vld.idx.msk [tilespmem:v4+s25+$0x6000 ss:$0x1], $0xffff;
	v8 =	vadd.f32 v56, v8  }
0x14d: {  	v62 =	vld.idx.msk [tilespmem:v4+s25+$0x6010 ss:$0x1], $0xffff;
	v6 =	vadd.f32 v57, v6  }
0x14e: {  	v63 =	vld.idx.msk [tilespmem:v4+s25+$0x6400 ss:$0x1], $0xffff;
	v8 =	vadd.f32 v58, v8  }
0x14f: {  	v16 =	vld.idx.msk [tilespmem:v4+s25+$0x6410 ss:$0x1], $0xffff;
	v6 =	vadd.f32 v59, v6  }
0x150: {  	v17 =	vld.idx.msk [tilespmem:v4+s25+$0x6800 ss:$0x1], $0xffff;
	v8 =	vadd.f32 v60, v8  }
0x151: {  	v18 =	vld.idx.msk [tilespmem:v4+s25+$0x6810 ss:$0x1], $0xffff;
	v6 =	vadd.f32 v61, v6  }
0x152: {  	v19 =	vld.idx.msk [tilespmem:v4+s25+$0x6C00 ss:$0x1], $0xffff;
	v8 =	vadd.f32 v62, v8  }
0x153: {  	v20 =	vld.idx.msk [tilespmem:v4+s25+$0x6C10 ss:$0x1], $0xffff;
	v6 =	vadd.f32 v63, v6  }
0x154: {  	v21 =	vld.idx.msk [tilespmem:v4+s25+$0x7000 ss:$0x1], $0xffff;
	v8 =	vadd.f32 v16, v8  }
0x155: {  	v22 =	vld.idx.msk [tilespmem:v4+s25+$0x7010 ss:$0x1], $0xffff;
	v6 =	vadd.f32 v17, v6  }
0x156: {  	v23 =	vld.idx.msk [tilespmem:v4+s25+$0x7400 ss:$0x1], $0xffff;
	v8 =	vadd.f32 v18, v8  }
0x157: {  	v24 =	vld.idx.msk [tilespmem:v4+s25+$0x7410 ss:$0x1], $0xffff;
	v6 =	vadd.f32 v19, v6  }
0x158: {  	v25 =	vld.idx.msk [tilespmem:v4+s25+$0x7800 ss:$0x1], $0xffff;
	v8 =	vadd.f32 v20, v8  }
0x159: {  	v26 =	vld.idx.msk [tilespmem:v4+s25+$0x7810 ss:$0x1], $0xffff;
	v6 =	vadd.f32 v21, v6  }
0x15a: {  	v27 =	vld.idx.msk [tilespmem:v4+s25+$0x7C00 ss:$0x1], $0xffff;
	v8 =	vadd.f32 v22, v8  }
0x15b: {  	v28 =	vld.idx.msk [tilespmem:v4+s25+$0x7C10 ss:$0x1], $0xffff;
	v6 =	vadd.f32 v23, v6  }
0x15c: {  	v29 =	vld.idx.msk [tilespmem:v4+s25+$0x8000 ss:$0x1], $0xffff;
	v8 =	vadd.f32 v24, v8  }
0x15d: {  	v30 =	vld.idx.msk [tilespmem:v4+s25+$0x8010 ss:$0x1], $0xffff;
	v6 =	vadd.f32 v25, v6  }
0x15e: {  	v31 =	vld.idx.msk [tilespmem:v4+s25+$0x8400 ss:$0x1], $0xffff;
	v8 =	vadd.f32 v26, v8  }
0x15f: {  	v32 =	vld.idx.msk [tilespmem:v4+s25+$0x8410 ss:$0x1], $0xffff;
	v6 =	vadd.f32 v27, v6  }
0x160: {  	v33 =	vld.idx.msk [tilespmem:v4+s25+$0x8800 ss:$0x1], $0xffff;
	v8 =	vadd.f32 v28, v8  }
0x161: {  	v34 =	vld.idx.msk [tilespmem:v4+s25+$0x8810 ss:$0x1], $0xffff;
	v6 =	vadd.f32 v29, v6  }
0x162: {  	v35 =	vld.idx.msk [tilespmem:v4+s25+$0x8C00 ss:$0x1], $0xffff;
	v8 =	vadd.f32 v30, v8  }
0x163: {  	v36 =	vld.idx.msk [tilespmem:v4+s25+$0x8C10 ss:$0x1], $0xffff;
	v6 =	vadd.f32 v31, v6  }
0x164: {  	v37 =	vld.idx.msk [tilespmem:v4+s25+$0x9000 ss:$0x1], $0xffff;
	v8 =	vadd.f32 v32, v8  }
0x165: {  	v38 =	vld.idx.msk [tilespmem:v4+s25+$0x9010 ss:$0x1], $0xffff;
	v6 =	vadd.f32 v33, v6  }
0x166: {  	v39 =	vld.idx.msk [tilespmem:v4+s25+$0x9400 ss:$0x1], $0xffff;
	v8 =	vadd.f32 v34, v8  }
0x167: {  	v40 =	vld.idx.msk [tilespmem:v4+s25+$0x9410 ss:$0x1], $0xffff;
	v6 =	vadd.f32 v35, v6  }
0x168: {  	v41 =	vld.idx.msk [tilespmem:v4+s25+$0x9800 ss:$0x1], $0xffff;
	v8 =	vadd.f32 v36, v8  }
0x169: {  	v42 =	vld.idx.msk [tilespmem:v4+s25+$0x9810 ss:$0x1], $0xffff;
	v6 =	vadd.f32 v37, v6  }
0x16a: {  	v43 =	vld.idx.msk [tilespmem:v4+s25+$0x9C00 ss:$0x1], $0xffff;
	v8 =	vadd.f32 v38, v8  }
0x16b: {  	v44 =	vld.idx.msk [tilespmem:v4+s25+$0x9C10 ss:$0x1], $0xffff;
	v6 =	vadd.f32 v39, v6  }
0x16c: {  	v45 =	vld.idx.msk [tilespmem:v4+s25+$0xA000 ss:$0x1], $0xffff;
	v8 =	vadd.f32 v40, v8  }
0x16d: {  	v46 =	vld.idx.msk [tilespmem:v4+s25+$0xA010 ss:$0x1], $0xffff;
	v6 =	vadd.f32 v41, v6  }
0x16e: {  	v47 =	vld.idx.msk [tilespmem:v4+s25+$0xA400 ss:$0x1], $0xffff;
	v8 =	vadd.f32 v42, v8  }
0x16f: {  	v48 =	vld.idx.msk [tilespmem:v4+s25+$0xA410 ss:$0x1], $0xffff;
	v6 =	vadd.f32 v43, v6  }
0x170: {  	v49 =	vld.idx.msk [tilespmem:v4+s25+$0xA800 ss:$0x1], $0xffff;
	v8 =	vadd.f32 v44, v8  }
0x171: {  	v50 =	vld.idx.msk [tilespmem:v4+s25+$0xA810 ss:$0x1], $0xffff;
	v6 =	vadd.f32 v45, v6  }
0x172: {  	v51 =	vld.idx.msk [tilespmem:v4+s25+$0xAC00 ss:$0x1], $0xffff;
	v8 =	vadd.f32 v46, v8  }
0x173: {  	v52 =	vld.idx.msk [tilespmem:v4+s25+$0xAC10 ss:$0x1], $0xffff;
	v6 =	vadd.f32 v47, v6  }
0x174: {  	v53 =	vld.idx.msk [tilespmem:v4+s25+$0xB000 ss:$0x1], $0xffff;
	v8 =	vadd.f32 v48, v8  }
0x175: {  	v54 =	vld.idx.msk [tilespmem:v4+s25+$0xB010 ss:$0x1], $0xffff;
	v6 =	vadd.f32 v49, v6  }
0x176: {  	v55 =	vld.idx.msk [tilespmem:v4+s25+$0xB400 ss:$0x1], $0xffff;
	v8 =	vadd.f32 v50, v8  }
0x177: {  	v56 =	vld.idx.msk [tilespmem:v4+s25+$0xB410 ss:$0x1], $0xffff;
	v6 =	vadd.f32 v51, v6  }
0x178: {  	v57 =	vld.idx.msk [tilespmem:v4+s25+$0xB800 ss:$0x1], $0xffff;
	v8 =	vadd.f32 v52, v8  }
0x179: {  	v58 =	vld.idx.msk [tilespmem:v4+s25+$0xB810 ss:$0x1], $0xffff;
	v6 =	vadd.f32 v53, v6  }
0x17a: {  	v59 =	vld.idx.msk [tilespmem:v4+s25+$0xBC00 ss:$0x1], $0xffff;
	v8 =	vadd.f32 v54, v8  }
0x17b: {  	v60 =	vld.idx.msk [tilespmem:v4+s25+$0xBC10 ss:$0x1], $0xffff;
	v6 =	vadd.f32 v55, v6  }
0x17c: {  	v61 =	vld.idx.msk [tilespmem:v4+s25+$0xC000 ss:$0x1], $0xffff;
	v8 =	vadd.f32 v56, v8  }
0x17d: {  	v62 =	vld.idx.msk [tilespmem:v4+s25+$0xC010 ss:$0x1], $0xffff;
	v6 =	vadd.f32 v57, v6  }
0x17e: {  	v63 =	vld.idx.msk [tilespmem:v4+s25+$0xC400 ss:$0x1], $0xffff;
	v8 =	vadd.f32 v58, v8  }
0x17f: {  	v4 =	vld.idx.msk [tilespmem:v4+s25+$0xC410 ss:$0x1], $0xffff;
	v6 =	vadd.f32 v59, v6  }
0x180: {  	v8 =	vadd.f32 v60, v8  }
0x181: {  	v6 =	vadd.f32 v61, v6  }
0x182: {  	v8 =	vadd.f32 v62, v8  }
0x183: {  	v6 =	vadd.f32 v63, v6  }
0x184: {  	v4 =	vadd.f32 v4, v8  }
0x185: {  	p0 =	sne.s32 s24, $0x10;
	v6 =	vmul.f32 $1.999999960e-02, v6  }
.Ltmp16:
0x186: {  	v4 =	vmul.f32 $1.999999960e-02, v4;
	(pc) =	sbr.rel @p0 .LBB2_4-.Ltmp16, $4  }
0x187: {  	s23 =	sshll.u32 s23, $0x7;
	[tilespmem:v5+s25+$0xFFFFFFF0 ss:$0x1] =	vst.idx.msk $0xffff, v6  }
0x188: {  	s23 =	sadd.s32 s23, s11;
	[tilespmem:v5+s25+$0x0 ss:$0x1] =	vst.idx.msk $0xffff, v4  }
0x189: {  	[hbm4b:s23+s3] =	stream.linear.scatter [tilespmem:s26], [sflag:$0x4], $0x400, $0x38;
	[tilespmem:$0x1B800] =	vst v63  }
0x18a: {  	s23 =	smov.u32 s24  }
0x18b: {  	s22 =	sadd.s32 $0x1, s22  }
0x18c: {  	_ =	swait.ge [sflag:s21], $0x400;
	p0 =	sne.s32 s22, s12  }
.Ltmp17:
0x18d: {  	[sflag:s21] =	ssyncset.done $0x0;
	(pc) =	sbr.rel @p0 .LBB2_1-.Ltmp17, $4  }
0x18e: {  	[sflag:s21] =	ssyncadd.s32 $0xFFFFFC00  }
0x18f: {  	_ =	swait.ge [sflag:s21], $0x400  }
0x190: {  	[sflag:s21] =	ssyncset.done $0x0  }
0x191: {  	[sflag:s21] =	ssyncadd.s32 $0xFFFFFC00  }
0x192: {  	_ =	sfence.sel $0x180000  }
0x193: {  	[bflag:$0x0] =	sbarrier.arrive $0xFFFF  }
0x194: {  	p0 =	sne.s32 s2, $0x0;
	_ =	strace $0x9000004A  }
0x195: {  	s0 =	sadd.s32 @!p0 $0x100000, s0;
	[bflag:$0x2] =	sbarrier.arrive $0xFFFF  }
0x196: {  	[sflag:s0] =	ssyncadd.tile.s32 @!p0 $0x1;
	_ =	shalt  }
.Lfunc_end2:
_tile_overlayer_lowered:
.L_overlay_start_2:
0x197: {  	(tag) =	ssettag $0x2  }
0x198: {  	s0 =	rddreg [dreg:$0x0];
	s2 =	stileid.u32  }
0x199: {  	s1 =	rddreg [dreg:$0x1];
	p0 =	sne.s32 s2, $0x0  }
0x19a: {  	s3 =	rddreg [dreg:$0x2];
	[bflag:$0x3] =	sbarrier.arrive $0xFFFF;
	s2 =	simm.s32 @!p0 $0x1C05  }
0x19b: {  	[timem:s3], [sflag:s2] =	dma.local @!p0 [hbm:s0], s1  }
0x19c: {  	s0 =	simm.s32 @!p0 $0x5  }
0x19d: {  	_ =	swait.ge @!p0 [sflag:s0], s1  }
0x19e: {  	s1 =	ssub.s32 @!p0 $0x0, s1;
	[sflag:s0] =	ssyncset.done @!p0 $0x0  }
0x19f: {  	[sflag:s0] =	ssyncadd.s32 @!p0 s1  }
0x1a0: {  	[bflag:$0x3] =	sbarrier.arrive $0xFFFF  }
0x1a1: {  	_ =	shalt  }

</sc_bundles>
